<compile_context>
chip_gen: v7x
topology: tpu7x:2x2x1
jax: 0.10.2.dev20260603
libtpu: 0.0.44.dev20260713+nightly
codegen_flags: <defaults>
</compile_context>

<pallas_src>
import functools

import jax
import jax.numpy as jnp
from jax import lax
from jax.experimental import pallas as pl
from jax.experimental.pallas import tpu as pltpu
from jax.experimental.pallas import tpu_sc as plsc

_N = 20000
_MAX_OUT = 128
_IOU = 0.7
_IM = 224.0
_NSC = 16
_NP = 20480
_PER = _NP // _NSC
_NV = _PER // 16
_NC = _NV // 16
_SELC = _MAX_OUT // 16

_mesh = plsc.VectorSubcoreMesh(core_axis_name="c", subcore_axis_name="s")


def _fill(x, dtype=jnp.float32):
    return jnp.full((16,), x, dtype)


def _sc_body(a_hbm, d_hbm, s_hbm, o_hbm,
             av, dv, bv, volv, mscv, selv, resv, allv, rowv, shared):
    cid = lax.axis_index("c")
    sid = lax.axis_index("s")

    @pl.when(cid == 0)
    def _():
        base = sid * _PER
        la = lax.broadcasted_iota(jnp.int32, (16,), 0)

        for c in range(6):
            pltpu.sync_copy(a_hbm.at[c, pl.ds(base, _PER)], av.at[c])
            pltpu.sync_copy(d_hbm.at[c, pl.ds(base, _PER)], dv.at[c])
        pltpu.sync_copy(s_hbm.at[pl.ds(base, _PER)], mscv)

        hi = _IM - 1.0

        def prep(i, cmax):
            sl = pl.ds(i * 16, 16)
            x1 = av[0, sl]
            y1 = av[1, sl]
            z1 = av[2, sl]
            x2 = av[3, sl]
            y2 = av[4, sl]
            z2 = av[5, sl]
            w = x2 - x1 + 1.0
            h = y2 - y1 + 1.0
            l = z2 - z1 + 1.0
            pcx = dv[0, sl] * w + (x1 + w * 0.5)
            pcy = dv[1, sl] * h + (y1 + h * 0.5)
            pcz = dv[2, sl] * l + (z1 + l * 0.5)
            pw = jnp.exp(dv[3, sl]) * w
            ph = jnp.exp(dv[4, sl]) * h
            pll = jnp.exp(dv[5, sl]) * l
            bx1 = jnp.clip(pcx - pw * 0.5, 0.0, hi)
            by1 = jnp.clip(pcy - ph * 0.5, 0.0, hi)
            bz1 = jnp.clip(pcz - pll * 0.5, 0.0, hi)
            bx2 = jnp.clip(pcx + pw * 0.5, 0.0, hi)
            by2 = jnp.clip(pcy + ph * 0.5, 0.0, hi)
            bz2 = jnp.clip(pcz + pll * 0.5, 0.0, hi)
            bv[0, sl] = bx1
            bv[1, sl] = by1
            bv[2, sl] = bz1
            bv[3, sl] = bx2
            bv[4, sl] = by2
            bv[5, sl] = bz2
            volv[sl] = (bx2 - bx1 + 1.0) * (by2 - by1 + 1.0) * (bz2 - bz1 + 1.0)
            cm = jnp.max(mscv[sl])
            lane_hit = la == lax.rem(i, 16)
            jj = i // 16
            return tuple(
                jnp.where(jnp.logical_and(lane_hit, jj == j), cm, cmax[j])
                for j in range(_NC))

        cmax0 = lax.fori_loop(0, _NV, prep,
                              tuple(_fill(-1.0) for _ in range(_NC)))

        for r in range(8):
            for j in range(_SELC):
                selv[r, pl.ds(j * 16, 16)] = jnp.zeros((16,), jnp.float32)

        def find(cmax):
            mf = cmax[0]
            for j in range(1, _NC):
                mf = jnp.maximum(mf, cmax[j])
            m = jnp.max(mf)
            cand = _fill(_NV, jnp.int32)
            for j in range(_NC):
                cand = jnp.minimum(
                    cand, jnp.where(cmax[j] == m, la + j * 16, _NV))
            cb = jnp.min(cand)
            chunk = mscv[pl.ds(cb * 16, 16)]
            lidx = jnp.min(jnp.where(chunk == m, cb * 16 + la, _PER - 1))
            return m, lidx, cb, chunk

        def check(lidx):
            offv = _fill(lidx, jnp.int32)
            cx1 = plsc.load_gather(bv, [_fill(0, jnp.int32), offv])
            cy1 = plsc.load_gather(bv, [_fill(1, jnp.int32), offv])
            cz1 = plsc.load_gather(bv, [_fill(2, jnp.int32), offv])
            cx2 = plsc.load_gather(bv, [_fill(3, jnp.int32), offv])
            cy2 = plsc.load_gather(bv, [_fill(4, jnp.int32), offv])
            cz2 = plsc.load_gather(bv, [_fill(5, jnp.int32), offv])
            cvol = plsc.load_gather(volv, [offv])
            acc = jnp.zeros((16,), jnp.float32)
            for j in range(_SELC):
                sl = pl.ds(j * 16, 16)
                xx1 = jnp.maximum(selv[0, sl], cx1)
                yy1 = jnp.maximum(selv[1, sl], cy1)
                zz1 = jnp.maximum(selv[2, sl], cz1)
                xx2 = jnp.minimum(selv[3, sl], cx2)
                yy2 = jnp.minimum(selv[4, sl], cy2)
                zz2 = jnp.minimum(selv[5, sl], cz2)
                inter = (jnp.maximum(xx2 - xx1 + 1.0, 0.0)
                         * jnp.maximum(yy2 - yy1 + 1.0, 0.0)
                         * jnp.maximum(zz2 - zz1 + 1.0, 0.0))
                iou = inter / (selv[6, sl] + cvol - inter)
                acc = jnp.maximum(acc, jnp.where(iou >= _IOU, selv[7, sl], 0.0))
            return jnp.max(acc)

        def knock_out(lidx, cb, chunk, cmax, on):
            hit = jnp.logical_and(on, cb * 16 + la == lidx)
            newchunk = jnp.where(hit, -1.0, chunk)
            mscv[pl.ds(cb * 16, 16)] = newchunk
            cm = jnp.max(newchunk)
            lane_hit = la == lax.rem(cb, 16)
            jj = cb // 16
            newcmax = tuple(
                jnp.where(jnp.logical_and(lane_hit, jj == j), cm, cmax[j])
                for j in range(_NC))
            return newcmax

        def it(t, carry):
            cmax = carry[:_NC]
            selcur = carry[_NC:]
            m0, l0, cb0, ch0 = find(cmax)
            s0 = check(l0)

            def wcond(wc):
                m, l, cb, ch, s = wc[:5]
                return jnp.logical_and(s > 0.0, m >= 0.0)

            def wbody(wc):
                m, l, cb, ch, s = wc[:5]
                cmx = wc[5:]
                cmx2 = knock_out(l, cb, ch, cmx, True)
                m2, l2, cb2, ch2 = find(cmx2)
                s2 = check(l2)
                return (m2, l2, cb2, ch2, s2) + cmx2

            fin = lax.while_loop(wcond, wbody, (m0, l0, cb0, ch0, s0) + cmax)
            m, lidx, cb, chunk = fin[0], fin[1], fin[2], fin[3]
            cmax = fin[5:]
            gidx = base + lidx

            ci = jnp.clip(la - 2, 0, 5)
            g = plsc.load_gather(bv, [ci, _fill(lidx, jnp.int32)])
            rec = jnp.where(la == 0, m,
                            jnp.where(la == 1, gidx.astype(jnp.float32), g))
            resv[...] = rec
            srow = sid + lax.rem(t, 2) * 32
            pltpu.sync_copy(resv, shared.at[srow])
            plsc.subcore_barrier()
            pltpu.sync_copy(shared.at[pl.ds(lax.rem(t, 2) * 32, _NSC)], allv)

            mv = plsc.load_gather(allv, [la, _fill(0, jnp.int32)])
            bm = jnp.max(mv)
            wt = jnp.min(jnp.where(mv == bm, la, _NSC))
            valid_f = jnp.where(bm >= 0.0, 1.0, 0.0)

            wtv = _fill(wt, jnp.int32)
            c0 = plsc.load_gather(allv, [wtv, _fill(2, jnp.int32)])
            c1 = plsc.load_gather(allv, [wtv, _fill(3, jnp.int32)])
            c2 = plsc.load_gather(allv, [wtv, _fill(4, jnp.int32)])
            c3 = plsc.load_gather(allv, [wtv, _fill(5, jnp.int32)])
            c4 = plsc.load_gather(allv, [wtv, _fill(6, jnp.int32)])
            c5 = plsc.load_gather(allv, [wtv, _fill(7, jnp.int32)])
            wvol = (c3 - c0 + 1.0) * (c4 - c1 + 1.0) * (c5 - c2 + 1.0)

            tl = lax.rem(t, 16)
            jch = t // 16
            hit = la == tl
            vals = (c0, c1, c2, c3, c4, c5, wvol, valid_f)
            selnew = tuple(jnp.where(hit, vals[r], selcur[r])
                           for r in range(8))
            for r in range(8):
                selv[r, pl.ds(jch * 16, 16)] = selnew[r]
            nxt = lax.rem(t + 1, 16) == 0
            selcur = tuple(jnp.where(nxt, 0.0, selnew[r]) for r in range(8))

            cmax = knock_out(lidx, cb, chunk, cmax, wt == sid)

            @pl.when(sid == 0)
            def _():
                row = jnp.zeros((16,), jnp.float32)
                for r, v in enumerate((c0, c1, c2, c3, c4, c5, bm)):
                    row = jnp.where(la == r, v, row)
                rowv[...] = row * valid_f
                pltpu.sync_copy(rowv, o_hbm.at[t])

            return cmax + selcur

        lax.fori_loop(0, _MAX_OUT, it,
                      cmax0 + tuple(_fill(0.0) for _ in range(8)))


_sc_nms = functools.partial(
    pl.kernel,
    out_type=jax.ShapeDtypeStruct((_MAX_OUT, 16), jnp.float32),
    mesh=_mesh,
    compiler_params=pltpu.CompilerParams(needs_layout_passes=False),
    scratch_types=[
        pltpu.VMEM((6, _PER), jnp.float32),
        pltpu.VMEM((6, _PER), jnp.float32),
        pltpu.VMEM((6, _PER), jnp.float32),
        pltpu.VMEM((_PER,), jnp.float32),
        pltpu.VMEM((_PER,), jnp.float32),
        pltpu.VMEM((8, _MAX_OUT), jnp.float32),
        pltpu.VMEM((16,), jnp.float32),
        pltpu.VMEM((_NSC, 16), jnp.float32),
        pltpu.VMEM((16,), jnp.float32),
        pltpu.VMEM_SHARED((128, 16), jnp.float32),
    ],
)(_sc_body)


def kernel(anchors, rpn_bbox_pred, scores):
    pad = _NP - _N
    a = jnp.pad(anchors, ((0, pad), (0, 0))).T
    d = jnp.pad(rpn_bbox_pred, ((0, pad), (0, 0))).T
    s = jnp.pad(scores, (0, pad), constant_values=-1.0)
    out = _sc_nms(a, d, s)
    return out[:, :7]

# --- scband reference (transcript-rebuilt; emitter-appended) ---
"""Pipeline reference for scband-fpn-24395414241367 (READ-ONLY COPY).

The authoritative reference and input builder live on the scoring server;
editing this copy changes nothing except your own understanding.
"""

import jax, jax.numpy as jnp
import numpy as np

N = 20000
MAX_OUT = 128
IOU_THRESH = 0.7
IM = 224.0


def setup_inputs(seed: int = 0) -> dict:
    key = jax.random.key(seed)
    k1, k2, k3, k4 = jax.random.split(key, 4)
    corners = jax.random.uniform(k1, (N, 3), dtype=jnp.float32) * (IM - 32.0)
    sizes = jax.random.uniform(k2, (N, 3), dtype=jnp.float32) * 28.0 + 4.0
    anchors = jnp.concatenate([corners, corners + sizes], axis=1)
    rpn_bbox_pred = jax.random.normal(k3, (N, 6), dtype=jnp.float32) * 0.1
    scores = jax.random.uniform(k4, (N,), dtype=jnp.float32)
    return {"anchors": anchors, "rpn_bbox_pred": rpn_bbox_pred, "scores": scores}


def _bbox_transform_inv(boxes, deltas):
    widths = boxes[:, 3] - boxes[:, 0] + 1.0
    heights = boxes[:, 4] - boxes[:, 1] + 1.0
    lengths = boxes[:, 5] - boxes[:, 2] + 1.0
    ctr_x = boxes[:, 0] + widths * 0.5
    ctr_y = boxes[:, 1] + heights * 0.5
    ctr_z = boxes[:, 2] + lengths * 0.5
    dx, dy, dz = deltas[:, 0], deltas[:, 1], deltas[:, 2]
    dw, dh, dl = deltas[:, 3], deltas[:, 4], deltas[:, 5]
    pred_ctr_x = dx * widths + ctr_x
    pred_ctr_y = dy * heights + ctr_y
    pred_ctr_z = dz * lengths + ctr_z
    pred_w = jnp.exp(dw) * widths
    pred_h = jnp.exp(dh) * heights
    pred_l = jnp.exp(dl) * lengths
    return jnp.stack([
        pred_ctr_x - pred_w * 0.5,
        pred_ctr_y - pred_h * 0.5,
        pred_ctr_z - pred_l * 0.5,
        pred_ctr_x + pred_w * 0.5,
        pred_ctr_y + pred_h * 0.5,
        pred_ctr_z + pred_l * 0.5,
    ], axis=1)


def _clip_boxes(boxes):
    return jnp.clip(boxes, 0.0, IM - 1.0)


def _iou3d(box, boxes):
    xx1 = jnp.maximum(box[0], boxes[:, 0])
    yy1 = jnp.maximum(box[1], boxes[:, 1])
    zz1 = jnp.maximum(box[2], boxes[:, 2])
    xx2 = jnp.minimum(box[3], boxes[:, 3])
    yy2 = jnp.minimum(box[4], boxes[:, 4])
    zz2 = jnp.minimum(box[5], boxes[:, 5])
    inter = (jnp.maximum(xx2 - xx1 + 1.0, 0.0)
             * jnp.maximum(yy2 - yy1 + 1.0, 0.0)
             * jnp.maximum(zz2 - zz1 + 1.0, 0.0))
    vols = ((boxes[:, 3] - boxes[:, 0] + 1.0)
            * (boxes[:, 4] - boxes[:, 1] + 1.0)
            * (boxes[:, 5] - boxes[:, 2] + 1.0))
    vol0 = ((box[3] - box[0] + 1.0)
            * (box[4] - box[1] + 1.0)
            * (box[5] - box[2] + 1.0))
    return inter / (vol0 + vols - inter)


def reference(anchors, rpn_bbox_pred, scores):
    # get_rois pipeline: bbox_transform_inv -> clip -> greedy NMS -> gather rois
    proposals = _clip_boxes(_bbox_transform_inv(anchors, rpn_bbox_pred))
    order = jnp.argsort(-scores)
    b = jnp.take(proposals, order, axis=0)
    s = jnp.take(scores, order, axis=0)
    suppressed = jnp.zeros((N,), dtype=bool)
    rows = []
    for _ in range(MAX_OUT):
        avail = jnp.logical_not(suppressed)
        idx = jnp.argmax(avail)
        valid = avail[idx]
        cur = b[idx]
        ious = _iou3d(cur, b)
        suppressed = jnp.where(valid, jnp.logical_or(suppressed, ious >= IOU_THRESH), suppressed)
        suppressed = suppressed.at[idx].set(True)
        row = jnp.concatenate([cur, s[idx][None]], axis=0)
        rows.append(jnp.where(valid, row, jnp.zeros((7,), dtype=jnp.float32)))
    return jnp.stack(rows, axis=0)  # [MAX_OUT, 7] = (x1,y1,z1,x2,y2,z2,score)

if __name__ == "__main__":
    import jax
    _d = setup_inputs()
    print(jax.jit(kernel)(*tuple(_d.values())))

</pallas_src>

<mosaic_0001>
#map = affine_map<(d0, d1) -> (0, 0)>
#map1 = affine_map<(d0, d1) -> (0)>
module attributes {stable_mosaic.version = 14 : i64} {
  func.func @_sc_body(%arg0: i32, %arg1: i32, %arg2: memref<6x20480xf32, #tpu.memory_space<hbm>>, %arg3: memref<6x20480xf32, #tpu.memory_space<hbm>>, %arg4: memref<20480xf32, #tpu.memory_space<hbm>>, %arg5: memref<128x16xf32, #tpu.memory_space<hbm>>, %arg6: memref<6x1280xf32, #tpu.memory_space<vmem>>, %arg7: memref<6x1280xf32, #tpu.memory_space<vmem>>, %arg8: memref<6x1280xf32, #tpu.memory_space<vmem>>, %arg9: memref<1280xf32, #tpu.memory_space<vmem>>, %arg10: memref<1280xf32, #tpu.memory_space<vmem>>, %arg11: memref<8x128xf32, #tpu.memory_space<vmem>>, %arg12: memref<16xf32, #tpu.memory_space<vmem>>, %arg13: memref<16x16xf32, #tpu.memory_space<vmem>>, %arg14: memref<16xf32, #tpu.memory_space<vmem>>, %arg15: memref<128x16xf32, #tpu.memory_space<vmem_shared>>) attributes {dimension_semantics = [#tpu.dimension_semantics<core_parallel>, #tpu.dimension_semantics<subcore_parallel>], iteration_bounds = array<i64: 2, 16>, scalar_prefetch = 0 : i64, scratch_operands = 10 : i64, tpu.core_type = #tpu.core_type<sc_vector_subcore>, window_params = [{transform_indices = #map}, {transform_indices = #map}, {transform_indices = #map1}, {transform_indices = #map}]} {
    %eq3A = arith.constant 0 : i32
    %eq3A_0 = arith.cmpi eq, %arg0, %eq3A : i32
    %convert_element_type3A = arith.extui %eq3A_0 : i1 to i32
    %cond3A = arith.constant 0 : i32
    %cond3A_1 = arith.cmpi ne, %convert_element_type3A, %cond3A : i32
    scf.if %cond3A_1 {
      %mul3A = arith.constant 1280 : i32
      %mul3A_2 = arith.muli %arg1, %mul3A : i32
      %iota3A = tpu.iota {dimensions = array<i32: 0>} : vector<16xi32>
      %run_scoped3A = arith.constant 0 : i32
      %run_scoped3A_3 = arith.constant 0 : i32
      "tpu.region"() ({
        %run_scoped3A_445 = tpu.sem_alloc : memref<!tpu.dma_semaphore, #tpu.memory_space<semaphore_mem>>
        %dma_start3A = arith.constant 0 : i32
        %dma_start3A_446 = tpu.memref_slice %arg6[%run_scoped3A_3, %dma_start3A] : memref<6x1280xf32, #tpu.memory_space<vmem>> -> memref<1x1280xf32, #tpu.memory_space<vmem>>
        %dma_start3A_447 = tpu.memref_squeeze %dma_start3A_446 : memref<1x1280xf32, #tpu.memory_space<vmem>> -> memref<1280xf32, #tpu.memory_space<vmem>>
        %dma_start3A_448 = tpu.memref_slice %arg2[%run_scoped3A, %mul3A_2] : memref<6x20480xf32, #tpu.memory_space<hbm>> -> memref<1x1280xf32, #tpu.memory_space<hbm>>
        %dma_start3A_449 = tpu.memref_squeeze %dma_start3A_448 : memref<1x1280xf32, #tpu.memory_space<hbm>> -> memref<1280xf32, #tpu.memory_space<hbm>>
        %dma_start3A_450 = arith.constant 0 : i32
        %dma_start3A_451 = tpu.memref_slice %arg6[%run_scoped3A_3, %dma_start3A_450] : memref<6x1280xf32, #tpu.memory_space<vmem>> -> memref<1x1280xf32, #tpu.memory_space<vmem>>
        %dma_start3A_452 = tpu.memref_squeeze %dma_start3A_451 : memref<1x1280xf32, #tpu.memory_space<vmem>> -> memref<1280xf32, #tpu.memory_space<vmem>>
        %dma_start3A_453 = tpu.memref_slice %arg2[%run_scoped3A, %mul3A_2] : memref<6x20480xf32, #tpu.memory_space<hbm>> -> memref<1x1280xf32, #tpu.memory_space<hbm>>
        %dma_start3A_454 = tpu.memref_squeeze %dma_start3A_453 : memref<1x1280xf32, #tpu.memory_space<hbm>> -> memref<1280xf32, #tpu.memory_space<hbm>>
        tpu.enqueue_dma source(%dma_start3A_454 : memref<1280xf32, #tpu.memory_space<hbm>>) target(%dma_start3A_452 : memref<1280xf32, #tpu.memory_space<vmem>>) target_semaphore(%run_scoped3A_445 : memref<!tpu.dma_semaphore, #tpu.memory_space<semaphore_mem>>)
        %dma_wait3A = arith.constant 0 : i32
        %dma_wait3A_455 = tpu.memref_slice %arg6[%run_scoped3A_3, %dma_wait3A] : memref<6x1280xf32, #tpu.memory_space<vmem>> -> memref<1x1280xf32, #tpu.memory_space<vmem>>
        %dma_wait3A_456 = tpu.memref_squeeze %dma_wait3A_455 : memref<1x1280xf32, #tpu.memory_space<vmem>> -> memref<1280xf32, #tpu.memory_space<vmem>>
        %dma_wait3A_457 = tpu.memref_slice %arg2[%run_scoped3A, %mul3A_2] : memref<6x20480xf32, #tpu.memory_space<hbm>> -> memref<1x1280xf32, #tpu.memory_space<hbm>>
        %dma_wait3A_458 = tpu.memref_squeeze %dma_wait3A_457 : memref<1x1280xf32, #tpu.memory_space<hbm>> -> memref<1280xf32, #tpu.memory_space<hbm>>
        %dma_wait3A_459 = arith.constant 0 : i32
        %dma_wait3A_460 = tpu.memref_slice %arg6[%run_scoped3A_3, %dma_wait3A_459] : memref<6x1280xf32, #tpu.memory_space<vmem>> -> memref<1x1280xf32, #tpu.memory_space<vmem>>
        %dma_wait3A_461 = tpu.memref_squeeze %dma_wait3A_460 : memref<1x1280xf32, #tpu.memory_space<vmem>> -> memref<1280xf32, #tpu.memory_space<vmem>>
        %dma_wait3A_462 = tpu.memref_slice %arg2[%run_scoped3A, %mul3A_2] : memref<6x20480xf32, #tpu.memory_space<hbm>> -> memref<1x1280xf32, #tpu.memory_space<hbm>>
        %dma_wait3A_463 = tpu.memref_squeeze %dma_wait3A_462 : memref<1x1280xf32, #tpu.memory_space<hbm>> -> memref<1280xf32, #tpu.memory_space<hbm>>
        tpu.wait_dma2 semaphore(%run_scoped3A_445 : memref<!tpu.dma_semaphore, #tpu.memory_space<semaphore_mem>>) src(%dma_wait3A_463 : memref<1280xf32, #tpu.memory_space<hbm>>) dst(%dma_wait3A_461 : memref<1280xf32, #tpu.memory_space<vmem>>)
        tpu.yield
      }) : () -> ()
      %run_scoped3A_4 = arith.constant 0 : i32
      %run_scoped3A_5 = arith.constant 0 : i32
      "tpu.region"() ({
        %run_scoped3A_445 = tpu.sem_alloc : memref<!tpu.dma_semaphore, #tpu.memory_space<semaphore_mem>>
        %dma_start3A = arith.constant 0 : i32
        %dma_start3A_446 = tpu.memref_slice %arg7[%run_scoped3A_5, %dma_start3A] : memref<6x1280xf32, #tpu.memory_space<vmem>> -> memref<1x1280xf32, #tpu.memory_space<vmem>>
        %dma_start3A_447 = tpu.memref_squeeze %dma_start3A_446 : memref<1x1280xf32, #tpu.memory_space<vmem>> -> memref<1280xf32, #tpu.memory_space<vmem>>
        %dma_start3A_448 = tpu.memref_slice %arg3[%run_scoped3A_4, %mul3A_2] : memref<6x20480xf32, #tpu.memory_space<hbm>> -> memref<1x1280xf32, #tpu.memory_space<hbm>>
        %dma_start3A_449 = tpu.memref_squeeze %dma_start3A_448 : memref<1x1280xf32, #tpu.memory_space<hbm>> -> memref<1280xf32, #tpu.memory_space<hbm>>
        %dma_start3A_450 = arith.constant 0 : i32
        %dma_start3A_451 = tpu.memref_slice %arg7[%run_scoped3A_5, %dma_start3A_450] : memref<6x1280xf32, #tpu.memory_space<vmem>> -> memref<1x1280xf32, #tpu.memory_space<vmem>>
        %dma_start3A_452 = tpu.memref_squeeze %dma_start3A_451 : memref<1x1280xf32, #tpu.memory_space<vmem>> -> memref<1280xf32, #tpu.memory_space<vmem>>
        %dma_start3A_453 = tpu.memref_slice %arg3[%run_scoped3A_4, %mul3A_2] : memref<6x20480xf32, #tpu.memory_space<hbm>> -> memref<1x1280xf32, #tpu.memory_space<hbm>>
        %dma_start3A_454 = tpu.memref_squeeze %dma_start3A_453 : memref<1x1280xf32, #tpu.memory_space<hbm>> -> memref<1280xf32, #tpu.memory_space<hbm>>
        tpu.enqueue_dma source(%dma_start3A_454 : memref<1280xf32, #tpu.memory_space<hbm>>) target(%dma_start3A_452 : memref<1280xf32, #tpu.memory_space<vmem>>) target_semaphore(%run_scoped3A_445 : memref<!tpu.dma_semaphore, #tpu.memory_space<semaphore_mem>>)
        %dma_wait3A = arith.constant 0 : i32
        %dma_wait3A_455 = tpu.memref_slice %arg7[%run_scoped3A_5, %dma_wait3A] : memref<6x1280xf32, #tpu.memory_space<vmem>> -> memref<1x1280xf32, #tpu.memory_space<vmem>>
        %dma_wait3A_456 = tpu.memref_squeeze %dma_wait3A_455 : memref<1x1280xf32, #tpu.memory_space<vmem>> -> memref<1280xf32, #tpu.memory_space<vmem>>
        %dma_wait3A_457 = tpu.memref_slice %arg3[%run_scoped3A_4, %mul3A_2] : memref<6x20480xf32, #tpu.memory_space<hbm>> -> memref<1x1280xf32, #tpu.memory_space<hbm>>
        %dma_wait3A_458 = tpu.memref_squeeze %dma_wait3A_457 : memref<1x1280xf32, #tpu.memory_space<hbm>> -> memref<1280xf32, #tpu.memory_space<hbm>>
        %dma_wait3A_459 = arith.constant 0 : i32
        %dma_wait3A_460 = tpu.memref_slice %arg7[%run_scoped3A_5, %dma_wait3A_459] : memref<6x1280xf32, #tpu.memory_space<vmem>> -> memref<1x1280xf32, #tpu.memory_space<vmem>>
        %dma_wait3A_461 = tpu.memref_squeeze %dma_wait3A_460 : memref<1x1280xf32, #tpu.memory_space<vmem>> -> memref<1280xf32, #tpu.memory_space<vmem>>
        %dma_wait3A_462 = tpu.memref_slice %arg3[%run_scoped3A_4, %mul3A_2] : memref<6x20480xf32, #tpu.memory_space<hbm>> -> memref<1x1280xf32, #tpu.memory_space<hbm>>
        %dma_wait3A_463 = tpu.memref_squeeze %dma_wait3A_462 : memref<1x1280xf32, #tpu.memory_space<hbm>> -> memref<1280xf32, #tpu.memory_space<hbm>>
        tpu.wait_dma2 semaphore(%run_scoped3A_445 : memref<!tpu.dma_semaphore, #tpu.memory_space<semaphore_mem>>) src(%dma_wait3A_463 : memref<1280xf32, #tpu.memory_space<hbm>>) dst(%dma_wait3A_461 : memref<1280xf32, #tpu.memory_space<vmem>>)
        tpu.yield
      }) : () -> ()
      %run_scoped3A_6 = arith.constant 1 : i32
      %run_scoped3A_7 = arith.constant 1 : i32
      "tpu.region"() ({
        %run_scoped3A_445 = tpu.sem_alloc : memref<!tpu.dma_semaphore, #tpu.memory_space<semaphore_mem>>
        %dma_start3A = arith.constant 0 : i32
        %dma_start3A_446 = tpu.memref_slice %arg6[%run_scoped3A_7, %dma_start3A] : memref<6x1280xf32, #tpu.memory_space<vmem>> -> memref<1x1280xf32, #tpu.memory_space<vmem>>
        %dma_start3A_447 = tpu.memref_squeeze %dma_start3A_446 : memref<1x1280xf32, #tpu.memory_space<vmem>> -> memref<1280xf32, #tpu.memory_space<vmem>>
        %dma_start3A_448 = tpu.memref_slice %arg2[%run_scoped3A_6, %mul3A_2] : memref<6x20480xf32, #tpu.memory_space<hbm>> -> memref<1x1280xf32, #tpu.memory_space<hbm>>
        %dma_start3A_449 = tpu.memref_squeeze %dma_start3A_448 : memref<1x1280xf32, #tpu.memory_space<hbm>> -> memref<1280xf32, #tpu.memory_space<hbm>>
        %dma_start3A_450 = arith.constant 0 : i32
        %dma_start3A_451 = tpu.memref_slice %arg6[%run_scoped3A_7, %dma_start3A_450] : memref<6x1280xf32, #tpu.memory_space<vmem>> -> memref<1x1280xf32, #tpu.memory_space<vmem>>
        %dma_start3A_452 = tpu.memref_squeeze %dma_start3A_451 : memref<1x1280xf32, #tpu.memory_space<vmem>> -> memref<1280xf32, #tpu.memory_space<vmem>>
        %dma_start3A_453 = tpu.memref_slice %arg2[%run_scoped3A_6, %mul3A_2] : memref<6x20480xf32, #tpu.memory_space<hbm>> -> memref<1x1280xf32, #tpu.memory_space<hbm>>
        %dma_start3A_454 = tpu.memref_squeeze %dma_start3A_453 : memref<1x1280xf32, #tpu.memory_space<hbm>> -> memref<1280xf32, #tpu.memory_space<hbm>>
        tpu.enqueue_dma source(%dma_start3A_454 : memref<1280xf32, #tpu.memory_space<hbm>>) target(%dma_start3A_452 : memref<1280xf32, #tpu.memory_space<vmem>>) target_semaphore(%run_scoped3A_445 : memref<!tpu.dma_semaphore, #tpu.memory_space<semaphore_mem>>)
        %dma_wait3A = arith.constant 0 : i32
        %dma_wait3A_455 = tpu.memref_slice %arg6[%run_scoped3A_7, %dma_wait3A] : memref<6x1280xf32, #tpu.memory_space<vmem>> -> memref<1x1280xf32, #tpu.memory_space<vmem>>
        %dma_wait3A_456 = tpu.memref_squeeze %dma_wait3A_455 : memref<1x1280xf32, #tpu.memory_space<vmem>> -> memref<1280xf32, #tpu.memory_space<vmem>>
        %dma_wait3A_457 = tpu.memref_slice %arg2[%run_scoped3A_6, %mul3A_2] : memref<6x20480xf32, #tpu.memory_space<hbm>> -> memref<1x1280xf32, #tpu.memory_space<hbm>>
        %dma_wait3A_458 = tpu.memref_squeeze %dma_wait3A_457 : memref<1x1280xf32, #tpu.memory_space<hbm>> -> memref<1280xf32, #tpu.memory_space<hbm>>
        %dma_wait3A_459 = arith.constant 0 : i32
        %dma_wait3A_460 = tpu.memref_slice %arg6[%run_scoped3A_7, %dma_wait3A_459] : memref<6x1280xf32, #tpu.memory_space<vmem>> -> memref<1x1280xf32, #tpu.memory_space<vmem>>
        %dma_wait3A_461 = tpu.memref_squeeze %dma_wait3A_460 : memref<1x1280xf32, #tpu.memory_space<vmem>> -> memref<1280xf32, #tpu.memory_space<vmem>>
        %dma_wait3A_462 = tpu.memref_slice %arg2[%run_scoped3A_6, %mul3A_2] : memref<6x20480xf32, #tpu.memory_space<hbm>> -> memref<1x1280xf32, #tpu.memory_space<hbm>>
        %dma_wait3A_463 = tpu.memref_squeeze %dma_wait3A_462 : memref<1x1280xf32, #tpu.memory_space<hbm>> -> memref<1280xf32, #tpu.memory_space<hbm>>
        tpu.wait_dma2 semaphore(%run_scoped3A_445 : memref<!tpu.dma_semaphore, #tpu.memory_space<semaphore_mem>>) src(%dma_wait3A_463 : memref<1280xf32, #tpu.memory_space<hbm>>) dst(%dma_wait3A_461 : memref<1280xf32, #tpu.memory_space<vmem>>)
        tpu.yield
      }) : () -> ()
      %run_scoped3A_8 = arith.constant 1 : i32
      %run_scoped3A_9 = arith.constant 1 : i32
      "tpu.region"() ({
        %run_scoped3A_445 = tpu.sem_alloc : memref<!tpu.dma_semaphore, #tpu.memory_space<semaphore_mem>>
        %dma_start3A = arith.constant 0 : i32
        %dma_start3A_446 = tpu.memref_slice %arg7[%run_scoped3A_9, %dma_start3A] : memref<6x1280xf32, #tpu.memory_space<vmem>> -> memref<1x1280xf32, #tpu.memory_space<vmem>>
        %dma_start3A_447 = tpu.memref_squeeze %dma_start3A_446 : memref<1x1280xf32, #tpu.memory_space<vmem>> -> memref<1280xf32, #tpu.memory_space<vmem>>
        %dma_start3A_448 = tpu.memref_slice %arg3[%run_scoped3A_8, %mul3A_2] : memref<6x20480xf32, #tpu.memory_space<hbm>> -> memref<1x1280xf32, #tpu.memory_space<hbm>>
        %dma_start3A_449 = tpu.memref_squeeze %dma_start3A_448 : memref<1x1280xf32, #tpu.memory_space<hbm>> -> memref<1280xf32, #tpu.memory_space<hbm>>
        %dma_start3A_450 = arith.constant 0 : i32
        %dma_start3A_451 = tpu.memref_slice %arg7[%run_scoped3A_9, %dma_start3A_450] : memref<6x1280xf32, #tpu.memory_space<vmem>> -> memref<1x1280xf32, #tpu.memory_space<vmem>>
        %dma_start3A_452 = tpu.memref_squeeze %dma_start3A_451 : memref<1x1280xf32, #tpu.memory_space<vmem>> -> memref<1280xf32, #tpu.memory_space<vmem>>
        %dma_start3A_453 = tpu.memref_slice %arg3[%run_scoped3A_8, %mul3A_2] : memref<6x20480xf32, #tpu.memory_space<hbm>> -> memref<1x1280xf32, #tpu.memory_space<hbm>>
        %dma_start3A_454 = tpu.memref_squeeze %dma_start3A_453 : memref<1x1280xf32, #tpu.memory_space<hbm>> -> memref<1280xf32, #tpu.memory_space<hbm>>
        tpu.enqueue_dma source(%dma_start3A_454 : memref<1280xf32, #tpu.memory_space<hbm>>) target(%dma_start3A_452 : memref<1280xf32, #tpu.memory_space<vmem>>) target_semaphore(%run_scoped3A_445 : memref<!tpu.dma_semaphore, #tpu.memory_space<semaphore_mem>>)
        %dma_wait3A = arith.constant 0 : i32
        %dma_wait3A_455 = tpu.memref_slice %arg7[%run_scoped3A_9, %dma_wait3A] : memref<6x1280xf32, #tpu.memory_space<vmem>> -> memref<1x1280xf32, #tpu.memory_space<vmem>>
        %dma_wait3A_456 = tpu.memref_squeeze %dma_wait3A_455 : memref<1x1280xf32, #tpu.memory_space<vmem>> -> memref<1280xf32, #tpu.memory_space<vmem>>
        %dma_wait3A_457 = tpu.memref_slice %arg3[%run_scoped3A_8, %mul3A_2] : memref<6x20480xf32, #tpu.memory_space<hbm>> -> memref<1x1280xf32, #tpu.memory_space<hbm>>
        %dma_wait3A_458 = tpu.memref_squeeze %dma_wait3A_457 : memref<1x1280xf32, #tpu.memory_space<hbm>> -> memref<1280xf32, #tpu.memory_space<hbm>>
        %dma_wait3A_459 = arith.constant 0 : i32
        %dma_wait3A_460 = tpu.memref_slice %arg7[%run_scoped3A_9, %dma_wait3A_459] : memref<6x1280xf32, #tpu.memory_space<vmem>> -> memref<1x1280xf32, #tpu.memory_space<vmem>>
        %dma_wait3A_461 = tpu.memref_squeeze %dma_wait3A_460 : memref<1x1280xf32, #tpu.memory_space<vmem>> -> memref<1280xf32, #tpu.memory_space<vmem>>
        %dma_wait3A_462 = tpu.memref_slice %arg3[%run_scoped3A_8, %mul3A_2] : memref<6x20480xf32, #tpu.memory_space<hbm>> -> memref<1x1280xf32, #tpu.memory_space<hbm>>
        %dma_wait3A_463 = tpu.memref_squeeze %dma_wait3A_462 : memref<1x1280xf32, #tpu.memory_space<hbm>> -> memref<1280xf32, #tpu.memory_space<hbm>>
        tpu.wait_dma2 semaphore(%run_scoped3A_445 : memref<!tpu.dma_semaphore, #tpu.memory_space<semaphore_mem>>) src(%dma_wait3A_463 : memref<1280xf32, #tpu.memory_space<hbm>>) dst(%dma_wait3A_461 : memref<1280xf32, #tpu.memory_space<vmem>>)
        tpu.yield
      }) : () -> ()
      %run_scoped3A_10 = arith.constant 2 : i32
      %run_scoped3A_11 = arith.constant 2 : i32
      "tpu.region"() ({
        %run_scoped3A_445 = tpu.sem_alloc : memref<!tpu.dma_semaphore, #tpu.memory_space<semaphore_mem>>
        %dma_start3A = arith.constant 0 : i32
        %dma_start3A_446 = tpu.memref_slice %arg6[%run_scoped3A_11, %dma_start3A] : memref<6x1280xf32, #tpu.memory_space<vmem>> -> memref<1x1280xf32, #tpu.memory_space<vmem>>
        %dma_start3A_447 = tpu.memref_squeeze %dma_start3A_446 : memref<1x1280xf32, #tpu.memory_space<vmem>> -> memref<1280xf32, #tpu.memory_space<vmem>>
        %dma_start3A_448 = tpu.memref_slice %arg2[%run_scoped3A_10, %mul3A_2] : memref<6x20480xf32, #tpu.memory_space<hbm>> -> memref<1x1280xf32, #tpu.memory_space<hbm>>
        %dma_start3A_449 = tpu.memref_squeeze %dma_start3A_448 : memref<1x1280xf32, #tpu.memory_space<hbm>> -> memref<1280xf32, #tpu.memory_space<hbm>>
        %dma_start3A_450 = arith.constant 0 : i32
        %dma_start3A_451 = tpu.memref_slice %arg6[%run_scoped3A_11, %dma_start3A_450] : memref<6x1280xf32, #tpu.memory_space<vmem>> -> memref<1x1280xf32, #tpu.memory_space<vmem>>
        %dma_start3A_452 = tpu.memref_squeeze %dma_start3A_451 : memref<1x1280xf32, #tpu.memory_space<vmem>> -> memref<1280xf32, #tpu.memory_space<vmem>>
        %dma_start3A_453 = tpu.memref_slice %arg2[%run_scoped3A_10, %mul3A_2] : memref<6x20480xf32, #tpu.memory_space<hbm>> -> memref<1x1280xf32, #tpu.memory_space<hbm>>
        %dma_start3A_454 = tpu.memref_squeeze %dma_start3A_453 : memref<1x1280xf32, #tpu.memory_space<hbm>> -> memref<1280xf32, #tpu.memory_space<hbm>>
        tpu.enqueue_dma source(%dma_start3A_454 : memref<1280xf32, #tpu.memory_space<hbm>>) target(%dma_start3A_452 : memref<1280xf32, #tpu.memory_space<vmem>>) target_semaphore(%run_scoped3A_445 : memref<!tpu.dma_semaphore, #tpu.memory_space<semaphore_mem>>)
        %dma_wait3A = arith.constant 0 : i32
        %dma_wait3A_455 = tpu.memref_slice %arg6[%run_scoped3A_11, %dma_wait3A] : memref<6x1280xf32, #tpu.memory_space<vmem>> -> memref<1x1280xf32, #tpu.memory_space<vmem>>
        %dma_wait3A_456 = tpu.memref_squeeze %dma_wait3A_455 : memref<1x1280xf32, #tpu.memory_space<vmem>> -> memref<1280xf32, #tpu.memory_space<vmem>>
        %dma_wait3A_457 = tpu.memref_slice %arg2[%run_scoped3A_10, %mul3A_2] : memref<6x20480xf32, #tpu.memory_space<hbm>> -> memref<1x1280xf32, #tpu.memory_space<hbm>>
        %dma_wait3A_458 = tpu.memref_squeeze %dma_wait3A_457 : memref<1x1280xf32, #tpu.memory_space<hbm>> -> memref<1280xf32, #tpu.memory_space<hbm>>
        %dma_wait3A_459 = arith.constant 0 : i32
        %dma_wait3A_460 = tpu.memref_slice %arg6[%run_scoped3A_11, %dma_wait3A_459] : memref<6x1280xf32, #tpu.memory_space<vmem>> -> memref<1x1280xf32, #tpu.memory_space<vmem>>
        %dma_wait3A_461 = tpu.memref_squeeze %dma_wait3A_460 : memref<1x1280xf32, #tpu.memory_space<vmem>> -> memref<1280xf32, #tpu.memory_space<vmem>>
        %dma_wait3A_462 = tpu.memref_slice %arg2[%run_scoped3A_10, %mul3A_2] : memref<6x20480xf32, #tpu.memory_space<hbm>> -> memref<1x1280xf32, #tpu.memory_space<hbm>>
        %dma_wait3A_463 = tpu.memref_squeeze %dma_wait3A_462 : memref<1x1280xf32, #tpu.memory_space<hbm>> -> memref<1280xf32, #tpu.memory_space<hbm>>
        tpu.wait_dma2 semaphore(%run_scoped3A_445 : memref<!tpu.dma_semaphore, #tpu.memory_space<semaphore_mem>>) src(%dma_wait3A_463 : memref<1280xf32, #tpu.memory_space<hbm>>) dst(%dma_wait3A_461 : memref<1280xf32, #tpu.memory_space<vmem>>)
        tpu.yield
      }) : () -> ()
      %run_scoped3A_12 = arith.constant 2 : i32
      %run_scoped3A_13 = arith.constant 2 : i32
      "tpu.region"() ({
        %run_scoped3A_445 = tpu.sem_alloc : memref<!tpu.dma_semaphore, #tpu.memory_space<semaphore_mem>>
        %dma_start3A = arith.constant 0 : i32
        %dma_start3A_446 = tpu.memref_slice %arg7[%run_scoped3A_13, %dma_start3A] : memref<6x1280xf32, #tpu.memory_space<vmem>> -> memref<1x1280xf32, #tpu.memory_space<vmem>>
        %dma_start3A_447 = tpu.memref_squeeze %dma_start3A_446 : memref<1x1280xf32, #tpu.memory_space<vmem>> -> memref<1280xf32, #tpu.memory_space<vmem>>
        %dma_start3A_448 = tpu.memref_slice %arg3[%run_scoped3A_12, %mul3A_2] : memref<6x20480xf32, #tpu.memory_space<hbm>> -> memref<1x1280xf32, #tpu.memory_space<hbm>>
        %dma_start3A_449 = tpu.memref_squeeze %dma_start3A_448 : memref<1x1280xf32, #tpu.memory_space<hbm>> -> memref<1280xf32, #tpu.memory_space<hbm>>
        %dma_start3A_450 = arith.constant 0 : i32
        %dma_start3A_451 = tpu.memref_slice %arg7[%run_scoped3A_13, %dma_start3A_450] : memref<6x1280xf32, #tpu.memory_space<vmem>> -> memref<1x1280xf32, #tpu.memory_space<vmem>>
        %dma_start3A_452 = tpu.memref_squeeze %dma_start3A_451 : memref<1x1280xf32, #tpu.memory_space<vmem>> -> memref<1280xf32, #tpu.memory_space<vmem>>
        %dma_start3A_453 = tpu.memref_slice %arg3[%run_scoped3A_12, %mul3A_2] : memref<6x20480xf32, #tpu.memory_space<hbm>> -> memref<1x1280xf32, #tpu.memory_space<hbm>>
        %dma_start3A_454 = tpu.memref_squeeze %dma_start3A_453 : memref<1x1280xf32, #tpu.memory_space<hbm>> -> memref<1280xf32, #tpu.memory_space<hbm>>
        tpu.enqueue_dma source(%dma_start3A_454 : memref<1280xf32, #tpu.memory_space<hbm>>) target(%dma_start3A_452 : memref<1280xf32, #tpu.memory_space<vmem>>) target_semaphore(%run_scoped3A_445 : memref<!tpu.dma_semaphore, #tpu.memory_space<semaphore_mem>>)
        %dma_wait3A = arith.constant 0 : i32
        %dma_wait3A_455 = tpu.memref_slice %arg7[%run_scoped3A_13, %dma_wait3A] : memref<6x1280xf32, #tpu.memory_space<vmem>> -> memref<1x1280xf32, #tpu.memory_space<vmem>>
        %dma_wait3A_456 = tpu.memref_squeeze %dma_wait3A_455 : memref<1x1280xf32, #tpu.memory_space<vmem>> -> memref<1280xf32, #tpu.memory_space<vmem>>
        %dma_wait3A_457 = tpu.memref_slice %arg3[%run_scoped3A_12, %mul3A_2] : memref<6x20480xf32, #tpu.memory_space<hbm>> -> memref<1x1280xf32, #tpu.memory_space<hbm>>
        %dma_wait3A_458 = tpu.memref_squeeze %dma_wait3A_457 : memref<1x1280xf32, #tpu.memory_space<hbm>> -> memref<1280xf32, #tpu.memory_space<hbm>>
        %dma_wait3A_459 = arith.constant 0 : i32
        %dma_wait3A_460 = tpu.memref_slice %arg7[%run_scoped3A_13, %dma_wait3A_459] : memref<6x1280xf32, #tpu.memory_space<vmem>> -> memref<1x1280xf32, #tpu.memory_space<vmem>>
        %dma_wait3A_461 = tpu.memref_squeeze %dma_wait3A_460 : memref<1x1280xf32, #tpu.memory_space<vmem>> -> memref<1280xf32, #tpu.memory_space<vmem>>
        %dma_wait3A_462 = tpu.memref_slice %arg3[%run_scoped3A_12, %mul3A_2] : memref<6x20480xf32, #tpu.memory_space<hbm>> -> memref<1x1280xf32, #tpu.memory_space<hbm>>
        %dma_wait3A_463 = tpu.memref_squeeze %dma_wait3A_462 : memref<1x1280xf32, #tpu.memory_space<hbm>> -> memref<1280xf32, #tpu.memory_space<hbm>>
        tpu.wait_dma2 semaphore(%run_scoped3A_445 : memref<!tpu.dma_semaphore, #tpu.memory_space<semaphore_mem>>) src(%dma_wait3A_463 : memref<1280xf32, #tpu.memory_space<hbm>>) dst(%dma_wait3A_461 : memref<1280xf32, #tpu.memory_space<vmem>>)
        tpu.yield
      }) : () -> ()
      %run_scoped3A_14 = arith.constant 3 : i32
      %run_scoped3A_15 = arith.constant 3 : i32
      "tpu.region"() ({
        %run_scoped3A_445 = tpu.sem_alloc : memref<!tpu.dma_semaphore, #tpu.memory_space<semaphore_mem>>
        %dma_start3A = arith.constant 0 : i32
        %dma_start3A_446 = tpu.memref_slice %arg6[%run_scoped3A_15, %dma_start3A] : memref<6x1280xf32, #tpu.memory_space<vmem>> -> memref<1x1280xf32, #tpu.memory_space<vmem>>
        %dma_start3A_447 = tpu.memref_squeeze %dma_start3A_446 : memref<1x1280xf32, #tpu.memory_space<vmem>> -> memref<1280xf32, #tpu.memory_space<vmem>>
        %dma_start3A_448 = tpu.memref_slice %arg2[%run_scoped3A_14, %mul3A_2] : memref<6x20480xf32, #tpu.memory_space<hbm>> -> memref<1x1280xf32, #tpu.memory_space<hbm>>
        %dma_start3A_449 = tpu.memref_squeeze %dma_start3A_448 : memref<1x1280xf32, #tpu.memory_space<hbm>> -> memref<1280xf32, #tpu.memory_space<hbm>>
        %dma_start3A_450 = arith.constant 0 : i32
        %dma_start3A_451 = tpu.memref_slice %arg6[%run_scoped3A_15, %dma_start3A_450] : memref<6x1280xf32, #tpu.memory_space<vmem>> -> memref<1x1280xf32, #tpu.memory_space<vmem>>
        %dma_start3A_452 = tpu.memref_squeeze %dma_start3A_451 : memref<1x1280xf32, #tpu.memory_space<vmem>> -> memref<1280xf32, #tpu.memory_space<vmem>>
        %dma_start3A_453 = tpu.memref_slice %arg2[%run_scoped3A_14, %mul3A_2] : memref<6x20480xf32, #tpu.memory_space<hbm>> -> memref<1x1280xf32, #tpu.memory_space<hbm>>
        %dma_start3A_454 = tpu.memref_squeeze %dma_start3A_453 : memref<1x1280xf32, #tpu.memory_space<hbm>> -> memref<1280xf32, #tpu.memory_space<hbm>>
        tpu.enqueue_dma source(%dma_start3A_454 : memref<1280xf32, #tpu.memory_space<hbm>>) target(%dma_start3A_452 : memref<1280xf32, #tpu.memory_space<vmem>>) target_semaphore(%run_scoped3A_445 : memref<!tpu.dma_semaphore, #tpu.memory_space<semaphore_mem>>)
        %dma_wait3A = arith.constant 0 : i32
        %dma_wait3A_455 = tpu.memref_slice %arg6[%run_scoped3A_15, %dma_wait3A] : memref<6x1280xf32, #tpu.memory_space<vmem>> -> memref<1x1280xf32, #tpu.memory_space<vmem>>
        %dma_wait3A_456 = tpu.memref_squeeze %dma_wait3A_455 : memref<1x1280xf32, #tpu.memory_space<vmem>> -> memref<1280xf32, #tpu.memory_space<vmem>>
        %dma_wait3A_457 = tpu.memref_slice %arg2[%run_scoped3A_14, %mul3A_2] : memref<6x20480xf32, #tpu.memory_space<hbm>> -> memref<1x1280xf32, #tpu.memory_space<hbm>>
        %dma_wait3A_458 = tpu.memref_squeeze %dma_wait3A_457 : memref<1x1280xf32, #tpu.memory_space<hbm>> -> memref<1280xf32, #tpu.memory_space<hbm>>
        %dma_wait3A_459 = arith.constant 0 : i32
        %dma_wait3A_460 = tpu.memref_slice %arg6[%run_scoped3A_15, %dma_wait3A_459] : memref<6x1280xf32, #tpu.memory_space<vmem>> -> memref<1x1280xf32, #tpu.memory_space<vmem>>
        %dma_wait3A_461 = tpu.memref_squeeze %dma_wait3A_460 : memref<1x1280xf32, #tpu.memory_space<vmem>> -> memref<1280xf32, #tpu.memory_space<vmem>>
        %dma_wait3A_462 = tpu.memref_slice %arg2[%run_scoped3A_14, %mul3A_2] : memref<6x20480xf32, #tpu.memory_space<hbm>> -> memref<1x1280xf32, #tpu.memory_space<hbm>>
        %dma_wait3A_463 = tpu.memref_squeeze %dma_wait3A_462 : memref<1x1280xf32, #tpu.memory_space<hbm>> -> memref<1280xf32, #tpu.memory_space<hbm>>
        tpu.wait_dma2 semaphore(%run_scoped3A_445 : memref<!tpu.dma_semaphore, #tpu.memory_space<semaphore_mem>>) src(%dma_wait3A_463 : memref<1280xf32, #tpu.memory_space<hbm>>) dst(%dma_wait3A_461 : memref<1280xf32, #tpu.memory_space<vmem>>)
        tpu.yield
      }) : () -> ()
      %run_scoped3A_16 = arith.constant 3 : i32
      %run_scoped3A_17 = arith.constant 3 : i32
      "tpu.region"() ({
        %run_scoped3A_445 = tpu.sem_alloc : memref<!tpu.dma_semaphore, #tpu.memory_space<semaphore_mem>>
        %dma_start3A = arith.constant 0 : i32
        %dma_start3A_446 = tpu.memref_slice %arg7[%run_scoped3A_17, %dma_start3A] : memref<6x1280xf32, #tpu.memory_space<vmem>> -> memref<1x1280xf32, #tpu.memory_space<vmem>>
        %dma_start3A_447 = tpu.memref_squeeze %dma_start3A_446 : memref<1x1280xf32, #tpu.memory_space<vmem>> -> memref<1280xf32, #tpu.memory_space<vmem>>
        %dma_start3A_448 = tpu.memref_slice %arg3[%run_scoped3A_16, %mul3A_2] : memref<6x20480xf32, #tpu.memory_space<hbm>> -> memref<1x1280xf32, #tpu.memory_space<hbm>>
        %dma_start3A_449 = tpu.memref_squeeze %dma_start3A_448 : memref<1x1280xf32, #tpu.memory_space<hbm>> -> memref<1280xf32, #tpu.memory_space<hbm>>
        %dma_start3A_450 = arith.constant 0 : i32
        %dma_start3A_451 = tpu.memref_slice %arg7[%run_scoped3A_17, %dma_start3A_450] : memref<6x1280xf32, #tpu.memory_space<vmem>> -> memref<1x1280xf32, #tpu.memory_space<vmem>>
        %dma_start3A_452 = tpu.memref_squeeze %dma_start3A_451 : memref<1x1280xf32, #tpu.memory_space<vmem>> -> memref<1280xf32, #tpu.memory_space<vmem>>
        %dma_start3A_453 = tpu.memref_slice %arg3[%run_scoped3A_16, %mul3A_2] : memref<6x20480xf32, #tpu.memory_space<hbm>> -> memref<1x1280xf32, #tpu.memory_space<hbm>>
        %dma_start3A_454 = tpu.memref_squeeze %dma_start3A_453 : memref<1x1280xf32, #tpu.memory_space<hbm>> -> memref<1280xf32, #tpu.memory_space<hbm>>
        tpu.enqueue_dma source(%dma_start3A_454 : memref<1280xf32, #tpu.memory_space<hbm>>) target(%dma_start3A_452 : memref<1280xf32, #tpu.memory_space<vmem>>) target_semaphore(%run_scoped3A_445 : memref<!tpu.dma_semaphore, #tpu.memory_space<semaphore_mem>>)
        %dma_wait3A = arith.constant 0 : i32
        %dma_wait3A_455 = tpu.memref_slice %arg7[%run_scoped3A_17, %dma_wait3A] : memref<6x1280xf32, #tpu.memory_space<vmem>> -> memref<1x1280xf32, #tpu.memory_space<vmem>>
        %dma_wait3A_456 = tpu.memref_squeeze %dma_wait3A_455 : memref<1x1280xf32, #tpu.memory_space<vmem>> -> memref<1280xf32, #tpu.memory_space<vmem>>
        %dma_wait3A_457 = tpu.memref_slice %arg3[%run_scoped3A_16, %mul3A_2] : memref<6x20480xf32, #tpu.memory_space<hbm>> -> memref<1x1280xf32, #tpu.memory_space<hbm>>
        %dma_wait3A_458 = tpu.memref_squeeze %dma_wait3A_457 : memref<1x1280xf32, #tpu.memory_space<hbm>> -> memref<1280xf32, #tpu.memory_space<hbm>>
        %dma_wait3A_459 = arith.constant 0 : i32
        %dma_wait3A_460 = tpu.memref_slice %arg7[%run_scoped3A_17, %dma_wait3A_459] : memref<6x1280xf32, #tpu.memory_space<vmem>> -> memref<1x1280xf32, #tpu.memory_space<vmem>>
        %dma_wait3A_461 = tpu.memref_squeeze %dma_wait3A_460 : memref<1x1280xf32, #tpu.memory_space<vmem>> -> memref<1280xf32, #tpu.memory_space<vmem>>
        %dma_wait3A_462 = tpu.memref_slice %arg3[%run_scoped3A_16, %mul3A_2] : memref<6x20480xf32, #tpu.memory_space<hbm>> -> memref<1x1280xf32, #tpu.memory_space<hbm>>
        %dma_wait3A_463 = tpu.memref_squeeze %dma_wait3A_462 : memref<1x1280xf32, #tpu.memory_space<hbm>> -> memref<1280xf32, #tpu.memory_space<hbm>>
        tpu.wait_dma2 semaphore(%run_scoped3A_445 : memref<!tpu.dma_semaphore, #tpu.memory_space<semaphore_mem>>) src(%dma_wait3A_463 : memref<1280xf32, #tpu.memory_space<hbm>>) dst(%dma_wait3A_461 : memref<1280xf32, #tpu.memory_space<vmem>>)
        tpu.yield
      }) : () -> ()
      %run_scoped3A_18 = arith.constant 4 : i32
      %run_scoped3A_19 = arith.constant 4 : i32
      "tpu.region"() ({
        %run_scoped3A_445 = tpu.sem_alloc : memref<!tpu.dma_semaphore, #tpu.memory_space<semaphore_mem>>
        %dma_start3A = arith.constant 0 : i32
        %dma_start3A_446 = tpu.memref_slice %arg6[%run_scoped3A_19, %dma_start3A] : memref<6x1280xf32, #tpu.memory_space<vmem>> -> memref<1x1280xf32, #tpu.memory_space<vmem>>
        %dma_start3A_447 = tpu.memref_squeeze %dma_start3A_446 : memref<1x1280xf32, #tpu.memory_space<vmem>> -> memref<1280xf32, #tpu.memory_space<vmem>>
        %dma_start3A_448 = tpu.memref_slice %arg2[%run_scoped3A_18, %mul3A_2] : memref<6x20480xf32, #tpu.memory_space<hbm>> -> memref<1x1280xf32, #tpu.memory_space<hbm>>
        %dma_start3A_449 = tpu.memref_squeeze %dma_start3A_448 : memref<1x1280xf32, #tpu.memory_space<hbm>> -> memref<1280xf32, #tpu.memory_space<hbm>>
        %dma_start3A_450 = arith.constant 0 : i32
        %dma_start3A_451 = tpu.memref_slice %arg6[%run_scoped3A_19, %dma_start3A_450] : memref<6x1280xf32, #tpu.memory_space<vmem>> -> memref<1x1280xf32, #tpu.memory_space<vmem>>
        %dma_start3A_452 = tpu.memref_squeeze %dma_start3A_451 : memref<1x1280xf32, #tpu.memory_space<vmem>> -> memref<1280xf32, #tpu.memory_space<vmem>>
        %dma_start3A_453 = tpu.memref_slice %arg2[%run_scoped3A_18, %mul3A_2] : memref<6x20480xf32, #tpu.memory_space<hbm>> -> memref<1x1280xf32, #tpu.memory_space<hbm>>
        %dma_start3A_454 = tpu.memref_squeeze %dma_start3A_453 : memref<1x1280xf32, #tpu.memory_space<hbm>> -> memref<1280xf32, #tpu.memory_space<hbm>>
        tpu.enqueue_dma source(%dma_start3A_454 : memref<1280xf32, #tpu.memory_space<hbm>>) target(%dma_start3A_452 : memref<1280xf32, #tpu.memory_space<vmem>>) target_semaphore(%run_scoped3A_445 : memref<!tpu.dma_semaphore, #tpu.memory_space<semaphore_mem>>)
        %dma_wait3A = arith.constant 0 : i32
        %dma_wait3A_455 = tpu.memref_slice %arg6[%run_scoped3A_19, %dma_wait3A] : memref<6x1280xf32, #tpu.memory_space<vmem>> -> memref<1x1280xf32, #tpu.memory_space<vmem>>
        %dma_wait3A_456 = tpu.memref_squeeze %dma_wait3A_455 : memref<1x1280xf32, #tpu.memory_space<vmem>> -> memref<1280xf32, #tpu.memory_space<vmem>>
        %dma_wait3A_457 = tpu.memref_slice %arg2[%run_scoped3A_18, %mul3A_2] : memref<6x20480xf32, #tpu.memory_space<hbm>> -> memref<1x1280xf32, #tpu.memory_space<hbm>>
        %dma_wait3A_458 = tpu.memref_squeeze %dma_wait3A_457 : memref<1x1280xf32, #tpu.memory_space<hbm>> -> memref<1280xf32, #tpu.memory_space<hbm>>
        %dma_wait3A_459 = arith.constant 0 : i32
        %dma_wait3A_460 = tpu.memref_slice %arg6[%run_scoped3A_19, %dma_wait3A_459] : memref<6x1280xf32, #tpu.memory_space<vmem>> -> memref<1x1280xf32, #tpu.memory_space<vmem>>
        %dma_wait3A_461 = tpu.memref_squeeze %dma_wait3A_460 : memref<1x1280xf32, #tpu.memory_space<vmem>> -> memref<1280xf32, #tpu.memory_space<vmem>>
        %dma_wait3A_462 = tpu.memref_slice %arg2[%run_scoped3A_18, %mul3A_2] : memref<6x20480xf32, #tpu.memory_space<hbm>> -> memref<1x1280xf32, #tpu.memory_space<hbm>>
        %dma_wait3A_463 = tpu.memref_squeeze %dma_wait3A_462 : memref<1x1280xf32, #tpu.memory_space<hbm>> -> memref<1280xf32, #tpu.memory_space<hbm>>
        tpu.wait_dma2 semaphore(%run_scoped3A_445 : memref<!tpu.dma_semaphore, #tpu.memory_space<semaphore_mem>>) src(%dma_wait3A_463 : memref<1280xf32, #tpu.memory_space<hbm>>) dst(%dma_wait3A_461 : memref<1280xf32, #tpu.memory_space<vmem>>)
        tpu.yield
      }) : () -> ()
      %run_scoped3A_20 = arith.constant 4 : i32
      %run_scoped3A_21 = arith.constant 4 : i32
      "tpu.region"() ({
        %run_scoped3A_445 = tpu.sem_alloc : memref<!tpu.dma_semaphore, #tpu.memory_space<semaphore_mem>>
        %dma_start3A = arith.constant 0 : i32
        %dma_start3A_446 = tpu.memref_slice %arg7[%run_scoped3A_21, %dma_start3A] : memref<6x1280xf32, #tpu.memory_space<vmem>> -> memref<1x1280xf32, #tpu.memory_space<vmem>>
        %dma_start3A_447 = tpu.memref_squeeze %dma_start3A_446 : memref<1x1280xf32, #tpu.memory_space<vmem>> -> memref<1280xf32, #tpu.memory_space<vmem>>
        %dma_start3A_448 = tpu.memref_slice %arg3[%run_scoped3A_20, %mul3A_2] : memref<6x20480xf32, #tpu.memory_space<hbm>> -> memref<1x1280xf32, #tpu.memory_space<hbm>>
        %dma_start3A_449 = tpu.memref_squeeze %dma_start3A_448 : memref<1x1280xf32, #tpu.memory_space<hbm>> -> memref<1280xf32, #tpu.memory_space<hbm>>
        %dma_start3A_450 = arith.constant 0 : i32
        %dma_start3A_451 = tpu.memref_slice %arg7[%run_scoped3A_21, %dma_start3A_450] : memref<6x1280xf32, #tpu.memory_space<vmem>> -> memref<1x1280xf32, #tpu.memory_space<vmem>>
        %dma_start3A_452 = tpu.memref_squeeze %dma_start3A_451 : memref<1x1280xf32, #tpu.memory_space<vmem>> -> memref<1280xf32, #tpu.memory_space<vmem>>
        %dma_start3A_453 = tpu.memref_slice %arg3[%run_scoped3A_20, %mul3A_2] : memref<6x20480xf32, #tpu.memory_space<hbm>> -> memref<1x1280xf32, #tpu.memory_space<hbm>>
        %dma_start3A_454 = tpu.memref_squeeze %dma_start3A_453 : memref<1x1280xf32, #tpu.memory_space<hbm>> -> memref<1280xf32, #tpu.memory_space<hbm>>
        tpu.enqueue_dma source(%dma_start3A_454 : memref<1280xf32, #tpu.memory_space<hbm>>) target(%dma_start3A_452 : memref<1280xf32, #tpu.memory_space<vmem>>) target_semaphore(%run_scoped3A_445 : memref<!tpu.dma_semaphore, #tpu.memory_space<semaphore_mem>>)
        %dma_wait3A = arith.constant 0 : i32
        %dma_wait3A_455 = tpu.memref_slice %arg7[%run_scoped3A_21, %dma_wait3A] : memref<6x1280xf32, #tpu.memory_space<vmem>> -> memref<1x1280xf32, #tpu.memory_space<vmem>>
        %dma_wait3A_456 = tpu.memref_squeeze %dma_wait3A_455 : memref<1x1280xf32, #tpu.memory_space<vmem>> -> memref<1280xf32, #tpu.memory_space<vmem>>
        %dma_wait3A_457 = tpu.memref_slice %arg3[%run_scoped3A_20, %mul3A_2] : memref<6x20480xf32, #tpu.memory_space<hbm>> -> memref<1x1280xf32, #tpu.memory_space<hbm>>
        %dma_wait3A_458 = tpu.memref_squeeze %dma_wait3A_457 : memref<1x1280xf32, #tpu.memory_space<hbm>> -> memref<1280xf32, #tpu.memory_space<hbm>>
        %dma_wait3A_459 = arith.constant 0 : i32
        %dma_wait3A_460 = tpu.memref_slice %arg7[%run_scoped3A_21, %dma_wait3A_459] : memref<6x1280xf32, #tpu.memory_space<vmem>> -> memref<1x1280xf32, #tpu.memory_space<vmem>>
        %dma_wait3A_461 = tpu.memref_squeeze %dma_wait3A_460 : memref<1x1280xf32, #tpu.memory_space<vmem>> -> memref<1280xf32, #tpu.memory_space<vmem>>
        %dma_wait3A_462 = tpu.memref_slice %arg3[%run_scoped3A_20, %mul3A_2] : memref<6x20480xf32, #tpu.memory_space<hbm>> -> memref<1x1280xf32, #tpu.memory_space<hbm>>
        %dma_wait3A_463 = tpu.memref_squeeze %dma_wait3A_462 : memref<1x1280xf32, #tpu.memory_space<hbm>> -> memref<1280xf32, #tpu.memory_space<hbm>>
        tpu.wait_dma2 semaphore(%run_scoped3A_445 : memref<!tpu.dma_semaphore, #tpu.memory_space<semaphore_mem>>) src(%dma_wait3A_463 : memref<1280xf32, #tpu.memory_space<hbm>>) dst(%dma_wait3A_461 : memref<1280xf32, #tpu.memory_space<vmem>>)
        tpu.yield
      }) : () -> ()
      %run_scoped3A_22 = arith.constant 5 : i32
      %run_scoped3A_23 = arith.constant 5 : i32
      "tpu.region"() ({
        %run_scoped3A_445 = tpu.sem_alloc : memref<!tpu.dma_semaphore, #tpu.memory_space<semaphore_mem>>
        %dma_start3A = arith.constant 0 : i32
        %dma_start3A_446 = tpu.memref_slice %arg6[%run_scoped3A_23, %dma_start3A] : memref<6x1280xf32, #tpu.memory_space<vmem>> -> memref<1x1280xf32, #tpu.memory_space<vmem>>
        %dma_start3A_447 = tpu.memref_squeeze %dma_start3A_446 : memref<1x1280xf32, #tpu.memory_space<vmem>> -> memref<1280xf32, #tpu.memory_space<vmem>>
        %dma_start3A_448 = tpu.memref_slice %arg2[%run_scoped3A_22, %mul3A_2] : memref<6x20480xf32, #tpu.memory_space<hbm>> -> memref<1x1280xf32, #tpu.memory_space<hbm>>
        %dma_start3A_449 = tpu.memref_squeeze %dma_start3A_448 : memref<1x1280xf32, #tpu.memory_space<hbm>> -> memref<1280xf32, #tpu.memory_space<hbm>>
        %dma_start3A_450 = arith.constant 0 : i32
        %dma_start3A_451 = tpu.memref_slice %arg6[%run_scoped3A_23, %dma_start3A_450] : memref<6x1280xf32, #tpu.memory_space<vmem>> -> memref<1x1280xf32, #tpu.memory_space<vmem>>
        %dma_start3A_452 = tpu.memref_squeeze %dma_start3A_451 : memref<1x1280xf32, #tpu.memory_space<vmem>> -> memref<1280xf32, #tpu.memory_space<vmem>>
        %dma_start3A_453 = tpu.memref_slice %arg2[%run_scoped3A_22, %mul3A_2] : memref<6x20480xf32, #tpu.memory_space<hbm>> -> memref<1x1280xf32, #tpu.memory_space<hbm>>
        %dma_start3A_454 = tpu.memref_squeeze %dma_start3A_453 : memref<1x1280xf32, #tpu.memory_space<hbm>> -> memref<1280xf32, #tpu.memory_space<hbm>>
        tpu.enqueue_dma source(%dma_start3A_454 : memref<1280xf32, #tpu.memory_space<hbm>>) target(%dma_start3A_452 : memref<1280xf32, #tpu.memory_space<vmem>>) target_semaphore(%run_scoped3A_445 : memref<!tpu.dma_semaphore, #tpu.memory_space<semaphore_mem>>)
        %dma_wait3A = arith.constant 0 : i32
        %dma_wait3A_455 = tpu.memref_slice %arg6[%run_scoped3A_23, %dma_wait3A] : memref<6x1280xf32, #tpu.memory_space<vmem>> -> memref<1x1280xf32, #tpu.memory_space<vmem>>
        %dma_wait3A_456 = tpu.memref_squeeze %dma_wait3A_455 : memref<1x1280xf32, #tpu.memory_space<vmem>> -> memref<1280xf32, #tpu.memory_space<vmem>>
        %dma_wait3A_457 = tpu.memref_slice %arg2[%run_scoped3A_22, %mul3A_2] : memref<6x20480xf32, #tpu.memory_space<hbm>> -> memref<1x1280xf32, #tpu.memory_space<hbm>>
        %dma_wait3A_458 = tpu.memref_squeeze %dma_wait3A_457 : memref<1x1280xf32, #tpu.memory_space<hbm>> -> memref<1280xf32, #tpu.memory_space<hbm>>
        %dma_wait3A_459 = arith.constant 0 : i32
        %dma_wait3A_460 = tpu.memref_slice %arg6[%run_scoped3A_23, %dma_wait3A_459] : memref<6x1280xf32, #tpu.memory_space<vmem>> -> memref<1x1280xf32, #tpu.memory_space<vmem>>
        %dma_wait3A_461 = tpu.memref_squeeze %dma_wait3A_460 : memref<1x1280xf32, #tpu.memory_space<vmem>> -> memref<1280xf32, #tpu.memory_space<vmem>>
        %dma_wait3A_462 = tpu.memref_slice %arg2[%run_scoped3A_22, %mul3A_2] : memref<6x20480xf32, #tpu.memory_space<hbm>> -> memref<1x1280xf32, #tpu.memory_space<hbm>>
        %dma_wait3A_463 = tpu.memref_squeeze %dma_wait3A_462 : memref<1x1280xf32, #tpu.memory_space<hbm>> -> memref<1280xf32, #tpu.memory_space<hbm>>
        tpu.wait_dma2 semaphore(%run_scoped3A_445 : memref<!tpu.dma_semaphore, #tpu.memory_space<semaphore_mem>>) src(%dma_wait3A_463 : memref<1280xf32, #tpu.memory_space<hbm>>) dst(%dma_wait3A_461 : memref<1280xf32, #tpu.memory_space<vmem>>)
        tpu.yield
      }) : () -> ()
      %run_scoped3A_24 = arith.constant 5 : i32
      %run_scoped3A_25 = arith.constant 5 : i32
      "tpu.region"() ({
        %run_scoped3A_445 = tpu.sem_alloc : memref<!tpu.dma_semaphore, #tpu.memory_space<semaphore_mem>>
        %dma_start3A = arith.constant 0 : i32
        %dma_start3A_446 = tpu.memref_slice %arg7[%run_scoped3A_25, %dma_start3A] : memref<6x1280xf32, #tpu.memory_space<vmem>> -> memref<1x1280xf32, #tpu.memory_space<vmem>>
        %dma_start3A_447 = tpu.memref_squeeze %dma_start3A_446 : memref<1x1280xf32, #tpu.memory_space<vmem>> -> memref<1280xf32, #tpu.memory_space<vmem>>
        %dma_start3A_448 = tpu.memref_slice %arg3[%run_scoped3A_24, %mul3A_2] : memref<6x20480xf32, #tpu.memory_space<hbm>> -> memref<1x1280xf32, #tpu.memory_space<hbm>>
        %dma_start3A_449 = tpu.memref_squeeze %dma_start3A_448 : memref<1x1280xf32, #tpu.memory_space<hbm>> -> memref<1280xf32, #tpu.memory_space<hbm>>
        %dma_start3A_450 = arith.constant 0 : i32
        %dma_start3A_451 = tpu.memref_slice %arg7[%run_scoped3A_25, %dma_start3A_450] : memref<6x1280xf32, #tpu.memory_space<vmem>> -> memref<1x1280xf32, #tpu.memory_space<vmem>>
        %dma_start3A_452 = tpu.memref_squeeze %dma_start3A_451 : memref<1x1280xf32, #tpu.memory_space<vmem>> -> memref<1280xf32, #tpu.memory_space<vmem>>
        %dma_start3A_453 = tpu.memref_slice %arg3[%run_scoped3A_24, %mul3A_2] : memref<6x20480xf32, #tpu.memory_space<hbm>> -> memref<1x1280xf32, #tpu.memory_space<hbm>>
        %dma_start3A_454 = tpu.memref_squeeze %dma_start3A_453 : memref<1x1280xf32, #tpu.memory_space<hbm>> -> memref<1280xf32, #tpu.memory_space<hbm>>
        tpu.enqueue_dma source(%dma_start3A_454 : memref<1280xf32, #tpu.memory_space<hbm>>) target(%dma_start3A_452 : memref<1280xf32, #tpu.memory_space<vmem>>) target_semaphore(%run_scoped3A_445 : memref<!tpu.dma_semaphore, #tpu.memory_space<semaphore_mem>>)
        %dma_wait3A = arith.constant 0 : i32
        %dma_wait3A_455 = tpu.memref_slice %arg7[%run_scoped3A_25, %dma_wait3A] : memref<6x1280xf32, #tpu.memory_space<vmem>> -> memref<1x1280xf32, #tpu.memory_space<vmem>>
        %dma_wait3A_456 = tpu.memref_squeeze %dma_wait3A_455 : memref<1x1280xf32, #tpu.memory_space<vmem>> -> memref<1280xf32, #tpu.memory_space<vmem>>
        %dma_wait3A_457 = tpu.memref_slice %arg3[%run_scoped3A_24, %mul3A_2] : memref<6x20480xf32, #tpu.memory_space<hbm>> -> memref<1x1280xf32, #tpu.memory_space<hbm>>
        %dma_wait3A_458 = tpu.memref_squeeze %dma_wait3A_457 : memref<1x1280xf32, #tpu.memory_space<hbm>> -> memref<1280xf32, #tpu.memory_space<hbm>>
        %dma_wait3A_459 = arith.constant 0 : i32
        %dma_wait3A_460 = tpu.memref_slice %arg7[%run_scoped3A_25, %dma_wait3A_459] : memref<6x1280xf32, #tpu.memory_space<vmem>> -> memref<1x1280xf32, #tpu.memory_space<vmem>>
        %dma_wait3A_461 = tpu.memref_squeeze %dma_wait3A_460 : memref<1x1280xf32, #tpu.memory_space<vmem>> -> memref<1280xf32, #tpu.memory_space<vmem>>
        %dma_wait3A_462 = tpu.memref_slice %arg3[%run_scoped3A_24, %mul3A_2] : memref<6x20480xf32, #tpu.memory_space<hbm>> -> memref<1x1280xf32, #tpu.memory_space<hbm>>
        %dma_wait3A_463 = tpu.memref_squeeze %dma_wait3A_462 : memref<1x1280xf32, #tpu.memory_space<hbm>> -> memref<1280xf32, #tpu.memory_space<hbm>>
        tpu.wait_dma2 semaphore(%run_scoped3A_445 : memref<!tpu.dma_semaphore, #tpu.memory_space<semaphore_mem>>) src(%dma_wait3A_463 : memref<1280xf32, #tpu.memory_space<hbm>>) dst(%dma_wait3A_461 : memref<1280xf32, #tpu.memory_space<vmem>>)
        tpu.yield
      }) : () -> ()
      "tpu.region"() ({
        %run_scoped3A_445 = tpu.sem_alloc : memref<!tpu.dma_semaphore, #tpu.memory_space<semaphore_mem>>
        %dma_start3A = tpu.memref_slice %arg4[%mul3A_2] : memref<20480xf32, #tpu.memory_space<hbm>> -> memref<1280xf32, #tpu.memory_space<hbm>>
        %dma_start3A_446 = tpu.memref_slice %arg4[%mul3A_2] : memref<20480xf32, #tpu.memory_space<hbm>> -> memref<1280xf32, #tpu.memory_space<hbm>>
        tpu.enqueue_dma source(%dma_start3A_446 : memref<1280xf32, #tpu.memory_space<hbm>>) target(%arg10 : memref<1280xf32, #tpu.memory_space<vmem>>) target_semaphore(%run_scoped3A_445 : memref<!tpu.dma_semaphore, #tpu.memory_space<semaphore_mem>>)
        %dma_wait3A = tpu.memref_slice %arg4[%mul3A_2] : memref<20480xf32, #tpu.memory_space<hbm>> -> memref<1280xf32, #tpu.memory_space<hbm>>
        %dma_wait3A_447 = tpu.memref_slice %arg4[%mul3A_2] : memref<20480xf32, #tpu.memory_space<hbm>> -> memref<1280xf32, #tpu.memory_space<hbm>>
        tpu.wait_dma2 semaphore(%run_scoped3A_445 : memref<!tpu.dma_semaphore, #tpu.memory_space<semaphore_mem>>) src(%dma_wait3A_447 : memref<1280xf32, #tpu.memory_space<hbm>>) dst(%arg10 : memref<1280xf32, #tpu.memory_space<vmem>>)
        tpu.yield
      }) : () -> ()
      %broadcast_in_dim3A = arith.constant -1.000000e+00 : f32
      %broadcast_in_dim3A_26 = vector.broadcast %broadcast_in_dim3A : f32 to vector<16xf32>
      %broadcast_in_dim3A_27 = arith.constant -1.000000e+00 : f32
      %broadcast_in_dim3A_28 = vector.broadcast %broadcast_in_dim3A_27 : f32 to vector<16xf32>
      %broadcast_in_dim3A_29 = arith.constant -1.000000e+00 : f32
      %broadcast_in_dim3A_30 = vector.broadcast %broadcast_in_dim3A_29 : f32 to vector<16xf32>
      %broadcast_in_dim3A_31 = arith.constant -1.000000e+00 : f32
      %broadcast_in_dim3A_32 = vector.broadcast %broadcast_in_dim3A_31 : f32 to vector<16xf32>
      %broadcast_in_dim3A_33 = arith.constant -1.000000e+00 : f32
      %broadcast_in_dim3A_34 = vector.broadcast %broadcast_in_dim3A_33 : f32 to vector<16xf32>
      %scan3A = arith.constant 0 : i32
      %scan3A_35 = arith.constant 80 : i32
      %scan3A_36 = arith.addi %scan3A, %scan3A_35 : i32
      %scan3A_37 = arith.constant 1 : i32
      %scan3A_38:5 = scf.for %scan3A_445 = %scan3A to %scan3A_36 step %scan3A_37 iter_args(%scan3A_446 = %broadcast_in_dim3A_26, %scan3A_447 = %broadcast_in_dim3A_28, %scan3A_448 = %broadcast_in_dim3A_30, %scan3A_449 = %broadcast_in_dim3A_32, %scan3A_450 = %broadcast_in_dim3A_34) -> (vector<16xf32>, vector<16xf32>, vector<16xf32>, vector<16xf32>, vector<16xf32>)  : i32 {
        %mul3A_451 = arith.constant 16 : i32
        %mul3A_452 = arith.muli %scan3A_445, %mul3A_451 : i32
        %get3A = arith.constant 0 : i32
        %get3A_453 = arith.index_cast %get3A : i32 to index
        %get3A_454 = arith.index_cast %mul3A_452 : i32 to index
        %get3A_455 = tpu.vector_load %arg6[%get3A_453, %get3A_454] {strides = array<i32>} : memref<6x1280xf32, #tpu.memory_space<vmem>>, vector<16xf32>,
        %get3A_456 = arith.constant 1 : i32
        %get3A_457 = arith.index_cast %get3A_456 : i32 to index
        %get3A_458 = arith.index_cast %mul3A_452 : i32 to index
        %get3A_459 = tpu.vector_load %arg6[%get3A_457, %get3A_458] {strides = array<i32>} : memref<6x1280xf32, #tpu.memory_space<vmem>>, vector<16xf32>,
        %get3A_460 = arith.constant 2 : i32
        %get3A_461 = arith.index_cast %get3A_460 : i32 to index
        %get3A_462 = arith.index_cast %mul3A_452 : i32 to index
        %get3A_463 = tpu.vector_load %arg6[%get3A_461, %get3A_462] {strides = array<i32>} : memref<6x1280xf32, #tpu.memory_space<vmem>>, vector<16xf32>,
        %get3A_464 = arith.constant 3 : i32
        %get3A_465 = arith.index_cast %get3A_464 : i32 to index
        %get3A_466 = arith.index_cast %mul3A_452 : i32 to index
        %get3A_467 = tpu.vector_load %arg6[%get3A_465, %get3A_466] {strides = array<i32>} : memref<6x1280xf32, #tpu.memory_space<vmem>>, vector<16xf32>,
        %get3A_468 = arith.constant 4 : i32
        %get3A_469 = arith.index_cast %get3A_468 : i32 to index
        %get3A_470 = arith.index_cast %mul3A_452 : i32 to index
        %get3A_471 = tpu.vector_load %arg6[%get3A_469, %get3A_470] {strides = array<i32>} : memref<6x1280xf32, #tpu.memory_space<vmem>>, vector<16xf32>,
        %get3A_472 = arith.constant 5 : i32
        %get3A_473 = arith.index_cast %get3A_472 : i32 to index
        %get3A_474 = arith.index_cast %mul3A_452 : i32 to index
        %get3A_475 = tpu.vector_load %arg6[%get3A_473, %get3A_474] {strides = array<i32>} : memref<6x1280xf32, #tpu.memory_space<vmem>>, vector<16xf32>,
        %sub3A = arith.subf %get3A_467, %get3A_455 : vector<16xf32>
        %add3A = arith.constant 1.000000e+00 : f32
        %add3A_476 = vector.broadcast %add3A : f32 to vector<16xf32>
        %add3A_477 = arith.addf %sub3A, %add3A_476 : vector<16xf32>
        %sub3A_478 = arith.subf %get3A_471, %get3A_459 : vector<16xf32>
        %add3A_479 = arith.constant 1.000000e+00 : f32
        %add3A_480 = vector.broadcast %add3A_479 : f32 to vector<16xf32>
        %add3A_481 = arith.addf %sub3A_478, %add3A_480 : vector<16xf32>
        %sub3A_482 = arith.subf %get3A_475, %get3A_463 : vector<16xf32>
        %add3A_483 = arith.constant 1.000000e+00 : f32
        %add3A_484 = vector.broadcast %add3A_483 : f32 to vector<16xf32>
        %add3A_485 = arith.addf %sub3A_482, %add3A_484 : vector<16xf32>
        %get3A_486 = arith.constant 0 : i32
        %get3A_487 = arith.index_cast %get3A_486 : i32 to index
        %get3A_488 = arith.index_cast %mul3A_452 : i32 to index
        %get3A_489 = tpu.vector_load %arg7[%get3A_487, %get3A_488] {strides = array<i32>} : memref<6x1280xf32, #tpu.memory_space<vmem>>, vector<16xf32>,
        %mul3A_490 = arith.mulf %get3A_489, %add3A_477 : vector<16xf32>
        %mul3A_491 = arith.constant 5.000000e-01 : f32
        %mul3A_492 = vector.broadcast %mul3A_491 : f32 to vector<16xf32>
        %mul3A_493 = arith.mulf %add3A_477, %mul3A_492 : vector<16xf32>
        %add3A_494 = arith.addf %get3A_455, %mul3A_493 : vector<16xf32>
        %add3A_495 = arith.addf %mul3A_490, %add3A_494 : vector<16xf32>
        %get3A_496 = arith.constant 1 : i32
        %get3A_497 = arith.index_cast %get3A_496 : i32 to index
        %get3A_498 = arith.index_cast %mul3A_452 : i32 to index
        %get3A_499 = tpu.vector_load %arg7[%get3A_497, %get3A_498] {strides = array<i32>} : memref<6x1280xf32, #tpu.memory_space<vmem>>, vector<16xf32>,
        %mul3A_500 = arith.mulf %get3A_499, %add3A_481 : vector<16xf32>
        %mul3A_501 = arith.constant 5.000000e-01 : f32
        %mul3A_502 = vector.broadcast %mul3A_501 : f32 to vector<16xf32>
        %mul3A_503 = arith.mulf %add3A_481, %mul3A_502 : vector<16xf32>
        %add3A_504 = arith.addf %get3A_459, %mul3A_503 : vector<16xf32>
        %add3A_505 = arith.addf %mul3A_500, %add3A_504 : vector<16xf32>
        %get3A_506 = arith.constant 2 : i32
        %get3A_507 = arith.index_cast %get3A_506 : i32 to index
        %get3A_508 = arith.index_cast %mul3A_452 : i32 to index
        %get3A_509 = tpu.vector_load %arg7[%get3A_507, %get3A_508] {strides = array<i32>} : memref<6x1280xf32, #tpu.memory_space<vmem>>, vector<16xf32>,
        %mul3A_510 = arith.mulf %get3A_509, %add3A_485 : vector<16xf32>
        %mul3A_511 = arith.constant 5.000000e-01 : f32
        %mul3A_512 = vector.broadcast %mul3A_511 : f32 to vector<16xf32>
        %mul3A_513 = arith.mulf %add3A_485, %mul3A_512 : vector<16xf32>
        %add3A_514 = arith.addf %get3A_463, %mul3A_513 : vector<16xf32>
        %add3A_515 = arith.addf %mul3A_510, %add3A_514 : vector<16xf32>
        %get3A_516 = arith.constant 3 : i32
        %get3A_517 = arith.index_cast %get3A_516 : i32 to index
        %get3A_518 = arith.index_cast %mul3A_452 : i32 to index
        %get3A_519 = tpu.vector_load %arg7[%get3A_517, %get3A_518] {strides = array<i32>} : memref<6x1280xf32, #tpu.memory_space<vmem>>, vector<16xf32>,
        %exp3A = math.exp %get3A_519 : vector<16xf32>
        %mul3A_520 = arith.mulf %exp3A, %add3A_477 : vector<16xf32>
        %get3A_521 = arith.constant 4 : i32
        %get3A_522 = arith.index_cast %get3A_521 : i32 to index
        %get3A_523 = arith.index_cast %mul3A_452 : i32 to index
        %get3A_524 = tpu.vector_load %arg7[%get3A_522, %get3A_523] {strides = array<i32>} : memref<6x1280xf32, #tpu.memory_space<vmem>>, vector<16xf32>,
        %exp3A_525 = math.exp %get3A_524 : vector<16xf32>
        %mul3A_526 = arith.mulf %exp3A_525, %add3A_481 : vector<16xf32>
        %get3A_527 = arith.constant 5 : i32
        %get3A_528 = arith.index_cast %get3A_527 : i32 to index
        %get3A_529 = arith.index_cast %mul3A_452 : i32 to index
        %get3A_530 = tpu.vector_load %arg7[%get3A_528, %get3A_529] {strides = array<i32>} : memref<6x1280xf32, #tpu.memory_space<vmem>>, vector<16xf32>,
        %exp3A_531 = math.exp %get3A_530 : vector<16xf32>
        %mul3A_532 = arith.mulf %exp3A_531, %add3A_485 : vector<16xf32>
        %mul3A_533 = arith.constant 5.000000e-01 : f32
        %mul3A_534 = vector.broadcast %mul3A_533 : f32 to vector<16xf32>
        %mul3A_535 = arith.mulf %mul3A_520, %mul3A_534 : vector<16xf32>
        %sub3A_536 = arith.subf %add3A_495, %mul3A_535 : vector<16xf32>
        %jit3A = arith.constant 0.000000e+00 : f32
        %jit3A_537 = arith.constant 2.230000e+02 : f32
        %max3A = vector.broadcast %jit3A : f32 to vector<16xf32>
        %max3A_538 = arith.maximumf %max3A, %sub3A_536 : vector<16xf32>
        %min3A = vector.broadcast %jit3A_537 : f32 to vector<16xf32>
        %min3A_539 = arith.minimumf %min3A, %max3A_538 : vector<16xf32>
        %mul3A_540 = arith.constant 5.000000e-01 : f32
        %mul3A_541 = vector.broadcast %mul3A_540 : f32 to vector<16xf32>
        %mul3A_542 = arith.mulf %mul3A_526, %mul3A_541 : vector<16xf32>
        %sub3A_543 = arith.subf %add3A_505, %mul3A_542 : vector<16xf32>
        %jit3A_544 = arith.constant 0.000000e+00 : f32
        %jit3A_545 = arith.constant 2.230000e+02 : f32
        %max3A_546 = vector.broadcast %jit3A_544 : f32 to vector<16xf32>
        %max3A_547 = arith.maximumf %max3A_546, %sub3A_543 : vector<16xf32>
        %min3A_548 = vector.broadcast %jit3A_545 : f32 to vector<16xf32>
        %min3A_549 = arith.minimumf %min3A_548, %max3A_547 : vector<16xf32>
        %mul3A_550 = arith.constant 5.000000e-01 : f32
        %mul3A_551 = vector.broadcast %mul3A_550 : f32 to vector<16xf32>
        %mul3A_552 = arith.mulf %mul3A_532, %mul3A_551 : vector<16xf32>
        %sub3A_553 = arith.subf %add3A_515, %mul3A_552 : vector<16xf32>
        %jit3A_554 = arith.constant 0.000000e+00 : f32
        %jit3A_555 = arith.constant 2.230000e+02 : f32
        %max3A_556 = vector.broadcast %jit3A_554 : f32 to vector<16xf32>
        %max3A_557 = arith.maximumf %max3A_556, %sub3A_553 : vector<16xf32>
        %min3A_558 = vector.broadcast %jit3A_555 : f32 to vector<16xf32>
        %min3A_559 = arith.minimumf %min3A_558, %max3A_557 : vector<16xf32>
        %mul3A_560 = arith.constant 5.000000e-01 : f32
        %mul3A_561 = vector.broadcast %mul3A_560 : f32 to vector<16xf32>
        %mul3A_562 = arith.mulf %mul3A_520, %mul3A_561 : vector<16xf32>
        %add3A_563 = arith.addf %add3A_495, %mul3A_562 : vector<16xf32>
        %jit3A_564 = arith.constant 0.000000e+00 : f32
        %jit3A_565 = arith.constant 2.230000e+02 : f32
        %max3A_566 = vector.broadcast %jit3A_564 : f32 to vector<16xf32>
        %max3A_567 = arith.maximumf %max3A_566, %add3A_563 : vector<16xf32>
        %min3A_568 = vector.broadcast %jit3A_565 : f32 to vector<16xf32>
        %min3A_569 = arith.minimumf %min3A_568, %max3A_567 : vector<16xf32>
        %mul3A_570 = arith.constant 5.000000e-01 : f32
        %mul3A_571 = vector.broadcast %mul3A_570 : f32 to vector<16xf32>
        %mul3A_572 = arith.mulf %mul3A_526, %mul3A_571 : vector<16xf32>
        %add3A_573 = arith.addf %add3A_505, %mul3A_572 : vector<16xf32>
        %jit3A_574 = arith.constant 0.000000e+00 : f32
        %jit3A_575 = arith.constant 2.230000e+02 : f32
        %max3A_576 = vector.broadcast %jit3A_574 : f32 to vector<16xf32>
        %max3A_577 = arith.maximumf %max3A_576, %add3A_573 : vector<16xf32>
        %min3A_578 = vector.broadcast %jit3A_575 : f32 to vector<16xf32>
        %min3A_579 = arith.minimumf %min3A_578, %max3A_577 : vector<16xf32>
        %mul3A_580 = arith.constant 5.000000e-01 : f32
        %mul3A_581 = vector.broadcast %mul3A_580 : f32 to vector<16xf32>
        %mul3A_582 = arith.mulf %mul3A_532, %mul3A_581 : vector<16xf32>
        %add3A_583 = arith.addf %add3A_515, %mul3A_582 : vector<16xf32>
        %jit3A_584 = arith.constant 0.000000e+00 : f32
        %jit3A_585 = arith.constant 2.230000e+02 : f32
        %max3A_586 = vector.broadcast %jit3A_584 : f32 to vector<16xf32>
        %max3A_587 = arith.maximumf %max3A_586, %add3A_583 : vector<16xf32>
        %min3A_588 = vector.broadcast %jit3A_585 : f32 to vector<16xf32>
        %min3A_589 = arith.minimumf %min3A_588, %max3A_587 : vector<16xf32>
        %swap3A_590 = arith.constant 0 : i32
        %swap3A_591 = arith.index_cast %swap3A_590 : i32 to index
        %swap3A_592 = arith.index_cast %mul3A_452 : i32 to index
        %swap3A_593 = tpu.vector_load %arg8[%swap3A_591, %swap3A_592] {strides = array<i32>} : memref<6x1280xf32, #tpu.memory_space<vmem>>, vector<16xf32>,
        tpu.vector_store %arg8[%swap3A_591, %swap3A_592], %min3A_539 {strides = array<i32>} : memref<6x1280xf32, #tpu.memory_space<vmem>>, vector<16xf32>,
        %swap3A_594 = arith.constant 1 : i32
        %swap3A_595 = arith.index_cast %swap3A_594 : i32 to index
        %swap3A_596 = arith.index_cast %mul3A_452 : i32 to index
        %swap3A_597 = tpu.vector_load %arg8[%swap3A_595, %swap3A_596] {strides = array<i32>} : memref<6x1280xf32, #tpu.memory_space<vmem>>, vector<16xf32>,
        tpu.vector_store %arg8[%swap3A_595, %swap3A_596], %min3A_549 {strides = array<i32>} : memref<6x1280xf32, #tpu.memory_space<vmem>>, vector<16xf32>,
        %swap3A_598 = arith.constant 2 : i32
        %swap3A_599 = arith.index_cast %swap3A_598 : i32 to index
        %swap3A_600 = arith.index_cast %mul3A_452 : i32 to index
        %swap3A_601 = tpu.vector_load %arg8[%swap3A_599, %swap3A_600] {strides = array<i32>} : memref<6x1280xf32, #tpu.memory_space<vmem>>, vector<16xf32>,
        tpu.vector_store %arg8[%swap3A_599, %swap3A_600], %min3A_559 {strides = array<i32>} : memref<6x1280xf32, #tpu.memory_space<vmem>>, vector<16xf32>,
        %swap3A_602 = arith.constant 3 : i32
        %swap3A_603 = arith.index_cast %swap3A_602 : i32 to index
        %swap3A_604 = arith.index_cast %mul3A_452 : i32 to index
        %swap3A_605 = tpu.vector_load %arg8[%swap3A_603, %swap3A_604] {strides = array<i32>} : memref<6x1280xf32, #tpu.memory_space<vmem>>, vector<16xf32>,
        tpu.vector_store %arg8[%swap3A_603, %swap3A_604], %min3A_569 {strides = array<i32>} : memref<6x1280xf32, #tpu.memory_space<vmem>>, vector<16xf32>,
        %swap3A_606 = arith.constant 4 : i32
        %swap3A_607 = arith.index_cast %swap3A_606 : i32 to index
        %swap3A_608 = arith.index_cast %mul3A_452 : i32 to index
        %swap3A_609 = tpu.vector_load %arg8[%swap3A_607, %swap3A_608] {strides = array<i32>} : memref<6x1280xf32, #tpu.memory_space<vmem>>, vector<16xf32>,
        tpu.vector_store %arg8[%swap3A_607, %swap3A_608], %min3A_579 {strides = array<i32>} : memref<6x1280xf32, #tpu.memory_space<vmem>>, vector<16xf32>,
        %swap3A_610 = arith.constant 5 : i32
        %swap3A_611 = arith.index_cast %swap3A_610 : i32 to index
        %swap3A_612 = arith.index_cast %mul3A_452 : i32 to index
        %swap3A_613 = tpu.vector_load %arg8[%swap3A_611, %swap3A_612] {strides = array<i32>} : memref<6x1280xf32, #tpu.memory_space<vmem>>, vector<16xf32>,
        tpu.vector_store %arg8[%swap3A_611, %swap3A_612], %min3A_589 {strides = array<i32>} : memref<6x1280xf32, #tpu.memory_space<vmem>>, vector<16xf32>,
        %sub3A_614 = arith.subf %min3A_569, %min3A_539 : vector<16xf32>
        %add3A_615 = arith.constant 1.000000e+00 : f32
        %add3A_616 = vector.broadcast %add3A_615 : f32 to vector<16xf32>
        %add3A_617 = arith.addf %sub3A_614, %add3A_616 : vector<16xf32>
        %sub3A_618 = arith.subf %min3A_579, %min3A_549 : vector<16xf32>
        %add3A_619 = arith.constant 1.000000e+00 : f32
        %add3A_620 = vector.broadcast %add3A_619 : f32 to vector<16xf32>
        %add3A_621 = arith.addf %sub3A_618, %add3A_620 : vector<16xf32>
        %mul3A_622 = arith.mulf %add3A_617, %add3A_621 : vector<16xf32>
        %sub3A_623 = arith.subf %min3A_589, %min3A_559 : vector<16xf32>
        %add3A_624 = arith.constant 1.000000e+00 : f32
        %add3A_625 = vector.broadcast %add3A_624 : f32 to vector<16xf32>
        %add3A_626 = arith.addf %sub3A_623, %add3A_625 : vector<16xf32>
        %mul3A_627 = arith.mulf %mul3A_622, %add3A_626 : vector<16xf32>
        %swap3A_628 = arith.index_cast %mul3A_452 : i32 to index
        %swap3A_629 = tpu.vector_load %arg9[%swap3A_628] {strides = array<i32>} : memref<1280xf32, #tpu.memory_space<vmem>>, vector<16xf32>,
        tpu.vector_store %arg9[%swap3A_628], %mul3A_627 {strides = array<i32>} : memref<1280xf32, #tpu.memory_space<vmem>>, vector<16xf32>,
        %get3A_630 = arith.index_cast %mul3A_452 : i32 to index
        %get3A_631 = tpu.vector_load %arg10[%get3A_630] {strides = array<i32>} : memref<1280xf32, #tpu.memory_space<vmem>>, vector<16xf32>,
        %reduce_max3A = arith.constant true
        %reduce_max3A_632 = vector.broadcast %reduce_max3A : i1 to vector<16xi1>
        %reduce_max3A_633 = tpu.scan <max>, %get3A_631 masked %reduce_max3A_632 : vector<16xf32>, vector<16xi1> -> vector<16xf32>
        %reduce_max3A_634 = vector.extract %reduce_max3A_633[15] : f32 from vector<16xf32>
        %rem3A = arith.constant 16 : i32
        %rem3A_635 = arith.remsi %scan3A_445, %rem3A : i32
        %eq3A_636 = vector.broadcast %rem3A_635 : i32 to vector<16xi32>
        %eq3A_637 = arith.cmpi eq, %iota3A, %eq3A_636 : vector<16xi32>
        %jit3A_638 = arith.constant 16 : i32
        %div3A = arith.divsi %scan3A_445, %jit3A_638 : i32
        %sign3A = arith.constant 0 : i32
        %sign3A_639 = arith.cmpi sgt, %scan3A_445, %sign3A : i32
        %sign3A_640 = arith.extui %sign3A_639 : i1 to i32
        %sign3A_641 = arith.constant 0 : i32
        %sign3A_642 = arith.cmpi slt, %scan3A_445, %sign3A_641 : i32
        %sign3A_643 = arith.extui %sign3A_642 : i1 to i32
        %sign3A_644 = arith.subi %sign3A_640, %sign3A_643 : i32
        %sign3A_645 = arith.constant 0 : i32
        %sign3A_646 = arith.cmpi sgt, %jit3A_638, %sign3A_645 : i32
        %sign3A_647 = arith.extui %sign3A_646 : i1 to i32
        %sign3A_648 = arith.constant 0 : i32
        %sign3A_649 = arith.cmpi slt, %jit3A_638, %sign3A_648 : i32
        %sign3A_650 = arith.extui %sign3A_649 : i1 to i32
        %sign3A_651 = arith.subi %sign3A_647, %sign3A_650 : i32
        %ne3A = arith.cmpi ne, %sign3A_644, %sign3A_651 : i32
        %rem3A_652 = arith.remsi %scan3A_445, %jit3A_638 : i32
        %ne3A_653 = arith.constant 0 : i32
        %ne3A_654 = arith.cmpi ne, %rem3A_652, %ne3A_653 : i32
        %and3A = arith.andi %ne3A, %ne3A_654 : i1
        %sub3A_655 = arith.constant 1 : i32
        %sub3A_656 = arith.subi %div3A, %sub3A_655 : i32
        %select_n3A = arith.select %and3A, %sub3A_656, %div3A : i32
        %eq3A_657 = arith.constant 0 : i32
        %eq3A_658 = arith.cmpi eq, %select_n3A, %eq3A_657 : i32
        %and3A_659 = vector.broadcast %eq3A_658 : i1 to vector<16xi1>
        %and3A_660 = arith.andi %eq3A_637, %and3A_659 : vector<16xi1>
        %broadcast_in_dim3A_661 = vector.broadcast %reduce_max3A_634 : f32 to vector<16xf32>
        %select_n3A_662 = arith.select %and3A_660, %broadcast_in_dim3A_661, %scan3A_446 : vector<16xi1>, vector<16xf32>
        %eq3A_663 = arith.constant 1 : i32
        %eq3A_664 = arith.cmpi eq, %select_n3A, %eq3A_663 : i32
        %and3A_665 = vector.broadcast %eq3A_664 : i1 to vector<16xi1>
        %and3A_666 = arith.andi %eq3A_637, %and3A_665 : vector<16xi1>
        %broadcast_in_dim3A_667 = vector.broadcast %reduce_max3A_634 : f32 to vector<16xf32>
        %select_n3A_668 = arith.select %and3A_666, %broadcast_in_dim3A_667, %scan3A_447 : vector<16xi1>, vector<16xf32>
        %eq3A_669 = arith.constant 2 : i32
        %eq3A_670 = arith.cmpi eq, %select_n3A, %eq3A_669 : i32
        %and3A_671 = vector.broadcast %eq3A_670 : i1 to vector<16xi1>
        %and3A_672 = arith.andi %eq3A_637, %and3A_671 : vector<16xi1>
        %broadcast_in_dim3A_673 = vector.broadcast %reduce_max3A_634 : f32 to vector<16xf32>
        %select_n3A_674 = arith.select %and3A_672, %broadcast_in_dim3A_673, %scan3A_448 : vector<16xi1>, vector<16xf32>
        %eq3A_675 = arith.constant 3 : i32
        %eq3A_676 = arith.cmpi eq, %select_n3A, %eq3A_675 : i32
        %and3A_677 = vector.broadcast %eq3A_676 : i1 to vector<16xi1>
        %and3A_678 = arith.andi %eq3A_637, %and3A_677 : vector<16xi1>
        %broadcast_in_dim3A_679 = vector.broadcast %reduce_max3A_634 : f32 to vector<16xf32>
        %select_n3A_680 = arith.select %and3A_678, %broadcast_in_dim3A_679, %scan3A_449 : vector<16xi1>, vector<16xf32>
        %eq3A_681 = arith.constant 4 : i32
        %eq3A_682 = arith.cmpi eq, %select_n3A, %eq3A_681 : i32
        %and3A_683 = vector.broadcast %eq3A_682 : i1 to vector<16xi1>
        %and3A_684 = arith.andi %eq3A_637, %and3A_683 : vector<16xi1>
        %broadcast_in_dim3A_685 = vector.broadcast %reduce_max3A_634 : f32 to vector<16xf32>
        %select_n3A_686 = arith.select %and3A_684, %broadcast_in_dim3A_685, %scan3A_450 : vector<16xi1>, vector<16xf32>
        scf.yield %select_n3A_662, %select_n3A_668, %select_n3A_674, %select_n3A_680, %select_n3A_686 : vector<16xf32>, vector<16xf32>, vector<16xf32>, vector<16xf32>, vector<16xf32>
      }
      %scan3A_39 = arith.constant 80 : i32
      %broadcast_in_dim3A_40 = arith.constant 0.000000e+00 : f32
      %broadcast_in_dim3A_41 = vector.broadcast %broadcast_in_dim3A_40 : f32 to vector<16xf32>
      %swap3A = arith.constant 0 : i32
      %swap3A_42 = arith.index_cast %swap3A : i32 to index
      %swap3A_43 = arith.constant 0 : index
      %swap3A_44 = tpu.vector_load %arg11[%swap3A_42, %swap3A_43] {strides = array<i32>} : memref<8x128xf32, #tpu.memory_space<vmem>>, vector<16xf32>,
      tpu.vector_store %arg11[%swap3A_42, %swap3A_43], %broadcast_in_dim3A_41 {strides = array<i32>} : memref<8x128xf32, #tpu.memory_space<vmem>>, vector<16xf32>,
      %broadcast_in_dim3A_45 = arith.constant 0.000000e+00 : f32
      %broadcast_in_dim3A_46 = vector.broadcast %broadcast_in_dim3A_45 : f32 to vector<16xf32>
      %swap3A_47 = arith.constant 0 : i32
      %swap3A_48 = arith.index_cast %swap3A_47 : i32 to index
      %swap3A_49 = arith.constant 16 : index
      %swap3A_50 = tpu.vector_load %arg11[%swap3A_48, %swap3A_49] {strides = array<i32>} : memref<8x128xf32, #tpu.memory_space<vmem>>, vector<16xf32>,
      tpu.vector_store %arg11[%swap3A_48, %swap3A_49], %broadcast_in_dim3A_46 {strides = array<i32>} : memref<8x128xf32, #tpu.memory_space<vmem>>, vector<16xf32>,
      %broadcast_in_dim3A_51 = arith.constant 0.000000e+00 : f32
      %broadcast_in_dim3A_52 = vector.broadcast %broadcast_in_dim3A_51 : f32 to vector<16xf32>
      %swap3A_53 = arith.constant 0 : i32
      %swap3A_54 = arith.index_cast %swap3A_53 : i32 to index
      %swap3A_55 = arith.constant 32 : index
      %swap3A_56 = tpu.vector_load %arg11[%swap3A_54, %swap3A_55] {strides = array<i32>} : memref<8x128xf32, #tpu.memory_space<vmem>>, vector<16xf32>,
      tpu.vector_store %arg11[%swap3A_54, %swap3A_55], %broadcast_in_dim3A_52 {strides = array<i32>} : memref<8x128xf32, #tpu.memory_space<vmem>>, vector<16xf32>,
      %broadcast_in_dim3A_57 = arith.constant 0.000000e+00 : f32
      %broadcast_in_dim3A_58 = vector.broadcast %broadcast_in_dim3A_57 : f32 to vector<16xf32>
      %swap3A_59 = arith.constant 0 : i32
      %swap3A_60 = arith.index_cast %swap3A_59 : i32 to index
      %swap3A_61 = arith.constant 48 : index
      %swap3A_62 = tpu.vector_load %arg11[%swap3A_60, %swap3A_61] {strides = array<i32>} : memref<8x128xf32, #tpu.memory_space<vmem>>, vector<16xf32>,
      tpu.vector_store %arg11[%swap3A_60, %swap3A_61], %broadcast_in_dim3A_58 {strides = array<i32>} : memref<8x128xf32, #tpu.memory_space<vmem>>, vector<16xf32>,
      %broadcast_in_dim3A_63 = arith.constant 0.000000e+00 : f32
      %broadcast_in_dim3A_64 = vector.broadcast %broadcast_in_dim3A_63 : f32 to vector<16xf32>
      %swap3A_65 = arith.constant 0 : i32
      %swap3A_66 = arith.index_cast %swap3A_65 : i32 to index
      %swap3A_67 = arith.constant 64 : index
      %swap3A_68 = tpu.vector_load %arg11[%swap3A_66, %swap3A_67] {strides = array<i32>} : memref<8x128xf32, #tpu.memory_space<vmem>>, vector<16xf32>,
      tpu.vector_store %arg11[%swap3A_66, %swap3A_67], %broadcast_in_dim3A_64 {strides = array<i32>} : memref<8x128xf32, #tpu.memory_space<vmem>>, vector<16xf32>,
      %broadcast_in_dim3A_69 = arith.constant 0.000000e+00 : f32
      %broadcast_in_dim3A_70 = vector.broadcast %broadcast_in_dim3A_69 : f32 to vector<16xf32>
      %swap3A_71 = arith.constant 0 : i32
      %swap3A_72 = arith.index_cast %swap3A_71 : i32 to index
      %swap3A_73 = arith.constant 80 : index
      %swap3A_74 = tpu.vector_load %arg11[%swap3A_72, %swap3A_73] {strides = array<i32>} : memref<8x128xf32, #tpu.memory_space<vmem>>, vector<16xf32>,
      tpu.vector_store %arg11[%swap3A_72, %swap3A_73], %broadcast_in_dim3A_70 {strides = array<i32>} : memref<8x128xf32, #tpu.memory_space<vmem>>, vector<16xf32>,
      %broadcast_in_dim3A_75 = arith.constant 0.000000e+00 : f32
      %broadcast_in_dim3A_76 = vector.broadcast %broadcast_in_dim3A_75 : f32 to vector<16xf32>
      %swap3A_77 = arith.constant 0 : i32
      %swap3A_78 = arith.index_cast %swap3A_77 : i32 to index
      %swap3A_79 = arith.constant 96 : index
      %swap3A_80 = tpu.vector_load %arg11[%swap3A_78, %swap3A_79] {strides = array<i32>} : memref<8x128xf32, #tpu.memory_space<vmem>>, vector<16xf32>,
      tpu.vector_store %arg11[%swap3A_78, %swap3A_79], %broadcast_in_dim3A_76 {strides = array<i32>} : memref<8x128xf32, #tpu.memory_space<vmem>>, vector<16xf32>,
      %broadcast_in_dim3A_81 = arith.constant 0.000000e+00 : f32
      %broadcast_in_dim3A_82 = vector.broadcast %broadcast_in_dim3A_81 : f32 to vector<16xf32>
      %swap3A_83 = arith.constant 0 : i32
      %swap3A_84 = arith.index_cast %swap3A_83 : i32 to index
      %swap3A_85 = arith.constant 112 : index
      %swap3A_86 = tpu.vector_load %arg11[%swap3A_84, %swap3A_85] {strides = array<i32>} : memref<8x128xf32, #tpu.memory_space<vmem>>, vector<16xf32>,
      tpu.vector_store %arg11[%swap3A_84, %swap3A_85], %broadcast_in_dim3A_82 {strides = array<i32>} : memref<8x128xf32, #tpu.memory_space<vmem>>, vector<16xf32>,
      %broadcast_in_dim3A_87 = arith.constant 0.000000e+00 : f32
      %broadcast_in_dim3A_88 = vector.broadcast %broadcast_in_dim3A_87 : f32 to vector<16xf32>
      %swap3A_89 = arith.constant 1 : i32
      %swap3A_90 = arith.index_cast %swap3A_89 : i32 to index
      %swap3A_91 = arith.constant 0 : index
      %swap3A_92 = tpu.vector_load %arg11[%swap3A_90, %swap3A_91] {strides = array<i32>} : memref<8x128xf32, #tpu.memory_space<vmem>>, vector<16xf32>,
      tpu.vector_store %arg11[%swap3A_90, %swap3A_91], %broadcast_in_dim3A_88 {strides = array<i32>} : memref<8x128xf32, #tpu.memory_space<vmem>>, vector<16xf32>,
      %broadcast_in_dim3A_93 = arith.constant 0.000000e+00 : f32
      %broadcast_in_dim3A_94 = vector.broadcast %broadcast_in_dim3A_93 : f32 to vector<16xf32>
      %swap3A_95 = arith.constant 1 : i32
      %swap3A_96 = arith.index_cast %swap3A_95 : i32 to index
      %swap3A_97 = arith.constant 16 : index
      %swap3A_98 = tpu.vector_load %arg11[%swap3A_96, %swap3A_97] {strides = array<i32>} : memref<8x128xf32, #tpu.memory_space<vmem>>, vector<16xf32>,
      tpu.vector_store %arg11[%swap3A_96, %swap3A_97], %broadcast_in_dim3A_94 {strides = array<i32>} : memref<8x128xf32, #tpu.memory_space<vmem>>, vector<16xf32>,
      %broadcast_in_dim3A_99 = arith.constant 0.000000e+00 : f32
      %broadcast_in_dim3A_100 = vector.broadcast %broadcast_in_dim3A_99 : f32 to vector<16xf32>
      %swap3A_101 = arith.constant 1 : i32
      %swap3A_102 = arith.index_cast %swap3A_101 : i32 to index
      %swap3A_103 = arith.constant 32 : index
      %swap3A_104 = tpu.vector_load %arg11[%swap3A_102, %swap3A_103] {strides = array<i32>} : memref<8x128xf32, #tpu.memory_space<vmem>>, vector<16xf32>,
      tpu.vector_store %arg11[%swap3A_102, %swap3A_103], %broadcast_in_dim3A_100 {strides = array<i32>} : memref<8x128xf32, #tpu.memory_space<vmem>>, vector<16xf32>,
      %broadcast_in_dim3A_105 = arith.constant 0.000000e+00 : f32
      %broadcast_in_dim3A_106 = vector.broadcast %broadcast_in_dim3A_105 : f32 to vector<16xf32>
      %swap3A_107 = arith.constant 1 : i32
      %swap3A_108 = arith.index_cast %swap3A_107 : i32 to index
      %swap3A_109 = arith.constant 48 : index
      %swap3A_110 = tpu.vector_load %arg11[%swap3A_108, %swap3A_109] {strides = array<i32>} : memref<8x128xf32, #tpu.memory_space<vmem>>, vector<16xf32>,
      tpu.vector_store %arg11[%swap3A_108, %swap3A_109], %broadcast_in_dim3A_106 {strides = array<i32>} : memref<8x128xf32, #tpu.memory_space<vmem>>, vector<16xf32>,
      %broadcast_in_dim3A_111 = arith.constant 0.000000e+00 : f32
      %broadcast_in_dim3A_112 = vector.broadcast %broadcast_in_dim3A_111 : f32 to vector<16xf32>
      %swap3A_113 = arith.constant 1 : i32
      %swap3A_114 = arith.index_cast %swap3A_113 : i32 to index
      %swap3A_115 = arith.constant 64 : index
      %swap3A_116 = tpu.vector_load %arg11[%swap3A_114, %swap3A_115] {strides = array<i32>} : memref<8x128xf32, #tpu.memory_space<vmem>>, vector<16xf32>,
      tpu.vector_store %arg11[%swap3A_114, %swap3A_115], %broadcast_in_dim3A_112 {strides = array<i32>} : memref<8x128xf32, #tpu.memory_space<vmem>>, vector<16xf32>,
      %broadcast_in_dim3A_117 = arith.constant 0.000000e+00 : f32
      %broadcast_in_dim3A_118 = vector.broadcast %broadcast_in_dim3A_117 : f32 to vector<16xf32>
      %swap3A_119 = arith.constant 1 : i32
      %swap3A_120 = arith.index_cast %swap3A_119 : i32 to index
      %swap3A_121 = arith.constant 80 : index
      %swap3A_122 = tpu.vector_load %arg11[%swap3A_120, %swap3A_121] {strides = array<i32>} : memref<8x128xf32, #tpu.memory_space<vmem>>, vector<16xf32>,
      tpu.vector_store %arg11[%swap3A_120, %swap3A_121], %broadcast_in_dim3A_118 {strides = array<i32>} : memref<8x128xf32, #tpu.memory_space<vmem>>, vector<16xf32>,
      %broadcast_in_dim3A_123 = arith.constant 0.000000e+00 : f32
      %broadcast_in_dim3A_124 = vector.broadcast %broadcast_in_dim3A_123 : f32 to vector<16xf32>
      %swap3A_125 = arith.constant 1 : i32
      %swap3A_126 = arith.index_cast %swap3A_125 : i32 to index
      %swap3A_127 = arith.constant 96 : index
      %swap3A_128 = tpu.vector_load %arg11[%swap3A_126, %swap3A_127] {strides = array<i32>} : memref<8x128xf32, #tpu.memory_space<vmem>>, vector<16xf32>,
      tpu.vector_store %arg11[%swap3A_126, %swap3A_127], %broadcast_in_dim3A_124 {strides = array<i32>} : memref<8x128xf32, #tpu.memory_space<vmem>>, vector<16xf32>,
      %broadcast_in_dim3A_129 = arith.constant 0.000000e+00 : f32
      %broadcast_in_dim3A_130 = vector.broadcast %broadcast_in_dim3A_129 : f32 to vector<16xf32>
      %swap3A_131 = arith.constant 1 : i32
      %swap3A_132 = arith.index_cast %swap3A_131 : i32 to index
      %swap3A_133 = arith.constant 112 : index
      %swap3A_134 = tpu.vector_load %arg11[%swap3A_132, %swap3A_133] {strides = array<i32>} : memref<8x128xf32, #tpu.memory_space<vmem>>, vector<16xf32>,
      tpu.vector_store %arg11[%swap3A_132, %swap3A_133], %broadcast_in_dim3A_130 {strides = array<i32>} : memref<8x128xf32, #tpu.memory_space<vmem>>, vector<16xf32>,
      %broadcast_in_dim3A_135 = arith.constant 0.000000e+00 : f32
      %broadcast_in_dim3A_136 = vector.broadcast %broadcast_in_dim3A_135 : f32 to vector<16xf32>
      %swap3A_137 = arith.constant 2 : i32
      %swap3A_138 = arith.index_cast %swap3A_137 : i32 to index
      %swap3A_139 = arith.constant 0 : index
      %swap3A_140 = tpu.vector_load %arg11[%swap3A_138, %swap3A_139] {strides = array<i32>} : memref<8x128xf32, #tpu.memory_space<vmem>>, vector<16xf32>,
      tpu.vector_store %arg11[%swap3A_138, %swap3A_139], %broadcast_in_dim3A_136 {strides = array<i32>} : memref<8x128xf32, #tpu.memory_space<vmem>>, vector<16xf32>,
      %broadcast_in_dim3A_141 = arith.constant 0.000000e+00 : f32
      %broadcast_in_dim3A_142 = vector.broadcast %broadcast_in_dim3A_141 : f32 to vector<16xf32>
      %swap3A_143 = arith.constant 2 : i32
      %swap3A_144 = arith.index_cast %swap3A_143 : i32 to index
      %swap3A_145 = arith.constant 16 : index
      %swap3A_146 = tpu.vector_load %arg11[%swap3A_144, %swap3A_145] {strides = array<i32>} : memref<8x128xf32, #tpu.memory_space<vmem>>, vector<16xf32>,
      tpu.vector_store %arg11[%swap3A_144, %swap3A_145], %broadcast_in_dim3A_142 {strides = array<i32>} : memref<8x128xf32, #tpu.memory_space<vmem>>, vector<16xf32>,
      %broadcast_in_dim3A_147 = arith.constant 0.000000e+00 : f32
      %broadcast_in_dim3A_148 = vector.broadcast %broadcast_in_dim3A_147 : f32 to vector<16xf32>
      %swap3A_149 = arith.constant 2 : i32
      %swap3A_150 = arith.index_cast %swap3A_149 : i32 to index
      %swap3A_151 = arith.constant 32 : index
      %swap3A_152 = tpu.vector_load %arg11[%swap3A_150, %swap3A_151] {strides = array<i32>} : memref<8x128xf32, #tpu.memory_space<vmem>>, vector<16xf32>,
      tpu.vector_store %arg11[%swap3A_150, %swap3A_151], %broadcast_in_dim3A_148 {strides = array<i32>} : memref<8x128xf32, #tpu.memory_space<vmem>>, vector<16xf32>,
      %broadcast_in_dim3A_153 = arith.constant 0.000000e+00 : f32
      %broadcast_in_dim3A_154 = vector.broadcast %broadcast_in_dim3A_153 : f32 to vector<16xf32>
      %swap3A_155 = arith.constant 2 : i32
      %swap3A_156 = arith.index_cast %swap3A_155 : i32 to index
      %swap3A_157 = arith.constant 48 : index
      %swap3A_158 = tpu.vector_load %arg11[%swap3A_156, %swap3A_157] {strides = array<i32>} : memref<8x128xf32, #tpu.memory_space<vmem>>, vector<16xf32>,
      tpu.vector_store %arg11[%swap3A_156, %swap3A_157], %broadcast_in_dim3A_154 {strides = array<i32>} : memref<8x128xf32, #tpu.memory_space<vmem>>, vector<16xf32>,
      %broadcast_in_dim3A_159 = arith.constant 0.000000e+00 : f32
      %broadcast_in_dim3A_160 = vector.broadcast %broadcast_in_dim3A_159 : f32 to vector<16xf32>
      %swap3A_161 = arith.constant 2 : i32
      %swap3A_162 = arith.index_cast %swap3A_161 : i32 to index
      %swap3A_163 = arith.constant 64 : index
      %swap3A_164 = tpu.vector_load %arg11[%swap3A_162, %swap3A_163] {strides = array<i32>} : memref<8x128xf32, #tpu.memory_space<vmem>>, vector<16xf32>,
      tpu.vector_store %arg11[%swap3A_162, %swap3A_163], %broadcast_in_dim3A_160 {strides = array<i32>} : memref<8x128xf32, #tpu.memory_space<vmem>>, vector<16xf32>,
      %broadcast_in_dim3A_165 = arith.constant 0.000000e+00 : f32
      %broadcast_in_dim3A_166 = vector.broadcast %broadcast_in_dim3A_165 : f32 to vector<16xf32>
      %swap3A_167 = arith.constant 2 : i32
      %swap3A_168 = arith.index_cast %swap3A_167 : i32 to index
      %swap3A_169 = arith.constant 80 : index
      %swap3A_170 = tpu.vector_load %arg11[%swap3A_168, %swap3A_169] {strides = array<i32>} : memref<8x128xf32, #tpu.memory_space<vmem>>, vector<16xf32>,
      tpu.vector_store %arg11[%swap3A_168, %swap3A_169], %broadcast_in_dim3A_166 {strides = array<i32>} : memref<8x128xf32, #tpu.memory_space<vmem>>, vector<16xf32>,
      %broadcast_in_dim3A_171 = arith.constant 0.000000e+00 : f32
      %broadcast_in_dim3A_172 = vector.broadcast %broadcast_in_dim3A_171 : f32 to vector<16xf32>
      %swap3A_173 = arith.constant 2 : i32
      %swap3A_174 = arith.index_cast %swap3A_173 : i32 to index
      %swap3A_175 = arith.constant 96 : index
      %swap3A_176 = tpu.vector_load %arg11[%swap3A_174, %swap3A_175] {strides = array<i32>} : memref<8x128xf32, #tpu.memory_space<vmem>>, vector<16xf32>,
      tpu.vector_store %arg11[%swap3A_174, %swap3A_175], %broadcast_in_dim3A_172 {strides = array<i32>} : memref<8x128xf32, #tpu.memory_space<vmem>>, vector<16xf32>,
      %broadcast_in_dim3A_177 = arith.constant 0.000000e+00 : f32
      %broadcast_in_dim3A_178 = vector.broadcast %broadcast_in_dim3A_177 : f32 to vector<16xf32>
      %swap3A_179 = arith.constant 2 : i32
      %swap3A_180 = arith.index_cast %swap3A_179 : i32 to index
      %swap3A_181 = arith.constant 112 : index
      %swap3A_182 = tpu.vector_load %arg11[%swap3A_180, %swap3A_181] {strides = array<i32>} : memref<8x128xf32, #tpu.memory_space<vmem>>, vector<16xf32>,
      tpu.vector_store %arg11[%swap3A_180, %swap3A_181], %broadcast_in_dim3A_178 {strides = array<i32>} : memref<8x128xf32, #tpu.memory_space<vmem>>, vector<16xf32>,
      %broadcast_in_dim3A_183 = arith.constant 0.000000e+00 : f32
      %broadcast_in_dim3A_184 = vector.broadcast %broadcast_in_dim3A_183 : f32 to vector<16xf32>
      %swap3A_185 = arith.constant 3 : i32
      %swap3A_186 = arith.index_cast %swap3A_185 : i32 to index
      %swap3A_187 = arith.constant 0 : index
      %swap3A_188 = tpu.vector_load %arg11[%swap3A_186, %swap3A_187] {strides = array<i32>} : memref<8x128xf32, #tpu.memory_space<vmem>>, vector<16xf32>,
      tpu.vector_store %arg11[%swap3A_186, %swap3A_187], %broadcast_in_dim3A_184 {strides = array<i32>} : memref<8x128xf32, #tpu.memory_space<vmem>>, vector<16xf32>,
      %broadcast_in_dim3A_189 = arith.constant 0.000000e+00 : f32
      %broadcast_in_dim3A_190 = vector.broadcast %broadcast_in_dim3A_189 : f32 to vector<16xf32>
      %swap3A_191 = arith.constant 3 : i32
      %swap3A_192 = arith.index_cast %swap3A_191 : i32 to index
      %swap3A_193 = arith.constant 16 : index
      %swap3A_194 = tpu.vector_load %arg11[%swap3A_192, %swap3A_193] {strides = array<i32>} : memref<8x128xf32, #tpu.memory_space<vmem>>, vector<16xf32>,
      tpu.vector_store %arg11[%swap3A_192, %swap3A_193], %broadcast_in_dim3A_190 {strides = array<i32>} : memref<8x128xf32, #tpu.memory_space<vmem>>, vector<16xf32>,
      %broadcast_in_dim3A_195 = arith.constant 0.000000e+00 : f32
      %broadcast_in_dim3A_196 = vector.broadcast %broadcast_in_dim3A_195 : f32 to vector<16xf32>
      %swap3A_197 = arith.constant 3 : i32
      %swap3A_198 = arith.index_cast %swap3A_197 : i32 to index
      %swap3A_199 = arith.constant 32 : index
      %swap3A_200 = tpu.vector_load %arg11[%swap3A_198, %swap3A_199] {strides = array<i32>} : memref<8x128xf32, #tpu.memory_space<vmem>>, vector<16xf32>,
      tpu.vector_store %arg11[%swap3A_198, %swap3A_199], %broadcast_in_dim3A_196 {strides = array<i32>} : memref<8x128xf32, #tpu.memory_space<vmem>>, vector<16xf32>,
      %broadcast_in_dim3A_201 = arith.constant 0.000000e+00 : f32
      %broadcast_in_dim3A_202 = vector.broadcast %broadcast_in_dim3A_201 : f32 to vector<16xf32>
      %swap3A_203 = arith.constant 3 : i32
      %swap3A_204 = arith.index_cast %swap3A_203 : i32 to index
      %swap3A_205 = arith.constant 48 : index
      %swap3A_206 = tpu.vector_load %arg11[%swap3A_204, %swap3A_205] {strides = array<i32>} : memref<8x128xf32, #tpu.memory_space<vmem>>, vector<16xf32>,
      tpu.vector_store %arg11[%swap3A_204, %swap3A_205], %broadcast_in_dim3A_202 {strides = array<i32>} : memref<8x128xf32, #tpu.memory_space<vmem>>, vector<16xf32>,
      %broadcast_in_dim3A_207 = arith.constant 0.000000e+00 : f32
      %broadcast_in_dim3A_208 = vector.broadcast %broadcast_in_dim3A_207 : f32 to vector<16xf32>
      %swap3A_209 = arith.constant 3 : i32
      %swap3A_210 = arith.index_cast %swap3A_209 : i32 to index
      %swap3A_211 = arith.constant 64 : index
      %swap3A_212 = tpu.vector_load %arg11[%swap3A_210, %swap3A_211] {strides = array<i32>} : memref<8x128xf32, #tpu.memory_space<vmem>>, vector<16xf32>,
      tpu.vector_store %arg11[%swap3A_210, %swap3A_211], %broadcast_in_dim3A_208 {strides = array<i32>} : memref<8x128xf32, #tpu.memory_space<vmem>>, vector<16xf32>,
      %broadcast_in_dim3A_213 = arith.constant 0.000000e+00 : f32
      %broadcast_in_dim3A_214 = vector.broadcast %broadcast_in_dim3A_213 : f32 to vector<16xf32>
      %swap3A_215 = arith.constant 3 : i32
      %swap3A_216 = arith.index_cast %swap3A_215 : i32 to index
      %swap3A_217 = arith.constant 80 : index
      %swap3A_218 = tpu.vector_load %arg11[%swap3A_216, %swap3A_217] {strides = array<i32>} : memref<8x128xf32, #tpu.memory_space<vmem>>, vector<16xf32>,
      tpu.vector_store %arg11[%swap3A_216, %swap3A_217], %broadcast_in_dim3A_214 {strides = array<i32>} : memref<8x128xf32, #tpu.memory_space<vmem>>, vector<16xf32>,
      %broadcast_in_dim3A_219 = arith.constant 0.000000e+00 : f32
      %broadcast_in_dim3A_220 = vector.broadcast %broadcast_in_dim3A_219 : f32 to vector<16xf32>
      %swap3A_221 = arith.constant 3 : i32
      %swap3A_222 = arith.index_cast %swap3A_221 : i32 to index
      %swap3A_223 = arith.constant 96 : index
      %swap3A_224 = tpu.vector_load %arg11[%swap3A_222, %swap3A_223] {strides = array<i32>} : memref<8x128xf32, #tpu.memory_space<vmem>>, vector<16xf32>,
      tpu.vector_store %arg11[%swap3A_222, %swap3A_223], %broadcast_in_dim3A_220 {strides = array<i32>} : memref<8x128xf32, #tpu.memory_space<vmem>>, vector<16xf32>,
      %broadcast_in_dim3A_225 = arith.constant 0.000000e+00 : f32
      %broadcast_in_dim3A_226 = vector.broadcast %broadcast_in_dim3A_225 : f32 to vector<16xf32>
      %swap3A_227 = arith.constant 3 : i32
      %swap3A_228 = arith.index_cast %swap3A_227 : i32 to index
      %swap3A_229 = arith.constant 112 : index
      %swap3A_230 = tpu.vector_load %arg11[%swap3A_228, %swap3A_229] {strides = array<i32>} : memref<8x128xf32, #tpu.memory_space<vmem>>, vector<16xf32>,
      tpu.vector_store %arg11[%swap3A_228, %swap3A_229], %broadcast_in_dim3A_226 {strides = array<i32>} : memref<8x128xf32, #tpu.memory_space<vmem>>, vector<16xf32>,
      %broadcast_in_dim3A_231 = arith.constant 0.000000e+00 : f32
      %broadcast_in_dim3A_232 = vector.broadcast %broadcast_in_dim3A_231 : f32 to vector<16xf32>
      %swap3A_233 = arith.constant 4 : i32
      %swap3A_234 = arith.index_cast %swap3A_233 : i32 to index
      %swap3A_235 = arith.constant 0 : index
      %swap3A_236 = tpu.vector_load %arg11[%swap3A_234, %swap3A_235] {strides = array<i32>} : memref<8x128xf32, #tpu.memory_space<vmem>>, vector<16xf32>,
      tpu.vector_store %arg11[%swap3A_234, %swap3A_235], %broadcast_in_dim3A_232 {strides = array<i32>} : memref<8x128xf32, #tpu.memory_space<vmem>>, vector<16xf32>,
      %broadcast_in_dim3A_237 = arith.constant 0.000000e+00 : f32
      %broadcast_in_dim3A_238 = vector.broadcast %broadcast_in_dim3A_237 : f32 to vector<16xf32>
      %swap3A_239 = arith.constant 4 : i32
      %swap3A_240 = arith.index_cast %swap3A_239 : i32 to index
      %swap3A_241 = arith.constant 16 : index
      %swap3A_242 = tpu.vector_load %arg11[%swap3A_240, %swap3A_241] {strides = array<i32>} : memref<8x128xf32, #tpu.memory_space<vmem>>, vector<16xf32>,
      tpu.vector_store %arg11[%swap3A_240, %swap3A_241], %broadcast_in_dim3A_238 {strides = array<i32>} : memref<8x128xf32, #tpu.memory_space<vmem>>, vector<16xf32>,
      %broadcast_in_dim3A_243 = arith.constant 0.000000e+00 : f32
      %broadcast_in_dim3A_244 = vector.broadcast %broadcast_in_dim3A_243 : f32 to vector<16xf32>
      %swap3A_245 = arith.constant 4 : i32
      %swap3A_246 = arith.index_cast %swap3A_245 : i32 to index
      %swap3A_247 = arith.constant 32 : index
      %swap3A_248 = tpu.vector_load %arg11[%swap3A_246, %swap3A_247] {strides = array<i32>} : memref<8x128xf32, #tpu.memory_space<vmem>>, vector<16xf32>,
      tpu.vector_store %arg11[%swap3A_246, %swap3A_247], %broadcast_in_dim3A_244 {strides = array<i32>} : memref<8x128xf32, #tpu.memory_space<vmem>>, vector<16xf32>,
      %broadcast_in_dim3A_249 = arith.constant 0.000000e+00 : f32
      %broadcast_in_dim3A_250 = vector.broadcast %broadcast_in_dim3A_249 : f32 to vector<16xf32>
      %swap3A_251 = arith.constant 4 : i32
      %swap3A_252 = arith.index_cast %swap3A_251 : i32 to index
      %swap3A_253 = arith.constant 48 : index
      %swap3A_254 = tpu.vector_load %arg11[%swap3A_252, %swap3A_253] {strides = array<i32>} : memref<8x128xf32, #tpu.memory_space<vmem>>, vector<16xf32>,
      tpu.vector_store %arg11[%swap3A_252, %swap3A_253], %broadcast_in_dim3A_250 {strides = array<i32>} : memref<8x128xf32, #tpu.memory_space<vmem>>, vector<16xf32>,
      %broadcast_in_dim3A_255 = arith.constant 0.000000e+00 : f32
      %broadcast_in_dim3A_256 = vector.broadcast %broadcast_in_dim3A_255 : f32 to vector<16xf32>
      %swap3A_257 = arith.constant 4 : i32
      %swap3A_258 = arith.index_cast %swap3A_257 : i32 to index
      %swap3A_259 = arith.constant 64 : index
      %swap3A_260 = tpu.vector_load %arg11[%swap3A_258, %swap3A_259] {strides = array<i32>} : memref<8x128xf32, #tpu.memory_space<vmem>>, vector<16xf32>,
      tpu.vector_store %arg11[%swap3A_258, %swap3A_259], %broadcast_in_dim3A_256 {strides = array<i32>} : memref<8x128xf32, #tpu.memory_space<vmem>>, vector<16xf32>,
      %broadcast_in_dim3A_261 = arith.constant 0.000000e+00 : f32
      %broadcast_in_dim3A_262 = vector.broadcast %broadcast_in_dim3A_261 : f32 to vector<16xf32>
      %swap3A_263 = arith.constant 4 : i32
      %swap3A_264 = arith.index_cast %swap3A_263 : i32 to index
      %swap3A_265 = arith.constant 80 : index
      %swap3A_266 = tpu.vector_load %arg11[%swap3A_264, %swap3A_265] {strides = array<i32>} : memref<8x128xf32, #tpu.memory_space<vmem>>, vector<16xf32>,
      tpu.vector_store %arg11[%swap3A_264, %swap3A_265], %broadcast_in_dim3A_262 {strides = array<i32>} : memref<8x128xf32, #tpu.memory_space<vmem>>, vector<16xf32>,
      %broadcast_in_dim3A_267 = arith.constant 0.000000e+00 : f32
      %broadcast_in_dim3A_268 = vector.broadcast %broadcast_in_dim3A_267 : f32 to vector<16xf32>
      %swap3A_269 = arith.constant 4 : i32
      %swap3A_270 = arith.index_cast %swap3A_269 : i32 to index
      %swap3A_271 = arith.constant 96 : index
      %swap3A_272 = tpu.vector_load %arg11[%swap3A_270, %swap3A_271] {strides = array<i32>} : memref<8x128xf32, #tpu.memory_space<vmem>>, vector<16xf32>,
      tpu.vector_store %arg11[%swap3A_270, %swap3A_271], %broadcast_in_dim3A_268 {strides = array<i32>} : memref<8x128xf32, #tpu.memory_space<vmem>>, vector<16xf32>,
      %broadcast_in_dim3A_273 = arith.constant 0.000000e+00 : f32
      %broadcast_in_dim3A_274 = vector.broadcast %broadcast_in_dim3A_273 : f32 to vector<16xf32>
      %swap3A_275 = arith.constant 4 : i32
      %swap3A_276 = arith.index_cast %swap3A_275 : i32 to index
      %swap3A_277 = arith.constant 112 : index
      %swap3A_278 = tpu.vector_load %arg11[%swap3A_276, %swap3A_277] {strides = array<i32>} : memref<8x128xf32, #tpu.memory_space<vmem>>, vector<16xf32>,
      tpu.vector_store %arg11[%swap3A_276, %swap3A_277], %broadcast_in_dim3A_274 {strides = array<i32>} : memref<8x128xf32, #tpu.memory_space<vmem>>, vector<16xf32>,
      %broadcast_in_dim3A_279 = arith.constant 0.000000e+00 : f32
      %broadcast_in_dim3A_280 = vector.broadcast %broadcast_in_dim3A_279 : f32 to vector<16xf32>
      %swap3A_281 = arith.constant 5 : i32
      %swap3A_282 = arith.index_cast %swap3A_281 : i32 to index
      %swap3A_283 = arith.constant 0 : index
      %swap3A_284 = tpu.vector_load %arg11[%swap3A_282, %swap3A_283] {strides = array<i32>} : memref<8x128xf32, #tpu.memory_space<vmem>>, vector<16xf32>,
      tpu.vector_store %arg11[%swap3A_282, %swap3A_283], %broadcast_in_dim3A_280 {strides = array<i32>} : memref<8x128xf32, #tpu.memory_space<vmem>>, vector<16xf32>,
      %broadcast_in_dim3A_285 = arith.constant 0.000000e+00 : f32
      %broadcast_in_dim3A_286 = vector.broadcast %broadcast_in_dim3A_285 : f32 to vector<16xf32>
      %swap3A_287 = arith.constant 5 : i32
      %swap3A_288 = arith.index_cast %swap3A_287 : i32 to index
      %swap3A_289 = arith.constant 16 : index
      %swap3A_290 = tpu.vector_load %arg11[%swap3A_288, %swap3A_289] {strides = array<i32>} : memref<8x128xf32, #tpu.memory_space<vmem>>, vector<16xf32>,
      tpu.vector_store %arg11[%swap3A_288, %swap3A_289], %broadcast_in_dim3A_286 {strides = array<i32>} : memref<8x128xf32, #tpu.memory_space<vmem>>, vector<16xf32>,
      %broadcast_in_dim3A_291 = arith.constant 0.000000e+00 : f32
      %broadcast_in_dim3A_292 = vector.broadcast %broadcast_in_dim3A_291 : f32 to vector<16xf32>
      %swap3A_293 = arith.constant 5 : i32
      %swap3A_294 = arith.index_cast %swap3A_293 : i32 to index
      %swap3A_295 = arith.constant 32 : index
      %swap3A_296 = tpu.vector_load %arg11[%swap3A_294, %swap3A_295] {strides = array<i32>} : memref<8x128xf32, #tpu.memory_space<vmem>>, vector<16xf32>,
      tpu.vector_store %arg11[%swap3A_294, %swap3A_295], %broadcast_in_dim3A_292 {strides = array<i32>} : memref<8x128xf32, #tpu.memory_space<vmem>>, vector<16xf32>,
      %broadcast_in_dim3A_297 = arith.constant 0.000000e+00 : f32
      %broadcast_in_dim3A_298 = vector.broadcast %broadcast_in_dim3A_297 : f32 to vector<16xf32>
      %swap3A_299 = arith.constant 5 : i32
      %swap3A_300 = arith.index_cast %swap3A_299 : i32 to index
      %swap3A_301 = arith.constant 48 : index
      %swap3A_302 = tpu.vector_load %arg11[%swap3A_300, %swap3A_301] {strides = array<i32>} : memref<8x128xf32, #tpu.memory_space<vmem>>, vector<16xf32>,
      tpu.vector_store %arg11[%swap3A_300, %swap3A_301], %broadcast_in_dim3A_298 {strides = array<i32>} : memref<8x128xf32, #tpu.memory_space<vmem>>, vector<16xf32>,
      %broadcast_in_dim3A_303 = arith.constant 0.000000e+00 : f32
      %broadcast_in_dim3A_304 = vector.broadcast %broadcast_in_dim3A_303 : f32 to vector<16xf32>
      %swap3A_305 = arith.constant 5 : i32
      %swap3A_306 = arith.index_cast %swap3A_305 : i32 to index
      %swap3A_307 = arith.constant 64 : index
      %swap3A_308 = tpu.vector_load %arg11[%swap3A_306, %swap3A_307] {strides = array<i32>} : memref<8x128xf32, #tpu.memory_space<vmem>>, vector<16xf32>,
      tpu.vector_store %arg11[%swap3A_306, %swap3A_307], %broadcast_in_dim3A_304 {strides = array<i32>} : memref<8x128xf32, #tpu.memory_space<vmem>>, vector<16xf32>,
      %broadcast_in_dim3A_309 = arith.constant 0.000000e+00 : f32
      %broadcast_in_dim3A_310 = vector.broadcast %broadcast_in_dim3A_309 : f32 to vector<16xf32>
      %swap3A_311 = arith.constant 5 : i32
      %swap3A_312 = arith.index_cast %swap3A_311 : i32 to index
      %swap3A_313 = arith.constant 80 : index
      %swap3A_314 = tpu.vector_load %arg11[%swap3A_312, %swap3A_313] {strides = array<i32>} : memref<8x128xf32, #tpu.memory_space<vmem>>, vector<16xf32>,
      tpu.vector_store %arg11[%swap3A_312, %swap3A_313], %broadcast_in_dim3A_310 {strides = array<i32>} : memref<8x128xf32, #tpu.memory_space<vmem>>, vector<16xf32>,
      %broadcast_in_dim3A_315 = arith.constant 0.000000e+00 : f32
      %broadcast_in_dim3A_316 = vector.broadcast %broadcast_in_dim3A_315 : f32 to vector<16xf32>
      %swap3A_317 = arith.constant 5 : i32
      %swap3A_318 = arith.index_cast %swap3A_317 : i32 to index
      %swap3A_319 = arith.constant 96 : index
      %swap3A_320 = tpu.vector_load %arg11[%swap3A_318, %swap3A_319] {strides = array<i32>} : memref<8x128xf32, #tpu.memory_space<vmem>>, vector<16xf32>,
      tpu.vector_store %arg11[%swap3A_318, %swap3A_319], %broadcast_in_dim3A_316 {strides = array<i32>} : memref<8x128xf32, #tpu.memory_space<vmem>>, vector<16xf32>,
      %broadcast_in_dim3A_321 = arith.constant 0.000000e+00 : f32
      %broadcast_in_dim3A_322 = vector.broadcast %broadcast_in_dim3A_321 : f32 to vector<16xf32>
      %swap3A_323 = arith.constant 5 : i32
      %swap3A_324 = arith.index_cast %swap3A_323 : i32 to index
      %swap3A_325 = arith.constant 112 : index
      %swap3A_326 = tpu.vector_load %arg11[%swap3A_324, %swap3A_325] {strides = array<i32>} : memref<8x128xf32, #tpu.memory_space<vmem>>, vector<16xf32>,
      tpu.vector_store %arg11[%swap3A_324, %swap3A_325], %broadcast_in_dim3A_322 {strides = array<i32>} : memref<8x128xf32, #tpu.memory_space<vmem>>, vector<16xf32>,
      %broadcast_in_dim3A_327 = arith.constant 0.000000e+00 : f32
      %broadcast_in_dim3A_328 = vector.broadcast %broadcast_in_dim3A_327 : f32 to vector<16xf32>
      %swap3A_329 = arith.constant 6 : i32
      %swap3A_330 = arith.index_cast %swap3A_329 : i32 to index
      %swap3A_331 = arith.constant 0 : index
      %swap3A_332 = tpu.vector_load %arg11[%swap3A_330, %swap3A_331] {strides = array<i32>} : memref<8x128xf32, #tpu.memory_space<vmem>>, vector<16xf32>,
      tpu.vector_store %arg11[%swap3A_330, %swap3A_331], %broadcast_in_dim3A_328 {strides = array<i32>} : memref<8x128xf32, #tpu.memory_space<vmem>>, vector<16xf32>,
      %broadcast_in_dim3A_333 = arith.constant 0.000000e+00 : f32
      %broadcast_in_dim3A_334 = vector.broadcast %broadcast_in_dim3A_333 : f32 to vector<16xf32>
      %swap3A_335 = arith.constant 6 : i32
      %swap3A_336 = arith.index_cast %swap3A_335 : i32 to index
      %swap3A_337 = arith.constant 16 : index
      %swap3A_338 = tpu.vector_load %arg11[%swap3A_336, %swap3A_337] {strides = array<i32>} : memref<8x128xf32, #tpu.memory_space<vmem>>, vector<16xf32>,
      tpu.vector_store %arg11[%swap3A_336, %swap3A_337], %broadcast_in_dim3A_334 {strides = array<i32>} : memref<8x128xf32, #tpu.memory_space<vmem>>, vector<16xf32>,
      %broadcast_in_dim3A_339 = arith.constant 0.000000e+00 : f32
      %broadcast_in_dim3A_340 = vector.broadcast %broadcast_in_dim3A_339 : f32 to vector<16xf32>
      %swap3A_341 = arith.constant 6 : i32
      %swap3A_342 = arith.index_cast %swap3A_341 : i32 to index
      %swap3A_343 = arith.constant 32 : index
      %swap3A_344 = tpu.vector_load %arg11[%swap3A_342, %swap3A_343] {strides = array<i32>} : memref<8x128xf32, #tpu.memory_space<vmem>>, vector<16xf32>,
      tpu.vector_store %arg11[%swap3A_342, %swap3A_343], %broadcast_in_dim3A_340 {strides = array<i32>} : memref<8x128xf32, #tpu.memory_space<vmem>>, vector<16xf32>,
      %broadcast_in_dim3A_345 = arith.constant 0.000000e+00 : f32
      %broadcast_in_dim3A_346 = vector.broadcast %broadcast_in_dim3A_345 : f32 to vector<16xf32>
      %swap3A_347 = arith.constant 6 : i32
      %swap3A_348 = arith.index_cast %swap3A_347 : i32 to index
      %swap3A_349 = arith.constant 48 : index
      %swap3A_350 = tpu.vector_load %arg11[%swap3A_348, %swap3A_349] {strides = array<i32>} : memref<8x128xf32, #tpu.memory_space<vmem>>, vector<16xf32>,
      tpu.vector_store %arg11[%swap3A_348, %swap3A_349], %broadcast_in_dim3A_346 {strides = array<i32>} : memref<8x128xf32, #tpu.memory_space<vmem>>, vector<16xf32>,
      %broadcast_in_dim3A_351 = arith.constant 0.000000e+00 : f32
      %broadcast_in_dim3A_352 = vector.broadcast %broadcast_in_dim3A_351 : f32 to vector<16xf32>
      %swap3A_353 = arith.constant 6 : i32
      %swap3A_354 = arith.index_cast %swap3A_353 : i32 to index
      %swap3A_355 = arith.constant 64 : index
      %swap3A_356 = tpu.vector_load %arg11[%swap3A_354, %swap3A_355] {strides = array<i32>} : memref<8x128xf32, #tpu.memory_space<vmem>>, vector<16xf32>,
      tpu.vector_store %arg11[%swap3A_354, %swap3A_355], %broadcast_in_dim3A_352 {strides = array<i32>} : memref<8x128xf32, #tpu.memory_space<vmem>>, vector<16xf32>,
      %broadcast_in_dim3A_357 = arith.constant 0.000000e+00 : f32
      %broadcast_in_dim3A_358 = vector.broadcast %broadcast_in_dim3A_357 : f32 to vector<16xf32>
      %swap3A_359 = arith.constant 6 : i32
      %swap3A_360 = arith.index_cast %swap3A_359 : i32 to index
      %swap3A_361 = arith.constant 80 : index
      %swap3A_362 = tpu.vector_load %arg11[%swap3A_360, %swap3A_361] {strides = array<i32>} : memref<8x128xf32, #tpu.memory_space<vmem>>, vector<16xf32>,
      tpu.vector_store %arg11[%swap3A_360, %swap3A_361], %broadcast_in_dim3A_358 {strides = array<i32>} : memref<8x128xf32, #tpu.memory_space<vmem>>, vector<16xf32>,
      %broadcast_in_dim3A_363 = arith.constant 0.000000e+00 : f32
      %broadcast_in_dim3A_364 = vector.broadcast %broadcast_in_dim3A_363 : f32 to vector<16xf32>
      %swap3A_365 = arith.constant 6 : i32
      %swap3A_366 = arith.index_cast %swap3A_365 : i32 to index
      %swap3A_367 = arith.constant 96 : index
      %swap3A_368 = tpu.vector_load %arg11[%swap3A_366, %swap3A_367] {strides = array<i32>} : memref<8x128xf32, #tpu.memory_space<vmem>>, vector<16xf32>,
      tpu.vector_store %arg11[%swap3A_366, %swap3A_367], %broadcast_in_dim3A_364 {strides = array<i32>} : memref<8x128xf32, #tpu.memory_space<vmem>>, vector<16xf32>,
      %broadcast_in_dim3A_369 = arith.constant 0.000000e+00 : f32
      %broadcast_in_dim3A_370 = vector.broadcast %broadcast_in_dim3A_369 : f32 to vector<16xf32>
      %swap3A_371 = arith.constant 6 : i32
      %swap3A_372 = arith.index_cast %swap3A_371 : i32 to index
      %swap3A_373 = arith.constant 112 : index
      %swap3A_374 = tpu.vector_load %arg11[%swap3A_372, %swap3A_373] {strides = array<i32>} : memref<8x128xf32, #tpu.memory_space<vmem>>, vector<16xf32>,
      tpu.vector_store %arg11[%swap3A_372, %swap3A_373], %broadcast_in_dim3A_370 {strides = array<i32>} : memref<8x128xf32, #tpu.memory_space<vmem>>, vector<16xf32>,
      %broadcast_in_dim3A_375 = arith.constant 0.000000e+00 : f32
      %broadcast_in_dim3A_376 = vector.broadcast %broadcast_in_dim3A_375 : f32 to vector<16xf32>
      %swap3A_377 = arith.constant 7 : i32
      %swap3A_378 = arith.index_cast %swap3A_377 : i32 to index
      %swap3A_379 = arith.constant 0 : index
      %swap3A_380 = tpu.vector_load %arg11[%swap3A_378, %swap3A_379] {strides = array<i32>} : memref<8x128xf32, #tpu.memory_space<vmem>>, vector<16xf32>,
      tpu.vector_store %arg11[%swap3A_378, %swap3A_379], %broadcast_in_dim3A_376 {strides = array<i32>} : memref<8x128xf32, #tpu.memory_space<vmem>>, vector<16xf32>,
      %broadcast_in_dim3A_381 = arith.constant 0.000000e+00 : f32
      %broadcast_in_dim3A_382 = vector.broadcast %broadcast_in_dim3A_381 : f32 to vector<16xf32>
      %swap3A_383 = arith.constant 7 : i32
      %swap3A_384 = arith.index_cast %swap3A_383 : i32 to index
      %swap3A_385 = arith.constant 16 : index
      %swap3A_386 = tpu.vector_load %arg11[%swap3A_384, %swap3A_385] {strides = array<i32>} : memref<8x128xf32, #tpu.memory_space<vmem>>, vector<16xf32>,
      tpu.vector_store %arg11[%swap3A_384, %swap3A_385], %broadcast_in_dim3A_382 {strides = array<i32>} : memref<8x128xf32, #tpu.memory_space<vmem>>, vector<16xf32>,
      %broadcast_in_dim3A_387 = arith.constant 0.000000e+00 : f32
      %broadcast_in_dim3A_388 = vector.broadcast %broadcast_in_dim3A_387 : f32 to vector<16xf32>
      %swap3A_389 = arith.constant 7 : i32
      %swap3A_390 = arith.index_cast %swap3A_389 : i32 to index
      %swap3A_391 = arith.constant 32 : index
      %swap3A_392 = tpu.vector_load %arg11[%swap3A_390, %swap3A_391] {strides = array<i32>} : memref<8x128xf32, #tpu.memory_space<vmem>>, vector<16xf32>,
      tpu.vector_store %arg11[%swap3A_390, %swap3A_391], %broadcast_in_dim3A_388 {strides = array<i32>} : memref<8x128xf32, #tpu.memory_space<vmem>>, vector<16xf32>,
      %broadcast_in_dim3A_393 = arith.constant 0.000000e+00 : f32
      %broadcast_in_dim3A_394 = vector.broadcast %broadcast_in_dim3A_393 : f32 to vector<16xf32>
      %swap3A_395 = arith.constant 7 : i32
      %swap3A_396 = arith.index_cast %swap3A_395 : i32 to index
      %swap3A_397 = arith.constant 48 : index
      %swap3A_398 = tpu.vector_load %arg11[%swap3A_396, %swap3A_397] {strides = array<i32>} : memref<8x128xf32, #tpu.memory_space<vmem>>, vector<16xf32>,
      tpu.vector_store %arg11[%swap3A_396, %swap3A_397], %broadcast_in_dim3A_394 {strides = array<i32>} : memref<8x128xf32, #tpu.memory_space<vmem>>, vector<16xf32>,
      %broadcast_in_dim3A_399 = arith.constant 0.000000e+00 : f32
      %broadcast_in_dim3A_400 = vector.broadcast %broadcast_in_dim3A_399 : f32 to vector<16xf32>
      %swap3A_401 = arith.constant 7 : i32
      %swap3A_402 = arith.index_cast %swap3A_401 : i32 to index
      %swap3A_403 = arith.constant 64 : index
      %swap3A_404 = tpu.vector_load %arg11[%swap3A_402, %swap3A_403] {strides = array<i32>} : memref<8x128xf32, #tpu.memory_space<vmem>>, vector<16xf32>,
      tpu.vector_store %arg11[%swap3A_402, %swap3A_403], %broadcast_in_dim3A_400 {strides = array<i32>} : memref<8x128xf32, #tpu.memory_space<vmem>>, vector<16xf32>,
      %broadcast_in_dim3A_405 = arith.constant 0.000000e+00 : f32
      %broadcast_in_dim3A_406 = vector.broadcast %broadcast_in_dim3A_405 : f32 to vector<16xf32>
      %swap3A_407 = arith.constant 7 : i32
      %swap3A_408 = arith.index_cast %swap3A_407 : i32 to index
      %swap3A_409 = arith.constant 80 : index
      %swap3A_410 = tpu.vector_load %arg11[%swap3A_408, %swap3A_409] {strides = array<i32>} : memref<8x128xf32, #tpu.memory_space<vmem>>, vector<16xf32>,
      tpu.vector_store %arg11[%swap3A_408, %swap3A_409], %broadcast_in_dim3A_406 {strides = array<i32>} : memref<8x128xf32, #tpu.memory_space<vmem>>, vector<16xf32>,
      %broadcast_in_dim3A_411 = arith.constant 0.000000e+00 : f32
      %broadcast_in_dim3A_412 = vector.broadcast %broadcast_in_dim3A_411 : f32 to vector<16xf32>
      %swap3A_413 = arith.constant 7 : i32
      %swap3A_414 = arith.index_cast %swap3A_413 : i32 to index
      %swap3A_415 = arith.constant 96 : index
      %swap3A_416 = tpu.vector_load %arg11[%swap3A_414, %swap3A_415] {strides = array<i32>} : memref<8x128xf32, #tpu.memory_space<vmem>>, vector<16xf32>,
      tpu.vector_store %arg11[%swap3A_414, %swap3A_415], %broadcast_in_dim3A_412 {strides = array<i32>} : memref<8x128xf32, #tpu.memory_space<vmem>>, vector<16xf32>,
      %broadcast_in_dim3A_417 = arith.constant 0.000000e+00 : f32
      %broadcast_in_dim3A_418 = vector.broadcast %broadcast_in_dim3A_417 : f32 to vector<16xf32>
      %swap3A_419 = arith.constant 7 : i32
      %swap3A_420 = arith.index_cast %swap3A_419 : i32 to index
      %swap3A_421 = arith.constant 112 : index
      %swap3A_422 = tpu.vector_load %arg11[%swap3A_420, %swap3A_421] {strides = array<i32>} : memref<8x128xf32, #tpu.memory_space<vmem>>, vector<16xf32>,
      tpu.vector_store %arg11[%swap3A_420, %swap3A_421], %broadcast_in_dim3A_418 {strides = array<i32>} : memref<8x128xf32, #tpu.memory_space<vmem>>, vector<16xf32>,
      %broadcast_in_dim3A_423 = arith.constant 0.000000e+00 : f32
      %broadcast_in_dim3A_424 = vector.broadcast %broadcast_in_dim3A_423 : f32 to vector<16xf32>
      %broadcast_in_dim3A_425 = arith.constant 0.000000e+00 : f32
      %broadcast_in_dim3A_426 = vector.broadcast %broadcast_in_dim3A_425 : f32 to vector<16xf32>
      %broadcast_in_dim3A_427 = arith.constant 0.000000e+00 : f32
      %broadcast_in_dim3A_428 = vector.broadcast %broadcast_in_dim3A_427 : f32 to vector<16xf32>
      %broadcast_in_dim3A_429 = arith.constant 0.000000e+00 : f32
      %broadcast_in_dim3A_430 = vector.broadcast %broadcast_in_dim3A_429 : f32 to vector<16xf32>
      %broadcast_in_dim3A_431 = arith.constant 0.000000e+00 : f32
      %broadcast_in_dim3A_432 = vector.broadcast %broadcast_in_dim3A_431 : f32 to vector<16xf32>
      %broadcast_in_dim3A_433 = arith.constant 0.000000e+00 : f32
      %broadcast_in_dim3A_434 = vector.broadcast %broadcast_in_dim3A_433 : f32 to vector<16xf32>
      %broadcast_in_dim3A_435 = arith.constant 0.000000e+00 : f32
      %broadcast_in_dim3A_436 = vector.broadcast %broadcast_in_dim3A_435 : f32 to vector<16xf32>
      %broadcast_in_dim3A_437 = arith.constant 0.000000e+00 : f32
      %broadcast_in_dim3A_438 = vector.broadcast %broadcast_in_dim3A_437 : f32 to vector<16xf32>
      %scan3A_439 = arith.constant 0 : i32
      %scan3A_440 = arith.constant 128 : i32
      %scan3A_441 = arith.addi %scan3A_439, %scan3A_440 : i32
      %scan3A_442 = arith.constant 1 : i32
      %scan3A_443:13 = scf.for %scan3A_445 = %scan3A_439 to %scan3A_441 step %scan3A_442 iter_args(%scan3A_446 = %scan3A_38#0, %scan3A_447 = %scan3A_38#1, %scan3A_448 = %scan3A_38#2, %scan3A_449 = %scan3A_38#3, %scan3A_450 = %scan3A_38#4, %scan3A_451 = %broadcast_in_dim3A_424, %scan3A_452 = %broadcast_in_dim3A_426, %scan3A_453 = %broadcast_in_dim3A_428, %scan3A_454 = %broadcast_in_dim3A_430, %scan3A_455 = %broadcast_in_dim3A_432, %scan3A_456 = %broadcast_in_dim3A_434, %scan3A_457 = %broadcast_in_dim3A_436, %scan3A_458 = %broadcast_in_dim3A_438) -> (vector<16xf32>, vector<16xf32>, vector<16xf32>, vector<16xf32>, vector<16xf32>, vector<16xf32>, vector<16xf32>, vector<16xf32>, vector<16xf32>, vector<16xf32>, vector<16xf32>, vector<16xf32>, vector<16xf32>)  : i32 {
        %max3A = arith.maximumf %scan3A_446, %scan3A_447 : vector<16xf32>
        %max3A_459 = arith.maximumf %max3A, %scan3A_448 : vector<16xf32>
        %max3A_460 = arith.maximumf %max3A_459, %scan3A_449 : vector<16xf32>
        %max3A_461 = arith.maximumf %max3A_460, %scan3A_450 : vector<16xf32>
        %reduce_max3A = arith.constant true
        %reduce_max3A_462 = vector.broadcast %reduce_max3A : i1 to vector<16xi1>
        %reduce_max3A_463 = tpu.scan <max>, %max3A_461 masked %reduce_max3A_462 : vector<16xf32>, vector<16xi1> -> vector<16xf32>
        %reduce_max3A_464 = vector.extract %reduce_max3A_463[15] : f32 from vector<16xf32>
        %broadcast_in_dim3A_465 = arith.constant 80 : i32
        %broadcast_in_dim3A_466 = vector.broadcast %broadcast_in_dim3A_465 : i32 to vector<16xi32>
        %eq3A_467 = vector.broadcast %reduce_max3A_464 : f32 to vector<16xf32>
        %eq3A_468 = arith.cmpf oeq, %scan3A_446, %eq3A_467 : vector<16xf32>
        %add3A = arith.constant 0 : i32
        %add3A_469 = vector.broadcast %add3A : i32 to vector<16xi32>
        %add3A_470 = arith.addi %iota3A, %add3A_469 : vector<16xi32>
        %jit3A = arith.constant 80 : i32
        %broadcast_in_dim3A_471 = vector.broadcast %jit3A : i32 to vector<16xi32>
        %select_n3A = arith.select %eq3A_468, %add3A_470, %broadcast_in_dim3A_471 : vector<16xi1>, vector<16xi32>
        %min3A = arith.minsi %broadcast_in_dim3A_466, %select_n3A : vector<16xi32>
        %eq3A_472 = vector.broadcast %reduce_max3A_464 : f32 to vector<16xf32>
        %eq3A_473 = arith.cmpf oeq, %scan3A_447, %eq3A_472 : vector<16xf32>
        %add3A_474 = arith.constant 16 : i32
        %add3A_475 = vector.broadcast %add3A_474 : i32 to vector<16xi32>
        %add3A_476 = arith.addi %iota3A, %add3A_475 : vector<16xi32>
        %jit3A_477 = arith.constant 80 : i32
        %broadcast_in_dim3A_478 = vector.broadcast %jit3A_477 : i32 to vector<16xi32>
        %select_n3A_479 = arith.select %eq3A_473, %add3A_476, %broadcast_in_dim3A_478 : vector<16xi1>, vector<16xi32>
        %min3A_480 = arith.minsi %min3A, %select_n3A_479 : vector<16xi32>
        %eq3A_481 = vector.broadcast %reduce_max3A_464 : f32 to vector<16xf32>
        %eq3A_482 = arith.cmpf oeq, %scan3A_448, %eq3A_481 : vector<16xf32>
        %add3A_483 = arith.constant 32 : i32
        %add3A_484 = vector.broadcast %add3A_483 : i32 to vector<16xi32>
        %add3A_485 = arith.addi %iota3A, %add3A_484 : vector<16xi32>
        %jit3A_486 = arith.constant 80 : i32
        %broadcast_in_dim3A_487 = vector.broadcast %jit3A_486 : i32 to vector<16xi32>
        %select_n3A_488 = arith.select %eq3A_482, %add3A_485, %broadcast_in_dim3A_487 : vector<16xi1>, vector<16xi32>
        %min3A_489 = arith.minsi %min3A_480, %select_n3A_488 : vector<16xi32>
        %eq3A_490 = vector.broadcast %reduce_max3A_464 : f32 to vector<16xf32>
        %eq3A_491 = arith.cmpf oeq, %scan3A_449, %eq3A_490 : vector<16xf32>
        %add3A_492 = arith.constant 48 : i32
        %add3A_493 = vector.broadcast %add3A_492 : i32 to vector<16xi32>
        %add3A_494 = arith.addi %iota3A, %add3A_493 : vector<16xi32>
        %jit3A_495 = arith.constant 80 : i32
        %broadcast_in_dim3A_496 = vector.broadcast %jit3A_495 : i32 to vector<16xi32>
        %select_n3A_497 = arith.select %eq3A_491, %add3A_494, %broadcast_in_dim3A_496 : vector<16xi1>, vector<16xi32>
        %min3A_498 = arith.minsi %min3A_489, %select_n3A_497 : vector<16xi32>
        %eq3A_499 = vector.broadcast %reduce_max3A_464 : f32 to vector<16xf32>
        %eq3A_500 = arith.cmpf oeq, %scan3A_450, %eq3A_499 : vector<16xf32>
        %add3A_501 = arith.constant 64 : i32
        %add3A_502 = vector.broadcast %add3A_501 : i32 to vector<16xi32>
        %add3A_503 = arith.addi %iota3A, %add3A_502 : vector<16xi32>
        %jit3A_504 = arith.constant 80 : i32
        %broadcast_in_dim3A_505 = vector.broadcast %jit3A_504 : i32 to vector<16xi32>
        %select_n3A_506 = arith.select %eq3A_500, %add3A_503, %broadcast_in_dim3A_505 : vector<16xi1>, vector<16xi32>
        %min3A_507 = arith.minsi %min3A_498, %select_n3A_506 : vector<16xi32>
        %reduce_min3A = arith.constant true
        %reduce_min3A_508 = vector.broadcast %reduce_min3A : i1 to vector<16xi1>
        %reduce_min3A_509 = arith.constant -2147483648 : i32
        %reduce_min3A_510 = vector.broadcast %reduce_min3A_509 : i32 to vector<16xi32>
        %reduce_min3A_511 = arith.xori %min3A_507, %reduce_min3A_510 : vector<16xi32>
        %reduce_min3A_512 = tpu.scan <min>, %reduce_min3A_511 masked %reduce_min3A_508 : vector<16xi32>, vector<16xi1> -> vector<16xi32>
        %reduce_min3A_513 = arith.xori %reduce_min3A_512, %reduce_min3A_510 : vector<16xi32>
        %reduce_min3A_514 = vector.extract %reduce_min3A_513[15] : i32 from vector<16xi32>
        %mul3A_515 = arith.constant 16 : i32
        %mul3A_516 = arith.muli %reduce_min3A_514, %mul3A_515 : i32
        %get3A = arith.index_cast %mul3A_516 : i32 to index
        %get3A_517 = tpu.vector_load %arg10[%get3A] {strides = array<i32>} : memref<1280xf32, #tpu.memory_space<vmem>>, vector<16xf32>,
        %eq3A_518 = vector.broadcast %reduce_max3A_464 : f32 to vector<16xf32>
        %eq3A_519 = arith.cmpf oeq, %get3A_517, %eq3A_518 : vector<16xf32>
        %mul3A_520 = arith.constant 16 : i32
        %mul3A_521 = arith.muli %reduce_min3A_514, %mul3A_520 : i32
        %add3A_522 = vector.broadcast %mul3A_521 : i32 to vector<16xi32>
        %add3A_523 = arith.addi %add3A_522, %iota3A : vector<16xi32>
        %jit3A_524 = arith.constant 1279 : i32
        %broadcast_in_dim3A_525 = vector.broadcast %jit3A_524 : i32 to vector<16xi32>
        %select_n3A_526 = arith.select %eq3A_519, %add3A_523, %broadcast_in_dim3A_525 : vector<16xi1>, vector<16xi32>
        %reduce_min3A_527 = arith.constant true
        %reduce_min3A_528 = vector.broadcast %reduce_min3A_527 : i1 to vector<16xi1>
        %reduce_min3A_529 = arith.constant -2147483648 : i32
        %reduce_min3A_530 = vector.broadcast %reduce_min3A_529 : i32 to vector<16xi32>
        %reduce_min3A_531 = arith.xori %select_n3A_526, %reduce_min3A_530 : vector<16xi32>
        %reduce_min3A_532 = tpu.scan <min>, %reduce_min3A_531 masked %reduce_min3A_528 : vector<16xi32>, vector<16xi1> -> vector<16xi32>
        %reduce_min3A_533 = arith.xori %reduce_min3A_532, %reduce_min3A_530 : vector<16xi32>
        %reduce_min3A_534 = vector.extract %reduce_min3A_533[15] : i32 from vector<16xi32>
        %broadcast_in_dim3A_535 = vector.broadcast %reduce_min3A_534 : i32 to vector<16xi32>
        %broadcast_in_dim3A_536 = arith.constant 0 : i32
        %broadcast_in_dim3A_537 = vector.broadcast %broadcast_in_dim3A_536 : i32 to vector<16xi32>
        %gather3A = tpu.vector_load_idx %arg8[%broadcast_in_dim3A_537, %broadcast_in_dim3A_535] : memref<6x1280xf32, #tpu.memory_space<vmem>>[vector<16xi32>, vector<16xi32>], vector<16xf32>,
        %broadcast_in_dim3A_538 = arith.constant 1 : i32
        %broadcast_in_dim3A_539 = vector.broadcast %broadcast_in_dim3A_538 : i32 to vector<16xi32>
        %gather3A_540 = tpu.vector_load_idx %arg8[%broadcast_in_dim3A_539, %broadcast_in_dim3A_535] : memref<6x1280xf32, #tpu.memory_space<vmem>>[vector<16xi32>, vector<16xi32>], vector<16xf32>,
        %broadcast_in_dim3A_541 = arith.constant 2 : i32
        %broadcast_in_dim3A_542 = vector.broadcast %broadcast_in_dim3A_541 : i32 to vector<16xi32>
        %gather3A_543 = tpu.vector_load_idx %arg8[%broadcast_in_dim3A_542, %broadcast_in_dim3A_535] : memref<6x1280xf32, #tpu.memory_space<vmem>>[vector<16xi32>, vector<16xi32>], vector<16xf32>,
        %broadcast_in_dim3A_544 = arith.constant 3 : i32
        %broadcast_in_dim3A_545 = vector.broadcast %broadcast_in_dim3A_544 : i32 to vector<16xi32>
        %gather3A_546 = tpu.vector_load_idx %arg8[%broadcast_in_dim3A_545, %broadcast_in_dim3A_535] : memref<6x1280xf32, #tpu.memory_space<vmem>>[vector<16xi32>, vector<16xi32>], vector<16xf32>,
        %broadcast_in_dim3A_547 = arith.constant 4 : i32
        %broadcast_in_dim3A_548 = vector.broadcast %broadcast_in_dim3A_547 : i32 to vector<16xi32>
        %gather3A_549 = tpu.vector_load_idx %arg8[%broadcast_in_dim3A_548, %broadcast_in_dim3A_535] : memref<6x1280xf32, #tpu.memory_space<vmem>>[vector<16xi32>, vector<16xi32>], vector<16xf32>,
        %broadcast_in_dim3A_550 = arith.constant 5 : i32
        %broadcast_in_dim3A_551 = vector.broadcast %broadcast_in_dim3A_550 : i32 to vector<16xi32>
        %gather3A_552 = tpu.vector_load_idx %arg8[%broadcast_in_dim3A_551, %broadcast_in_dim3A_535] : memref<6x1280xf32, #tpu.memory_space<vmem>>[vector<16xi32>, vector<16xi32>], vector<16xf32>,
        %gather3A_553 = tpu.vector_load_idx %arg9[%broadcast_in_dim3A_535] : memref<1280xf32, #tpu.memory_space<vmem>>[vector<16xi32>], vector<16xf32>,
        %broadcast_in_dim3A_554 = arith.constant 0.000000e+00 : f32
        %broadcast_in_dim3A_555 = vector.broadcast %broadcast_in_dim3A_554 : f32 to vector<16xf32>
        %get3A_556 = arith.constant 0 : i32
        %get3A_557 = arith.index_cast %get3A_556 : i32 to index
        %get3A_558 = arith.constant 0 : index
        %get3A_559 = tpu.vector_load %arg11[%get3A_557, %get3A_558] {strides = array<i32>} : memref<8x128xf32, #tpu.memory_space<vmem>>, vector<16xf32>,
        %max3A_560 = arith.maximumf %get3A_559, %gather3A : vector<16xf32>
        %get3A_561 = arith.constant 1 : i32
        %get3A_562 = arith.index_cast %get3A_561 : i32 to index
        %get3A_563 = arith.constant 0 : index
        %get3A_564 = tpu.vector_load %arg11[%get3A_562, %get3A_563] {strides = array<i32>} : memref<8x128xf32, #tpu.memory_space<vmem>>, vector<16xf32>,
        %max3A_565 = arith.maximumf %get3A_564, %gather3A_540 : vector<16xf32>
        %get3A_566 = arith.constant 2 : i32
        %get3A_567 = arith.index_cast %get3A_566 : i32 to index
        %get3A_568 = arith.constant 0 : index
        %get3A_569 = tpu.vector_load %arg11[%get3A_567, %get3A_568] {strides = array<i32>} : memref<8x128xf32, #tpu.memory_space<vmem>>, vector<16xf32>,
        %max3A_570 = arith.maximumf %get3A_569, %gather3A_543 : vector<16xf32>
        %get3A_571 = arith.constant 3 : i32
        %get3A_572 = arith.index_cast %get3A_571 : i32 to index
        %get3A_573 = arith.constant 0 : index
        %get3A_574 = tpu.vector_load %arg11[%get3A_572, %get3A_573] {strides = array<i32>} : memref<8x128xf32, #tpu.memory_space<vmem>>, vector<16xf32>,
        %min3A_575 = arith.minimumf %get3A_574, %gather3A_546 : vector<16xf32>
        %get3A_576 = arith.constant 4 : i32
        %get3A_577 = arith.index_cast %get3A_576 : i32 to index
        %get3A_578 = arith.constant 0 : index
        %get3A_579 = tpu.vector_load %arg11[%get3A_577, %get3A_578] {strides = array<i32>} : memref<8x128xf32, #tpu.memory_space<vmem>>, vector<16xf32>,
        %min3A_580 = arith.minimumf %get3A_579, %gather3A_549 : vector<16xf32>
        %get3A_581 = arith.constant 5 : i32
        %get3A_582 = arith.index_cast %get3A_581 : i32 to index
        %get3A_583 = arith.constant 0 : index
        %get3A_584 = tpu.vector_load %arg11[%get3A_582, %get3A_583] {strides = array<i32>} : memref<8x128xf32, #tpu.memory_space<vmem>>, vector<16xf32>,
        %min3A_585 = arith.minimumf %get3A_584, %gather3A_552 : vector<16xf32>
        %sub3A = arith.subf %min3A_575, %max3A_560 : vector<16xf32>
        %add3A_586 = arith.constant 1.000000e+00 : f32
        %add3A_587 = vector.broadcast %add3A_586 : f32 to vector<16xf32>
        %add3A_588 = arith.addf %sub3A, %add3A_587 : vector<16xf32>
        %max3A_589 = arith.constant 0.000000e+00 : f32
        %max3A_590 = vector.broadcast %max3A_589 : f32 to vector<16xf32>
        %max3A_591 = arith.maximumf %add3A_588, %max3A_590 : vector<16xf32>
        %sub3A_592 = arith.subf %min3A_580, %max3A_565 : vector<16xf32>
        %add3A_593 = arith.constant 1.000000e+00 : f32
        %add3A_594 = vector.broadcast %add3A_593 : f32 to vector<16xf32>
        %add3A_595 = arith.addf %sub3A_592, %add3A_594 : vector<16xf32>
        %max3A_596 = arith.constant 0.000000e+00 : f32
        %max3A_597 = vector.broadcast %max3A_596 : f32 to vector<16xf32>
        %max3A_598 = arith.maximumf %add3A_595, %max3A_597 : vector<16xf32>
        %mul3A_599 = arith.mulf %max3A_591, %max3A_598 : vector<16xf32>
        %sub3A_600 = arith.subf %min3A_585, %max3A_570 : vector<16xf32>
        %add3A_601 = arith.constant 1.000000e+00 : f32
        %add3A_602 = vector.broadcast %add3A_601 : f32 to vector<16xf32>
        %add3A_603 = arith.addf %sub3A_600, %add3A_602 : vector<16xf32>
        %max3A_604 = arith.constant 0.000000e+00 : f32
        %max3A_605 = vector.broadcast %max3A_604 : f32 to vector<16xf32>
        %max3A_606 = arith.maximumf %add3A_603, %max3A_605 : vector<16xf32>
        %mul3A_607 = arith.mulf %mul3A_599, %max3A_606 : vector<16xf32>
        %get3A_608 = arith.constant 6 : i32
        %get3A_609 = arith.index_cast %get3A_608 : i32 to index
        %get3A_610 = arith.constant 0 : index
        %get3A_611 = tpu.vector_load %arg11[%get3A_609, %get3A_610] {strides = array<i32>} : memref<8x128xf32, #tpu.memory_space<vmem>>, vector<16xf32>,
        %add3A_612 = arith.addf %get3A_611, %gather3A_553 : vector<16xf32>
        %sub3A_613 = arith.subf %add3A_612, %mul3A_607 : vector<16xf32>
        %div3A = arith.divf %mul3A_607, %sub3A_613 : vector<16xf32>
        %ge3A = arith.constant 0.699999988 : f32
        %ge3A_614 = vector.broadcast %ge3A : f32 to vector<16xf32>
        %ge3A_615 = arith.cmpf oge, %div3A, %ge3A_614 : vector<16xf32>
        %get3A_616 = arith.constant 7 : i32
        %get3A_617 = arith.index_cast %get3A_616 : i32 to index
        %get3A_618 = arith.constant 0 : index
        %get3A_619 = tpu.vector_load %arg11[%get3A_617, %get3A_618] {strides = array<i32>} : memref<8x128xf32, #tpu.memory_space<vmem>>, vector<16xf32>,
        %jit3A_620 = arith.constant 0.000000e+00 : f32
        %broadcast_in_dim3A_621 = vector.broadcast %jit3A_620 : f32 to vector<16xf32>
        %select_n3A_622 = arith.select %ge3A_615, %get3A_619, %broadcast_in_dim3A_621 : vector<16xi1>, vector<16xf32>
        %max3A_623 = arith.maximumf %broadcast_in_dim3A_555, %select_n3A_622 : vector<16xf32>
        %get3A_624 = arith.constant 0 : i32
        %get3A_625 = arith.index_cast %get3A_624 : i32 to index
        %get3A_626 = arith.constant 16 : index
        %get3A_627 = tpu.vector_load %arg11[%get3A_625, %get3A_626] {strides = array<i32>} : memref<8x128xf32, #tpu.memory_space<vmem>>, vector<16xf32>,
        %max3A_628 = arith.maximumf %get3A_627, %gather3A : vector<16xf32>
        %get3A_629 = arith.constant 1 : i32
        %get3A_630 = arith.index_cast %get3A_629 : i32 to index
        %get3A_631 = arith.constant 16 : index
        %get3A_632 = tpu.vector_load %arg11[%get3A_630, %get3A_631] {strides = array<i32>} : memref<8x128xf32, #tpu.memory_space<vmem>>, vector<16xf32>,
        %max3A_633 = arith.maximumf %get3A_632, %gather3A_540 : vector<16xf32>
        %get3A_634 = arith.constant 2 : i32
        %get3A_635 = arith.index_cast %get3A_634 : i32 to index
        %get3A_636 = arith.constant 16 : index
        %get3A_637 = tpu.vector_load %arg11[%get3A_635, %get3A_636] {strides = array<i32>} : memref<8x128xf32, #tpu.memory_space<vmem>>, vector<16xf32>,
        %max3A_638 = arith.maximumf %get3A_637, %gather3A_543 : vector<16xf32>
        %get3A_639 = arith.constant 3 : i32
        %get3A_640 = arith.index_cast %get3A_639 : i32 to index
        %get3A_641 = arith.constant 16 : index
        %get3A_642 = tpu.vector_load %arg11[%get3A_640, %get3A_641] {strides = array<i32>} : memref<8x128xf32, #tpu.memory_space<vmem>>, vector<16xf32>,
        %min3A_643 = arith.minimumf %get3A_642, %gather3A_546 : vector<16xf32>
        %get3A_644 = arith.constant 4 : i32
        %get3A_645 = arith.index_cast %get3A_644 : i32 to index
        %get3A_646 = arith.constant 16 : index
        %get3A_647 = tpu.vector_load %arg11[%get3A_645, %get3A_646] {strides = array<i32>} : memref<8x128xf32, #tpu.memory_space<vmem>>, vector<16xf32>,
        %min3A_648 = arith.minimumf %get3A_647, %gather3A_549 : vector<16xf32>
        %get3A_649 = arith.constant 5 : i32
        %get3A_650 = arith.index_cast %get3A_649 : i32 to index
        %get3A_651 = arith.constant 16 : index
        %get3A_652 = tpu.vector_load %arg11[%get3A_650, %get3A_651] {strides = array<i32>} : memref<8x128xf32, #tpu.memory_space<vmem>>, vector<16xf32>,
        %min3A_653 = arith.minimumf %get3A_652, %gather3A_552 : vector<16xf32>
        %sub3A_654 = arith.subf %min3A_643, %max3A_628 : vector<16xf32>
        %add3A_655 = arith.constant 1.000000e+00 : f32
        %add3A_656 = vector.broadcast %add3A_655 : f32 to vector<16xf32>
        %add3A_657 = arith.addf %sub3A_654, %add3A_656 : vector<16xf32>
        %max3A_658 = arith.constant 0.000000e+00 : f32
        %max3A_659 = vector.broadcast %max3A_658 : f32 to vector<16xf32>
        %max3A_660 = arith.maximumf %add3A_657, %max3A_659 : vector<16xf32>
        %sub3A_661 = arith.subf %min3A_648, %max3A_633 : vector<16xf32>
        %add3A_662 = arith.constant 1.000000e+00 : f32
        %add3A_663 = vector.broadcast %add3A_662 : f32 to vector<16xf32>
        %add3A_664 = arith.addf %sub3A_661, %add3A_663 : vector<16xf32>
        %max3A_665 = arith.constant 0.000000e+00 : f32
        %max3A_666 = vector.broadcast %max3A_665 : f32 to vector<16xf32>
        %max3A_667 = arith.maximumf %add3A_664, %max3A_666 : vector<16xf32>
        %mul3A_668 = arith.mulf %max3A_660, %max3A_667 : vector<16xf32>
        %sub3A_669 = arith.subf %min3A_653, %max3A_638 : vector<16xf32>
        %add3A_670 = arith.constant 1.000000e+00 : f32
        %add3A_671 = vector.broadcast %add3A_670 : f32 to vector<16xf32>
        %add3A_672 = arith.addf %sub3A_669, %add3A_671 : vector<16xf32>
        %max3A_673 = arith.constant 0.000000e+00 : f32
        %max3A_674 = vector.broadcast %max3A_673 : f32 to vector<16xf32>
        %max3A_675 = arith.maximumf %add3A_672, %max3A_674 : vector<16xf32>
        %mul3A_676 = arith.mulf %mul3A_668, %max3A_675 : vector<16xf32>
        %get3A_677 = arith.constant 6 : i32
        %get3A_678 = arith.index_cast %get3A_677 : i32 to index
        %get3A_679 = arith.constant 16 : index
        %get3A_680 = tpu.vector_load %arg11[%get3A_678, %get3A_679] {strides = array<i32>} : memref<8x128xf32, #tpu.memory_space<vmem>>, vector<16xf32>,
        %add3A_681 = arith.addf %get3A_680, %gather3A_553 : vector<16xf32>
        %sub3A_682 = arith.subf %add3A_681, %mul3A_676 : vector<16xf32>
        %div3A_683 = arith.divf %mul3A_676, %sub3A_682 : vector<16xf32>
        %ge3A_684 = arith.constant 0.699999988 : f32
        %ge3A_685 = vector.broadcast %ge3A_684 : f32 to vector<16xf32>
        %ge3A_686 = arith.cmpf oge, %div3A_683, %ge3A_685 : vector<16xf32>
        %get3A_687 = arith.constant 7 : i32
        %get3A_688 = arith.index_cast %get3A_687 : i32 to index
        %get3A_689 = arith.constant 16 : index
        %get3A_690 = tpu.vector_load %arg11[%get3A_688, %get3A_689] {strides = array<i32>} : memref<8x128xf32, #tpu.memory_space<vmem>>, vector<16xf32>,
        %jit3A_691 = arith.constant 0.000000e+00 : f32
        %broadcast_in_dim3A_692 = vector.broadcast %jit3A_691 : f32 to vector<16xf32>
        %select_n3A_693 = arith.select %ge3A_686, %get3A_690, %broadcast_in_dim3A_692 : vector<16xi1>, vector<16xf32>
        %max3A_694 = arith.maximumf %max3A_623, %select_n3A_693 : vector<16xf32>
        %get3A_695 = arith.constant 0 : i32
        %get3A_696 = arith.index_cast %get3A_695 : i32 to index
        %get3A_697 = arith.constant 32 : index
        %get3A_698 = tpu.vector_load %arg11[%get3A_696, %get3A_697] {strides = array<i32>} : memref<8x128xf32, #tpu.memory_space<vmem>>, vector<16xf32>,
        %max3A_699 = arith.maximumf %get3A_698, %gather3A : vector<16xf32>
        %get3A_700 = arith.constant 1 : i32
        %get3A_701 = arith.index_cast %get3A_700 : i32 to index
        %get3A_702 = arith.constant 32 : index
        %get3A_703 = tpu.vector_load %arg11[%get3A_701, %get3A_702] {strides = array<i32>} : memref<8x128xf32, #tpu.memory_space<vmem>>, vector<16xf32>,
        %max3A_704 = arith.maximumf %get3A_703, %gather3A_540 : vector<16xf32>
        %get3A_705 = arith.constant 2 : i32
        %get3A_706 = arith.index_cast %get3A_705 : i32 to index
        %get3A_707 = arith.constant 32 : index
        %get3A_708 = tpu.vector_load %arg11[%get3A_706, %get3A_707] {strides = array<i32>} : memref<8x128xf32, #tpu.memory_space<vmem>>, vector<16xf32>,
        %max3A_709 = arith.maximumf %get3A_708, %gather3A_543 : vector<16xf32>
        %get3A_710 = arith.constant 3 : i32
        %get3A_711 = arith.index_cast %get3A_710 : i32 to index
        %get3A_712 = arith.constant 32 : index
        %get3A_713 = tpu.vector_load %arg11[%get3A_711, %get3A_712] {strides = array<i32>} : memref<8x128xf32, #tpu.memory_space<vmem>>, vector<16xf32>,
        %min3A_714 = arith.minimumf %get3A_713, %gather3A_546 : vector<16xf32>
        %get3A_715 = arith.constant 4 : i32
        %get3A_716 = arith.index_cast %get3A_715 : i32 to index
        %get3A_717 = arith.constant 32 : index
        %get3A_718 = tpu.vector_load %arg11[%get3A_716, %get3A_717] {strides = array<i32>} : memref<8x128xf32, #tpu.memory_space<vmem>>, vector<16xf32>,
        %min3A_719 = arith.minimumf %get3A_718, %gather3A_549 : vector<16xf32>
        %get3A_720 = arith.constant 5 : i32
        %get3A_721 = arith.index_cast %get3A_720 : i32 to index
        %get3A_722 = arith.constant 32 : index
        %get3A_723 = tpu.vector_load %arg11[%get3A_721, %get3A_722] {strides = array<i32>} : memref<8x128xf32, #tpu.memory_space<vmem>>, vector<16xf32>,
        %min3A_724 = arith.minimumf %get3A_723, %gather3A_552 : vector<16xf32>
        %sub3A_725 = arith.subf %min3A_714, %max3A_699 : vector<16xf32>
        %add3A_726 = arith.constant 1.000000e+00 : f32
        %add3A_727 = vector.broadcast %add3A_726 : f32 to vector<16xf32>
        %add3A_728 = arith.addf %sub3A_725, %add3A_727 : vector<16xf32>
        %max3A_729 = arith.constant 0.000000e+00 : f32
        %max3A_730 = vector.broadcast %max3A_729 : f32 to vector<16xf32>
        %max3A_731 = arith.maximumf %add3A_728, %max3A_730 : vector<16xf32>
        %sub3A_732 = arith.subf %min3A_719, %max3A_704 : vector<16xf32>
        %add3A_733 = arith.constant 1.000000e+00 : f32
        %add3A_734 = vector.broadcast %add3A_733 : f32 to vector<16xf32>
        %add3A_735 = arith.addf %sub3A_732, %add3A_734 : vector<16xf32>
        %max3A_736 = arith.constant 0.000000e+00 : f32
        %max3A_737 = vector.broadcast %max3A_736 : f32 to vector<16xf32>
        %max3A_738 = arith.maximumf %add3A_735, %max3A_737 : vector<16xf32>
        %mul3A_739 = arith.mulf %max3A_731, %max3A_738 : vector<16xf32>
        %sub3A_740 = arith.subf %min3A_724, %max3A_709 : vector<16xf32>
        %add3A_741 = arith.constant 1.000000e+00 : f32
        %add3A_742 = vector.broadcast %add3A_741 : f32 to vector<16xf32>
        %add3A_743 = arith.addf %sub3A_740, %add3A_742 : vector<16xf32>
        %max3A_744 = arith.constant 0.000000e+00 : f32
        %max3A_745 = vector.broadcast %max3A_744 : f32 to vector<16xf32>
        %max3A_746 = arith.maximumf %add3A_743, %max3A_745 : vector<16xf32>
        %mul3A_747 = arith.mulf %mul3A_739, %max3A_746 : vector<16xf32>
        %get3A_748 = arith.constant 6 : i32
        %get3A_749 = arith.index_cast %get3A_748 : i32 to index
        %get3A_750 = arith.constant 32 : index
        %get3A_751 = tpu.vector_load %arg11[%get3A_749, %get3A_750] {strides = array<i32>} : memref<8x128xf32, #tpu.memory_space<vmem>>, vector<16xf32>,
        %add3A_752 = arith.addf %get3A_751, %gather3A_553 : vector<16xf32>
        %sub3A_753 = arith.subf %add3A_752, %mul3A_747 : vector<16xf32>
        %div3A_754 = arith.divf %mul3A_747, %sub3A_753 : vector<16xf32>
        %ge3A_755 = arith.constant 0.699999988 : f32
        %ge3A_756 = vector.broadcast %ge3A_755 : f32 to vector<16xf32>
        %ge3A_757 = arith.cmpf oge, %div3A_754, %ge3A_756 : vector<16xf32>
        %get3A_758 = arith.constant 7 : i32
        %get3A_759 = arith.index_cast %get3A_758 : i32 to index
        %get3A_760 = arith.constant 32 : index
        %get3A_761 = tpu.vector_load %arg11[%get3A_759, %get3A_760] {strides = array<i32>} : memref<8x128xf32, #tpu.memory_space<vmem>>, vector<16xf32>,
        %jit3A_762 = arith.constant 0.000000e+00 : f32
        %broadcast_in_dim3A_763 = vector.broadcast %jit3A_762 : f32 to vector<16xf32>
        %select_n3A_764 = arith.select %ge3A_757, %get3A_761, %broadcast_in_dim3A_763 : vector<16xi1>, vector<16xf32>
        %max3A_765 = arith.maximumf %max3A_694, %select_n3A_764 : vector<16xf32>
        %get3A_766 = arith.constant 0 : i32
        %get3A_767 = arith.index_cast %get3A_766 : i32 to index
        %get3A_768 = arith.constant 48 : index
        %get3A_769 = tpu.vector_load %arg11[%get3A_767, %get3A_768] {strides = array<i32>} : memref<8x128xf32, #tpu.memory_space<vmem>>, vector<16xf32>,
        %max3A_770 = arith.maximumf %get3A_769, %gather3A : vector<16xf32>
        %get3A_771 = arith.constant 1 : i32
        %get3A_772 = arith.index_cast %get3A_771 : i32 to index
        %get3A_773 = arith.constant 48 : index
        %get3A_774 = tpu.vector_load %arg11[%get3A_772, %get3A_773] {strides = array<i32>} : memref<8x128xf32, #tpu.memory_space<vmem>>, vector<16xf32>,
        %max3A_775 = arith.maximumf %get3A_774, %gather3A_540 : vector<16xf32>
        %get3A_776 = arith.constant 2 : i32
        %get3A_777 = arith.index_cast %get3A_776 : i32 to index
        %get3A_778 = arith.constant 48 : index
        %get3A_779 = tpu.vector_load %arg11[%get3A_777, %get3A_778] {strides = array<i32>} : memref<8x128xf32, #tpu.memory_space<vmem>>, vector<16xf32>,
        %max3A_780 = arith.maximumf %get3A_779, %gather3A_543 : vector<16xf32>
        %get3A_781 = arith.constant 3 : i32
        %get3A_782 = arith.index_cast %get3A_781 : i32 to index
        %get3A_783 = arith.constant 48 : index
        %get3A_784 = tpu.vector_load %arg11[%get3A_782, %get3A_783] {strides = array<i32>} : memref<8x128xf32, #tpu.memory_space<vmem>>, vector<16xf32>,
        %min3A_785 = arith.minimumf %get3A_784, %gather3A_546 : vector<16xf32>
        %get3A_786 = arith.constant 4 : i32
        %get3A_787 = arith.index_cast %get3A_786 : i32 to index
        %get3A_788 = arith.constant 48 : index
        %get3A_789 = tpu.vector_load %arg11[%get3A_787, %get3A_788] {strides = array<i32>} : memref<8x128xf32, #tpu.memory_space<vmem>>, vector<16xf32>,
        %min3A_790 = arith.minimumf %get3A_789, %gather3A_549 : vector<16xf32>
        %get3A_791 = arith.constant 5 : i32
        %get3A_792 = arith.index_cast %get3A_791 : i32 to index
        %get3A_793 = arith.constant 48 : index
        %get3A_794 = tpu.vector_load %arg11[%get3A_792, %get3A_793] {strides = array<i32>} : memref<8x128xf32, #tpu.memory_space<vmem>>, vector<16xf32>,
        %min3A_795 = arith.minimumf %get3A_794, %gather3A_552 : vector<16xf32>
        %sub3A_796 = arith.subf %min3A_785, %max3A_770 : vector<16xf32>
        %add3A_797 = arith.constant 1.000000e+00 : f32
        %add3A_798 = vector.broadcast %add3A_797 : f32 to vector<16xf32>
        %add3A_799 = arith.addf %sub3A_796, %add3A_798 : vector<16xf32>
        %max3A_800 = arith.constant 0.000000e+00 : f32
        %max3A_801 = vector.broadcast %max3A_800 : f32 to vector<16xf32>
        %max3A_802 = arith.maximumf %add3A_799, %max3A_801 : vector<16xf32>
        %sub3A_803 = arith.subf %min3A_790, %max3A_775 : vector<16xf32>
        %add3A_804 = arith.constant 1.000000e+00 : f32
        %add3A_805 = vector.broadcast %add3A_804 : f32 to vector<16xf32>
        %add3A_806 = arith.addf %sub3A_803, %add3A_805 : vector<16xf32>
        %max3A_807 = arith.constant 0.000000e+00 : f32
        %max3A_808 = vector.broadcast %max3A_807 : f32 to vector<16xf32>
        %max3A_809 = arith.maximumf %add3A_806, %max3A_808 : vector<16xf32>
        %mul3A_810 = arith.mulf %max3A_802, %max3A_809 : vector<16xf32>
        %sub3A_811 = arith.subf %min3A_795, %max3A_780 : vector<16xf32>
        %add3A_812 = arith.constant 1.000000e+00 : f32
        %add3A_813 = vector.broadcast %add3A_812 : f32 to vector<16xf32>
        %add3A_814 = arith.addf %sub3A_811, %add3A_813 : vector<16xf32>
        %max3A_815 = arith.constant 0.000000e+00 : f32
        %max3A_816 = vector.broadcast %max3A_815 : f32 to vector<16xf32>
        %max3A_817 = arith.maximumf %add3A_814, %max3A_816 : vector<16xf32>
        %mul3A_818 = arith.mulf %mul3A_810, %max3A_817 : vector<16xf32>
        %get3A_819 = arith.constant 6 : i32
        %get3A_820 = arith.index_cast %get3A_819 : i32 to index
        %get3A_821 = arith.constant 48 : index
        %get3A_822 = tpu.vector_load %arg11[%get3A_820, %get3A_821] {strides = array<i32>} : memref<8x128xf32, #tpu.memory_space<vmem>>, vector<16xf32>,
        %add3A_823 = arith.addf %get3A_822, %gather3A_553 : vector<16xf32>
        %sub3A_824 = arith.subf %add3A_823, %mul3A_818 : vector<16xf32>
        %div3A_825 = arith.divf %mul3A_818, %sub3A_824 : vector<16xf32>
        %ge3A_826 = arith.constant 0.699999988 : f32
        %ge3A_827 = vector.broadcast %ge3A_826 : f32 to vector<16xf32>
        %ge3A_828 = arith.cmpf oge, %div3A_825, %ge3A_827 : vector<16xf32>
        %get3A_829 = arith.constant 7 : i32
        %get3A_830 = arith.index_cast %get3A_829 : i32 to index
        %get3A_831 = arith.constant 48 : index
        %get3A_832 = tpu.vector_load %arg11[%get3A_830, %get3A_831] {strides = array<i32>} : memref<8x128xf32, #tpu.memory_space<vmem>>, vector<16xf32>,
        %jit3A_833 = arith.constant 0.000000e+00 : f32
        %broadcast_in_dim3A_834 = vector.broadcast %jit3A_833 : f32 to vector<16xf32>
        %select_n3A_835 = arith.select %ge3A_828, %get3A_832, %broadcast_in_dim3A_834 : vector<16xi1>, vector<16xf32>
        %max3A_836 = arith.maximumf %max3A_765, %select_n3A_835 : vector<16xf32>
        %get3A_837 = arith.constant 0 : i32
        %get3A_838 = arith.index_cast %get3A_837 : i32 to index
        %get3A_839 = arith.constant 64 : index
        %get3A_840 = tpu.vector_load %arg11[%get3A_838, %get3A_839] {strides = array<i32>} : memref<8x128xf32, #tpu.memory_space<vmem>>, vector<16xf32>,
        %max3A_841 = arith.maximumf %get3A_840, %gather3A : vector<16xf32>
        %get3A_842 = arith.constant 1 : i32
        %get3A_843 = arith.index_cast %get3A_842 : i32 to index
        %get3A_844 = arith.constant 64 : index
        %get3A_845 = tpu.vector_load %arg11[%get3A_843, %get3A_844] {strides = array<i32>} : memref<8x128xf32, #tpu.memory_space<vmem>>, vector<16xf32>,
        %max3A_846 = arith.maximumf %get3A_845, %gather3A_540 : vector<16xf32>
        %get3A_847 = arith.constant 2 : i32
        %get3A_848 = arith.index_cast %get3A_847 : i32 to index
        %get3A_849 = arith.constant 64 : index
        %get3A_850 = tpu.vector_load %arg11[%get3A_848, %get3A_849] {strides = array<i32>} : memref<8x128xf32, #tpu.memory_space<vmem>>, vector<16xf32>,
        %max3A_851 = arith.maximumf %get3A_850, %gather3A_543 : vector<16xf32>
        %get3A_852 = arith.constant 3 : i32
        %get3A_853 = arith.index_cast %get3A_852 : i32 to index
        %get3A_854 = arith.constant 64 : index
        %get3A_855 = tpu.vector_load %arg11[%get3A_853, %get3A_854] {strides = array<i32>} : memref<8x128xf32, #tpu.memory_space<vmem>>, vector<16xf32>,
        %min3A_856 = arith.minimumf %get3A_855, %gather3A_546 : vector<16xf32>
        %get3A_857 = arith.constant 4 : i32
        %get3A_858 = arith.index_cast %get3A_857 : i32 to index
        %get3A_859 = arith.constant 64 : index
        %get3A_860 = tpu.vector_load %arg11[%get3A_858, %get3A_859] {strides = array<i32>} : memref<8x128xf32, #tpu.memory_space<vmem>>, vector<16xf32>,
        %min3A_861 = arith.minimumf %get3A_860, %gather3A_549 : vector<16xf32>
        %get3A_862 = arith.constant 5 : i32
        %get3A_863 = arith.index_cast %get3A_862 : i32 to index
        %get3A_864 = arith.constant 64 : index
        %get3A_865 = tpu.vector_load %arg11[%get3A_863, %get3A_864] {strides = array<i32>} : memref<8x128xf32, #tpu.memory_space<vmem>>, vector<16xf32>,
        %min3A_866 = arith.minimumf %get3A_865, %gather3A_552 : vector<16xf32>
        %sub3A_867 = arith.subf %min3A_856, %max3A_841 : vector<16xf32>
        %add3A_868 = arith.constant 1.000000e+00 : f32
        %add3A_869 = vector.broadcast %add3A_868 : f32 to vector<16xf32>
        %add3A_870 = arith.addf %sub3A_867, %add3A_869 : vector<16xf32>
        %max3A_871 = arith.constant 0.000000e+00 : f32
        %max3A_872 = vector.broadcast %max3A_871 : f32 to vector<16xf32>
        %max3A_873 = arith.maximumf %add3A_870, %max3A_872 : vector<16xf32>
        %sub3A_874 = arith.subf %min3A_861, %max3A_846 : vector<16xf32>
        %add3A_875 = arith.constant 1.000000e+00 : f32
        %add3A_876 = vector.broadcast %add3A_875 : f32 to vector<16xf32>
        %add3A_877 = arith.addf %sub3A_874, %add3A_876 : vector<16xf32>
        %max3A_878 = arith.constant 0.000000e+00 : f32
        %max3A_879 = vector.broadcast %max3A_878 : f32 to vector<16xf32>
        %max3A_880 = arith.maximumf %add3A_877, %max3A_879 : vector<16xf32>
        %mul3A_881 = arith.mulf %max3A_873, %max3A_880 : vector<16xf32>
        %sub3A_882 = arith.subf %min3A_866, %max3A_851 : vector<16xf32>
        %add3A_883 = arith.constant 1.000000e+00 : f32
        %add3A_884 = vector.broadcast %add3A_883 : f32 to vector<16xf32>
        %add3A_885 = arith.addf %sub3A_882, %add3A_884 : vector<16xf32>
        %max3A_886 = arith.constant 0.000000e+00 : f32
        %max3A_887 = vector.broadcast %max3A_886 : f32 to vector<16xf32>
        %max3A_888 = arith.maximumf %add3A_885, %max3A_887 : vector<16xf32>
        %mul3A_889 = arith.mulf %mul3A_881, %max3A_888 : vector<16xf32>
        %get3A_890 = arith.constant 6 : i32
        %get3A_891 = arith.index_cast %get3A_890 : i32 to index
        %get3A_892 = arith.constant 64 : index
        %get3A_893 = tpu.vector_load %arg11[%get3A_891, %get3A_892] {strides = array<i32>} : memref<8x128xf32, #tpu.memory_space<vmem>>, vector<16xf32>,
        %add3A_894 = arith.addf %get3A_893, %gather3A_553 : vector<16xf32>
        %sub3A_895 = arith.subf %add3A_894, %mul3A_889 : vector<16xf32>
        %div3A_896 = arith.divf %mul3A_889, %sub3A_895 : vector<16xf32>
        %ge3A_897 = arith.constant 0.699999988 : f32
        %ge3A_898 = vector.broadcast %ge3A_897 : f32 to vector<16xf32>
        %ge3A_899 = arith.cmpf oge, %div3A_896, %ge3A_898 : vector<16xf32>
        %get3A_900 = arith.constant 7 : i32
        %get3A_901 = arith.index_cast %get3A_900 : i32 to index
        %get3A_902 = arith.constant 64 : index
        %get3A_903 = tpu.vector_load %arg11[%get3A_901, %get3A_902] {strides = array<i32>} : memref<8x128xf32, #tpu.memory_space<vmem>>, vector<16xf32>,
        %jit3A_904 = arith.constant 0.000000e+00 : f32
        %broadcast_in_dim3A_905 = vector.broadcast %jit3A_904 : f32 to vector<16xf32>
        %select_n3A_906 = arith.select %ge3A_899, %get3A_903, %broadcast_in_dim3A_905 : vector<16xi1>, vector<16xf32>
        %max3A_907 = arith.maximumf %max3A_836, %select_n3A_906 : vector<16xf32>
        %get3A_908 = arith.constant 0 : i32
        %get3A_909 = arith.index_cast %get3A_908 : i32 to index
        %get3A_910 = arith.constant 80 : index
        %get3A_911 = tpu.vector_load %arg11[%get3A_909, %get3A_910] {strides = array<i32>} : memref<8x128xf32, #tpu.memory_space<vmem>>, vector<16xf32>,
        %max3A_912 = arith.maximumf %get3A_911, %gather3A : vector<16xf32>
        %get3A_913 = arith.constant 1 : i32
        %get3A_914 = arith.index_cast %get3A_913 : i32 to index
        %get3A_915 = arith.constant 80 : index
        %get3A_916 = tpu.vector_load %arg11[%get3A_914, %get3A_915] {strides = array<i32>} : memref<8x128xf32, #tpu.memory_space<vmem>>, vector<16xf32>,
        %max3A_917 = arith.maximumf %get3A_916, %gather3A_540 : vector<16xf32>
        %get3A_918 = arith.constant 2 : i32
        %get3A_919 = arith.index_cast %get3A_918 : i32 to index
        %get3A_920 = arith.constant 80 : index
        %get3A_921 = tpu.vector_load %arg11[%get3A_919, %get3A_920] {strides = array<i32>} : memref<8x128xf32, #tpu.memory_space<vmem>>, vector<16xf32>,
        %max3A_922 = arith.maximumf %get3A_921, %gather3A_543 : vector<16xf32>
        %get3A_923 = arith.constant 3 : i32
        %get3A_924 = arith.index_cast %get3A_923 : i32 to index
        %get3A_925 = arith.constant 80 : index
        %get3A_926 = tpu.vector_load %arg11[%get3A_924, %get3A_925] {strides = array<i32>} : memref<8x128xf32, #tpu.memory_space<vmem>>, vector<16xf32>,
        %min3A_927 = arith.minimumf %get3A_926, %gather3A_546 : vector<16xf32>
        %get3A_928 = arith.constant 4 : i32
        %get3A_929 = arith.index_cast %get3A_928 : i32 to index
        %get3A_930 = arith.constant 80 : index
        %get3A_931 = tpu.vector_load %arg11[%get3A_929, %get3A_930] {strides = array<i32>} : memref<8x128xf32, #tpu.memory_space<vmem>>, vector<16xf32>,
        %min3A_932 = arith.minimumf %get3A_931, %gather3A_549 : vector<16xf32>
        %get3A_933 = arith.constant 5 : i32
        %get3A_934 = arith.index_cast %get3A_933 : i32 to index
        %get3A_935 = arith.constant 80 : index
        %get3A_936 = tpu.vector_load %arg11[%get3A_934, %get3A_935] {strides = array<i32>} : memref<8x128xf32, #tpu.memory_space<vmem>>, vector<16xf32>,
        %min3A_937 = arith.minimumf %get3A_936, %gather3A_552 : vector<16xf32>
        %sub3A_938 = arith.subf %min3A_927, %max3A_912 : vector<16xf32>
        %add3A_939 = arith.constant 1.000000e+00 : f32
        %add3A_940 = vector.broadcast %add3A_939 : f32 to vector<16xf32>
        %add3A_941 = arith.addf %sub3A_938, %add3A_940 : vector<16xf32>
        %max3A_942 = arith.constant 0.000000e+00 : f32
        %max3A_943 = vector.broadcast %max3A_942 : f32 to vector<16xf32>
        %max3A_944 = arith.maximumf %add3A_941, %max3A_943 : vector<16xf32>
        %sub3A_945 = arith.subf %min3A_932, %max3A_917 : vector<16xf32>
        %add3A_946 = arith.constant 1.000000e+00 : f32
        %add3A_947 = vector.broadcast %add3A_946 : f32 to vector<16xf32>
        %add3A_948 = arith.addf %sub3A_945, %add3A_947 : vector<16xf32>
        %max3A_949 = arith.constant 0.000000e+00 : f32
        %max3A_950 = vector.broadcast %max3A_949 : f32 to vector<16xf32>
        %max3A_951 = arith.maximumf %add3A_948, %max3A_950 : vector<16xf32>
        %mul3A_952 = arith.mulf %max3A_944, %max3A_951 : vector<16xf32>
        %sub3A_953 = arith.subf %min3A_937, %max3A_922 : vector<16xf32>
        %add3A_954 = arith.constant 1.000000e+00 : f32
        %add3A_955 = vector.broadcast %add3A_954 : f32 to vector<16xf32>
        %add3A_956 = arith.addf %sub3A_953, %add3A_955 : vector<16xf32>
        %max3A_957 = arith.constant 0.000000e+00 : f32
        %max3A_958 = vector.broadcast %max3A_957 : f32 to vector<16xf32>
        %max3A_959 = arith.maximumf %add3A_956, %max3A_958 : vector<16xf32>
        %mul3A_960 = arith.mulf %mul3A_952, %max3A_959 : vector<16xf32>
        %get3A_961 = arith.constant 6 : i32
        %get3A_962 = arith.index_cast %get3A_961 : i32 to index
        %get3A_963 = arith.constant 80 : index
        %get3A_964 = tpu.vector_load %arg11[%get3A_962, %get3A_963] {strides = array<i32>} : memref<8x128xf32, #tpu.memory_space<vmem>>, vector<16xf32>,
        %add3A_965 = arith.addf %get3A_964, %gather3A_553 : vector<16xf32>
        %sub3A_966 = arith.subf %add3A_965, %mul3A_960 : vector<16xf32>
        %div3A_967 = arith.divf %mul3A_960, %sub3A_966 : vector<16xf32>
        %ge3A_968 = arith.constant 0.699999988 : f32
        %ge3A_969 = vector.broadcast %ge3A_968 : f32 to vector<16xf32>
        %ge3A_970 = arith.cmpf oge, %div3A_967, %ge3A_969 : vector<16xf32>
        %get3A_971 = arith.constant 7 : i32
        %get3A_972 = arith.index_cast %get3A_971 : i32 to index
        %get3A_973 = arith.constant 80 : index
        %get3A_974 = tpu.vector_load %arg11[%get3A_972, %get3A_973] {strides = array<i32>} : memref<8x128xf32, #tpu.memory_space<vmem>>, vector<16xf32>,
        %jit3A_975 = arith.constant 0.000000e+00 : f32
        %broadcast_in_dim3A_976 = vector.broadcast %jit3A_975 : f32 to vector<16xf32>
        %select_n3A_977 = arith.select %ge3A_970, %get3A_974, %broadcast_in_dim3A_976 : vector<16xi1>, vector<16xf32>
        %max3A_978 = arith.maximumf %max3A_907, %select_n3A_977 : vector<16xf32>
        %get3A_979 = arith.constant 0 : i32
        %get3A_980 = arith.index_cast %get3A_979 : i32 to index
        %get3A_981 = arith.constant 96 : index
        %get3A_982 = tpu.vector_load %arg11[%get3A_980, %get3A_981] {strides = array<i32>} : memref<8x128xf32, #tpu.memory_space<vmem>>, vector<16xf32>,
        %max3A_983 = arith.maximumf %get3A_982, %gather3A : vector<16xf32>
        %get3A_984 = arith.constant 1 : i32
        %get3A_985 = arith.index_cast %get3A_984 : i32 to index
        %get3A_986 = arith.constant 96 : index
        %get3A_987 = tpu.vector_load %arg11[%get3A_985, %get3A_986] {strides = array<i32>} : memref<8x128xf32, #tpu.memory_space<vmem>>, vector<16xf32>,
        %max3A_988 = arith.maximumf %get3A_987, %gather3A_540 : vector<16xf32>
        %get3A_989 = arith.constant 2 : i32
        %get3A_990 = arith.index_cast %get3A_989 : i32 to index
        %get3A_991 = arith.constant 96 : index
        %get3A_992 = tpu.vector_load %arg11[%get3A_990, %get3A_991] {strides = array<i32>} : memref<8x128xf32, #tpu.memory_space<vmem>>, vector<16xf32>,
        %max3A_993 = arith.maximumf %get3A_992, %gather3A_543 : vector<16xf32>
        %get3A_994 = arith.constant 3 : i32
        %get3A_995 = arith.index_cast %get3A_994 : i32 to index
        %get3A_996 = arith.constant 96 : index
        %get3A_997 = tpu.vector_load %arg11[%get3A_995, %get3A_996] {strides = array<i32>} : memref<8x128xf32, #tpu.memory_space<vmem>>, vector<16xf32>,
        %min3A_998 = arith.minimumf %get3A_997, %gather3A_546 : vector<16xf32>
        %get3A_999 = arith.constant 4 : i32
        %get3A_1000 = arith.index_cast %get3A_999 : i32 to index
        %get3A_1001 = arith.constant 96 : index
        %get3A_1002 = tpu.vector_load %arg11[%get3A_1000, %get3A_1001] {strides = array<i32>} : memref<8x128xf32, #tpu.memory_space<vmem>>, vector<16xf32>,
        %min3A_1003 = arith.minimumf %get3A_1002, %gather3A_549 : vector<16xf32>
        %get3A_1004 = arith.constant 5 : i32
        %get3A_1005 = arith.index_cast %get3A_1004 : i32 to index
        %get3A_1006 = arith.constant 96 : index
        %get3A_1007 = tpu.vector_load %arg11[%get3A_1005, %get3A_1006] {strides = array<i32>} : memref<8x128xf32, #tpu.memory_space<vmem>>, vector<16xf32>,
        %min3A_1008 = arith.minimumf %get3A_1007, %gather3A_552 : vector<16xf32>
        %sub3A_1009 = arith.subf %min3A_998, %max3A_983 : vector<16xf32>
        %add3A_1010 = arith.constant 1.000000e+00 : f32
        %add3A_1011 = vector.broadcast %add3A_1010 : f32 to vector<16xf32>
        %add3A_1012 = arith.addf %sub3A_1009, %add3A_1011 : vector<16xf32>
        %max3A_1013 = arith.constant 0.000000e+00 : f32
        %max3A_1014 = vector.broadcast %max3A_1013 : f32 to vector<16xf32>
        %max3A_1015 = arith.maximumf %add3A_1012, %max3A_1014 : vector<16xf32>
        %sub3A_1016 = arith.subf %min3A_1003, %max3A_988 : vector<16xf32>
        %add3A_1017 = arith.constant 1.000000e+00 : f32
        %add3A_1018 = vector.broadcast %add3A_1017 : f32 to vector<16xf32>
        %add3A_1019 = arith.addf %sub3A_1016, %add3A_1018 : vector<16xf32>
        %max3A_1020 = arith.constant 0.000000e+00 : f32
        %max3A_1021 = vector.broadcast %max3A_1020 : f32 to vector<16xf32>
        %max3A_1022 = arith.maximumf %add3A_1019, %max3A_1021 : vector<16xf32>
        %mul3A_1023 = arith.mulf %max3A_1015, %max3A_1022 : vector<16xf32>
        %sub3A_1024 = arith.subf %min3A_1008, %max3A_993 : vector<16xf32>
        %add3A_1025 = arith.constant 1.000000e+00 : f32
        %add3A_1026 = vector.broadcast %add3A_1025 : f32 to vector<16xf32>
        %add3A_1027 = arith.addf %sub3A_1024, %add3A_1026 : vector<16xf32>
        %max3A_1028 = arith.constant 0.000000e+00 : f32
        %max3A_1029 = vector.broadcast %max3A_1028 : f32 to vector<16xf32>
        %max3A_1030 = arith.maximumf %add3A_1027, %max3A_1029 : vector<16xf32>
        %mul3A_1031 = arith.mulf %mul3A_1023, %max3A_1030 : vector<16xf32>
        %get3A_1032 = arith.constant 6 : i32
        %get3A_1033 = arith.index_cast %get3A_1032 : i32 to index
        %get3A_1034 = arith.constant 96 : index
        %get3A_1035 = tpu.vector_load %arg11[%get3A_1033, %get3A_1034] {strides = array<i32>} : memref<8x128xf32, #tpu.memory_space<vmem>>, vector<16xf32>,
        %add3A_1036 = arith.addf %get3A_1035, %gather3A_553 : vector<16xf32>
        %sub3A_1037 = arith.subf %add3A_1036, %mul3A_1031 : vector<16xf32>
        %div3A_1038 = arith.divf %mul3A_1031, %sub3A_1037 : vector<16xf32>
        %ge3A_1039 = arith.constant 0.699999988 : f32
        %ge3A_1040 = vector.broadcast %ge3A_1039 : f32 to vector<16xf32>
        %ge3A_1041 = arith.cmpf oge, %div3A_1038, %ge3A_1040 : vector<16xf32>
        %get3A_1042 = arith.constant 7 : i32
        %get3A_1043 = arith.index_cast %get3A_1042 : i32 to index
        %get3A_1044 = arith.constant 96 : index
        %get3A_1045 = tpu.vector_load %arg11[%get3A_1043, %get3A_1044] {strides = array<i32>} : memref<8x128xf32, #tpu.memory_space<vmem>>, vector<16xf32>,
        %jit3A_1046 = arith.constant 0.000000e+00 : f32
        %broadcast_in_dim3A_1047 = vector.broadcast %jit3A_1046 : f32 to vector<16xf32>
        %select_n3A_1048 = arith.select %ge3A_1041, %get3A_1045, %broadcast_in_dim3A_1047 : vector<16xi1>, vector<16xf32>
        %max3A_1049 = arith.maximumf %max3A_978, %select_n3A_1048 : vector<16xf32>
        %get3A_1050 = arith.constant 0 : i32
        %get3A_1051 = arith.index_cast %get3A_1050 : i32 to index
        %get3A_1052 = arith.constant 112 : index
        %get3A_1053 = tpu.vector_load %arg11[%get3A_1051, %get3A_1052] {strides = array<i32>} : memref<8x128xf32, #tpu.memory_space<vmem>>, vector<16xf32>,
        %max3A_1054 = arith.maximumf %get3A_1053, %gather3A : vector<16xf32>
        %get3A_1055 = arith.constant 1 : i32
        %get3A_1056 = arith.index_cast %get3A_1055 : i32 to index
        %get3A_1057 = arith.constant 112 : index
        %get3A_1058 = tpu.vector_load %arg11[%get3A_1056, %get3A_1057] {strides = array<i32>} : memref<8x128xf32, #tpu.memory_space<vmem>>, vector<16xf32>,
        %max3A_1059 = arith.maximumf %get3A_1058, %gather3A_540 : vector<16xf32>
        %get3A_1060 = arith.constant 2 : i32
        %get3A_1061 = arith.index_cast %get3A_1060 : i32 to index
        %get3A_1062 = arith.constant 112 : index
        %get3A_1063 = tpu.vector_load %arg11[%get3A_1061, %get3A_1062] {strides = array<i32>} : memref<8x128xf32, #tpu.memory_space<vmem>>, vector<16xf32>,
        %max3A_1064 = arith.maximumf %get3A_1063, %gather3A_543 : vector<16xf32>
        %get3A_1065 = arith.constant 3 : i32
        %get3A_1066 = arith.index_cast %get3A_1065 : i32 to index
        %get3A_1067 = arith.constant 112 : index
        %get3A_1068 = tpu.vector_load %arg11[%get3A_1066, %get3A_1067] {strides = array<i32>} : memref<8x128xf32, #tpu.memory_space<vmem>>, vector<16xf32>,
        %min3A_1069 = arith.minimumf %get3A_1068, %gather3A_546 : vector<16xf32>
        %get3A_1070 = arith.constant 4 : i32
        %get3A_1071 = arith.index_cast %get3A_1070 : i32 to index
        %get3A_1072 = arith.constant 112 : index
        %get3A_1073 = tpu.vector_load %arg11[%get3A_1071, %get3A_1072] {strides = array<i32>} : memref<8x128xf32, #tpu.memory_space<vmem>>, vector<16xf32>,
        %min3A_1074 = arith.minimumf %get3A_1073, %gather3A_549 : vector<16xf32>
        %get3A_1075 = arith.constant 5 : i32
        %get3A_1076 = arith.index_cast %get3A_1075 : i32 to index
        %get3A_1077 = arith.constant 112 : index
        %get3A_1078 = tpu.vector_load %arg11[%get3A_1076, %get3A_1077] {strides = array<i32>} : memref<8x128xf32, #tpu.memory_space<vmem>>, vector<16xf32>,
        %min3A_1079 = arith.minimumf %get3A_1078, %gather3A_552 : vector<16xf32>
        %sub3A_1080 = arith.subf %min3A_1069, %max3A_1054 : vector<16xf32>
        %add3A_1081 = arith.constant 1.000000e+00 : f32
        %add3A_1082 = vector.broadcast %add3A_1081 : f32 to vector<16xf32>
        %add3A_1083 = arith.addf %sub3A_1080, %add3A_1082 : vector<16xf32>
        %max3A_1084 = arith.constant 0.000000e+00 : f32
        %max3A_1085 = vector.broadcast %max3A_1084 : f32 to vector<16xf32>
        %max3A_1086 = arith.maximumf %add3A_1083, %max3A_1085 : vector<16xf32>
        %sub3A_1087 = arith.subf %min3A_1074, %max3A_1059 : vector<16xf32>
        %add3A_1088 = arith.constant 1.000000e+00 : f32
        %add3A_1089 = vector.broadcast %add3A_1088 : f32 to vector<16xf32>
        %add3A_1090 = arith.addf %sub3A_1087, %add3A_1089 : vector<16xf32>
        %max3A_1091 = arith.constant 0.000000e+00 : f32
        %max3A_1092 = vector.broadcast %max3A_1091 : f32 to vector<16xf32>
        %max3A_1093 = arith.maximumf %add3A_1090, %max3A_1092 : vector<16xf32>
        %mul3A_1094 = arith.mulf %max3A_1086, %max3A_1093 : vector<16xf32>
        %sub3A_1095 = arith.subf %min3A_1079, %max3A_1064 : vector<16xf32>
        %add3A_1096 = arith.constant 1.000000e+00 : f32
        %add3A_1097 = vector.broadcast %add3A_1096 : f32 to vector<16xf32>
        %add3A_1098 = arith.addf %sub3A_1095, %add3A_1097 : vector<16xf32>
        %max3A_1099 = arith.constant 0.000000e+00 : f32
        %max3A_1100 = vector.broadcast %max3A_1099 : f32 to vector<16xf32>
        %max3A_1101 = arith.maximumf %add3A_1098, %max3A_1100 : vector<16xf32>
        %mul3A_1102 = arith.mulf %mul3A_1094, %max3A_1101 : vector<16xf32>
        %get3A_1103 = arith.constant 6 : i32
        %get3A_1104 = arith.index_cast %get3A_1103 : i32 to index
        %get3A_1105 = arith.constant 112 : index
        %get3A_1106 = tpu.vector_load %arg11[%get3A_1104, %get3A_1105] {strides = array<i32>} : memref<8x128xf32, #tpu.memory_space<vmem>>, vector<16xf32>,
        %add3A_1107 = arith.addf %get3A_1106, %gather3A_553 : vector<16xf32>
        %sub3A_1108 = arith.subf %add3A_1107, %mul3A_1102 : vector<16xf32>
        %div3A_1109 = arith.divf %mul3A_1102, %sub3A_1108 : vector<16xf32>
        %ge3A_1110 = arith.constant 0.699999988 : f32
        %ge3A_1111 = vector.broadcast %ge3A_1110 : f32 to vector<16xf32>
        %ge3A_1112 = arith.cmpf oge, %div3A_1109, %ge3A_1111 : vector<16xf32>
        %get3A_1113 = arith.constant 7 : i32
        %get3A_1114 = arith.index_cast %get3A_1113 : i32 to index
        %get3A_1115 = arith.constant 112 : index
        %get3A_1116 = tpu.vector_load %arg11[%get3A_1114, %get3A_1115] {strides = array<i32>} : memref<8x128xf32, #tpu.memory_space<vmem>>, vector<16xf32>,
        %jit3A_1117 = arith.constant 0.000000e+00 : f32
        %broadcast_in_dim3A_1118 = vector.broadcast %jit3A_1117 : f32 to vector<16xf32>
        %select_n3A_1119 = arith.select %ge3A_1112, %get3A_1116, %broadcast_in_dim3A_1118 : vector<16xi1>, vector<16xf32>
        %max3A_1120 = arith.maximumf %max3A_1049, %select_n3A_1119 : vector<16xf32>
        %reduce_max3A_1121 = arith.constant true
        %reduce_max3A_1122 = vector.broadcast %reduce_max3A_1121 : i1 to vector<16xi1>
        %reduce_max3A_1123 = tpu.scan <max>, %max3A_1120 masked %reduce_max3A_1122 : vector<16xf32>, vector<16xi1> -> vector<16xf32>
        %reduce_max3A_1124 = vector.extract %reduce_max3A_1123[15] : f32 from vector<16xf32>
        %while3A:10 = scf.while (%while3A_1411 = %reduce_max3A_464, %while3A_1412 = %reduce_min3A_534, %while3A_1413 = %reduce_min3A_514, %while3A_1414 = %get3A_517, %while3A_1415 = %reduce_max3A_1124, %while3A_1416 = %scan3A_446, %while3A_1417 = %scan3A_447, %while3A_1418 = %scan3A_448, %while3A_1419 = %scan3A_449, %while3A_1420 = %scan3A_450) : (f32, i32, i32, vector<16xf32>, f32, vector<16xf32>, vector<16xf32>, vector<16xf32>, vector<16xf32>, vector<16xf32>) -> (f32, i32, i32, vector<16xf32>, f32, vector<16xf32>, vector<16xf32>, vector<16xf32>, vector<16xf32>, vector<16xf32>) {
          %gt3A = arith.constant 0.000000e+00 : f32
          %gt3A_1421 = arith.cmpf ogt, %while3A_1415, %gt3A : f32
          %ge3A_1422 = arith.constant 0.000000e+00 : f32
          %ge3A_1423 = arith.cmpf oge, %while3A_1411, %ge3A_1422 : f32
          %and3A_1424 = arith.andi %gt3A_1421, %ge3A_1423 : i1
          scf.condition(%and3A_1424) %while3A_1411, %while3A_1412, %while3A_1413, %while3A_1414, %while3A_1415, %while3A_1416, %while3A_1417, %while3A_1418, %while3A_1419, %while3A_1420 : f32, i32, i32, vector<16xf32>, f32, vector<16xf32>, vector<16xf32>, vector<16xf32>, vector<16xf32>, vector<16xf32>
        } do {
        ^bb0(%while3A_1411: f32, %while3A_1412: i32, %while3A_1413: i32, %while3A_1414: vector<16xf32>, %while3A_1415: f32, %while3A_1416: vector<16xf32>, %while3A_1417: vector<16xf32>, %while3A_1418: vector<16xf32>, %while3A_1419: vector<16xf32>, %while3A_1420: vector<16xf32>):
          %mul3A_1421 = arith.constant 16 : i32
          %mul3A_1422 = arith.muli %while3A_1413, %mul3A_1421 : i32
          %add3A_1423 = vector.broadcast %mul3A_1422 : i32 to vector<16xi32>
          %add3A_1424 = arith.addi %add3A_1423, %iota3A : vector<16xi32>
          %eq3A_1425 = vector.broadcast %while3A_1412 : i32 to vector<16xi32>
          %eq3A_1426 = arith.cmpi eq, %add3A_1424, %eq3A_1425 : vector<16xi32>
          %and3A_1427 = arith.constant true
          %and3A_1428 = vector.broadcast %and3A_1427 : i1 to vector<16xi1>
          %and3A_1429 = arith.andi %and3A_1428, %eq3A_1426 : vector<16xi1>
          %jit3A_1430 = arith.constant -1.000000e+00 : f32
          %broadcast_in_dim3A_1431 = vector.broadcast %jit3A_1430 : f32 to vector<16xf32>
          %select_n3A_1432 = arith.select %and3A_1429, %broadcast_in_dim3A_1431, %while3A_1414 : vector<16xi1>, vector<16xf32>
          %mul3A_1433 = arith.constant 16 : i32
          %mul3A_1434 = arith.muli %while3A_1413, %mul3A_1433 : i32
          %swap3A_1435 = arith.index_cast %mul3A_1434 : i32 to index
          %swap3A_1436 = tpu.vector_load %arg10[%swap3A_1435] {strides = array<i32>} : memref<1280xf32, #tpu.memory_space<vmem>>, vector<16xf32>,
          tpu.vector_store %arg10[%swap3A_1435], %select_n3A_1432 {strides = array<i32>} : memref<1280xf32, #tpu.memory_space<vmem>>, vector<16xf32>,
          %reduce_max3A_1437 = arith.constant true
          %reduce_max3A_1438 = vector.broadcast %reduce_max3A_1437 : i1 to vector<16xi1>
          %reduce_max3A_1439 = tpu.scan <max>, %select_n3A_1432 masked %reduce_max3A_1438 : vector<16xf32>, vector<16xi1> -> vector<16xf32>
          %reduce_max3A_1440 = vector.extract %reduce_max3A_1439[15] : f32 from vector<16xf32>
          %rem3A_1441 = arith.constant 16 : i32
          %rem3A_1442 = arith.remsi %while3A_1413, %rem3A_1441 : i32
          %eq3A_1443 = vector.broadcast %rem3A_1442 : i32 to vector<16xi32>
          %eq3A_1444 = arith.cmpi eq, %iota3A, %eq3A_1443 : vector<16xi32>
          %jit3A_1445 = arith.constant 16 : i32
          %div3A_1446 = arith.divsi %while3A_1413, %jit3A_1445 : i32
          %sign3A_1447 = arith.constant 0 : i32
          %sign3A_1448 = arith.cmpi sgt, %while3A_1413, %sign3A_1447 : i32
          %sign3A_1449 = arith.extui %sign3A_1448 : i1 to i32
          %sign3A_1450 = arith.constant 0 : i32
          %sign3A_1451 = arith.cmpi slt, %while3A_1413, %sign3A_1450 : i32
          %sign3A_1452 = arith.extui %sign3A_1451 : i1 to i32
          %sign3A_1453 = arith.subi %sign3A_1449, %sign3A_1452 : i32
          %sign3A_1454 = arith.constant 0 : i32
          %sign3A_1455 = arith.cmpi sgt, %jit3A_1445, %sign3A_1454 : i32
          %sign3A_1456 = arith.extui %sign3A_1455 : i1 to i32
          %sign3A_1457 = arith.constant 0 : i32
          %sign3A_1458 = arith.cmpi slt, %jit3A_1445, %sign3A_1457 : i32
          %sign3A_1459 = arith.extui %sign3A_1458 : i1 to i32
          %sign3A_1460 = arith.subi %sign3A_1456, %sign3A_1459 : i32
          %ne3A_1461 = arith.cmpi ne, %sign3A_1453, %sign3A_1460 : i32
          %rem3A_1462 = arith.remsi %while3A_1413, %jit3A_1445 : i32
          %ne3A_1463 = arith.constant 0 : i32
          %ne3A_1464 = arith.cmpi ne, %rem3A_1462, %ne3A_1463 : i32
          %and3A_1465 = arith.andi %ne3A_1461, %ne3A_1464 : i1
          %sub3A_1466 = arith.constant 1 : i32
          %sub3A_1467 = arith.subi %div3A_1446, %sub3A_1466 : i32
          %select_n3A_1468 = arith.select %and3A_1465, %sub3A_1467, %div3A_1446 : i32
          %eq3A_1469 = arith.constant 0 : i32
          %eq3A_1470 = arith.cmpi eq, %select_n3A_1468, %eq3A_1469 : i32
          %and3A_1471 = vector.broadcast %eq3A_1470 : i1 to vector<16xi1>
          %and3A_1472 = arith.andi %eq3A_1444, %and3A_1471 : vector<16xi1>
          %broadcast_in_dim3A_1473 = vector.broadcast %reduce_max3A_1440 : f32 to vector<16xf32>
          %select_n3A_1474 = arith.select %and3A_1472, %broadcast_in_dim3A_1473, %while3A_1416 : vector<16xi1>, vector<16xf32>
          %eq3A_1475 = arith.constant 1 : i32
          %eq3A_1476 = arith.cmpi eq, %select_n3A_1468, %eq3A_1475 : i32
          %and3A_1477 = vector.broadcast %eq3A_1476 : i1 to vector<16xi1>
          %and3A_1478 = arith.andi %eq3A_1444, %and3A_1477 : vector<16xi1>
          %broadcast_in_dim3A_1479 = vector.broadcast %reduce_max3A_1440 : f32 to vector<16xf32>
          %select_n3A_1480 = arith.select %and3A_1478, %broadcast_in_dim3A_1479, %while3A_1417 : vector<16xi1>, vector<16xf32>
          %eq3A_1481 = arith.constant 2 : i32
          %eq3A_1482 = arith.cmpi eq, %select_n3A_1468, %eq3A_1481 : i32
          %and3A_1483 = vector.broadcast %eq3A_1482 : i1 to vector<16xi1>
          %and3A_1484 = arith.andi %eq3A_1444, %and3A_1483 : vector<16xi1>
          %broadcast_in_dim3A_1485 = vector.broadcast %reduce_max3A_1440 : f32 to vector<16xf32>
          %select_n3A_1486 = arith.select %and3A_1484, %broadcast_in_dim3A_1485, %while3A_1418 : vector<16xi1>, vector<16xf32>
          %eq3A_1487 = arith.constant 3 : i32
          %eq3A_1488 = arith.cmpi eq, %select_n3A_1468, %eq3A_1487 : i32
          %and3A_1489 = vector.broadcast %eq3A_1488 : i1 to vector<16xi1>
          %and3A_1490 = arith.andi %eq3A_1444, %and3A_1489 : vector<16xi1>
          %broadcast_in_dim3A_1491 = vector.broadcast %reduce_max3A_1440 : f32 to vector<16xf32>
          %select_n3A_1492 = arith.select %and3A_1490, %broadcast_in_dim3A_1491, %while3A_1419 : vector<16xi1>, vector<16xf32>
          %eq3A_1493 = arith.constant 4 : i32
          %eq3A_1494 = arith.cmpi eq, %select_n3A_1468, %eq3A_1493 : i32
          %and3A_1495 = vector.broadcast %eq3A_1494 : i1 to vector<16xi1>
          %and3A_1496 = arith.andi %eq3A_1444, %and3A_1495 : vector<16xi1>
          %broadcast_in_dim3A_1497 = vector.broadcast %reduce_max3A_1440 : f32 to vector<16xf32>
          %select_n3A_1498 = arith.select %and3A_1496, %broadcast_in_dim3A_1497, %while3A_1420 : vector<16xi1>, vector<16xf32>
          %max3A_1499 = arith.maximumf %select_n3A_1474, %select_n3A_1480 : vector<16xf32>
          %max3A_1500 = arith.maximumf %max3A_1499, %select_n3A_1486 : vector<16xf32>
          %max3A_1501 = arith.maximumf %max3A_1500, %select_n3A_1492 : vector<16xf32>
          %max3A_1502 = arith.maximumf %max3A_1501, %select_n3A_1498 : vector<16xf32>
          %reduce_max3A_1503 = arith.constant true
          %reduce_max3A_1504 = vector.broadcast %reduce_max3A_1503 : i1 to vector<16xi1>
          %reduce_max3A_1505 = tpu.scan <max>, %max3A_1502 masked %reduce_max3A_1504 : vector<16xf32>, vector<16xi1> -> vector<16xf32>
          %reduce_max3A_1506 = vector.extract %reduce_max3A_1505[15] : f32 from vector<16xf32>
          %broadcast_in_dim3A_1507 = arith.constant 80 : i32
          %broadcast_in_dim3A_1508 = vector.broadcast %broadcast_in_dim3A_1507 : i32 to vector<16xi32>
          %eq3A_1509 = vector.broadcast %reduce_max3A_1506 : f32 to vector<16xf32>
          %eq3A_1510 = arith.cmpf oeq, %select_n3A_1474, %eq3A_1509 : vector<16xf32>
          %add3A_1511 = arith.constant 0 : i32
          %add3A_1512 = vector.broadcast %add3A_1511 : i32 to vector<16xi32>
          %add3A_1513 = arith.addi %iota3A, %add3A_1512 : vector<16xi32>
          %jit3A_1514 = arith.constant 80 : i32
          %broadcast_in_dim3A_1515 = vector.broadcast %jit3A_1514 : i32 to vector<16xi32>
          %select_n3A_1516 = arith.select %eq3A_1510, %add3A_1513, %broadcast_in_dim3A_1515 : vector<16xi1>, vector<16xi32>
          %min3A_1517 = arith.minsi %broadcast_in_dim3A_1508, %select_n3A_1516 : vector<16xi32>
          %eq3A_1518 = vector.broadcast %reduce_max3A_1506 : f32 to vector<16xf32>
          %eq3A_1519 = arith.cmpf oeq, %select_n3A_1480, %eq3A_1518 : vector<16xf32>
          %add3A_1520 = arith.constant 16 : i32
          %add3A_1521 = vector.broadcast %add3A_1520 : i32 to vector<16xi32>
          %add3A_1522 = arith.addi %iota3A, %add3A_1521 : vector<16xi32>
          %jit3A_1523 = arith.constant 80 : i32
          %broadcast_in_dim3A_1524 = vector.broadcast %jit3A_1523 : i32 to vector<16xi32>
          %select_n3A_1525 = arith.select %eq3A_1519, %add3A_1522, %broadcast_in_dim3A_1524 : vector<16xi1>, vector<16xi32>
          %min3A_1526 = arith.minsi %min3A_1517, %select_n3A_1525 : vector<16xi32>
          %eq3A_1527 = vector.broadcast %reduce_max3A_1506 : f32 to vector<16xf32>
          %eq3A_1528 = arith.cmpf oeq, %select_n3A_1486, %eq3A_1527 : vector<16xf32>
          %add3A_1529 = arith.constant 32 : i32
          %add3A_1530 = vector.broadcast %add3A_1529 : i32 to vector<16xi32>
          %add3A_1531 = arith.addi %iota3A, %add3A_1530 : vector<16xi32>
          %jit3A_1532 = arith.constant 80 : i32
          %broadcast_in_dim3A_1533 = vector.broadcast %jit3A_1532 : i32 to vector<16xi32>
          %select_n3A_1534 = arith.select %eq3A_1528, %add3A_1531, %broadcast_in_dim3A_1533 : vector<16xi1>, vector<16xi32>
          %min3A_1535 = arith.minsi %min3A_1526, %select_n3A_1534 : vector<16xi32>
          %eq3A_1536 = vector.broadcast %reduce_max3A_1506 : f32 to vector<16xf32>
          %eq3A_1537 = arith.cmpf oeq, %select_n3A_1492, %eq3A_1536 : vector<16xf32>
          %add3A_1538 = arith.constant 48 : i32
          %add3A_1539 = vector.broadcast %add3A_1538 : i32 to vector<16xi32>
          %add3A_1540 = arith.addi %iota3A, %add3A_1539 : vector<16xi32>
          %jit3A_1541 = arith.constant 80 : i32
          %broadcast_in_dim3A_1542 = vector.broadcast %jit3A_1541 : i32 to vector<16xi32>
          %select_n3A_1543 = arith.select %eq3A_1537, %add3A_1540, %broadcast_in_dim3A_1542 : vector<16xi1>, vector<16xi32>
          %min3A_1544 = arith.minsi %min3A_1535, %select_n3A_1543 : vector<16xi32>
          %eq3A_1545 = vector.broadcast %reduce_max3A_1506 : f32 to vector<16xf32>
          %eq3A_1546 = arith.cmpf oeq, %select_n3A_1498, %eq3A_1545 : vector<16xf32>
          %add3A_1547 = arith.constant 64 : i32
          %add3A_1548 = vector.broadcast %add3A_1547 : i32 to vector<16xi32>
          %add3A_1549 = arith.addi %iota3A, %add3A_1548 : vector<16xi32>
          %jit3A_1550 = arith.constant 80 : i32
          %broadcast_in_dim3A_1551 = vector.broadcast %jit3A_1550 : i32 to vector<16xi32>
          %select_n3A_1552 = arith.select %eq3A_1546, %add3A_1549, %broadcast_in_dim3A_1551 : vector<16xi1>, vector<16xi32>
          %min3A_1553 = arith.minsi %min3A_1544, %select_n3A_1552 : vector<16xi32>
          %reduce_min3A_1554 = arith.constant true
          %reduce_min3A_1555 = vector.broadcast %reduce_min3A_1554 : i1 to vector<16xi1>
          %reduce_min3A_1556 = arith.constant -2147483648 : i32
          %reduce_min3A_1557 = vector.broadcast %reduce_min3A_1556 : i32 to vector<16xi32>
          %reduce_min3A_1558 = arith.xori %min3A_1553, %reduce_min3A_1557 : vector<16xi32>
          %reduce_min3A_1559 = tpu.scan <min>, %reduce_min3A_1558 masked %reduce_min3A_1555 : vector<16xi32>, vector<16xi1> -> vector<16xi32>
          %reduce_min3A_1560 = arith.xori %reduce_min3A_1559, %reduce_min3A_1557 : vector<16xi32>
          %reduce_min3A_1561 = vector.extract %reduce_min3A_1560[15] : i32 from vector<16xi32>
          %mul3A_1562 = arith.constant 16 : i32
          %mul3A_1563 = arith.muli %reduce_min3A_1561, %mul3A_1562 : i32
          %get3A_1564 = arith.index_cast %mul3A_1563 : i32 to index
          %get3A_1565 = tpu.vector_load %arg10[%get3A_1564] {strides = array<i32>} : memref<1280xf32, #tpu.memory_space<vmem>>, vector<16xf32>,
          %eq3A_1566 = vector.broadcast %reduce_max3A_1506 : f32 to vector<16xf32>
          %eq3A_1567 = arith.cmpf oeq, %get3A_1565, %eq3A_1566 : vector<16xf32>
          %mul3A_1568 = arith.constant 16 : i32
          %mul3A_1569 = arith.muli %reduce_min3A_1561, %mul3A_1568 : i32
          %add3A_1570 = vector.broadcast %mul3A_1569 : i32 to vector<16xi32>
          %add3A_1571 = arith.addi %add3A_1570, %iota3A : vector<16xi32>
          %jit3A_1572 = arith.constant 1279 : i32
          %broadcast_in_dim3A_1573 = vector.broadcast %jit3A_1572 : i32 to vector<16xi32>
          %select_n3A_1574 = arith.select %eq3A_1567, %add3A_1571, %broadcast_in_dim3A_1573 : vector<16xi1>, vector<16xi32>
          %reduce_min3A_1575 = arith.constant true
          %reduce_min3A_1576 = vector.broadcast %reduce_min3A_1575 : i1 to vector<16xi1>
          %reduce_min3A_1577 = arith.constant -2147483648 : i32
          %reduce_min3A_1578 = vector.broadcast %reduce_min3A_1577 : i32 to vector<16xi32>
          %reduce_min3A_1579 = arith.xori %select_n3A_1574, %reduce_min3A_1578 : vector<16xi32>
          %reduce_min3A_1580 = tpu.scan <min>, %reduce_min3A_1579 masked %reduce_min3A_1576 : vector<16xi32>, vector<16xi1> -> vector<16xi32>
          %reduce_min3A_1581 = arith.xori %reduce_min3A_1580, %reduce_min3A_1578 : vector<16xi32>
          %reduce_min3A_1582 = vector.extract %reduce_min3A_1581[15] : i32 from vector<16xi32>
          %broadcast_in_dim3A_1583 = vector.broadcast %reduce_min3A_1582 : i32 to vector<16xi32>
          %broadcast_in_dim3A_1584 = arith.constant 0 : i32
          %broadcast_in_dim3A_1585 = vector.broadcast %broadcast_in_dim3A_1584 : i32 to vector<16xi32>
          %gather3A_1586 = tpu.vector_load_idx %arg8[%broadcast_in_dim3A_1585, %broadcast_in_dim3A_1583] : memref<6x1280xf32, #tpu.memory_space<vmem>>[vector<16xi32>, vector<16xi32>], vector<16xf32>,
          %broadcast_in_dim3A_1587 = arith.constant 1 : i32
          %broadcast_in_dim3A_1588 = vector.broadcast %broadcast_in_dim3A_1587 : i32 to vector<16xi32>
          %gather3A_1589 = tpu.vector_load_idx %arg8[%broadcast_in_dim3A_1588, %broadcast_in_dim3A_1583] : memref<6x1280xf32, #tpu.memory_space<vmem>>[vector<16xi32>, vector<16xi32>], vector<16xf32>,
          %broadcast_in_dim3A_1590 = arith.constant 2 : i32
          %broadcast_in_dim3A_1591 = vector.broadcast %broadcast_in_dim3A_1590 : i32 to vector<16xi32>
          %gather3A_1592 = tpu.vector_load_idx %arg8[%broadcast_in_dim3A_1591, %broadcast_in_dim3A_1583] : memref<6x1280xf32, #tpu.memory_space<vmem>>[vector<16xi32>, vector<16xi32>], vector<16xf32>,
          %broadcast_in_dim3A_1593 = arith.constant 3 : i32
          %broadcast_in_dim3A_1594 = vector.broadcast %broadcast_in_dim3A_1593 : i32 to vector<16xi32>
          %gather3A_1595 = tpu.vector_load_idx %arg8[%broadcast_in_dim3A_1594, %broadcast_in_dim3A_1583] : memref<6x1280xf32, #tpu.memory_space<vmem>>[vector<16xi32>, vector<16xi32>], vector<16xf32>,
          %broadcast_in_dim3A_1596 = arith.constant 4 : i32
          %broadcast_in_dim3A_1597 = vector.broadcast %broadcast_in_dim3A_1596 : i32 to vector<16xi32>
          %gather3A_1598 = tpu.vector_load_idx %arg8[%broadcast_in_dim3A_1597, %broadcast_in_dim3A_1583] : memref<6x1280xf32, #tpu.memory_space<vmem>>[vector<16xi32>, vector<16xi32>], vector<16xf32>,
          %broadcast_in_dim3A_1599 = arith.constant 5 : i32
          %broadcast_in_dim3A_1600 = vector.broadcast %broadcast_in_dim3A_1599 : i32 to vector<16xi32>
          %gather3A_1601 = tpu.vector_load_idx %arg8[%broadcast_in_dim3A_1600, %broadcast_in_dim3A_1583] : memref<6x1280xf32, #tpu.memory_space<vmem>>[vector<16xi32>, vector<16xi32>], vector<16xf32>,
          %gather3A_1602 = tpu.vector_load_idx %arg9[%broadcast_in_dim3A_1583] : memref<1280xf32, #tpu.memory_space<vmem>>[vector<16xi32>], vector<16xf32>,
          %broadcast_in_dim3A_1603 = arith.constant 0.000000e+00 : f32
          %broadcast_in_dim3A_1604 = vector.broadcast %broadcast_in_dim3A_1603 : f32 to vector<16xf32>
          %get3A_1605 = arith.constant 0 : i32
          %get3A_1606 = arith.index_cast %get3A_1605 : i32 to index
          %get3A_1607 = arith.constant 0 : index
          %get3A_1608 = tpu.vector_load %arg11[%get3A_1606, %get3A_1607] {strides = array<i32>} : memref<8x128xf32, #tpu.memory_space<vmem>>, vector<16xf32>,
          %max3A_1609 = arith.maximumf %get3A_1608, %gather3A_1586 : vector<16xf32>
          %get3A_1610 = arith.constant 1 : i32
          %get3A_1611 = arith.index_cast %get3A_1610 : i32 to index
          %get3A_1612 = arith.constant 0 : index
          %get3A_1613 = tpu.vector_load %arg11[%get3A_1611, %get3A_1612] {strides = array<i32>} : memref<8x128xf32, #tpu.memory_space<vmem>>, vector<16xf32>,
          %max3A_1614 = arith.maximumf %get3A_1613, %gather3A_1589 : vector<16xf32>
          %get3A_1615 = arith.constant 2 : i32
          %get3A_1616 = arith.index_cast %get3A_1615 : i32 to index
          %get3A_1617 = arith.constant 0 : index
          %get3A_1618 = tpu.vector_load %arg11[%get3A_1616, %get3A_1617] {strides = array<i32>} : memref<8x128xf32, #tpu.memory_space<vmem>>, vector<16xf32>,
          %max3A_1619 = arith.maximumf %get3A_1618, %gather3A_1592 : vector<16xf32>
          %get3A_1620 = arith.constant 3 : i32
          %get3A_1621 = arith.index_cast %get3A_1620 : i32 to index
          %get3A_1622 = arith.constant 0 : index
          %get3A_1623 = tpu.vector_load %arg11[%get3A_1621, %get3A_1622] {strides = array<i32>} : memref<8x128xf32, #tpu.memory_space<vmem>>, vector<16xf32>,
          %min3A_1624 = arith.minimumf %get3A_1623, %gather3A_1595 : vector<16xf32>
          %get3A_1625 = arith.constant 4 : i32
          %get3A_1626 = arith.index_cast %get3A_1625 : i32 to index
          %get3A_1627 = arith.constant 0 : index
          %get3A_1628 = tpu.vector_load %arg11[%get3A_1626, %get3A_1627] {strides = array<i32>} : memref<8x128xf32, #tpu.memory_space<vmem>>, vector<16xf32>,
          %min3A_1629 = arith.minimumf %get3A_1628, %gather3A_1598 : vector<16xf32>
          %get3A_1630 = arith.constant 5 : i32
          %get3A_1631 = arith.index_cast %get3A_1630 : i32 to index
          %get3A_1632 = arith.constant 0 : index
          %get3A_1633 = tpu.vector_load %arg11[%get3A_1631, %get3A_1632] {strides = array<i32>} : memref<8x128xf32, #tpu.memory_space<vmem>>, vector<16xf32>,
          %min3A_1634 = arith.minimumf %get3A_1633, %gather3A_1601 : vector<16xf32>
          %sub3A_1635 = arith.subf %min3A_1624, %max3A_1609 : vector<16xf32>
          %add3A_1636 = arith.constant 1.000000e+00 : f32
          %add3A_1637 = vector.broadcast %add3A_1636 : f32 to vector<16xf32>
          %add3A_1638 = arith.addf %sub3A_1635, %add3A_1637 : vector<16xf32>
          %max3A_1639 = arith.constant 0.000000e+00 : f32
          %max3A_1640 = vector.broadcast %max3A_1639 : f32 to vector<16xf32>
          %max3A_1641 = arith.maximumf %add3A_1638, %max3A_1640 : vector<16xf32>
          %sub3A_1642 = arith.subf %min3A_1629, %max3A_1614 : vector<16xf32>
          %add3A_1643 = arith.constant 1.000000e+00 : f32
          %add3A_1644 = vector.broadcast %add3A_1643 : f32 to vector<16xf32>
          %add3A_1645 = arith.addf %sub3A_1642, %add3A_1644 : vector<16xf32>
          %max3A_1646 = arith.constant 0.000000e+00 : f32
          %max3A_1647 = vector.broadcast %max3A_1646 : f32 to vector<16xf32>
          %max3A_1648 = arith.maximumf %add3A_1645, %max3A_1647 : vector<16xf32>
          %mul3A_1649 = arith.mulf %max3A_1641, %max3A_1648 : vector<16xf32>
          %sub3A_1650 = arith.subf %min3A_1634, %max3A_1619 : vector<16xf32>
          %add3A_1651 = arith.constant 1.000000e+00 : f32
          %add3A_1652 = vector.broadcast %add3A_1651 : f32 to vector<16xf32>
          %add3A_1653 = arith.addf %sub3A_1650, %add3A_1652 : vector<16xf32>
          %max3A_1654 = arith.constant 0.000000e+00 : f32
          %max3A_1655 = vector.broadcast %max3A_1654 : f32 to vector<16xf32>
          %max3A_1656 = arith.maximumf %add3A_1653, %max3A_1655 : vector<16xf32>
          %mul3A_1657 = arith.mulf %mul3A_1649, %max3A_1656 : vector<16xf32>
          %get3A_1658 = arith.constant 6 : i32
          %get3A_1659 = arith.index_cast %get3A_1658 : i32 to index
          %get3A_1660 = arith.constant 0 : index
          %get3A_1661 = tpu.vector_load %arg11[%get3A_1659, %get3A_1660] {strides = array<i32>} : memref<8x128xf32, #tpu.memory_space<vmem>>, vector<16xf32>,
          %add3A_1662 = arith.addf %get3A_1661, %gather3A_1602 : vector<16xf32>
          %sub3A_1663 = arith.subf %add3A_1662, %mul3A_1657 : vector<16xf32>
          %div3A_1664 = arith.divf %mul3A_1657, %sub3A_1663 : vector<16xf32>
          %ge3A_1665 = arith.constant 0.699999988 : f32
          %ge3A_1666 = vector.broadcast %ge3A_1665 : f32 to vector<16xf32>
          %ge3A_1667 = arith.cmpf oge, %div3A_1664, %ge3A_1666 : vector<16xf32>
          %get3A_1668 = arith.constant 7 : i32
          %get3A_1669 = arith.index_cast %get3A_1668 : i32 to index
          %get3A_1670 = arith.constant 0 : index
          %get3A_1671 = tpu.vector_load %arg11[%get3A_1669, %get3A_1670] {strides = array<i32>} : memref<8x128xf32, #tpu.memory_space<vmem>>, vector<16xf32>,
          %jit3A_1672 = arith.constant 0.000000e+00 : f32
          %broadcast_in_dim3A_1673 = vector.broadcast %jit3A_1672 : f32 to vector<16xf32>
          %select_n3A_1674 = arith.select %ge3A_1667, %get3A_1671, %broadcast_in_dim3A_1673 : vector<16xi1>, vector<16xf32>
          %max3A_1675 = arith.maximumf %broadcast_in_dim3A_1604, %select_n3A_1674 : vector<16xf32>
          %get3A_1676 = arith.constant 0 : i32
          %get3A_1677 = arith.index_cast %get3A_1676 : i32 to index
          %get3A_1678 = arith.constant 16 : index
          %get3A_1679 = tpu.vector_load %arg11[%get3A_1677, %get3A_1678] {strides = array<i32>} : memref<8x128xf32, #tpu.memory_space<vmem>>, vector<16xf32>,
          %max3A_1680 = arith.maximumf %get3A_1679, %gather3A_1586 : vector<16xf32>
          %get3A_1681 = arith.constant 1 : i32
          %get3A_1682 = arith.index_cast %get3A_1681 : i32 to index
          %get3A_1683 = arith.constant 16 : index
          %get3A_1684 = tpu.vector_load %arg11[%get3A_1682, %get3A_1683] {strides = array<i32>} : memref<8x128xf32, #tpu.memory_space<vmem>>, vector<16xf32>,
          %max3A_1685 = arith.maximumf %get3A_1684, %gather3A_1589 : vector<16xf32>
          %get3A_1686 = arith.constant 2 : i32
          %get3A_1687 = arith.index_cast %get3A_1686 : i32 to index
          %get3A_1688 = arith.constant 16 : index
          %get3A_1689 = tpu.vector_load %arg11[%get3A_1687, %get3A_1688] {strides = array<i32>} : memref<8x128xf32, #tpu.memory_space<vmem>>, vector<16xf32>,
          %max3A_1690 = arith.maximumf %get3A_1689, %gather3A_1592 : vector<16xf32>
          %get3A_1691 = arith.constant 3 : i32
          %get3A_1692 = arith.index_cast %get3A_1691 : i32 to index
          %get3A_1693 = arith.constant 16 : index
          %get3A_1694 = tpu.vector_load %arg11[%get3A_1692, %get3A_1693] {strides = array<i32>} : memref<8x128xf32, #tpu.memory_space<vmem>>, vector<16xf32>,
          %min3A_1695 = arith.minimumf %get3A_1694, %gather3A_1595 : vector<16xf32>
          %get3A_1696 = arith.constant 4 : i32
          %get3A_1697 = arith.index_cast %get3A_1696 : i32 to index
          %get3A_1698 = arith.constant 16 : index
          %get3A_1699 = tpu.vector_load %arg11[%get3A_1697, %get3A_1698] {strides = array<i32>} : memref<8x128xf32, #tpu.memory_space<vmem>>, vector<16xf32>,
          %min3A_1700 = arith.minimumf %get3A_1699, %gather3A_1598 : vector<16xf32>
          %get3A_1701 = arith.constant 5 : i32
          %get3A_1702 = arith.index_cast %get3A_1701 : i32 to index
          %get3A_1703 = arith.constant 16 : index
          %get3A_1704 = tpu.vector_load %arg11[%get3A_1702, %get3A_1703] {strides = array<i32>} : memref<8x128xf32, #tpu.memory_space<vmem>>, vector<16xf32>,
          %min3A_1705 = arith.minimumf %get3A_1704, %gather3A_1601 : vector<16xf32>
          %sub3A_1706 = arith.subf %min3A_1695, %max3A_1680 : vector<16xf32>
          %add3A_1707 = arith.constant 1.000000e+00 : f32
          %add3A_1708 = vector.broadcast %add3A_1707 : f32 to vector<16xf32>
          %add3A_1709 = arith.addf %sub3A_1706, %add3A_1708 : vector<16xf32>
          %max3A_1710 = arith.constant 0.000000e+00 : f32
          %max3A_1711 = vector.broadcast %max3A_1710 : f32 to vector<16xf32>
          %max3A_1712 = arith.maximumf %add3A_1709, %max3A_1711 : vector<16xf32>
          %sub3A_1713 = arith.subf %min3A_1700, %max3A_1685 : vector<16xf32>
          %add3A_1714 = arith.constant 1.000000e+00 : f32
          %add3A_1715 = vector.broadcast %add3A_1714 : f32 to vector<16xf32>
          %add3A_1716 = arith.addf %sub3A_1713, %add3A_1715 : vector<16xf32>
          %max3A_1717 = arith.constant 0.000000e+00 : f32
          %max3A_1718 = vector.broadcast %max3A_1717 : f32 to vector<16xf32>
          %max3A_1719 = arith.maximumf %add3A_1716, %max3A_1718 : vector<16xf32>
          %mul3A_1720 = arith.mulf %max3A_1712, %max3A_1719 : vector<16xf32>
          %sub3A_1721 = arith.subf %min3A_1705, %max3A_1690 : vector<16xf32>
          %add3A_1722 = arith.constant 1.000000e+00 : f32
          %add3A_1723 = vector.broadcast %add3A_1722 : f32 to vector<16xf32>
          %add3A_1724 = arith.addf %sub3A_1721, %add3A_1723 : vector<16xf32>
          %max3A_1725 = arith.constant 0.000000e+00 : f32
          %max3A_1726 = vector.broadcast %max3A_1725 : f32 to vector<16xf32>
          %max3A_1727 = arith.maximumf %add3A_1724, %max3A_1726 : vector<16xf32>
          %mul3A_1728 = arith.mulf %mul3A_1720, %max3A_1727 : vector<16xf32>
          %get3A_1729 = arith.constant 6 : i32
          %get3A_1730 = arith.index_cast %get3A_1729 : i32 to index
          %get3A_1731 = arith.constant 16 : index
          %get3A_1732 = tpu.vector_load %arg11[%get3A_1730, %get3A_1731] {strides = array<i32>} : memref<8x128xf32, #tpu.memory_space<vmem>>, vector<16xf32>,
          %add3A_1733 = arith.addf %get3A_1732, %gather3A_1602 : vector<16xf32>
          %sub3A_1734 = arith.subf %add3A_1733, %mul3A_1728 : vector<16xf32>
          %div3A_1735 = arith.divf %mul3A_1728, %sub3A_1734 : vector<16xf32>
          %ge3A_1736 = arith.constant 0.699999988 : f32
          %ge3A_1737 = vector.broadcast %ge3A_1736 : f32 to vector<16xf32>
          %ge3A_1738 = arith.cmpf oge, %div3A_1735, %ge3A_1737 : vector<16xf32>
          %get3A_1739 = arith.constant 7 : i32
          %get3A_1740 = arith.index_cast %get3A_1739 : i32 to index
          %get3A_1741 = arith.constant 16 : index
          %get3A_1742 = tpu.vector_load %arg11[%get3A_1740, %get3A_1741] {strides = array<i32>} : memref<8x128xf32, #tpu.memory_space<vmem>>, vector<16xf32>,
          %jit3A_1743 = arith.constant 0.000000e+00 : f32
          %broadcast_in_dim3A_1744 = vector.broadcast %jit3A_1743 : f32 to vector<16xf32>
          %select_n3A_1745 = arith.select %ge3A_1738, %get3A_1742, %broadcast_in_dim3A_1744 : vector<16xi1>, vector<16xf32>
          %max3A_1746 = arith.maximumf %max3A_1675, %select_n3A_1745 : vector<16xf32>
          %get3A_1747 = arith.constant 0 : i32
          %get3A_1748 = arith.index_cast %get3A_1747 : i32 to index
          %get3A_1749 = arith.constant 32 : index
          %get3A_1750 = tpu.vector_load %arg11[%get3A_1748, %get3A_1749] {strides = array<i32>} : memref<8x128xf32, #tpu.memory_space<vmem>>, vector<16xf32>,
          %max3A_1751 = arith.maximumf %get3A_1750, %gather3A_1586 : vector<16xf32>
          %get3A_1752 = arith.constant 1 : i32
          %get3A_1753 = arith.index_cast %get3A_1752 : i32 to index
          %get3A_1754 = arith.constant 32 : index
          %get3A_1755 = tpu.vector_load %arg11[%get3A_1753, %get3A_1754] {strides = array<i32>} : memref<8x128xf32, #tpu.memory_space<vmem>>, vector<16xf32>,
          %max3A_1756 = arith.maximumf %get3A_1755, %gather3A_1589 : vector<16xf32>
          %get3A_1757 = arith.constant 2 : i32
          %get3A_1758 = arith.index_cast %get3A_1757 : i32 to index
          %get3A_1759 = arith.constant 32 : index
          %get3A_1760 = tpu.vector_load %arg11[%get3A_1758, %get3A_1759] {strides = array<i32>} : memref<8x128xf32, #tpu.memory_space<vmem>>, vector<16xf32>,
          %max3A_1761 = arith.maximumf %get3A_1760, %gather3A_1592 : vector<16xf32>
          %get3A_1762 = arith.constant 3 : i32
          %get3A_1763 = arith.index_cast %get3A_1762 : i32 to index
          %get3A_1764 = arith.constant 32 : index
          %get3A_1765 = tpu.vector_load %arg11[%get3A_1763, %get3A_1764] {strides = array<i32>} : memref<8x128xf32, #tpu.memory_space<vmem>>, vector<16xf32>,
          %min3A_1766 = arith.minimumf %get3A_1765, %gather3A_1595 : vector<16xf32>
          %get3A_1767 = arith.constant 4 : i32
          %get3A_1768 = arith.index_cast %get3A_1767 : i32 to index
          %get3A_1769 = arith.constant 32 : index
          %get3A_1770 = tpu.vector_load %arg11[%get3A_1768, %get3A_1769] {strides = array<i32>} : memref<8x128xf32, #tpu.memory_space<vmem>>, vector<16xf32>,
          %min3A_1771 = arith.minimumf %get3A_1770, %gather3A_1598 : vector<16xf32>
          %get3A_1772 = arith.constant 5 : i32
          %get3A_1773 = arith.index_cast %get3A_1772 : i32 to index
          %get3A_1774 = arith.constant 32 : index
          %get3A_1775 = tpu.vector_load %arg11[%get3A_1773, %get3A_1774] {strides = array<i32>} : memref<8x128xf32, #tpu.memory_space<vmem>>, vector<16xf32>,
          %min3A_1776 = arith.minimumf %get3A_1775, %gather3A_1601 : vector<16xf32>
          %sub3A_1777 = arith.subf %min3A_1766, %max3A_1751 : vector<16xf32>
          %add3A_1778 = arith.constant 1.000000e+00 : f32
          %add3A_1779 = vector.broadcast %add3A_1778 : f32 to vector<16xf32>
          %add3A_1780 = arith.addf %sub3A_1777, %add3A_1779 : vector<16xf32>
          %max3A_1781 = arith.constant 0.000000e+00 : f32
          %max3A_1782 = vector.broadcast %max3A_1781 : f32 to vector<16xf32>
          %max3A_1783 = arith.maximumf %add3A_1780, %max3A_1782 : vector<16xf32>
          %sub3A_1784 = arith.subf %min3A_1771, %max3A_1756 : vector<16xf32>
          %add3A_1785 = arith.constant 1.000000e+00 : f32
          %add3A_1786 = vector.broadcast %add3A_1785 : f32 to vector<16xf32>
          %add3A_1787 = arith.addf %sub3A_1784, %add3A_1786 : vector<16xf32>
          %max3A_1788 = arith.constant 0.000000e+00 : f32
          %max3A_1789 = vector.broadcast %max3A_1788 : f32 to vector<16xf32>
          %max3A_1790 = arith.maximumf %add3A_1787, %max3A_1789 : vector<16xf32>
          %mul3A_1791 = arith.mulf %max3A_1783, %max3A_1790 : vector<16xf32>
          %sub3A_1792 = arith.subf %min3A_1776, %max3A_1761 : vector<16xf32>
          %add3A_1793 = arith.constant 1.000000e+00 : f32
          %add3A_1794 = vector.broadcast %add3A_1793 : f32 to vector<16xf32>
          %add3A_1795 = arith.addf %sub3A_1792, %add3A_1794 : vector<16xf32>
          %max3A_1796 = arith.constant 0.000000e+00 : f32
          %max3A_1797 = vector.broadcast %max3A_1796 : f32 to vector<16xf32>
          %max3A_1798 = arith.maximumf %add3A_1795, %max3A_1797 : vector<16xf32>
          %mul3A_1799 = arith.mulf %mul3A_1791, %max3A_1798 : vector<16xf32>
          %get3A_1800 = arith.constant 6 : i32
          %get3A_1801 = arith.index_cast %get3A_1800 : i32 to index
          %get3A_1802 = arith.constant 32 : index
          %get3A_1803 = tpu.vector_load %arg11[%get3A_1801, %get3A_1802] {strides = array<i32>} : memref<8x128xf32, #tpu.memory_space<vmem>>, vector<16xf32>,
          %add3A_1804 = arith.addf %get3A_1803, %gather3A_1602 : vector<16xf32>
          %sub3A_1805 = arith.subf %add3A_1804, %mul3A_1799 : vector<16xf32>
          %div3A_1806 = arith.divf %mul3A_1799, %sub3A_1805 : vector<16xf32>
          %ge3A_1807 = arith.constant 0.699999988 : f32
          %ge3A_1808 = vector.broadcast %ge3A_1807 : f32 to vector<16xf32>
          %ge3A_1809 = arith.cmpf oge, %div3A_1806, %ge3A_1808 : vector<16xf32>
          %get3A_1810 = arith.constant 7 : i32
          %get3A_1811 = arith.index_cast %get3A_1810 : i32 to index
          %get3A_1812 = arith.constant 32 : index
          %get3A_1813 = tpu.vector_load %arg11[%get3A_1811, %get3A_1812] {strides = array<i32>} : memref<8x128xf32, #tpu.memory_space<vmem>>, vector<16xf32>,
          %jit3A_1814 = arith.constant 0.000000e+00 : f32
          %broadcast_in_dim3A_1815 = vector.broadcast %jit3A_1814 : f32 to vector<16xf32>
          %select_n3A_1816 = arith.select %ge3A_1809, %get3A_1813, %broadcast_in_dim3A_1815 : vector<16xi1>, vector<16xf32>
          %max3A_1817 = arith.maximumf %max3A_1746, %select_n3A_1816 : vector<16xf32>
          %get3A_1818 = arith.constant 0 : i32
          %get3A_1819 = arith.index_cast %get3A_1818 : i32 to index
          %get3A_1820 = arith.constant 48 : index
          %get3A_1821 = tpu.vector_load %arg11[%get3A_1819, %get3A_1820] {strides = array<i32>} : memref<8x128xf32, #tpu.memory_space<vmem>>, vector<16xf32>,
          %max3A_1822 = arith.maximumf %get3A_1821, %gather3A_1586 : vector<16xf32>
          %get3A_1823 = arith.constant 1 : i32
          %get3A_1824 = arith.index_cast %get3A_1823 : i32 to index
          %get3A_1825 = arith.constant 48 : index
          %get3A_1826 = tpu.vector_load %arg11[%get3A_1824, %get3A_1825] {strides = array<i32>} : memref<8x128xf32, #tpu.memory_space<vmem>>, vector<16xf32>,
          %max3A_1827 = arith.maximumf %get3A_1826, %gather3A_1589 : vector<16xf32>
          %get3A_1828 = arith.constant 2 : i32
          %get3A_1829 = arith.index_cast %get3A_1828 : i32 to index
          %get3A_1830 = arith.constant 48 : index
          %get3A_1831 = tpu.vector_load %arg11[%get3A_1829, %get3A_1830] {strides = array<i32>} : memref<8x128xf32, #tpu.memory_space<vmem>>, vector<16xf32>,
          %max3A_1832 = arith.maximumf %get3A_1831, %gather3A_1592 : vector<16xf32>
          %get3A_1833 = arith.constant 3 : i32
          %get3A_1834 = arith.index_cast %get3A_1833 : i32 to index
          %get3A_1835 = arith.constant 48 : index
          %get3A_1836 = tpu.vector_load %arg11[%get3A_1834, %get3A_1835] {strides = array<i32>} : memref<8x128xf32, #tpu.memory_space<vmem>>, vector<16xf32>,
          %min3A_1837 = arith.minimumf %get3A_1836, %gather3A_1595 : vector<16xf32>
          %get3A_1838 = arith.constant 4 : i32
          %get3A_1839 = arith.index_cast %get3A_1838 : i32 to index
          %get3A_1840 = arith.constant 48 : index
          %get3A_1841 = tpu.vector_load %arg11[%get3A_1839, %get3A_1840] {strides = array<i32>} : memref<8x128xf32, #tpu.memory_space<vmem>>, vector<16xf32>,
          %min3A_1842 = arith.minimumf %get3A_1841, %gather3A_1598 : vector<16xf32>
          %get3A_1843 = arith.constant 5 : i32
          %get3A_1844 = arith.index_cast %get3A_1843 : i32 to index
          %get3A_1845 = arith.constant 48 : index
          %get3A_1846 = tpu.vector_load %arg11[%get3A_1844, %get3A_1845] {strides = array<i32>} : memref<8x128xf32, #tpu.memory_space<vmem>>, vector<16xf32>,
          %min3A_1847 = arith.minimumf %get3A_1846, %gather3A_1601 : vector<16xf32>
          %sub3A_1848 = arith.subf %min3A_1837, %max3A_1822 : vector<16xf32>
          %add3A_1849 = arith.constant 1.000000e+00 : f32
          %add3A_1850 = vector.broadcast %add3A_1849 : f32 to vector<16xf32>
          %add3A_1851 = arith.addf %sub3A_1848, %add3A_1850 : vector<16xf32>
          %max3A_1852 = arith.constant 0.000000e+00 : f32
          %max3A_1853 = vector.broadcast %max3A_1852 : f32 to vector<16xf32>
          %max3A_1854 = arith.maximumf %add3A_1851, %max3A_1853 : vector<16xf32>
          %sub3A_1855 = arith.subf %min3A_1842, %max3A_1827 : vector<16xf32>
          %add3A_1856 = arith.constant 1.000000e+00 : f32
          %add3A_1857 = vector.broadcast %add3A_1856 : f32 to vector<16xf32>
          %add3A_1858 = arith.addf %sub3A_1855, %add3A_1857 : vector<16xf32>
          %max3A_1859 = arith.constant 0.000000e+00 : f32
          %max3A_1860 = vector.broadcast %max3A_1859 : f32 to vector<16xf32>
          %max3A_1861 = arith.maximumf %add3A_1858, %max3A_1860 : vector<16xf32>
          %mul3A_1862 = arith.mulf %max3A_1854, %max3A_1861 : vector<16xf32>
          %sub3A_1863 = arith.subf %min3A_1847, %max3A_1832 : vector<16xf32>
          %add3A_1864 = arith.constant 1.000000e+00 : f32
          %add3A_1865 = vector.broadcast %add3A_1864 : f32 to vector<16xf32>
          %add3A_1866 = arith.addf %sub3A_1863, %add3A_1865 : vector<16xf32>
          %max3A_1867 = arith.constant 0.000000e+00 : f32
          %max3A_1868 = vector.broadcast %max3A_1867 : f32 to vector<16xf32>
          %max3A_1869 = arith.maximumf %add3A_1866, %max3A_1868 : vector<16xf32>
          %mul3A_1870 = arith.mulf %mul3A_1862, %max3A_1869 : vector<16xf32>
          %get3A_1871 = arith.constant 6 : i32
          %get3A_1872 = arith.index_cast %get3A_1871 : i32 to index
          %get3A_1873 = arith.constant 48 : index
          %get3A_1874 = tpu.vector_load %arg11[%get3A_1872, %get3A_1873] {strides = array<i32>} : memref<8x128xf32, #tpu.memory_space<vmem>>, vector<16xf32>,
          %add3A_1875 = arith.addf %get3A_1874, %gather3A_1602 : vector<16xf32>
          %sub3A_1876 = arith.subf %add3A_1875, %mul3A_1870 : vector<16xf32>
          %div3A_1877 = arith.divf %mul3A_1870, %sub3A_1876 : vector<16xf32>
          %ge3A_1878 = arith.constant 0.699999988 : f32
          %ge3A_1879 = vector.broadcast %ge3A_1878 : f32 to vector<16xf32>
          %ge3A_1880 = arith.cmpf oge, %div3A_1877, %ge3A_1879 : vector<16xf32>
          %get3A_1881 = arith.constant 7 : i32
          %get3A_1882 = arith.index_cast %get3A_1881 : i32 to index
          %get3A_1883 = arith.constant 48 : index
          %get3A_1884 = tpu.vector_load %arg11[%get3A_1882, %get3A_1883] {strides = array<i32>} : memref<8x128xf32, #tpu.memory_space<vmem>>, vector<16xf32>,
          %jit3A_1885 = arith.constant 0.000000e+00 : f32
          %broadcast_in_dim3A_1886 = vector.broadcast %jit3A_1885 : f32 to vector<16xf32>
          %select_n3A_1887 = arith.select %ge3A_1880, %get3A_1884, %broadcast_in_dim3A_1886 : vector<16xi1>, vector<16xf32>
          %max3A_1888 = arith.maximumf %max3A_1817, %select_n3A_1887 : vector<16xf32>
          %get3A_1889 = arith.constant 0 : i32
          %get3A_1890 = arith.index_cast %get3A_1889 : i32 to index
          %get3A_1891 = arith.constant 64 : index
          %get3A_1892 = tpu.vector_load %arg11[%get3A_1890, %get3A_1891] {strides = array<i32>} : memref<8x128xf32, #tpu.memory_space<vmem>>, vector<16xf32>,
          %max3A_1893 = arith.maximumf %get3A_1892, %gather3A_1586 : vector<16xf32>
          %get3A_1894 = arith.constant 1 : i32
          %get3A_1895 = arith.index_cast %get3A_1894 : i32 to index
          %get3A_1896 = arith.constant 64 : index
          %get3A_1897 = tpu.vector_load %arg11[%get3A_1895, %get3A_1896] {strides = array<i32>} : memref<8x128xf32, #tpu.memory_space<vmem>>, vector<16xf32>,
          %max3A_1898 = arith.maximumf %get3A_1897, %gather3A_1589 : vector<16xf32>
          %get3A_1899 = arith.constant 2 : i32
          %get3A_1900 = arith.index_cast %get3A_1899 : i32 to index
          %get3A_1901 = arith.constant 64 : index
          %get3A_1902 = tpu.vector_load %arg11[%get3A_1900, %get3A_1901] {strides = array<i32>} : memref<8x128xf32, #tpu.memory_space<vmem>>, vector<16xf32>,
          %max3A_1903 = arith.maximumf %get3A_1902, %gather3A_1592 : vector<16xf32>
          %get3A_1904 = arith.constant 3 : i32
          %get3A_1905 = arith.index_cast %get3A_1904 : i32 to index
          %get3A_1906 = arith.constant 64 : index
          %get3A_1907 = tpu.vector_load %arg11[%get3A_1905, %get3A_1906] {strides = array<i32>} : memref<8x128xf32, #tpu.memory_space<vmem>>, vector<16xf32>,
          %min3A_1908 = arith.minimumf %get3A_1907, %gather3A_1595 : vector<16xf32>
          %get3A_1909 = arith.constant 4 : i32
          %get3A_1910 = arith.index_cast %get3A_1909 : i32 to index
          %get3A_1911 = arith.constant 64 : index
          %get3A_1912 = tpu.vector_load %arg11[%get3A_1910, %get3A_1911] {strides = array<i32>} : memref<8x128xf32, #tpu.memory_space<vmem>>, vector<16xf32>,
          %min3A_1913 = arith.minimumf %get3A_1912, %gather3A_1598 : vector<16xf32>
          %get3A_1914 = arith.constant 5 : i32
          %get3A_1915 = arith.index_cast %get3A_1914 : i32 to index
          %get3A_1916 = arith.constant 64 : index
          %get3A_1917 = tpu.vector_load %arg11[%get3A_1915, %get3A_1916] {strides = array<i32>} : memref<8x128xf32, #tpu.memory_space<vmem>>, vector<16xf32>,
          %min3A_1918 = arith.minimumf %get3A_1917, %gather3A_1601 : vector<16xf32>
          %sub3A_1919 = arith.subf %min3A_1908, %max3A_1893 : vector<16xf32>
          %add3A_1920 = arith.constant 1.000000e+00 : f32
          %add3A_1921 = vector.broadcast %add3A_1920 : f32 to vector<16xf32>
          %add3A_1922 = arith.addf %sub3A_1919, %add3A_1921 : vector<16xf32>
          %max3A_1923 = arith.constant 0.000000e+00 : f32
          %max3A_1924 = vector.broadcast %max3A_1923 : f32 to vector<16xf32>
          %max3A_1925 = arith.maximumf %add3A_1922, %max3A_1924 : vector<16xf32>
          %sub3A_1926 = arith.subf %min3A_1913, %max3A_1898 : vector<16xf32>
          %add3A_1927 = arith.constant 1.000000e+00 : f32
          %add3A_1928 = vector.broadcast %add3A_1927 : f32 to vector<16xf32>
          %add3A_1929 = arith.addf %sub3A_1926, %add3A_1928 : vector<16xf32>
          %max3A_1930 = arith.constant 0.000000e+00 : f32
          %max3A_1931 = vector.broadcast %max3A_1930 : f32 to vector<16xf32>
          %max3A_1932 = arith.maximumf %add3A_1929, %max3A_1931 : vector<16xf32>
          %mul3A_1933 = arith.mulf %max3A_1925, %max3A_1932 : vector<16xf32>
          %sub3A_1934 = arith.subf %min3A_1918, %max3A_1903 : vector<16xf32>
          %add3A_1935 = arith.constant 1.000000e+00 : f32
          %add3A_1936 = vector.broadcast %add3A_1935 : f32 to vector<16xf32>
          %add3A_1937 = arith.addf %sub3A_1934, %add3A_1936 : vector<16xf32>
          %max3A_1938 = arith.constant 0.000000e+00 : f32
          %max3A_1939 = vector.broadcast %max3A_1938 : f32 to vector<16xf32>
          %max3A_1940 = arith.maximumf %add3A_1937, %max3A_1939 : vector<16xf32>
          %mul3A_1941 = arith.mulf %mul3A_1933, %max3A_1940 : vector<16xf32>
          %get3A_1942 = arith.constant 6 : i32
          %get3A_1943 = arith.index_cast %get3A_1942 : i32 to index
          %get3A_1944 = arith.constant 64 : index
          %get3A_1945 = tpu.vector_load %arg11[%get3A_1943, %get3A_1944] {strides = array<i32>} : memref<8x128xf32, #tpu.memory_space<vmem>>, vector<16xf32>,
          %add3A_1946 = arith.addf %get3A_1945, %gather3A_1602 : vector<16xf32>
          %sub3A_1947 = arith.subf %add3A_1946, %mul3A_1941 : vector<16xf32>
          %div3A_1948 = arith.divf %mul3A_1941, %sub3A_1947 : vector<16xf32>
          %ge3A_1949 = arith.constant 0.699999988 : f32
          %ge3A_1950 = vector.broadcast %ge3A_1949 : f32 to vector<16xf32>
          %ge3A_1951 = arith.cmpf oge, %div3A_1948, %ge3A_1950 : vector<16xf32>
          %get3A_1952 = arith.constant 7 : i32
          %get3A_1953 = arith.index_cast %get3A_1952 : i32 to index
          %get3A_1954 = arith.constant 64 : index
          %get3A_1955 = tpu.vector_load %arg11[%get3A_1953, %get3A_1954] {strides = array<i32>} : memref<8x128xf32, #tpu.memory_space<vmem>>, vector<16xf32>,
          %jit3A_1956 = arith.constant 0.000000e+00 : f32
          %broadcast_in_dim3A_1957 = vector.broadcast %jit3A_1956 : f32 to vector<16xf32>
          %select_n3A_1958 = arith.select %ge3A_1951, %get3A_1955, %broadcast_in_dim3A_1957 : vector<16xi1>, vector<16xf32>
          %max3A_1959 = arith.maximumf %max3A_1888, %select_n3A_1958 : vector<16xf32>
          %get3A_1960 = arith.constant 0 : i32
          %get3A_1961 = arith.index_cast %get3A_1960 : i32 to index
          %get3A_1962 = arith.constant 80 : index
          %get3A_1963 = tpu.vector_load %arg11[%get3A_1961, %get3A_1962] {strides = array<i32>} : memref<8x128xf32, #tpu.memory_space<vmem>>, vector<16xf32>,
          %max3A_1964 = arith.maximumf %get3A_1963, %gather3A_1586 : vector<16xf32>
          %get3A_1965 = arith.constant 1 : i32
          %get3A_1966 = arith.index_cast %get3A_1965 : i32 to index
          %get3A_1967 = arith.constant 80 : index
          %get3A_1968 = tpu.vector_load %arg11[%get3A_1966, %get3A_1967] {strides = array<i32>} : memref<8x128xf32, #tpu.memory_space<vmem>>, vector<16xf32>,
          %max3A_1969 = arith.maximumf %get3A_1968, %gather3A_1589 : vector<16xf32>
          %get3A_1970 = arith.constant 2 : i32
          %get3A_1971 = arith.index_cast %get3A_1970 : i32 to index
          %get3A_1972 = arith.constant 80 : index
          %get3A_1973 = tpu.vector_load %arg11[%get3A_1971, %get3A_1972] {strides = array<i32>} : memref<8x128xf32, #tpu.memory_space<vmem>>, vector<16xf32>,
          %max3A_1974 = arith.maximumf %get3A_1973, %gather3A_1592 : vector<16xf32>
          %get3A_1975 = arith.constant 3 : i32
          %get3A_1976 = arith.index_cast %get3A_1975 : i32 to index
          %get3A_1977 = arith.constant 80 : index
          %get3A_1978 = tpu.vector_load %arg11[%get3A_1976, %get3A_1977] {strides = array<i32>} : memref<8x128xf32, #tpu.memory_space<vmem>>, vector<16xf32>,
          %min3A_1979 = arith.minimumf %get3A_1978, %gather3A_1595 : vector<16xf32>
          %get3A_1980 = arith.constant 4 : i32
          %get3A_1981 = arith.index_cast %get3A_1980 : i32 to index
          %get3A_1982 = arith.constant 80 : index
          %get3A_1983 = tpu.vector_load %arg11[%get3A_1981, %get3A_1982] {strides = array<i32>} : memref<8x128xf32, #tpu.memory_space<vmem>>, vector<16xf32>,
          %min3A_1984 = arith.minimumf %get3A_1983, %gather3A_1598 : vector<16xf32>
          %get3A_1985 = arith.constant 5 : i32
          %get3A_1986 = arith.index_cast %get3A_1985 : i32 to index
          %get3A_1987 = arith.constant 80 : index
          %get3A_1988 = tpu.vector_load %arg11[%get3A_1986, %get3A_1987] {strides = array<i32>} : memref<8x128xf32, #tpu.memory_space<vmem>>, vector<16xf32>,
          %min3A_1989 = arith.minimumf %get3A_1988, %gather3A_1601 : vector<16xf32>
          %sub3A_1990 = arith.subf %min3A_1979, %max3A_1964 : vector<16xf32>
          %add3A_1991 = arith.constant 1.000000e+00 : f32
          %add3A_1992 = vector.broadcast %add3A_1991 : f32 to vector<16xf32>
          %add3A_1993 = arith.addf %sub3A_1990, %add3A_1992 : vector<16xf32>
          %max3A_1994 = arith.constant 0.000000e+00 : f32
          %max3A_1995 = vector.broadcast %max3A_1994 : f32 to vector<16xf32>
          %max3A_1996 = arith.maximumf %add3A_1993, %max3A_1995 : vector<16xf32>
          %sub3A_1997 = arith.subf %min3A_1984, %max3A_1969 : vector<16xf32>
          %add3A_1998 = arith.constant 1.000000e+00 : f32
          %add3A_1999 = vector.broadcast %add3A_1998 : f32 to vector<16xf32>
          %add3A_2000 = arith.addf %sub3A_1997, %add3A_1999 : vector<16xf32>
          %max3A_2001 = arith.constant 0.000000e+00 : f32
          %max3A_2002 = vector.broadcast %max3A_2001 : f32 to vector<16xf32>
          %max3A_2003 = arith.maximumf %add3A_2000, %max3A_2002 : vector<16xf32>
          %mul3A_2004 = arith.mulf %max3A_1996, %max3A_2003 : vector<16xf32>
          %sub3A_2005 = arith.subf %min3A_1989, %max3A_1974 : vector<16xf32>
          %add3A_2006 = arith.constant 1.000000e+00 : f32
          %add3A_2007 = vector.broadcast %add3A_2006 : f32 to vector<16xf32>
          %add3A_2008 = arith.addf %sub3A_2005, %add3A_2007 : vector<16xf32>
          %max3A_2009 = arith.constant 0.000000e+00 : f32
          %max3A_2010 = vector.broadcast %max3A_2009 : f32 to vector<16xf32>
          %max3A_2011 = arith.maximumf %add3A_2008, %max3A_2010 : vector<16xf32>
          %mul3A_2012 = arith.mulf %mul3A_2004, %max3A_2011 : vector<16xf32>
          %get3A_2013 = arith.constant 6 : i32
          %get3A_2014 = arith.index_cast %get3A_2013 : i32 to index
          %get3A_2015 = arith.constant 80 : index
          %get3A_2016 = tpu.vector_load %arg11[%get3A_2014, %get3A_2015] {strides = array<i32>} : memref<8x128xf32, #tpu.memory_space<vmem>>, vector<16xf32>,
          %add3A_2017 = arith.addf %get3A_2016, %gather3A_1602 : vector<16xf32>
          %sub3A_2018 = arith.subf %add3A_2017, %mul3A_2012 : vector<16xf32>
          %div3A_2019 = arith.divf %mul3A_2012, %sub3A_2018 : vector<16xf32>
          %ge3A_2020 = arith.constant 0.699999988 : f32
          %ge3A_2021 = vector.broadcast %ge3A_2020 : f32 to vector<16xf32>
          %ge3A_2022 = arith.cmpf oge, %div3A_2019, %ge3A_2021 : vector<16xf32>
          %get3A_2023 = arith.constant 7 : i32
          %get3A_2024 = arith.index_cast %get3A_2023 : i32 to index
          %get3A_2025 = arith.constant 80 : index
          %get3A_2026 = tpu.vector_load %arg11[%get3A_2024, %get3A_2025] {strides = array<i32>} : memref<8x128xf32, #tpu.memory_space<vmem>>, vector<16xf32>,
          %jit3A_2027 = arith.constant 0.000000e+00 : f32
          %broadcast_in_dim3A_2028 = vector.broadcast %jit3A_2027 : f32 to vector<16xf32>
          %select_n3A_2029 = arith.select %ge3A_2022, %get3A_2026, %broadcast_in_dim3A_2028 : vector<16xi1>, vector<16xf32>
          %max3A_2030 = arith.maximumf %max3A_1959, %select_n3A_2029 : vector<16xf32>
          %get3A_2031 = arith.constant 0 : i32
          %get3A_2032 = arith.index_cast %get3A_2031 : i32 to index
          %get3A_2033 = arith.constant 96 : index
          %get3A_2034 = tpu.vector_load %arg11[%get3A_2032, %get3A_2033] {strides = array<i32>} : memref<8x128xf32, #tpu.memory_space<vmem>>, vector<16xf32>,
          %max3A_2035 = arith.maximumf %get3A_2034, %gather3A_1586 : vector<16xf32>
          %get3A_2036 = arith.constant 1 : i32
          %get3A_2037 = arith.index_cast %get3A_2036 : i32 to index
          %get3A_2038 = arith.constant 96 : index
          %get3A_2039 = tpu.vector_load %arg11[%get3A_2037, %get3A_2038] {strides = array<i32>} : memref<8x128xf32, #tpu.memory_space<vmem>>, vector<16xf32>,
          %max3A_2040 = arith.maximumf %get3A_2039, %gather3A_1589 : vector<16xf32>
          %get3A_2041 = arith.constant 2 : i32
          %get3A_2042 = arith.index_cast %get3A_2041 : i32 to index
          %get3A_2043 = arith.constant 96 : index
          %get3A_2044 = tpu.vector_load %arg11[%get3A_2042, %get3A_2043] {strides = array<i32>} : memref<8x128xf32, #tpu.memory_space<vmem>>, vector<16xf32>,
          %max3A_2045 = arith.maximumf %get3A_2044, %gather3A_1592 : vector<16xf32>
          %get3A_2046 = arith.constant 3 : i32
          %get3A_2047 = arith.index_cast %get3A_2046 : i32 to index
          %get3A_2048 = arith.constant 96 : index
          %get3A_2049 = tpu.vector_load %arg11[%get3A_2047, %get3A_2048] {strides = array<i32>} : memref<8x128xf32, #tpu.memory_space<vmem>>, vector<16xf32>,
          %min3A_2050 = arith.minimumf %get3A_2049, %gather3A_1595 : vector<16xf32>
          %get3A_2051 = arith.constant 4 : i32
          %get3A_2052 = arith.index_cast %get3A_2051 : i32 to index
          %get3A_2053 = arith.constant 96 : index
          %get3A_2054 = tpu.vector_load %arg11[%get3A_2052, %get3A_2053] {strides = array<i32>} : memref<8x128xf32, #tpu.memory_space<vmem>>, vector<16xf32>,
          %min3A_2055 = arith.minimumf %get3A_2054, %gather3A_1598 : vector<16xf32>
          %get3A_2056 = arith.constant 5 : i32
          %get3A_2057 = arith.index_cast %get3A_2056 : i32 to index
          %get3A_2058 = arith.constant 96 : index
          %get3A_2059 = tpu.vector_load %arg11[%get3A_2057, %get3A_2058] {strides = array<i32>} : memref<8x128xf32, #tpu.memory_space<vmem>>, vector<16xf32>,
          %min3A_2060 = arith.minimumf %get3A_2059, %gather3A_1601 : vector<16xf32>
          %sub3A_2061 = arith.subf %min3A_2050, %max3A_2035 : vector<16xf32>
          %add3A_2062 = arith.constant 1.000000e+00 : f32
          %add3A_2063 = vector.broadcast %add3A_2062 : f32 to vector<16xf32>
          %add3A_2064 = arith.addf %sub3A_2061, %add3A_2063 : vector<16xf32>
          %max3A_2065 = arith.constant 0.000000e+00 : f32
          %max3A_2066 = vector.broadcast %max3A_2065 : f32 to vector<16xf32>
          %max3A_2067 = arith.maximumf %add3A_2064, %max3A_2066 : vector<16xf32>
          %sub3A_2068 = arith.subf %min3A_2055, %max3A_2040 : vector<16xf32>
          %add3A_2069 = arith.constant 1.000000e+00 : f32
          %add3A_2070 = vector.broadcast %add3A_2069 : f32 to vector<16xf32>
          %add3A_2071 = arith.addf %sub3A_2068, %add3A_2070 : vector<16xf32>
          %max3A_2072 = arith.constant 0.000000e+00 : f32
          %max3A_2073 = vector.broadcast %max3A_2072 : f32 to vector<16xf32>
          %max3A_2074 = arith.maximumf %add3A_2071, %max3A_2073 : vector<16xf32>
          %mul3A_2075 = arith.mulf %max3A_2067, %max3A_2074 : vector<16xf32>
          %sub3A_2076 = arith.subf %min3A_2060, %max3A_2045 : vector<16xf32>
          %add3A_2077 = arith.constant 1.000000e+00 : f32
          %add3A_2078 = vector.broadcast %add3A_2077 : f32 to vector<16xf32>
          %add3A_2079 = arith.addf %sub3A_2076, %add3A_2078 : vector<16xf32>
          %max3A_2080 = arith.constant 0.000000e+00 : f32
          %max3A_2081 = vector.broadcast %max3A_2080 : f32 to vector<16xf32>
          %max3A_2082 = arith.maximumf %add3A_2079, %max3A_2081 : vector<16xf32>
          %mul3A_2083 = arith.mulf %mul3A_2075, %max3A_2082 : vector<16xf32>
          %get3A_2084 = arith.constant 6 : i32
          %get3A_2085 = arith.index_cast %get3A_2084 : i32 to index
          %get3A_2086 = arith.constant 96 : index
          %get3A_2087 = tpu.vector_load %arg11[%get3A_2085, %get3A_2086] {strides = array<i32>} : memref<8x128xf32, #tpu.memory_space<vmem>>, vector<16xf32>,
          %add3A_2088 = arith.addf %get3A_2087, %gather3A_1602 : vector<16xf32>
          %sub3A_2089 = arith.subf %add3A_2088, %mul3A_2083 : vector<16xf32>
          %div3A_2090 = arith.divf %mul3A_2083, %sub3A_2089 : vector<16xf32>
          %ge3A_2091 = arith.constant 0.699999988 : f32
          %ge3A_2092 = vector.broadcast %ge3A_2091 : f32 to vector<16xf32>
          %ge3A_2093 = arith.cmpf oge, %div3A_2090, %ge3A_2092 : vector<16xf32>
          %get3A_2094 = arith.constant 7 : i32
          %get3A_2095 = arith.index_cast %get3A_2094 : i32 to index
          %get3A_2096 = arith.constant 96 : index
          %get3A_2097 = tpu.vector_load %arg11[%get3A_2095, %get3A_2096] {strides = array<i32>} : memref<8x128xf32, #tpu.memory_space<vmem>>, vector<16xf32>,
          %jit3A_2098 = arith.constant 0.000000e+00 : f32
          %broadcast_in_dim3A_2099 = vector.broadcast %jit3A_2098 : f32 to vector<16xf32>
          %select_n3A_2100 = arith.select %ge3A_2093, %get3A_2097, %broadcast_in_dim3A_2099 : vector<16xi1>, vector<16xf32>
          %max3A_2101 = arith.maximumf %max3A_2030, %select_n3A_2100 : vector<16xf32>
          %get3A_2102 = arith.constant 0 : i32
          %get3A_2103 = arith.index_cast %get3A_2102 : i32 to index
          %get3A_2104 = arith.constant 112 : index
          %get3A_2105 = tpu.vector_load %arg11[%get3A_2103, %get3A_2104] {strides = array<i32>} : memref<8x128xf32, #tpu.memory_space<vmem>>, vector<16xf32>,
          %max3A_2106 = arith.maximumf %get3A_2105, %gather3A_1586 : vector<16xf32>
          %get3A_2107 = arith.constant 1 : i32
          %get3A_2108 = arith.index_cast %get3A_2107 : i32 to index
          %get3A_2109 = arith.constant 112 : index
          %get3A_2110 = tpu.vector_load %arg11[%get3A_2108, %get3A_2109] {strides = array<i32>} : memref<8x128xf32, #tpu.memory_space<vmem>>, vector<16xf32>,
          %max3A_2111 = arith.maximumf %get3A_2110, %gather3A_1589 : vector<16xf32>
          %get3A_2112 = arith.constant 2 : i32
          %get3A_2113 = arith.index_cast %get3A_2112 : i32 to index
          %get3A_2114 = arith.constant 112 : index
          %get3A_2115 = tpu.vector_load %arg11[%get3A_2113, %get3A_2114] {strides = array<i32>} : memref<8x128xf32, #tpu.memory_space<vmem>>, vector<16xf32>,
          %max3A_2116 = arith.maximumf %get3A_2115, %gather3A_1592 : vector<16xf32>
          %get3A_2117 = arith.constant 3 : i32
          %get3A_2118 = arith.index_cast %get3A_2117 : i32 to index
          %get3A_2119 = arith.constant 112 : index
          %get3A_2120 = tpu.vector_load %arg11[%get3A_2118, %get3A_2119] {strides = array<i32>} : memref<8x128xf32, #tpu.memory_space<vmem>>, vector<16xf32>,
          %min3A_2121 = arith.minimumf %get3A_2120, %gather3A_1595 : vector<16xf32>
          %get3A_2122 = arith.constant 4 : i32
          %get3A_2123 = arith.index_cast %get3A_2122 : i32 to index
          %get3A_2124 = arith.constant 112 : index
          %get3A_2125 = tpu.vector_load %arg11[%get3A_2123, %get3A_2124] {strides = array<i32>} : memref<8x128xf32, #tpu.memory_space<vmem>>, vector<16xf32>,
          %min3A_2126 = arith.minimumf %get3A_2125, %gather3A_1598 : vector<16xf32>
          %get3A_2127 = arith.constant 5 : i32
          %get3A_2128 = arith.index_cast %get3A_2127 : i32 to index
          %get3A_2129 = arith.constant 112 : index
          %get3A_2130 = tpu.vector_load %arg11[%get3A_2128, %get3A_2129] {strides = array<i32>} : memref<8x128xf32, #tpu.memory_space<vmem>>, vector<16xf32>,
          %min3A_2131 = arith.minimumf %get3A_2130, %gather3A_1601 : vector<16xf32>
          %sub3A_2132 = arith.subf %min3A_2121, %max3A_2106 : vector<16xf32>
          %add3A_2133 = arith.constant 1.000000e+00 : f32
          %add3A_2134 = vector.broadcast %add3A_2133 : f32 to vector<16xf32>
          %add3A_2135 = arith.addf %sub3A_2132, %add3A_2134 : vector<16xf32>
          %max3A_2136 = arith.constant 0.000000e+00 : f32
          %max3A_2137 = vector.broadcast %max3A_2136 : f32 to vector<16xf32>
          %max3A_2138 = arith.maximumf %add3A_2135, %max3A_2137 : vector<16xf32>
          %sub3A_2139 = arith.subf %min3A_2126, %max3A_2111 : vector<16xf32>
          %add3A_2140 = arith.constant 1.000000e+00 : f32
          %add3A_2141 = vector.broadcast %add3A_2140 : f32 to vector<16xf32>
          %add3A_2142 = arith.addf %sub3A_2139, %add3A_2141 : vector<16xf32>
          %max3A_2143 = arith.constant 0.000000e+00 : f32
          %max3A_2144 = vector.broadcast %max3A_2143 : f32 to vector<16xf32>
          %max3A_2145 = arith.maximumf %add3A_2142, %max3A_2144 : vector<16xf32>
          %mul3A_2146 = arith.mulf %max3A_2138, %max3A_2145 : vector<16xf32>
          %sub3A_2147 = arith.subf %min3A_2131, %max3A_2116 : vector<16xf32>
          %add3A_2148 = arith.constant 1.000000e+00 : f32
          %add3A_2149 = vector.broadcast %add3A_2148 : f32 to vector<16xf32>
          %add3A_2150 = arith.addf %sub3A_2147, %add3A_2149 : vector<16xf32>
          %max3A_2151 = arith.constant 0.000000e+00 : f32
          %max3A_2152 = vector.broadcast %max3A_2151 : f32 to vector<16xf32>
          %max3A_2153 = arith.maximumf %add3A_2150, %max3A_2152 : vector<16xf32>
          %mul3A_2154 = arith.mulf %mul3A_2146, %max3A_2153 : vector<16xf32>
          %get3A_2155 = arith.constant 6 : i32
          %get3A_2156 = arith.index_cast %get3A_2155 : i32 to index
          %get3A_2157 = arith.constant 112 : index
          %get3A_2158 = tpu.vector_load %arg11[%get3A_2156, %get3A_2157] {strides = array<i32>} : memref<8x128xf32, #tpu.memory_space<vmem>>, vector<16xf32>,
          %add3A_2159 = arith.addf %get3A_2158, %gather3A_1602 : vector<16xf32>
          %sub3A_2160 = arith.subf %add3A_2159, %mul3A_2154 : vector<16xf32>
          %div3A_2161 = arith.divf %mul3A_2154, %sub3A_2160 : vector<16xf32>
          %ge3A_2162 = arith.constant 0.699999988 : f32
          %ge3A_2163 = vector.broadcast %ge3A_2162 : f32 to vector<16xf32>
          %ge3A_2164 = arith.cmpf oge, %div3A_2161, %ge3A_2163 : vector<16xf32>
          %get3A_2165 = arith.constant 7 : i32
          %get3A_2166 = arith.index_cast %get3A_2165 : i32 to index
          %get3A_2167 = arith.constant 112 : index
          %get3A_2168 = tpu.vector_load %arg11[%get3A_2166, %get3A_2167] {strides = array<i32>} : memref<8x128xf32, #tpu.memory_space<vmem>>, vector<16xf32>,
          %jit3A_2169 = arith.constant 0.000000e+00 : f32
          %broadcast_in_dim3A_2170 = vector.broadcast %jit3A_2169 : f32 to vector<16xf32>
          %select_n3A_2171 = arith.select %ge3A_2164, %get3A_2168, %broadcast_in_dim3A_2170 : vector<16xi1>, vector<16xf32>
          %max3A_2172 = arith.maximumf %max3A_2101, %select_n3A_2171 : vector<16xf32>
          %reduce_max3A_2173 = arith.constant true
          %reduce_max3A_2174 = vector.broadcast %reduce_max3A_2173 : i1 to vector<16xi1>
          %reduce_max3A_2175 = tpu.scan <max>, %max3A_2172 masked %reduce_max3A_2174 : vector<16xf32>, vector<16xi1> -> vector<16xf32>
          %reduce_max3A_2176 = vector.extract %reduce_max3A_2175[15] : f32 from vector<16xf32>
          scf.yield %reduce_max3A_1506, %reduce_min3A_1582, %reduce_min3A_1561, %get3A_1565, %reduce_max3A_2176, %select_n3A_1474, %select_n3A_1480, %select_n3A_1486, %select_n3A_1492, %select_n3A_1498 : f32, i32, i32, vector<16xf32>, f32, vector<16xf32>, vector<16xf32>, vector<16xf32>, vector<16xf32>, vector<16xf32>
        }
        %add3A_1125 = arith.addi %mul3A_2, %while3A#1 : i32
        %sub3A_1126 = arith.constant 2 : i32
        %sub3A_1127 = vector.broadcast %sub3A_1126 : i32 to vector<16xi32>
        %sub3A_1128 = arith.subi %iota3A, %sub3A_1127 : vector<16xi32>
        %jit3A_1129 = arith.constant 0 : i32
        %jit3A_1130 = arith.constant 5 : i32
        %max3A_1131 = vector.broadcast %jit3A_1129 : i32 to vector<16xi32>
        %max3A_1132 = arith.maxsi %max3A_1131, %sub3A_1128 : vector<16xi32>
        %min3A_1133 = vector.broadcast %jit3A_1130 : i32 to vector<16xi32>
        %min3A_1134 = arith.minsi %min3A_1133, %max3A_1132 : vector<16xi32>
        %broadcast_in_dim3A_1135 = vector.broadcast %while3A#1 : i32 to vector<16xi32>
        %gather3A_1136 = tpu.vector_load_idx %arg8[%min3A_1134, %broadcast_in_dim3A_1135] : memref<6x1280xf32, #tpu.memory_space<vmem>>[vector<16xi32>, vector<16xi32>], vector<16xf32>,
        %eq3A_1137 = arith.constant 0 : i32
        %eq3A_1138 = vector.broadcast %eq3A_1137 : i32 to vector<16xi32>
        %eq3A_1139 = arith.cmpi eq, %iota3A, %eq3A_1138 : vector<16xi32>
        %eq3A_1140 = arith.constant 1 : i32
        %eq3A_1141 = vector.broadcast %eq3A_1140 : i32 to vector<16xi32>
        %eq3A_1142 = arith.cmpi eq, %iota3A, %eq3A_1141 : vector<16xi32>
        %convert_element_type3A_1143 = arith.sitofp %add3A_1125 : i32 to f32
        %broadcast_in_dim3A_1144 = vector.broadcast %convert_element_type3A_1143 : f32 to vector<16xf32>
        %select_n3A_1145 = arith.select %eq3A_1142, %broadcast_in_dim3A_1144, %gather3A_1136 : vector<16xi1>, vector<16xf32>
        %broadcast_in_dim3A_1146 = vector.broadcast %while3A#0 : f32 to vector<16xf32>
        %select_n3A_1147 = arith.select %eq3A_1139, %broadcast_in_dim3A_1146, %select_n3A_1145 : vector<16xi1>, vector<16xf32>
        %swap3A_1148 = arith.constant 0 : index
        %swap3A_1149 = tpu.vector_load %arg12[%swap3A_1148] {strides = array<i32>} : memref<16xf32, #tpu.memory_space<vmem>>, vector<16xf32>,
        tpu.vector_store %arg12[%swap3A_1148], %select_n3A_1147 {strides = array<i32>} : memref<16xf32, #tpu.memory_space<vmem>>, vector<16xf32>,
        %rem3A = arith.constant 2 : i32
        %rem3A_1150 = arith.remsi %scan3A_445, %rem3A : i32
        %mul3A_1151 = arith.constant 32 : i32
        %mul3A_1152 = arith.muli %rem3A_1150, %mul3A_1151 : i32
        %add3A_1153 = arith.addi %arg1, %mul3A_1152 : i32
        "tpu.region"() ({
          %run_scoped3A_1411 = tpu.sem_alloc : memref<!tpu.dma_semaphore, #tpu.memory_space<semaphore_mem>>
          %dma_start3A = arith.constant 0 : i32
          %dma_start3A_1412 = tpu.memref_slice %arg15[%add3A_1153, %dma_start3A] : memref<128x16xf32, #tpu.memory_space<vmem_shared>> -> memref<1x16xf32, #tpu.memory_space<vmem_shared>>
          %dma_start3A_1413 = tpu.memref_squeeze %dma_start3A_1412 : memref<1x16xf32, #tpu.memory_space<vmem_shared>> -> memref<16xf32, #tpu.memory_space<vmem_shared>>
          %dma_start3A_1414 = arith.constant 0 : i32
          %dma_start3A_1415 = tpu.memref_slice %arg15[%add3A_1153, %dma_start3A_1414] : memref<128x16xf32, #tpu.memory_space<vmem_shared>> -> memref<1x16xf32, #tpu.memory_space<vmem_shared>>
          %dma_start3A_1416 = tpu.memref_squeeze %dma_start3A_1415 : memref<1x16xf32, #tpu.memory_space<vmem_shared>> -> memref<16xf32, #tpu.memory_space<vmem_shared>>
          tpu.enqueue_dma source(%arg12 : memref<16xf32, #tpu.memory_space<vmem>>) target(%dma_start3A_1416 : memref<16xf32, #tpu.memory_space<vmem_shared>>) target_semaphore(%run_scoped3A_1411 : memref<!tpu.dma_semaphore, #tpu.memory_space<semaphore_mem>>)
          %dma_wait3A = arith.constant 0 : i32
          %dma_wait3A_1417 = tpu.memref_slice %arg15[%add3A_1153, %dma_wait3A] : memref<128x16xf32, #tpu.memory_space<vmem_shared>> -> memref<1x16xf32, #tpu.memory_space<vmem_shared>>
          %dma_wait3A_1418 = tpu.memref_squeeze %dma_wait3A_1417 : memref<1x16xf32, #tpu.memory_space<vmem_shared>> -> memref<16xf32, #tpu.memory_space<vmem_shared>>
          %dma_wait3A_1419 = arith.constant 0 : i32
          %dma_wait3A_1420 = tpu.memref_slice %arg15[%add3A_1153, %dma_wait3A_1419] : memref<128x16xf32, #tpu.memory_space<vmem_shared>> -> memref<1x16xf32, #tpu.memory_space<vmem_shared>>
          %dma_wait3A_1421 = tpu.memref_squeeze %dma_wait3A_1420 : memref<1x16xf32, #tpu.memory_space<vmem_shared>> -> memref<16xf32, #tpu.memory_space<vmem_shared>>
          tpu.wait_dma2 semaphore(%run_scoped3A_1411 : memref<!tpu.dma_semaphore, #tpu.memory_space<semaphore_mem>>) src(%arg12 : memref<16xf32, #tpu.memory_space<vmem>>) dst(%dma_wait3A_1421 : memref<16xf32, #tpu.memory_space<vmem_shared>>)
          tpu.yield
        }) : () -> ()
        %barrier3A = arith.constant 0 : index
        tpu.barrier barrier_id(%barrier3A)
        %rem3A_1154 = arith.constant 2 : i32
        %rem3A_1155 = arith.remsi %scan3A_445, %rem3A_1154 : i32
        %mul3A_1156 = arith.constant 32 : i32
        %mul3A_1157 = arith.muli %rem3A_1155, %mul3A_1156 : i32
        "tpu.region"() ({
          %run_scoped3A_1411 = tpu.sem_alloc : memref<!tpu.dma_semaphore, #tpu.memory_space<semaphore_mem>>
          %dma_start3A = arith.constant 0 : i32
          %dma_start3A_1412 = tpu.memref_slice %arg15[%mul3A_1157, %dma_start3A] : memref<128x16xf32, #tpu.memory_space<vmem_shared>> -> memref<16x16xf32, #tpu.memory_space<vmem_shared>>
          %dma_start3A_1413 = arith.constant 0 : i32
          %dma_start3A_1414 = tpu.memref_slice %arg15[%mul3A_1157, %dma_start3A_1413] : memref<128x16xf32, #tpu.memory_space<vmem_shared>> -> memref<16x16xf32, #tpu.memory_space<vmem_shared>>
          tpu.enqueue_dma source(%dma_start3A_1414 : memref<16x16xf32, #tpu.memory_space<vmem_shared>>) target(%arg13 : memref<16x16xf32, #tpu.memory_space<vmem>>) target_semaphore(%run_scoped3A_1411 : memref<!tpu.dma_semaphore, #tpu.memory_space<semaphore_mem>>)
          %dma_wait3A = arith.constant 0 : i32
          %dma_wait3A_1415 = tpu.memref_slice %arg15[%mul3A_1157, %dma_wait3A] : memref<128x16xf32, #tpu.memory_space<vmem_shared>> -> memref<16x16xf32, #tpu.memory_space<vmem_shared>>
          %dma_wait3A_1416 = arith.constant 0 : i32
          %dma_wait3A_1417 = tpu.memref_slice %arg15[%mul3A_1157, %dma_wait3A_1416] : memref<128x16xf32, #tpu.memory_space<vmem_shared>> -> memref<16x16xf32, #tpu.memory_space<vmem_shared>>
          tpu.wait_dma2 semaphore(%run_scoped3A_1411 : memref<!tpu.dma_semaphore, #tpu.memory_space<semaphore_mem>>) src(%dma_wait3A_1417 : memref<16x16xf32, #tpu.memory_space<vmem_shared>>) dst(%arg13 : memref<16x16xf32, #tpu.memory_space<vmem>>)
          tpu.yield
        }) : () -> ()
        %broadcast_in_dim3A_1158 = arith.constant 0 : i32
        %broadcast_in_dim3A_1159 = vector.broadcast %broadcast_in_dim3A_1158 : i32 to vector<16xi32>
        %gather3A_1160 = tpu.vector_load_idx %arg13[%iota3A, %broadcast_in_dim3A_1159] : memref<16x16xf32, #tpu.memory_space<vmem>>[vector<16xi32>, vector<16xi32>], vector<16xf32>,
        %reduce_max3A_1161 = arith.constant true
        %reduce_max3A_1162 = vector.broadcast %reduce_max3A_1161 : i1 to vector<16xi1>
        %reduce_max3A_1163 = tpu.scan <max>, %gather3A_1160 masked %reduce_max3A_1162 : vector<16xf32>, vector<16xi1> -> vector<16xf32>
        %reduce_max3A_1164 = vector.extract %reduce_max3A_1163[15] : f32 from vector<16xf32>
        %eq3A_1165 = vector.broadcast %reduce_max3A_1164 : f32 to vector<16xf32>
        %eq3A_1166 = arith.cmpf oeq, %gather3A_1160, %eq3A_1165 : vector<16xf32>
        %jit3A_1167 = arith.constant 16 : i32
        %broadcast_in_dim3A_1168 = vector.broadcast %jit3A_1167 : i32 to vector<16xi32>
        %select_n3A_1169 = arith.select %eq3A_1166, %iota3A, %broadcast_in_dim3A_1168 : vector<16xi1>, vector<16xi32>
        %reduce_min3A_1170 = arith.constant true
        %reduce_min3A_1171 = vector.broadcast %reduce_min3A_1170 : i1 to vector<16xi1>
        %reduce_min3A_1172 = arith.constant -2147483648 : i32
        %reduce_min3A_1173 = vector.broadcast %reduce_min3A_1172 : i32 to vector<16xi32>
        %reduce_min3A_1174 = arith.xori %select_n3A_1169, %reduce_min3A_1173 : vector<16xi32>
        %reduce_min3A_1175 = tpu.scan <min>, %reduce_min3A_1174 masked %reduce_min3A_1171 : vector<16xi32>, vector<16xi1> -> vector<16xi32>
        %reduce_min3A_1176 = arith.xori %reduce_min3A_1175, %reduce_min3A_1173 : vector<16xi32>
        %reduce_min3A_1177 = vector.extract %reduce_min3A_1176[15] : i32 from vector<16xi32>
        %ge3A_1178 = arith.constant 0.000000e+00 : f32
        %ge3A_1179 = arith.cmpf oge, %reduce_max3A_1164, %ge3A_1178 : f32
        %jit3A_1180 = arith.constant 1.000000e+00 : f32
        %jit3A_1181 = arith.constant 0.000000e+00 : f32
        %select_n3A_1182 = arith.select %ge3A_1179, %jit3A_1180, %jit3A_1181 : f32
        %broadcast_in_dim3A_1183 = vector.broadcast %reduce_min3A_1177 : i32 to vector<16xi32>
        %broadcast_in_dim3A_1184 = arith.constant 2 : i32
        %broadcast_in_dim3A_1185 = vector.broadcast %broadcast_in_dim3A_1184 : i32 to vector<16xi32>
        %gather3A_1186 = tpu.vector_load_idx %arg13[%broadcast_in_dim3A_1183, %broadcast_in_dim3A_1185] : memref<16x16xf32, #tpu.memory_space<vmem>>[vector<16xi32>, vector<16xi32>], vector<16xf32>,
        %broadcast_in_dim3A_1187 = arith.constant 3 : i32
        %broadcast_in_dim3A_1188 = vector.broadcast %broadcast_in_dim3A_1187 : i32 to vector<16xi32>
        %gather3A_1189 = tpu.vector_load_idx %arg13[%broadcast_in_dim3A_1183, %broadcast_in_dim3A_1188] : memref<16x16xf32, #tpu.memory_space<vmem>>[vector<16xi32>, vector<16xi32>], vector<16xf32>,
        %broadcast_in_dim3A_1190 = arith.constant 4 : i32
        %broadcast_in_dim3A_1191 = vector.broadcast %broadcast_in_dim3A_1190 : i32 to vector<16xi32>
        %gather3A_1192 = tpu.vector_load_idx %arg13[%broadcast_in_dim3A_1183, %broadcast_in_dim3A_1191] : memref<16x16xf32, #tpu.memory_space<vmem>>[vector<16xi32>, vector<16xi32>], vector<16xf32>,
        %broadcast_in_dim3A_1193 = arith.constant 5 : i32
        %broadcast_in_dim3A_1194 = vector.broadcast %broadcast_in_dim3A_1193 : i32 to vector<16xi32>
        %gather3A_1195 = tpu.vector_load_idx %arg13[%broadcast_in_dim3A_1183, %broadcast_in_dim3A_1194] : memref<16x16xf32, #tpu.memory_space<vmem>>[vector<16xi32>, vector<16xi32>], vector<16xf32>,
        %broadcast_in_dim3A_1196 = arith.constant 6 : i32
        %broadcast_in_dim3A_1197 = vector.broadcast %broadcast_in_dim3A_1196 : i32 to vector<16xi32>
        %gather3A_1198 = tpu.vector_load_idx %arg13[%broadcast_in_dim3A_1183, %broadcast_in_dim3A_1197] : memref<16x16xf32, #tpu.memory_space<vmem>>[vector<16xi32>, vector<16xi32>], vector<16xf32>,
        %broadcast_in_dim3A_1199 = arith.constant 7 : i32
        %broadcast_in_dim3A_1200 = vector.broadcast %broadcast_in_dim3A_1199 : i32 to vector<16xi32>
        %gather3A_1201 = tpu.vector_load_idx %arg13[%broadcast_in_dim3A_1183, %broadcast_in_dim3A_1200] : memref<16x16xf32, #tpu.memory_space<vmem>>[vector<16xi32>, vector<16xi32>], vector<16xf32>,
        %sub3A_1202 = arith.subf %gather3A_1195, %gather3A_1186 : vector<16xf32>
        %add3A_1203 = arith.constant 1.000000e+00 : f32
        %add3A_1204 = vector.broadcast %add3A_1203 : f32 to vector<16xf32>
        %add3A_1205 = arith.addf %sub3A_1202, %add3A_1204 : vector<16xf32>
        %sub3A_1206 = arith.subf %gather3A_1198, %gather3A_1189 : vector<16xf32>
        %add3A_1207 = arith.constant 1.000000e+00 : f32
        %add3A_1208 = vector.broadcast %add3A_1207 : f32 to vector<16xf32>
        %add3A_1209 = arith.addf %sub3A_1206, %add3A_1208 : vector<16xf32>
        %mul3A_1210 = arith.mulf %add3A_1205, %add3A_1209 : vector<16xf32>
        %sub3A_1211 = arith.subf %gather3A_1201, %gather3A_1192 : vector<16xf32>
        %add3A_1212 = arith.constant 1.000000e+00 : f32
        %add3A_1213 = vector.broadcast %add3A_1212 : f32 to vector<16xf32>
        %add3A_1214 = arith.addf %sub3A_1211, %add3A_1213 : vector<16xf32>
        %mul3A_1215 = arith.mulf %mul3A_1210, %add3A_1214 : vector<16xf32>
        %rem3A_1216 = arith.constant 16 : i32
        %rem3A_1217 = arith.remsi %scan3A_445, %rem3A_1216 : i32
        %jit3A_1218 = arith.constant 16 : i32
        %div3A_1219 = arith.divsi %scan3A_445, %jit3A_1218 : i32
        %sign3A = arith.constant 0 : i32
        %sign3A_1220 = arith.cmpi sgt, %scan3A_445, %sign3A : i32
        %sign3A_1221 = arith.extui %sign3A_1220 : i1 to i32
        %sign3A_1222 = arith.constant 0 : i32
        %sign3A_1223 = arith.cmpi slt, %scan3A_445, %sign3A_1222 : i32
        %sign3A_1224 = arith.extui %sign3A_1223 : i1 to i32
        %sign3A_1225 = arith.subi %sign3A_1221, %sign3A_1224 : i32
        %sign3A_1226 = arith.constant 0 : i32
        %sign3A_1227 = arith.cmpi sgt, %jit3A_1218, %sign3A_1226 : i32
        %sign3A_1228 = arith.extui %sign3A_1227 : i1 to i32
        %sign3A_1229 = arith.constant 0 : i32
        %sign3A_1230 = arith.cmpi slt, %jit3A_1218, %sign3A_1229 : i32
        %sign3A_1231 = arith.extui %sign3A_1230 : i1 to i32
        %sign3A_1232 = arith.subi %sign3A_1228, %sign3A_1231 : i32
        %ne3A = arith.cmpi ne, %sign3A_1225, %sign3A_1232 : i32
        %rem3A_1233 = arith.remsi %scan3A_445, %jit3A_1218 : i32
        %ne3A_1234 = arith.constant 0 : i32
        %ne3A_1235 = arith.cmpi ne, %rem3A_1233, %ne3A_1234 : i32
        %and3A = arith.andi %ne3A, %ne3A_1235 : i1
        %sub3A_1236 = arith.constant 1 : i32
        %sub3A_1237 = arith.subi %div3A_1219, %sub3A_1236 : i32
        %select_n3A_1238 = arith.select %and3A, %sub3A_1237, %div3A_1219 : i32
        %eq3A_1239 = vector.broadcast %rem3A_1217 : i32 to vector<16xi32>
        %eq3A_1240 = arith.cmpi eq, %iota3A, %eq3A_1239 : vector<16xi32>
        %select_n3A_1241 = arith.select %eq3A_1240, %gather3A_1186, %scan3A_451 : vector<16xi1>, vector<16xf32>
        %select_n3A_1242 = arith.select %eq3A_1240, %gather3A_1189, %scan3A_452 : vector<16xi1>, vector<16xf32>
        %select_n3A_1243 = arith.select %eq3A_1240, %gather3A_1192, %scan3A_453 : vector<16xi1>, vector<16xf32>
        %select_n3A_1244 = arith.select %eq3A_1240, %gather3A_1195, %scan3A_454 : vector<16xi1>, vector<16xf32>
        %select_n3A_1245 = arith.select %eq3A_1240, %gather3A_1198, %scan3A_455 : vector<16xi1>, vector<16xf32>
        %select_n3A_1246 = arith.select %eq3A_1240, %gather3A_1201, %scan3A_456 : vector<16xi1>, vector<16xf32>
        %select_n3A_1247 = arith.select %eq3A_1240, %mul3A_1215, %scan3A_457 : vector<16xi1>, vector<16xf32>
        %broadcast_in_dim3A_1248 = vector.broadcast %select_n3A_1182 : f32 to vector<16xf32>
        %select_n3A_1249 = arith.select %eq3A_1240, %broadcast_in_dim3A_1248, %scan3A_458 : vector<16xi1>, vector<16xf32>
        %mul3A_1250 = arith.constant 16 : i32
        %mul3A_1251 = arith.muli %select_n3A_1238, %mul3A_1250 : i32
        %swap3A_1252 = arith.constant 0 : i32
        %swap3A_1253 = arith.index_cast %swap3A_1252 : i32 to index
        %swap3A_1254 = arith.index_cast %mul3A_1251 : i32 to index
        %swap3A_1255 = tpu.vector_load %arg11[%swap3A_1253, %swap3A_1254] {strides = array<i32>} : memref<8x128xf32, #tpu.memory_space<vmem>>, vector<16xf32>,
        tpu.vector_store %arg11[%swap3A_1253, %swap3A_1254], %select_n3A_1241 {strides = array<i32>} : memref<8x128xf32, #tpu.memory_space<vmem>>, vector<16xf32>,
        %mul3A_1256 = arith.constant 16 : i32
        %mul3A_1257 = arith.muli %select_n3A_1238, %mul3A_1256 : i32
        %swap3A_1258 = arith.constant 1 : i32
        %swap3A_1259 = arith.index_cast %swap3A_1258 : i32 to index
        %swap3A_1260 = arith.index_cast %mul3A_1257 : i32 to index
        %swap3A_1261 = tpu.vector_load %arg11[%swap3A_1259, %swap3A_1260] {strides = array<i32>} : memref<8x128xf32, #tpu.memory_space<vmem>>, vector<16xf32>,
        tpu.vector_store %arg11[%swap3A_1259, %swap3A_1260], %select_n3A_1242 {strides = array<i32>} : memref<8x128xf32, #tpu.memory_space<vmem>>, vector<16xf32>,
        %mul3A_1262 = arith.constant 16 : i32
        %mul3A_1263 = arith.muli %select_n3A_1238, %mul3A_1262 : i32
        %swap3A_1264 = arith.constant 2 : i32
        %swap3A_1265 = arith.index_cast %swap3A_1264 : i32 to index
        %swap3A_1266 = arith.index_cast %mul3A_1263 : i32 to index
        %swap3A_1267 = tpu.vector_load %arg11[%swap3A_1265, %swap3A_1266] {strides = array<i32>} : memref<8x128xf32, #tpu.memory_space<vmem>>, vector<16xf32>,
        tpu.vector_store %arg11[%swap3A_1265, %swap3A_1266], %select_n3A_1243 {strides = array<i32>} : memref<8x128xf32, #tpu.memory_space<vmem>>, vector<16xf32>,
        %mul3A_1268 = arith.constant 16 : i32
        %mul3A_1269 = arith.muli %select_n3A_1238, %mul3A_1268 : i32
        %swap3A_1270 = arith.constant 3 : i32
        %swap3A_1271 = arith.index_cast %swap3A_1270 : i32 to index
        %swap3A_1272 = arith.index_cast %mul3A_1269 : i32 to index
        %swap3A_1273 = tpu.vector_load %arg11[%swap3A_1271, %swap3A_1272] {strides = array<i32>} : memref<8x128xf32, #tpu.memory_space<vmem>>, vector<16xf32>,
        tpu.vector_store %arg11[%swap3A_1271, %swap3A_1272], %select_n3A_1244 {strides = array<i32>} : memref<8x128xf32, #tpu.memory_space<vmem>>, vector<16xf32>,
        %mul3A_1274 = arith.constant 16 : i32
        %mul3A_1275 = arith.muli %select_n3A_1238, %mul3A_1274 : i32
        %swap3A_1276 = arith.constant 4 : i32
        %swap3A_1277 = arith.index_cast %swap3A_1276 : i32 to index
        %swap3A_1278 = arith.index_cast %mul3A_1275 : i32 to index
        %swap3A_1279 = tpu.vector_load %arg11[%swap3A_1277, %swap3A_1278] {strides = array<i32>} : memref<8x128xf32, #tpu.memory_space<vmem>>, vector<16xf32>,
        tpu.vector_store %arg11[%swap3A_1277, %swap3A_1278], %select_n3A_1245 {strides = array<i32>} : memref<8x128xf32, #tpu.memory_space<vmem>>, vector<16xf32>,
        %mul3A_1280 = arith.constant 16 : i32
        %mul3A_1281 = arith.muli %select_n3A_1238, %mul3A_1280 : i32
        %swap3A_1282 = arith.constant 5 : i32
        %swap3A_1283 = arith.index_cast %swap3A_1282 : i32 to index
        %swap3A_1284 = arith.index_cast %mul3A_1281 : i32 to index
        %swap3A_1285 = tpu.vector_load %arg11[%swap3A_1283, %swap3A_1284] {strides = array<i32>} : memref<8x128xf32, #tpu.memory_space<vmem>>, vector<16xf32>,
        tpu.vector_store %arg11[%swap3A_1283, %swap3A_1284], %select_n3A_1246 {strides = array<i32>} : memref<8x128xf32, #tpu.memory_space<vmem>>, vector<16xf32>,
        %mul3A_1286 = arith.constant 16 : i32
        %mul3A_1287 = arith.muli %select_n3A_1238, %mul3A_1286 : i32
        %swap3A_1288 = arith.constant 6 : i32
        %swap3A_1289 = arith.index_cast %swap3A_1288 : i32 to index
        %swap3A_1290 = arith.index_cast %mul3A_1287 : i32 to index
        %swap3A_1291 = tpu.vector_load %arg11[%swap3A_1289, %swap3A_1290] {strides = array<i32>} : memref<8x128xf32, #tpu.memory_space<vmem>>, vector<16xf32>,
        tpu.vector_store %arg11[%swap3A_1289, %swap3A_1290], %select_n3A_1247 {strides = array<i32>} : memref<8x128xf32, #tpu.memory_space<vmem>>, vector<16xf32>,
        %mul3A_1292 = arith.constant 16 : i32
        %mul3A_1293 = arith.muli %select_n3A_1238, %mul3A_1292 : i32
        %swap3A_1294 = arith.constant 7 : i32
        %swap3A_1295 = arith.index_cast %swap3A_1294 : i32 to index
        %swap3A_1296 = arith.index_cast %mul3A_1293 : i32 to index
        %swap3A_1297 = tpu.vector_load %arg11[%swap3A_1295, %swap3A_1296] {strides = array<i32>} : memref<8x128xf32, #tpu.memory_space<vmem>>, vector<16xf32>,
        tpu.vector_store %arg11[%swap3A_1295, %swap3A_1296], %select_n3A_1249 {strides = array<i32>} : memref<8x128xf32, #tpu.memory_space<vmem>>, vector<16xf32>,
        %add3A_1298 = arith.constant 1 : i32
        %add3A_1299 = arith.addi %scan3A_445, %add3A_1298 : i32
        %rem3A_1300 = arith.constant 16 : i32
        %rem3A_1301 = arith.remsi %add3A_1299, %rem3A_1300 : i32
        %eq3A_1302 = arith.constant 0 : i32
        %eq3A_1303 = arith.cmpi eq, %rem3A_1301, %eq3A_1302 : i32
        %jit3A_1304 = arith.constant 0.000000e+00 : f32
        %broadcast_in_dim3A_1305 = vector.broadcast %jit3A_1304 : f32 to vector<16xf32>
        %select_n3A_1306 = arith.select %eq3A_1303, %broadcast_in_dim3A_1305, %select_n3A_1241 : vector<16xf32>
        %jit3A_1307 = arith.constant 0.000000e+00 : f32
        %broadcast_in_dim3A_1308 = vector.broadcast %jit3A_1307 : f32 to vector<16xf32>
        %select_n3A_1309 = arith.select %eq3A_1303, %broadcast_in_dim3A_1308, %select_n3A_1242 : vector<16xf32>
        %jit3A_1310 = arith.constant 0.000000e+00 : f32
        %broadcast_in_dim3A_1311 = vector.broadcast %jit3A_1310 : f32 to vector<16xf32>
        %select_n3A_1312 = arith.select %eq3A_1303, %broadcast_in_dim3A_1311, %select_n3A_1243 : vector<16xf32>
        %jit3A_1313 = arith.constant 0.000000e+00 : f32
        %broadcast_in_dim3A_1314 = vector.broadcast %jit3A_1313 : f32 to vector<16xf32>
        %select_n3A_1315 = arith.select %eq3A_1303, %broadcast_in_dim3A_1314, %select_n3A_1244 : vector<16xf32>
        %jit3A_1316 = arith.constant 0.000000e+00 : f32
        %broadcast_in_dim3A_1317 = vector.broadcast %jit3A_1316 : f32 to vector<16xf32>
        %select_n3A_1318 = arith.select %eq3A_1303, %broadcast_in_dim3A_1317, %select_n3A_1245 : vector<16xf32>
        %jit3A_1319 = arith.constant 0.000000e+00 : f32
        %broadcast_in_dim3A_1320 = vector.broadcast %jit3A_1319 : f32 to vector<16xf32>
        %select_n3A_1321 = arith.select %eq3A_1303, %broadcast_in_dim3A_1320, %select_n3A_1246 : vector<16xf32>
        %jit3A_1322 = arith.constant 0.000000e+00 : f32
        %broadcast_in_dim3A_1323 = vector.broadcast %jit3A_1322 : f32 to vector<16xf32>
        %select_n3A_1324 = arith.select %eq3A_1303, %broadcast_in_dim3A_1323, %select_n3A_1247 : vector<16xf32>
        %jit3A_1325 = arith.constant 0.000000e+00 : f32
        %broadcast_in_dim3A_1326 = vector.broadcast %jit3A_1325 : f32 to vector<16xf32>
        %select_n3A_1327 = arith.select %eq3A_1303, %broadcast_in_dim3A_1326, %select_n3A_1249 : vector<16xf32>
        %eq3A_1328 = arith.cmpi eq, %reduce_min3A_1177, %arg1 : i32
        %mul3A_1329 = arith.constant 16 : i32
        %mul3A_1330 = arith.muli %while3A#2, %mul3A_1329 : i32
        %add3A_1331 = vector.broadcast %mul3A_1330 : i32 to vector<16xi32>
        %add3A_1332 = arith.addi %add3A_1331, %iota3A : vector<16xi32>
        %eq3A_1333 = vector.broadcast %while3A#1 : i32 to vector<16xi32>
        %eq3A_1334 = arith.cmpi eq, %add3A_1332, %eq3A_1333 : vector<16xi32>
        %and3A_1335 = vector.broadcast %eq3A_1328 : i1 to vector<16xi1>
        %and3A_1336 = arith.andi %and3A_1335, %eq3A_1334 : vector<16xi1>
        %jit3A_1337 = arith.constant -1.000000e+00 : f32
        %broadcast_in_dim3A_1338 = vector.broadcast %jit3A_1337 : f32 to vector<16xf32>
        %select_n3A_1339 = arith.select %and3A_1336, %broadcast_in_dim3A_1338, %while3A#3 : vector<16xi1>, vector<16xf32>
        %mul3A_1340 = arith.constant 16 : i32
        %mul3A_1341 = arith.muli %while3A#2, %mul3A_1340 : i32
        %swap3A_1342 = arith.index_cast %mul3A_1341 : i32 to index
        %swap3A_1343 = tpu.vector_load %arg10[%swap3A_1342] {strides = array<i32>} : memref<1280xf32, #tpu.memory_space<vmem>>, vector<16xf32>,
        tpu.vector_store %arg10[%swap3A_1342], %select_n3A_1339 {strides = array<i32>} : memref<1280xf32, #tpu.memory_space<vmem>>, vector<16xf32>,
        %reduce_max3A_1344 = arith.constant true
        %reduce_max3A_1345 = vector.broadcast %reduce_max3A_1344 : i1 to vector<16xi1>
        %reduce_max3A_1346 = tpu.scan <max>, %select_n3A_1339 masked %reduce_max3A_1345 : vector<16xf32>, vector<16xi1> -> vector<16xf32>
        %reduce_max3A_1347 = vector.extract %reduce_max3A_1346[15] : f32 from vector<16xf32>
        %rem3A_1348 = arith.constant 16 : i32
        %rem3A_1349 = arith.remsi %while3A#2, %rem3A_1348 : i32
        %eq3A_1350 = vector.broadcast %rem3A_1349 : i32 to vector<16xi32>
        %eq3A_1351 = arith.cmpi eq, %iota3A, %eq3A_1350 : vector<16xi32>
        %jit3A_1352 = arith.constant 16 : i32
        %div3A_1353 = arith.divsi %while3A#2, %jit3A_1352 : i32
        %sign3A_1354 = arith.constant 0 : i32
        %sign3A_1355 = arith.cmpi sgt, %while3A#2, %sign3A_1354 : i32
        %sign3A_1356 = arith.extui %sign3A_1355 : i1 to i32
        %sign3A_1357 = arith.constant 0 : i32
        %sign3A_1358 = arith.cmpi slt, %while3A#2, %sign3A_1357 : i32
        %sign3A_1359 = arith.extui %sign3A_1358 : i1 to i32
        %sign3A_1360 = arith.subi %sign3A_1356, %sign3A_1359 : i32
        %sign3A_1361 = arith.constant 0 : i32
        %sign3A_1362 = arith.cmpi sgt, %jit3A_1352, %sign3A_1361 : i32
        %sign3A_1363 = arith.extui %sign3A_1362 : i1 to i32
        %sign3A_1364 = arith.constant 0 : i32
        %sign3A_1365 = arith.cmpi slt, %jit3A_1352, %sign3A_1364 : i32
        %sign3A_1366 = arith.extui %sign3A_1365 : i1 to i32
        %sign3A_1367 = arith.subi %sign3A_1363, %sign3A_1366 : i32
        %ne3A_1368 = arith.cmpi ne, %sign3A_1360, %sign3A_1367 : i32
        %rem3A_1369 = arith.remsi %while3A#2, %jit3A_1352 : i32
        %ne3A_1370 = arith.constant 0 : i32
        %ne3A_1371 = arith.cmpi ne, %rem3A_1369, %ne3A_1370 : i32
        %and3A_1372 = arith.andi %ne3A_1368, %ne3A_1371 : i1
        %sub3A_1373 = arith.constant 1 : i32
        %sub3A_1374 = arith.subi %div3A_1353, %sub3A_1373 : i32
        %select_n3A_1375 = arith.select %and3A_1372, %sub3A_1374, %div3A_1353 : i32
        %eq3A_1376 = arith.constant 0 : i32
        %eq3A_1377 = arith.cmpi eq, %select_n3A_1375, %eq3A_1376 : i32
        %and3A_1378 = vector.broadcast %eq3A_1377 : i1 to vector<16xi1>
        %and3A_1379 = arith.andi %eq3A_1351, %and3A_1378 : vector<16xi1>
        %broadcast_in_dim3A_1380 = vector.broadcast %reduce_max3A_1347 : f32 to vector<16xf32>
        %select_n3A_1381 = arith.select %and3A_1379, %broadcast_in_dim3A_1380, %while3A#5 : vector<16xi1>, vector<16xf32>
        %eq3A_1382 = arith.constant 1 : i32
        %eq3A_1383 = arith.cmpi eq, %select_n3A_1375, %eq3A_1382 : i32
        %and3A_1384 = vector.broadcast %eq3A_1383 : i1 to vector<16xi1>
        %and3A_1385 = arith.andi %eq3A_1351, %and3A_1384 : vector<16xi1>
        %broadcast_in_dim3A_1386 = vector.broadcast %reduce_max3A_1347 : f32 to vector<16xf32>
        %select_n3A_1387 = arith.select %and3A_1385, %broadcast_in_dim3A_1386, %while3A#6 : vector<16xi1>, vector<16xf32>
        %eq3A_1388 = arith.constant 2 : i32
        %eq3A_1389 = arith.cmpi eq, %select_n3A_1375, %eq3A_1388 : i32
        %and3A_1390 = vector.broadcast %eq3A_1389 : i1 to vector<16xi1>
        %and3A_1391 = arith.andi %eq3A_1351, %and3A_1390 : vector<16xi1>
        %broadcast_in_dim3A_1392 = vector.broadcast %reduce_max3A_1347 : f32 to vector<16xf32>
        %select_n3A_1393 = arith.select %and3A_1391, %broadcast_in_dim3A_1392, %while3A#7 : vector<16xi1>, vector<16xf32>
        %eq3A_1394 = arith.constant 3 : i32
        %eq3A_1395 = arith.cmpi eq, %select_n3A_1375, %eq3A_1394 : i32
        %and3A_1396 = vector.broadcast %eq3A_1395 : i1 to vector<16xi1>
        %and3A_1397 = arith.andi %eq3A_1351, %and3A_1396 : vector<16xi1>
        %broadcast_in_dim3A_1398 = vector.broadcast %reduce_max3A_1347 : f32 to vector<16xf32>
        %select_n3A_1399 = arith.select %and3A_1397, %broadcast_in_dim3A_1398, %while3A#8 : vector<16xi1>, vector<16xf32>
        %eq3A_1400 = arith.constant 4 : i32
        %eq3A_1401 = arith.cmpi eq, %select_n3A_1375, %eq3A_1400 : i32
        %and3A_1402 = vector.broadcast %eq3A_1401 : i1 to vector<16xi1>
        %and3A_1403 = arith.andi %eq3A_1351, %and3A_1402 : vector<16xi1>
        %broadcast_in_dim3A_1404 = vector.broadcast %reduce_max3A_1347 : f32 to vector<16xf32>
        %select_n3A_1405 = arith.select %and3A_1403, %broadcast_in_dim3A_1404, %while3A#9 : vector<16xi1>, vector<16xf32>
        %eq3A_1406 = arith.constant 0 : i32
        %eq3A_1407 = arith.cmpi eq, %arg1, %eq3A_1406 : i32
        %convert_element_type3A_1408 = arith.extui %eq3A_1407 : i1 to i32
        %cond3A_1409 = arith.constant 0 : i32
        %cond3A_1410 = arith.cmpi ne, %convert_element_type3A_1408, %cond3A_1409 : i32
        scf.if %cond3A_1410 {
          %broadcast_in_dim3A_1411 = arith.constant 0.000000e+00 : f32
          %broadcast_in_dim3A_1412 = vector.broadcast %broadcast_in_dim3A_1411 : f32 to vector<16xf32>
          %eq3A_1413 = arith.constant 0 : i32
          %eq3A_1414 = vector.broadcast %eq3A_1413 : i32 to vector<16xi32>
          %eq3A_1415 = arith.cmpi eq, %iota3A, %eq3A_1414 : vector<16xi32>
          %select_n3A_1416 = arith.select %eq3A_1415, %gather3A_1186, %broadcast_in_dim3A_1412 : vector<16xi1>, vector<16xf32>
          %eq3A_1417 = arith.constant 1 : i32
          %eq3A_1418 = vector.broadcast %eq3A_1417 : i32 to vector<16xi32>
          %eq3A_1419 = arith.cmpi eq, %iota3A, %eq3A_1418 : vector<16xi32>
          %select_n3A_1420 = arith.select %eq3A_1419, %gather3A_1189, %select_n3A_1416 : vector<16xi1>, vector<16xf32>
          %eq3A_1421 = arith.constant 2 : i32
          %eq3A_1422 = vector.broadcast %eq3A_1421 : i32 to vector<16xi32>
          %eq3A_1423 = arith.cmpi eq, %iota3A, %eq3A_1422 : vector<16xi32>
          %select_n3A_1424 = arith.select %eq3A_1423, %gather3A_1192, %select_n3A_1420 : vector<16xi1>, vector<16xf32>
          %eq3A_1425 = arith.constant 3 : i32
          %eq3A_1426 = vector.broadcast %eq3A_1425 : i32 to vector<16xi32>
          %eq3A_1427 = arith.cmpi eq, %iota3A, %eq3A_1426 : vector<16xi32>
          %select_n3A_1428 = arith.select %eq3A_1427, %gather3A_1195, %select_n3A_1424 : vector<16xi1>, vector<16xf32>
          %eq3A_1429 = arith.constant 4 : i32
          %eq3A_1430 = vector.broadcast %eq3A_1429 : i32 to vector<16xi32>
          %eq3A_1431 = arith.cmpi eq, %iota3A, %eq3A_1430 : vector<16xi32>
          %select_n3A_1432 = arith.select %eq3A_1431, %gather3A_1198, %select_n3A_1428 : vector<16xi1>, vector<16xf32>
          %eq3A_1433 = arith.constant 5 : i32
          %eq3A_1434 = vector.broadcast %eq3A_1433 : i32 to vector<16xi32>
          %eq3A_1435 = arith.cmpi eq, %iota3A, %eq3A_1434 : vector<16xi32>
          %select_n3A_1436 = arith.select %eq3A_1435, %gather3A_1201, %select_n3A_1432 : vector<16xi1>, vector<16xf32>
          %eq3A_1437 = arith.constant 6 : i32
          %eq3A_1438 = vector.broadcast %eq3A_1437 : i32 to vector<16xi32>
          %eq3A_1439 = arith.cmpi eq, %iota3A, %eq3A_1438 : vector<16xi32>
          %broadcast_in_dim3A_1440 = vector.broadcast %reduce_max3A_1164 : f32 to vector<16xf32>
          %select_n3A_1441 = arith.select %eq3A_1439, %broadcast_in_dim3A_1440, %select_n3A_1436 : vector<16xi1>, vector<16xf32>
          %mul3A_1442 = vector.broadcast %select_n3A_1182 : f32 to vector<16xf32>
          %mul3A_1443 = arith.mulf %select_n3A_1441, %mul3A_1442 : vector<16xf32>
          %swap3A_1444 = arith.constant 0 : index
          %swap3A_1445 = tpu.vector_load %arg14[%swap3A_1444] {strides = array<i32>} : memref<16xf32, #tpu.memory_space<vmem>>, vector<16xf32>,
          tpu.vector_store %arg14[%swap3A_1444], %mul3A_1443 {strides = array<i32>} : memref<16xf32, #tpu.memory_space<vmem>>, vector<16xf32>,
          "tpu.region"() ({
            %run_scoped3A_1446 = tpu.sem_alloc : memref<!tpu.dma_semaphore, #tpu.memory_space<semaphore_mem>>
            %dma_start3A = arith.constant 0 : i32
            %dma_start3A_1447 = tpu.memref_slice %arg5[%scan3A_445, %dma_start3A] : memref<128x16xf32, #tpu.memory_space<hbm>> -> memref<1x16xf32, #tpu.memory_space<hbm>>
            %dma_start3A_1448 = tpu.memref_squeeze %dma_start3A_1447 : memref<1x16xf32, #tpu.memory_space<hbm>> -> memref<16xf32, #tpu.memory_space<hbm>>
            %dma_start3A_1449 = arith.constant 0 : i32
            %dma_start3A_1450 = tpu.memref_slice %arg5[%scan3A_445, %dma_start3A_1449] : memref<128x16xf32, #tpu.memory_space<hbm>> -> memref<1x16xf32, #tpu.memory_space<hbm>>
            %dma_start3A_1451 = tpu.memref_squeeze %dma_start3A_1450 : memref<1x16xf32, #tpu.memory_space<hbm>> -> memref<16xf32, #tpu.memory_space<hbm>>
            tpu.enqueue_dma source(%arg14 : memref<16xf32, #tpu.memory_space<vmem>>) target(%dma_start3A_1451 : memref<16xf32, #tpu.memory_space<hbm>>) target_semaphore(%run_scoped3A_1446 : memref<!tpu.dma_semaphore, #tpu.memory_space<semaphore_mem>>)
            %dma_wait3A = arith.constant 0 : i32
            %dma_wait3A_1452 = tpu.memref_slice %arg5[%scan3A_445, %dma_wait3A] : memref<128x16xf32, #tpu.memory_space<hbm>> -> memref<1x16xf32, #tpu.memory_space<hbm>>
            %dma_wait3A_1453 = tpu.memref_squeeze %dma_wait3A_1452 : memref<1x16xf32, #tpu.memory_space<hbm>> -> memref<16xf32, #tpu.memory_space<hbm>>
            %dma_wait3A_1454 = arith.constant 0 : i32
            %dma_wait3A_1455 = tpu.memref_slice %arg5[%scan3A_445, %dma_wait3A_1454] : memref<128x16xf32, #tpu.memory_space<hbm>> -> memref<1x16xf32, #tpu.memory_space<hbm>>
            %dma_wait3A_1456 = tpu.memref_squeeze %dma_wait3A_1455 : memref<1x16xf32, #tpu.memory_space<hbm>> -> memref<16xf32, #tpu.memory_space<hbm>>
            tpu.wait_dma2 semaphore(%run_scoped3A_1446 : memref<!tpu.dma_semaphore, #tpu.memory_space<semaphore_mem>>) src(%arg14 : memref<16xf32, #tpu.memory_space<vmem>>) dst(%dma_wait3A_1456 : memref<16xf32, #tpu.memory_space<hbm>>)
            tpu.yield
          }) : () -> ()
        } else {
        }
        scf.yield %select_n3A_1381, %select_n3A_1387, %select_n3A_1393, %select_n3A_1399, %select_n3A_1405, %select_n3A_1306, %select_n3A_1309, %select_n3A_1312, %select_n3A_1315, %select_n3A_1318, %select_n3A_1321, %select_n3A_1324, %select_n3A_1327 : vector<16xf32>, vector<16xf32>, vector<16xf32>, vector<16xf32>, vector<16xf32>, vector<16xf32>, vector<16xf32>, vector<16xf32>, vector<16xf32>, vector<16xf32>, vector<16xf32>, vector<16xf32>, vector<16xf32>
      }
      %scan3A_444 = arith.constant 128 : i32
    } else {
    }
    return
  }
}

</mosaic_0001>

<sc_bundles>
// kernel: kernel.3.cloned.1.call-start
scs
__scs_entry_jumppad:
0x0: {  	(pc) =	sbr.rel $0x88, $3  }
0x1: {  	(tag) =	ssettag $0x0;
	lr =	simm.s32 $0x1  }
0x2: {  	[smem:$0x3F9E] =	sst lr;
	_ =	strace $0xD0000000  }
0x3: {  	_ = 	snop  }
0x4: {  	_ = 	snop  }
0x5: {  	_ = 	snop  }
0x6: {  	_ = 	snop  }
0x7: {  	_ = 	snop  }
__scs_overlays_trampoline_lowered:
0x8: {  	[smem:$0x3FAD] =	sst s0  }
0x9: {  	[smem:$0x3FAE] =	sst s1  }
0xa: {  	[smem:$0x3FAF] =	sst s2  }
0xb: {  	[smem:$0x3FB0] =	sst s3  }
0xc: {  	[smem:$0x3FB1] =	sst s4  }
0xd: {  	[smem:$0x3FB2] =	sst s5  }
0xe: {  	[smem:$0x3FB3] =	sst s6  }
0xf: {  	[smem:$0x3FB4] =	sst s7  }
0x10: {  	[smem:$0x3FB5] =	sst s8  }
0x11: {  	[smem:$0x3FB6] =	sst s9;
	s0 =	simm.s32 @!p0 $0x0  }
0x12: {  	s1 =	sld [smem:$0x3F9C];
	s0 =	simm.s32 @p0 $0x1  }
0x13: {  	[smem:$0x3FB7] =	sst s0;
	s0 =	simm.s32 @!p1 $0x0  }
0x14: {  	s2 =	sld [smem:$0x3F9B];
	s0 =	simm.s32 @p1 $0x1  }
0x15: {  	[smem:$0x3FB8] =	sst s0;
	s0 =	simm.s32 @!p2 $0x0  }
0x16: {  	s3 =	sld [smem:$0x3FDB];
	s0 =	simm.s32 @p2 $0x1  }
0x17: {  	s4 =	simm.s32 $0x1BF5;
	[smem:$0x3FBA] =	sst s0  }
0x18: {  	s0 =	sld [smem:$0x3F9D];
	_ =	swait.ge [sflag:s4], $0x0  }
0x19: {  	s7 =	sld [smem:$0x3F9E]  }
0x1a: {  	s8 =	sadd.s32 $0xFFFFE003, lr  }
0x1b: {  	s9 =	sadd.s32 $0xFFFFFEF7, lr;
	s5 =	simm.s32 $0xFFFFFFFF;
	p2 =	slt.u32 s8, $0xFFFFF086  }
0x1c: {  	p1 =	slt.u32 s9, $0xF7A;
	s5 =	simm.s32 @!p2 $0x0  }
0x1d: {  	s5 =	simm.s32 @p1 $0x1;
	p0 =	seq.s32 s7, s2  }
0x1e: {  	s7 =	smul.u32 @!p0 $0xF7A, s2;
	p2 =	seq.s32 @!p0 s5, $0x0  }
0x1f: {  	s9 =	smul.u32 $0xF7A, s1;
	s8 =	simm.s32 @!p0 $0x1BF5;
	p2 =	por !p2, p0  }
0x20: {  	[sflag:s8] =	ssyncset.s32 @!p0 $0xFFFFF086;
	s6 =	sadd.s32 @!p0 s3, s7;
	s7 =	simm.s32 @!p0 $0x108  }
0x21: {  	s3 =	sadd.s32 s3, s9;
	s6 =	sadd.s32 @!p0 $0x88, s6;
	s7 =	simm.s32 @p2 $0x1082  }
0x22: {  	[simem:s7], [sflag:s8] =	dma.local @!p0 [hbm:s6], $0xF7A  }
0x23: {  	s9 =	sor.u32 $0xD0000000, s2;
	s6 =	simm.s32 $0x108;
	_ =	swait.ge @!p0 [sflag:s8], $0x0  }
0x24: {  	s3 =	sadd.s32 $0x88, s3;
	s6 =	simm.s32 @!p1 $0x1082;
	[sflag:s4] =	ssyncset.s32 $0xFFFFF086  }
0x25: {  	[simem:s6], [sflag:s4] =	dma.local [hbm:s3], $0xF7A  }
0x26: {  	[smem:$0x3F9E] =	sst s1;
	(tag) =	ssettag s2;
	_ =	strace s9  }
0x27: {  	s1 =	sld [smem:$0x3FAE]  }
0x28: {  	s2 =	sld [smem:$0x3FAF]  }
0x29: {  	s4 =	sld [smem:$0x3FB1]  }
0x2a: {  	p0 =	seq.s32 s5, $0x0;
	s5 =	sld [smem:$0x3FB2]  }
0x2b: {  	s6 =	sld [smem:$0x3FB3]  }
0x2c: {  	s7 =	sld [smem:$0x3FB4]  }
0x2d: {  	s3 =	simm.s32 $0x108;
	s8 =	sld [smem:$0x3FB5]  }
0x2e: {  	s3 =	simm.s32 @!p0 $0x1082;
	s9 =	sld [smem:$0x3FB6]  }
0x2f: {  	lr =	sadd.s32 s0, s3;
	s0 =	sld [smem:$0x3FAD]  }
0x30: {  	s3 =	sld [smem:$0x3FB0]  }
0x31: {  	[smem:$0x3FB9] =	sst s10  }
0x32: {  	s10 =	sld [smem:$0x3FB7];
	_ =	sdelay $0x3  }
0x33: {  	p0 =	seq.s32 s10, $0x1;
	s10 =	sld [smem:$0x3FB9];
	_ =	sdelay $0x3  }
0x34: {  	[smem:$0x3FB9] =	sst s10  }
0x35: {  	s10 =	sld [smem:$0x3FB8];
	_ =	sdelay $0x3  }
0x36: {  	p1 =	seq.s32 s10, $0x1;
	s10 =	sld [smem:$0x3FB9];
	_ =	sdelay $0x3  }
0x37: {  	[smem:$0x3FB9] =	sst s10  }
0x38: {  	s10 =	sld [smem:$0x3FBA]  }
0x39: {  	_ = 	snop;
	(pc) =	sbr.ind lr, $3  }
0x3a: {  	_ = 	snop  }
0x3b: {  	_ = 	snop  }
0x3c: {  	p2 =	seq.s32 s10, $0x1;
	s10 =	sld [smem:$0x3FB9]  }
0x3d: {  	_ =	shalt  }
0x3e: {  	_ =	shalt  }
0x3f: {  	_ =	shalt  }
0x40: {  	_ =	shalt  }
0x41: {  	_ =	shalt  }
0x42: {  	_ =	shalt  }
0x43: {  	_ =	shalt  }
0x44: {  	_ =	shalt  }
0x45: {  	_ =	shalt  }
0x46: {  	_ =	shalt  }
0x47: {  	_ =	shalt  }
0x48: {  	_ =	shalt  }
0x49: {  	_ =	shalt  }
0x4a: {  	_ =	shalt  }
0x4b: {  	_ =	shalt  }
0x4c: {  	_ =	shalt  }
0x4d: {  	_ =	shalt  }
0x4e: {  	_ =	shalt  }
0x4f: {  	_ =	shalt  }
0x50: {  	_ =	shalt  }
0x51: {  	_ =	shalt  }
0x52: {  	_ =	shalt  }
0x53: {  	_ =	shalt  }
0x54: {  	_ =	shalt  }
0x55: {  	_ =	shalt  }
0x56: {  	_ =	shalt  }
0x57: {  	_ =	shalt  }
0x58: {  	_ =	shalt  }
0x59: {  	_ =	shalt  }
0x5a: {  	_ =	shalt  }
0x5b: {  	_ =	shalt  }
0x5c: {  	_ =	shalt  }
0x5d: {  	_ =	shalt  }
0x5e: {  	_ =	shalt  }
0x5f: {  	_ =	shalt  }
0x60: {  	_ =	shalt  }
0x61: {  	_ =	shalt  }
0x62: {  	_ =	shalt  }
0x63: {  	_ =	shalt  }
0x64: {  	_ =	shalt  }
0x65: {  	_ =	shalt  }
0x66: {  	_ =	shalt  }
0x67: {  	_ =	shalt  }
0x68: {  	_ =	shalt  }
0x69: {  	_ =	shalt  }
0x6a: {  	_ =	shalt  }
0x6b: {  	_ =	shalt  }
0x6c: {  	_ =	shalt  }
0x6d: {  	_ =	shalt  }
0x6e: {  	_ =	shalt  }
0x6f: {  	_ =	shalt  }
0x70: {  	_ =	shalt  }
0x71: {  	_ =	shalt  }
0x72: {  	_ =	shalt  }
0x73: {  	_ =	shalt  }
0x74: {  	_ =	shalt  }
0x75: {  	_ =	shalt  }
0x76: {  	_ =	shalt  }
0x77: {  	_ =	shalt  }
0x78: {  	_ =	shalt  }
0x79: {  	_ =	shalt  }
0x7a: {  	_ =	shalt  }
0x7b: {  	_ =	shalt  }
0x7c: {  	_ =	shalt  }
0x7d: {  	_ =	shalt  }
0x7e: {  	_ =	shalt  }
0x7f: {  	_ =	shalt  }
0x80: {  	_ =	shalt  }
0x81: {  	_ =	shalt  }
0x82: {  	_ =	shalt  }
0x83: {  	_ =	shalt  }
0x84: {  	_ =	shalt  }
0x85: {  	_ =	shalt  }
0x86: {  	_ =	shalt  }
0x87: {  	_ =	shalt  }
.Lfunc_end0:
.L_simem_size_0:
called_computation_lowered:
.L_overlay_start_0:
0x88: {  	s2 =	sld [smem:$0x3FD9]  }
0x89: {  	s3 =	sld [smem:$0x3FFE];
	_ =	sdelay $0x1  }
0x8a: {  	s1 =	srdreg.scid  }
0x8b: {  	s0 =	sand.u32 $0x1, s1  }
0x8c: {  	s16 =	sshll.u32 s0, $0xA;
	s2 =	sadd.s32 s3, s2  }
0x8d: {  	s2 =	sadd.s32 s2, s16  }
0x8e: {  	[smem:$0x3FC5] =	sst s2  }
0x8f: {  	_ = 	snop  }
0x90: {  	(tm) =	ssettm $0x1  }
0x91: {  	s17 =	sld [smem:$0x3FFB];
	_ =	sdelay $0x3  }
0x92: {  	_ =	strace s17  }
0x93: {  	s2 =	sld [smem:$0x3FFC];
	_ =	sdelay $0x3  }
0x94: {  	_ =	strace s2  }
0x95: {  	s2 =	sld [smem:$0x3FFD];
	_ =	sdelay $0x3  }
0x96: {  	_ =	strace s2  }
0x97: {  	_ =	strace $0x8FFFFFFF  }
0x98: {  	s18 =	sld [smem:$0x3FDB];
	_ =	sdelay $0x1  }
0x99: {  	s19 =	simm.s32 $_scs_section_size  }
0x9a: {  	s4 =	simm.s32 $_size__tile_overlayer_lowered;
	s5 =	simm.s32 $_tile_overlayer_lowered  }
0x9b: {  	s22 =	simm.s32 $0x1BFF;
	s21 =	sshll.u32 s5, $0x1;
	s2 =	sadd.s32 s19, s18  }
0x9c: {  	s6 =	simm.s32 $0x0;
	s20 =	sshll.u32 s4, $0x1;
	s4 =	sadd.s32 s21, s2  }
0x9d: {  	[timem:s6], [sflag:s22] =	dma.local [hbm:s4], s20  }
0x9e: {  	_ =	swait.ge [sflag:s22], s20  }
0x9f: {  	s3 =	ssub.s32 $0x0, s20;
	[sflag:s22] =	ssyncset.done $0x0  }
0xa0: {  	[sflag:s22] =	ssyncadd.s32 s3;
	_ =	sdelay $0x1  }
0xa1: {  	s23 =	simm.s32 $0x1B8B  }
0xa2: {  	_ =	swait.ge [sflag:s23], $0x1  }
0xa3: {  	[sflag:s23] =	ssyncset.done $0x0  }
0xa4: {  	s25 =	simm.s32 $0x1B8E;
	s24 =	sld [smem:$0x3FFE];
	[sflag:s23] =	ssyncadd.s32 $0xFFFFFFFF  }
0xa5: {  	s26 =	simm.s32 $execute0_lowered;
	[smem:$0x3FD2] =	sst s25  }
0xa6: {  	s4 =	sshll.u32 s26, $0x1;
	_ =	strace $0x80000046;
	[dreg:$0x1] =	wrdreg $0xFFFFFFFF  }
0xa7: {  	s28 =	simm.s32 $_size_execute0_lowered;
	s2 =	sadd.s32 s2, s4;
	[dreg:$0x0] =	wrdreg $0x0  }
0xa8: {  	s4 =	sshll.u32 s28, $0x1;
	[dreg:$0x2] =	wrdreg s2  }
0xa9: {  	[dreg:$0x3] =	wrdreg s4  }
0xaa: {  	[dreg:$0x4] =	wrdreg $0xC0  }
0xab: {  	_ =	task [dreg:s6], $0x5FFFF  }
0xac: {  	[dreg:$0x1] =	wrdreg $0xFFFFFFFF  }
0xad: {  	[dreg:$0x0] =	wrdreg $0x60  }
0xae: {  	[dreg:$0x2] =	wrdreg s24  }
0xaf: {  	[dreg:$0x3] =	wrdreg $0x8F000  }
0xb0: {  	[dreg:$0x4] =	wrdreg $0x9  }
0xb1: {  	_ =	task.clear_ibuf [dreg:s6], $0x5FFFF;
	_ =	strace $0x90000046  }
0xb2: {  	s29 =	simm.s32 $0x9;
	_ =	strace $0x80000048  }
0xb3: {  	_ =	swait.ge [sflag:s29], $0x1  }
0xb4: {  	[sflag:s29] =	ssyncadd.s32 $0xFFFFFFFF  }
0xb5: {  	_ =	strace $0x90000048  }
0xb6: {  	_ =	sfence  }
0xb7: {  	s30 =	sld [smem:$0x0];
	_ =	sdelay $0x2  }
0xb8: {  	s31 =	sshll.u32 s1, $0xD;
	s1 =	sshrl.u32 s1, $0x2  }
0xb9: {  	s3 =	sand.u32 $0x4000, s31;
	s1 =	sadd.s32 s1, s30  }
0xba: {  	s0 =	sor.u32 s3, s0;
	s1 =	sshll.u32 s1, $0x11  }
0xbb: {  	s0 =	sor.u32 s1, s0  }
0xbc: {  	s0 =	sadd.s32 $0x8F2B, s0  }
0xbd: {  	[sflag:s0] =	ssyncadd.remote.s32 $0x1  }
0xbe: {  	_ =	sfence.sel $0xFFFF  }
0xbf: {  	[dreg:$0x0] =	wrdreg $0xFFFFFFFF;
	(pc) =	sbr.abs _section_cstart, $3  }
0xc0: {  	[dreg:$0x1] =	wrdreg $0xFFFFFFFF  }
0xc1: {  	_ =	task.clear_ibuf [dreg:s6], $0x2FFFF;
	_ =	strace $0x9FFFFFFF  }
0xc2: {  	(tm) =	ssettm $0x7FFFFFFF  }
0xc3: {  	_ =	shalt  }
tec
execute0_lowered:
.L_overlay_start_1:
0x0: {  	(tag) =	ssettag $0x1  }
0x1: {  	s2 =	srdreg.scid  }
0x2: {  	s2 =	sand.u32 $0x1, s2  }
0x3: {  	p0 =	seq.s32 s2, $0x1  }
.Ltmp0:
0x4: {  	_ = 	snop;
	(pc) =	sbr.rel @p0 .LBB2_9-.Ltmp0, $4  }
0x5: {  	s4 =	rddreg [dreg:$0x0]  }
0x6: {  	s1 =	rddreg [dreg:$0x1];
	s5 =	simm.s32 $0x0  }
0x7: {  	[smem:$0x7FF] =	sst s5  }
0x8: {  	s0 =	rddreg [dreg:$0x2];
	_ =	strace $0x80000047;
	s2 =	stileid.u32  }
0x9: {  	s3 =	smul.u32 $0x500, s2  }
0xa: {  	s8 =	sadd.s32 $0x6000, s4  }
0xb: {  	s6 =	sadd.s32 s8, s3  }
0xc: {  	[tilespmem:s5], [sflag:$0x1] =	stream.linear.gather [hbm4b:s6+s5], $0x80, $0x38;
	[tilespmem:$0x8F80] =	vst v63  }
0xd: {  	s9 =	simm.s32 $0x400;
	s7 =	sadd.s32 $0x80, s6  }
0xe: {  	[tilespmem:s9], [sflag:$0x1] =	stream.linear.gather [hbm4b:s7+s5], $0x80, $0x38;
	[tilespmem:$0x8F80] =	vst v63  }
0xf: {  	s22 =	simm.s32 $0x800;
	s21 =	sadd.s32 $0x100, s6  }
0x10: {  	[tilespmem:s22], [sflag:$0x1] =	stream.linear.gather [hbm4b:s21+s5], $0x80, $0x38;
	[tilespmem:$0x8F80] =	vst v63  }
0x11: {  	s24 =	simm.s32 $0xC00;
	s23 =	sadd.s32 $0x180, s6  }
0x12: {  	[tilespmem:s24], [sflag:$0x1] =	stream.linear.gather [hbm4b:s23+s5], $0x80, $0x38;
	[tilespmem:$0x8F80] =	vst v63  }
0x13: {  	s26 =	simm.s32 $0x1000;
	s25 =	sadd.s32 $0x200, s6  }
0x14: {  	[tilespmem:s26], [sflag:$0x1] =	stream.linear.gather [hbm4b:s25+s5], $0x80, $0x38;
	[tilespmem:$0x8F80] =	vst v63  }
0x15: {  	s29 =	simm.s32 $0x1400;
	s28 =	sadd.s32 $0x280, s6  }
0x16: {  	[tilespmem:s29], [sflag:$0x1] =	stream.linear.gather [hbm4b:s28+s5], $0x80, $0x38;
	[tilespmem:$0x8F80] =	vst v63  }
0x17: {  	s31 =	simm.s32 $0x1800;
	s30 =	sadd.s32 $0x300, s6  }
0x18: {  	[tilespmem:s31], [sflag:$0x1] =	stream.linear.gather [hbm4b:s30+s5], $0x80, $0x38;
	[tilespmem:$0x8F80] =	vst v63  }
0x19: {  	s11 =	simm.s32 $0x1C00;
	s10 =	sadd.s32 $0x380, s6  }
0x1a: {  	[tilespmem:s11], [sflag:$0x1] =	stream.linear.gather [hbm4b:s10+s5], $0x80, $0x38;
	[tilespmem:$0x8F80] =	vst v63  }
0x1b: {  	s13 =	simm.s32 $0x2000;
	s12 =	sadd.s32 $0x400, s6  }
0x1c: {  	[tilespmem:s13], [sflag:$0x1] =	stream.linear.gather [hbm4b:s12+s5], $0x80, $0x38;
	[tilespmem:$0x8F80] =	vst v63  }
0x1d: {  	s14 =	simm.s32 $0x2400;
	s6 =	sadd.s32 $0x480, s6  }
0x1e: {  	[tilespmem:s14], [sflag:$0x1] =	stream.linear.gather [hbm4b:s6+s5], $0x80, $0x38;
	[tilespmem:$0x8F80] =	vst v63  }
0x1f: {  	s6 =	simm.s32 $0x1  }
0x20: {  	_ =	swait.ge [sflag:s6], $0x500  }
0x21: {  	s7 =	sadd.s32 $0x1000, s4;
	[sflag:s6] =	ssyncset.done $0x0  }
0x22: {  	s15 =	sadd.s32 s7, s3;
	s10 =	simm.s32 $0x2800;
	[sflag:s6] =	ssyncadd.s32 $0xFFFFFB00  }
0x23: {  	[tilespmem:s10], [sflag:$0x1] =	stream.linear.gather [hbm4b:s15+s5], $0x80, $0x38;
	[tilespmem:$0x8F80] =	vst v63  }
0x24: {  	s16 =	sadd.s32 $0x80, s15;
	s11 =	simm.s32 $0x2C00  }
0x25: {  	[tilespmem:s11], [sflag:$0x1] =	stream.linear.gather [hbm4b:s16+s5], $0x80, $0x38;
	[tilespmem:$0x8F80] =	vst v63  }
0x26: {  	s18 =	simm.s32 $0x3000;
	s17 =	sadd.s32 $0x100, s15  }
0x27: {  	[tilespmem:s18], [sflag:$0x1] =	stream.linear.gather [hbm4b:s17+s5], $0x80, $0x38;
	[tilespmem:$0x8F80] =	vst v63  }
0x28: {  	s20 =	simm.s32 $0x3400;
	s19 =	sadd.s32 $0x180, s15  }
0x29: {  	[tilespmem:s20], [sflag:$0x1] =	stream.linear.gather [hbm4b:s19+s5], $0x80, $0x38;
	[tilespmem:$0x8F80] =	vst v63  }
0x2a: {  	s21 =	sadd.s32 $0x200, s15;
	s22 =	simm.s32 $0x3800  }
0x2b: {  	[tilespmem:s22], [sflag:$0x1] =	stream.linear.gather [hbm4b:s21+s5], $0x80, $0x38;
	[tilespmem:$0x8F80] =	vst v63  }
0x2c: {  	s23 =	sadd.s32 $0x280, s15;
	s24 =	simm.s32 $0x3C00  }
0x2d: {  	[tilespmem:s24], [sflag:$0x1] =	stream.linear.gather [hbm4b:s23+s5], $0x80, $0x38;
	[tilespmem:$0x8F80] =	vst v63  }
0x2e: {  	s25 =	sadd.s32 $0x300, s15;
	s26 =	simm.s32 $0x4000  }
0x2f: {  	[tilespmem:s26], [sflag:$0x1] =	stream.linear.gather [hbm4b:s25+s5], $0x80, $0x38;
	[tilespmem:$0x8F80] =	vst v63  }
0x30: {  	s28 =	sadd.s32 $0x380, s15;
	s29 =	simm.s32 $0x4400  }
0x31: {  	[tilespmem:s29], [sflag:$0x1] =	stream.linear.gather [hbm4b:s28+s5], $0x80, $0x38;
	[tilespmem:$0x8F80] =	vst v63  }
0x32: {  	s30 =	sadd.s32 $0x400, s15;
	s31 =	simm.s32 $0x4800  }
0x33: {  	[tilespmem:s31], [sflag:$0x1] =	stream.linear.gather [hbm4b:s30+s5], $0x80, $0x38;
	[tilespmem:$0x8F80] =	vst v63  }
0x34: {  	s9 =	sadd.s32 $0x480, s15;
	s12 =	simm.s32 $0x4C00  }
0x35: {  	[tilespmem:s12], [sflag:$0x1] =	stream.linear.gather [hbm4b:s9+s5], $0x80, $0x38;
	[tilespmem:$0x8F80] =	vst v63  }
0x36: {  	_ =	swait.ge [sflag:s6], $0x500  }
0x37: {  	s9 =	sor.u32 $0x10, s3;
	[sflag:s6] =	ssyncset.done $0x0  }
0x38: {  	s14 =	simm.s32 $0x80;
	s13 =	sadd.s32 s8, s9;
	[sflag:s6] =	ssyncadd.s32 $0xFFFFFB00  }
0x39: {  	[tilespmem:s14], [sflag:$0x1] =	stream.linear.gather [hbm4b:s13+s5], $0x80, $0x38;
	[tilespmem:$0x8F80] =	vst v63  }
0x3a: {  	s12 =	simm.s32 $0x480;
	s15 =	sadd.s32 $0x80, s13  }
0x3b: {  	[tilespmem:s12], [sflag:$0x1] =	stream.linear.gather [hbm4b:s15+s5], $0x80, $0x38;
	[tilespmem:$0x8F80] =	vst v63  }
0x3c: {  	s17 =	simm.s32 $0x880;
	s16 =	sadd.s32 $0x100, s13  }
0x3d: {  	[tilespmem:s17], [sflag:$0x1] =	stream.linear.gather [hbm4b:s16+s5], $0x80, $0x38;
	[tilespmem:$0x8F80] =	vst v63  }
0x3e: {  	s19 =	simm.s32 $0xC80;
	s18 =	sadd.s32 $0x180, s13  }
0x3f: {  	[tilespmem:s19], [sflag:$0x1] =	stream.linear.gather [hbm4b:s18+s5], $0x80, $0x38;
	[tilespmem:$0x8F80] =	vst v63  }
0x40: {  	s21 =	simm.s32 $0x1080;
	s20 =	sadd.s32 $0x200, s13  }
0x41: {  	[tilespmem:s21], [sflag:$0x1] =	stream.linear.gather [hbm4b:s20+s5], $0x80, $0x38;
	[tilespmem:$0x8F80] =	vst v63  }
0x42: {  	s23 =	simm.s32 $0x1480;
	s22 =	sadd.s32 $0x280, s13  }
0x43: {  	[tilespmem:s23], [sflag:$0x1] =	stream.linear.gather [hbm4b:s22+s5], $0x80, $0x38;
	[tilespmem:$0x8F80] =	vst v63  }
0x44: {  	s25 =	simm.s32 $0x1880;
	s24 =	sadd.s32 $0x300, s13  }
0x45: {  	[tilespmem:s25], [sflag:$0x1] =	stream.linear.gather [hbm4b:s24+s5], $0x80, $0x38;
	[tilespmem:$0x8F80] =	vst v63  }
0x46: {  	s28 =	simm.s32 $0x1C80;
	s26 =	sadd.s32 $0x380, s13  }
0x47: {  	[tilespmem:s28], [sflag:$0x1] =	stream.linear.gather [hbm4b:s26+s5], $0x80, $0x38;
	[tilespmem:$0x8F80] =	vst v63  }
0x48: {  	s30 =	simm.s32 $0x2080;
	s29 =	sadd.s32 $0x400, s13  }
0x49: {  	[tilespmem:s30], [sflag:$0x1] =	stream.linear.gather [hbm4b:s29+s5], $0x80, $0x38;
	[tilespmem:$0x8F80] =	vst v63  }
0x4a: {  	s31 =	simm.s32 $0x2480;
	s10 =	sadd.s32 $0x480, s13  }
0x4b: {  	[tilespmem:s31], [sflag:$0x1] =	stream.linear.gather [hbm4b:s10+s5], $0x80, $0x38;
	[tilespmem:$0x8F80] =	vst v63  }
0x4c: {  	_ =	swait.ge [sflag:s6], $0x500  }
0x4d: {  	[sflag:s6] =	ssyncset.done $0x0  }
0x4e: {  	s9 =	sadd.s32 s7, s9;
	s12 =	simm.s32 $0x2880;
	[sflag:s6] =	ssyncadd.s32 $0xFFFFFB00  }
0x4f: {  	[tilespmem:s12], [sflag:$0x1] =	stream.linear.gather [hbm4b:s9+s5], $0x80, $0x38;
	[tilespmem:$0x8F80] =	vst v63  }
0x50: {  	s13 =	sadd.s32 $0x80, s9;
	s14 =	simm.s32 $0x2C80  }
0x51: {  	[tilespmem:s14], [sflag:$0x1] =	stream.linear.gather [hbm4b:s13+s5], $0x80, $0x38;
	[tilespmem:$0x8F80] =	vst v63  }
0x52: {  	s15 =	sadd.s32 $0x100, s9;
	s16 =	simm.s32 $0x3080  }
0x53: {  	[tilespmem:s16], [sflag:$0x1] =	stream.linear.gather [hbm4b:s15+s5], $0x80, $0x38;
	[tilespmem:$0x8F80] =	vst v63  }
0x54: {  	s17 =	sadd.s32 $0x180, s9;
	s18 =	simm.s32 $0x3480  }
0x55: {  	[tilespmem:s18], [sflag:$0x1] =	stream.linear.gather [hbm4b:s17+s5], $0x80, $0x38;
	[tilespmem:$0x8F80] =	vst v63  }
0x56: {  	s19 =	sadd.s32 $0x200, s9;
	s20 =	simm.s32 $0x3880  }
0x57: {  	[tilespmem:s20], [sflag:$0x1] =	stream.linear.gather [hbm4b:s19+s5], $0x80, $0x38;
	[tilespmem:$0x8F80] =	vst v63  }
0x58: {  	s21 =	sadd.s32 $0x280, s9;
	s22 =	simm.s32 $0x3C80  }
0x59: {  	[tilespmem:s22], [sflag:$0x1] =	stream.linear.gather [hbm4b:s21+s5], $0x80, $0x38;
	[tilespmem:$0x8F80] =	vst v63  }
0x5a: {  	s23 =	sadd.s32 $0x300, s9;
	s24 =	simm.s32 $0x4080  }
0x5b: {  	[tilespmem:s24], [sflag:$0x1] =	stream.linear.gather [hbm4b:s23+s5], $0x80, $0x38;
	[tilespmem:$0x8F80] =	vst v63  }
0x5c: {  	s25 =	sadd.s32 $0x380, s9;
	s26 =	simm.s32 $0x4480  }
0x5d: {  	[tilespmem:s26], [sflag:$0x1] =	stream.linear.gather [hbm4b:s25+s5], $0x80, $0x38;
	[tilespmem:$0x8F80] =	vst v63  }
0x5e: {  	s28 =	sadd.s32 $0x400, s9;
	s29 =	simm.s32 $0x4880  }
0x5f: {  	[tilespmem:s29], [sflag:$0x1] =	stream.linear.gather [hbm4b:s28+s5], $0x80, $0x38;
	[tilespmem:$0x8F80] =	vst v63  }
0x60: {  	s30 =	simm.s32 $0x4C80;
	s9 =	sadd.s32 $0x480, s9  }
0x61: {  	[tilespmem:s30], [sflag:$0x1] =	stream.linear.gather [hbm4b:s9+s5], $0x80, $0x38;
	[tilespmem:$0x8F80] =	vst v63  }
0x62: {  	_ =	swait.ge [sflag:s6], $0x500  }
0x63: {  	s9 =	sor.u32 $0x20, s3;
	[sflag:s6] =	ssyncset.done $0x0  }
0x64: {  	s13 =	simm.s32 $0x100;
	s31 =	sadd.s32 s8, s9;
	[sflag:s6] =	ssyncadd.s32 $0xFFFFFB00  }
0x65: {  	[tilespmem:s13], [sflag:$0x1] =	stream.linear.gather [hbm4b:s31+s5], $0x80, $0x38;
	[tilespmem:$0x8F80] =	vst v63  }
0x66: {  	s15 =	simm.s32 $0x500;
	s14 =	sadd.s32 $0x80, s31  }
0x67: {  	[tilespmem:s15], [sflag:$0x1] =	stream.linear.gather [hbm4b:s14+s5], $0x80, $0x38;
	[tilespmem:$0x8F80] =	vst v63  }
0x68: {  	s17 =	simm.s32 $0x900;
	s16 =	sadd.s32 $0x100, s31  }
0x69: {  	[tilespmem:s17], [sflag:$0x1] =	stream.linear.gather [hbm4b:s16+s5], $0x80, $0x38;
	[tilespmem:$0x8F80] =	vst v63  }
0x6a: {  	s19 =	simm.s32 $0xD00;
	s18 =	sadd.s32 $0x180, s31  }
0x6b: {  	[tilespmem:s19], [sflag:$0x1] =	stream.linear.gather [hbm4b:s18+s5], $0x80, $0x38;
	[tilespmem:$0x8F80] =	vst v63  }
0x6c: {  	s21 =	simm.s32 $0x1100;
	s20 =	sadd.s32 $0x200, s31  }
0x6d: {  	[tilespmem:s21], [sflag:$0x1] =	stream.linear.gather [hbm4b:s20+s5], $0x80, $0x38;
	[tilespmem:$0x8F80] =	vst v63  }
0x6e: {  	s23 =	simm.s32 $0x1500;
	s22 =	sadd.s32 $0x280, s31  }
0x6f: {  	[tilespmem:s23], [sflag:$0x1] =	stream.linear.gather [hbm4b:s22+s5], $0x80, $0x38;
	[tilespmem:$0x8F80] =	vst v63  }
0x70: {  	s25 =	simm.s32 $0x1900;
	s24 =	sadd.s32 $0x300, s31  }
0x71: {  	[tilespmem:s25], [sflag:$0x1] =	stream.linear.gather [hbm4b:s24+s5], $0x80, $0x38;
	[tilespmem:$0x8F80] =	vst v63  }
0x72: {  	s28 =	simm.s32 $0x1D00;
	s26 =	sadd.s32 $0x380, s31  }
0x73: {  	[tilespmem:s28], [sflag:$0x1] =	stream.linear.gather [hbm4b:s26+s5], $0x80, $0x38;
	[tilespmem:$0x8F80] =	vst v63  }
0x74: {  	s30 =	simm.s32 $0x2100;
	s29 =	sadd.s32 $0x400, s31  }
0x75: {  	[tilespmem:s30], [sflag:$0x1] =	stream.linear.gather [hbm4b:s29+s5], $0x80, $0x38;
	[tilespmem:$0x8F80] =	vst v63  }
0x76: {  	s10 =	sadd.s32 $0x480, s31;
	s31 =	simm.s32 $0x2500  }
0x77: {  	[tilespmem:s31], [sflag:$0x1] =	stream.linear.gather [hbm4b:s10+s5], $0x80, $0x38;
	[tilespmem:$0x8F80] =	vst v63  }
0x78: {  	_ =	swait.ge [sflag:s6], $0x500  }
0x79: {  	[sflag:s6] =	ssyncset.done $0x0  }
0x7a: {  	s12 =	simm.s32 $0x2900;
	s9 =	sadd.s32 s7, s9;
	[sflag:s6] =	ssyncadd.s32 $0xFFFFFB00  }
0x7b: {  	[tilespmem:s12], [sflag:$0x1] =	stream.linear.gather [hbm4b:s9+s5], $0x80, $0x38;
	[tilespmem:$0x8F80] =	vst v63  }
0x7c: {  	s13 =	sadd.s32 $0x80, s9;
	s14 =	simm.s32 $0x2D00  }
0x7d: {  	[tilespmem:s14], [sflag:$0x1] =	stream.linear.gather [hbm4b:s13+s5], $0x80, $0x38;
	[tilespmem:$0x8F80] =	vst v63  }
0x7e: {  	s15 =	sadd.s32 $0x100, s9;
	s16 =	simm.s32 $0x3100  }
0x7f: {  	[tilespmem:s16], [sflag:$0x1] =	stream.linear.gather [hbm4b:s15+s5], $0x80, $0x38;
	[tilespmem:$0x8F80] =	vst v63  }
0x80: {  	s17 =	sadd.s32 $0x180, s9;
	s18 =	simm.s32 $0x3500  }
0x81: {  	[tilespmem:s18], [sflag:$0x1] =	stream.linear.gather [hbm4b:s17+s5], $0x80, $0x38;
	[tilespmem:$0x8F80] =	vst v63  }
0x82: {  	s19 =	sadd.s32 $0x200, s9;
	s20 =	simm.s32 $0x3900  }
0x83: {  	[tilespmem:s20], [sflag:$0x1] =	stream.linear.gather [hbm4b:s19+s5], $0x80, $0x38;
	[tilespmem:$0x8F80] =	vst v63  }
0x84: {  	s21 =	sadd.s32 $0x280, s9;
	s22 =	simm.s32 $0x3D00  }
0x85: {  	[tilespmem:s22], [sflag:$0x1] =	stream.linear.gather [hbm4b:s21+s5], $0x80, $0x38;
	[tilespmem:$0x8F80] =	vst v63  }
0x86: {  	s23 =	sadd.s32 $0x300, s9;
	s24 =	simm.s32 $0x4100  }
0x87: {  	[tilespmem:s24], [sflag:$0x1] =	stream.linear.gather [hbm4b:s23+s5], $0x80, $0x38;
	[tilespmem:$0x8F80] =	vst v63  }
0x88: {  	s25 =	sadd.s32 $0x380, s9;
	s26 =	simm.s32 $0x4500  }
0x89: {  	[tilespmem:s26], [sflag:$0x1] =	stream.linear.gather [hbm4b:s25+s5], $0x80, $0x38;
	[tilespmem:$0x8F80] =	vst v63  }
0x8a: {  	s28 =	sadd.s32 $0x400, s9;
	s29 =	simm.s32 $0x4900  }
0x8b: {  	[tilespmem:s29], [sflag:$0x1] =	stream.linear.gather [hbm4b:s28+s5], $0x80, $0x38;
	[tilespmem:$0x8F80] =	vst v63  }
0x8c: {  	s30 =	simm.s32 $0x4D00;
	s9 =	sadd.s32 $0x480, s9  }
0x8d: {  	[tilespmem:s30], [sflag:$0x1] =	stream.linear.gather [hbm4b:s9+s5], $0x80, $0x38;
	[tilespmem:$0x8F80] =	vst v63  }
0x8e: {  	_ =	swait.ge [sflag:s6], $0x500  }
0x8f: {  	s9 =	sor.u32 $0x30, s3;
	[sflag:s6] =	ssyncset.done $0x0  }
0x90: {  	s13 =	simm.s32 $0x180;
	s31 =	sadd.s32 s8, s9;
	[sflag:s6] =	ssyncadd.s32 $0xFFFFFB00  }
0x91: {  	[tilespmem:s13], [sflag:$0x1] =	stream.linear.gather [hbm4b:s31+s5], $0x80, $0x38;
	[tilespmem:$0x8F80] =	vst v63  }
0x92: {  	s15 =	simm.s32 $0x580;
	s14 =	sadd.s32 $0x80, s31  }
0x93: {  	[tilespmem:s15], [sflag:$0x1] =	stream.linear.gather [hbm4b:s14+s5], $0x80, $0x38;
	[tilespmem:$0x8F80] =	vst v63  }
0x94: {  	s17 =	simm.s32 $0x980;
	s16 =	sadd.s32 $0x100, s31  }
0x95: {  	[tilespmem:s17], [sflag:$0x1] =	stream.linear.gather [hbm4b:s16+s5], $0x80, $0x38;
	[tilespmem:$0x8F80] =	vst v63  }
0x96: {  	s19 =	simm.s32 $0xD80;
	s18 =	sadd.s32 $0x180, s31  }
0x97: {  	[tilespmem:s19], [sflag:$0x1] =	stream.linear.gather [hbm4b:s18+s5], $0x80, $0x38;
	[tilespmem:$0x8F80] =	vst v63  }
0x98: {  	s21 =	simm.s32 $0x1180;
	s20 =	sadd.s32 $0x200, s31  }
0x99: {  	[tilespmem:s21], [sflag:$0x1] =	stream.linear.gather [hbm4b:s20+s5], $0x80, $0x38;
	[tilespmem:$0x8F80] =	vst v63  }
0x9a: {  	s23 =	simm.s32 $0x1580;
	s22 =	sadd.s32 $0x280, s31  }
0x9b: {  	[tilespmem:s23], [sflag:$0x1] =	stream.linear.gather [hbm4b:s22+s5], $0x80, $0x38;
	[tilespmem:$0x8F80] =	vst v63  }
0x9c: {  	s25 =	simm.s32 $0x1980;
	s24 =	sadd.s32 $0x300, s31  }
0x9d: {  	[tilespmem:s25], [sflag:$0x1] =	stream.linear.gather [hbm4b:s24+s5], $0x80, $0x38;
	[tilespmem:$0x8F80] =	vst v63  }
0x9e: {  	s28 =	simm.s32 $0x1D80;
	s26 =	sadd.s32 $0x380, s31  }
0x9f: {  	[tilespmem:s28], [sflag:$0x1] =	stream.linear.gather [hbm4b:s26+s5], $0x80, $0x38;
	[tilespmem:$0x8F80] =	vst v63  }
0xa0: {  	s30 =	simm.s32 $0x2180;
	s29 =	sadd.s32 $0x400, s31  }
0xa1: {  	[tilespmem:s30], [sflag:$0x1] =	stream.linear.gather [hbm4b:s29+s5], $0x80, $0x38;
	[tilespmem:$0x8F80] =	vst v63  }
0xa2: {  	s10 =	sadd.s32 $0x480, s31;
	s31 =	simm.s32 $0x2580  }
0xa3: {  	[tilespmem:s31], [sflag:$0x1] =	stream.linear.gather [hbm4b:s10+s5], $0x80, $0x38;
	[tilespmem:$0x8F80] =	vst v63  }
0xa4: {  	_ =	swait.ge [sflag:s6], $0x500  }
0xa5: {  	[sflag:s6] =	ssyncset.done $0x0  }
0xa6: {  	s12 =	simm.s32 $0x2980;
	s9 =	sadd.s32 s7, s9;
	[sflag:s6] =	ssyncadd.s32 $0xFFFFFB00  }
0xa7: {  	[tilespmem:s12], [sflag:$0x1] =	stream.linear.gather [hbm4b:s9+s5], $0x80, $0x38;
	[tilespmem:$0x8F80] =	vst v63  }
0xa8: {  	s13 =	sadd.s32 $0x80, s9;
	s14 =	simm.s32 $0x2D80  }
0xa9: {  	[tilespmem:s14], [sflag:$0x1] =	stream.linear.gather [hbm4b:s13+s5], $0x80, $0x38;
	[tilespmem:$0x8F80] =	vst v63  }
0xaa: {  	s15 =	sadd.s32 $0x100, s9;
	s16 =	simm.s32 $0x3180  }
0xab: {  	[tilespmem:s16], [sflag:$0x1] =	stream.linear.gather [hbm4b:s15+s5], $0x80, $0x38;
	[tilespmem:$0x8F80] =	vst v63  }
0xac: {  	s17 =	sadd.s32 $0x180, s9;
	s18 =	simm.s32 $0x3580  }
0xad: {  	[tilespmem:s18], [sflag:$0x1] =	stream.linear.gather [hbm4b:s17+s5], $0x80, $0x38;
	[tilespmem:$0x8F80] =	vst v63  }
0xae: {  	s19 =	sadd.s32 $0x200, s9;
	s20 =	simm.s32 $0x3980  }
0xaf: {  	[tilespmem:s20], [sflag:$0x1] =	stream.linear.gather [hbm4b:s19+s5], $0x80, $0x38;
	[tilespmem:$0x8F80] =	vst v63  }
0xb0: {  	s21 =	sadd.s32 $0x280, s9;
	s22 =	simm.s32 $0x3D80  }
0xb1: {  	[tilespmem:s22], [sflag:$0x1] =	stream.linear.gather [hbm4b:s21+s5], $0x80, $0x38;
	[tilespmem:$0x8F80] =	vst v63  }
0xb2: {  	s23 =	sadd.s32 $0x300, s9;
	s24 =	simm.s32 $0x4180  }
0xb3: {  	[tilespmem:s24], [sflag:$0x1] =	stream.linear.gather [hbm4b:s23+s5], $0x80, $0x38;
	[tilespmem:$0x8F80] =	vst v63  }
0xb4: {  	s25 =	sadd.s32 $0x380, s9;
	s26 =	simm.s32 $0x4580  }
0xb5: {  	[tilespmem:s26], [sflag:$0x1] =	stream.linear.gather [hbm4b:s25+s5], $0x80, $0x38;
	[tilespmem:$0x8F80] =	vst v63  }
0xb6: {  	s28 =	sadd.s32 $0x400, s9;
	s29 =	simm.s32 $0x4980  }
0xb7: {  	[tilespmem:s29], [sflag:$0x1] =	stream.linear.gather [hbm4b:s28+s5], $0x80, $0x38;
	[tilespmem:$0x8F80] =	vst v63  }
0xb8: {  	s30 =	simm.s32 $0x4D80;
	s9 =	sadd.s32 $0x480, s9  }
0xb9: {  	[tilespmem:s30], [sflag:$0x1] =	stream.linear.gather [hbm4b:s9+s5], $0x80, $0x38;
	[tilespmem:$0x8F80] =	vst v63  }
0xba: {  	_ =	swait.ge [sflag:s6], $0x500  }
0xbb: {  	s9 =	sor.u32 $0x40, s3;
	[sflag:s6] =	ssyncset.done $0x0  }
0xbc: {  	s13 =	simm.s32 $0x200;
	s31 =	sadd.s32 s8, s9;
	[sflag:s6] =	ssyncadd.s32 $0xFFFFFB00  }
0xbd: {  	[tilespmem:s13], [sflag:$0x1] =	stream.linear.gather [hbm4b:s31+s5], $0x80, $0x38;
	[tilespmem:$0x8F80] =	vst v63  }
0xbe: {  	s15 =	simm.s32 $0x600;
	s14 =	sadd.s32 $0x80, s31  }
0xbf: {  	[tilespmem:s15], [sflag:$0x1] =	stream.linear.gather [hbm4b:s14+s5], $0x80, $0x38;
	[tilespmem:$0x8F80] =	vst v63  }
0xc0: {  	s17 =	simm.s32 $0xA00;
	s16 =	sadd.s32 $0x100, s31  }
0xc1: {  	[tilespmem:s17], [sflag:$0x1] =	stream.linear.gather [hbm4b:s16+s5], $0x80, $0x38;
	[tilespmem:$0x8F80] =	vst v63  }
0xc2: {  	s19 =	simm.s32 $0xE00;
	s18 =	sadd.s32 $0x180, s31  }
0xc3: {  	[tilespmem:s19], [sflag:$0x1] =	stream.linear.gather [hbm4b:s18+s5], $0x80, $0x38;
	[tilespmem:$0x8F80] =	vst v63  }
0xc4: {  	s21 =	simm.s32 $0x1200;
	s20 =	sadd.s32 $0x200, s31  }
0xc5: {  	[tilespmem:s21], [sflag:$0x1] =	stream.linear.gather [hbm4b:s20+s5], $0x80, $0x38;
	[tilespmem:$0x8F80] =	vst v63  }
0xc6: {  	s23 =	simm.s32 $0x1600;
	s22 =	sadd.s32 $0x280, s31  }
0xc7: {  	[tilespmem:s23], [sflag:$0x1] =	stream.linear.gather [hbm4b:s22+s5], $0x80, $0x38;
	[tilespmem:$0x8F80] =	vst v63  }
0xc8: {  	s25 =	simm.s32 $0x1A00;
	s24 =	sadd.s32 $0x300, s31  }
0xc9: {  	[tilespmem:s25], [sflag:$0x1] =	stream.linear.gather [hbm4b:s24+s5], $0x80, $0x38;
	[tilespmem:$0x8F80] =	vst v63  }
0xca: {  	s28 =	simm.s32 $0x1E00;
	s26 =	sadd.s32 $0x380, s31  }
0xcb: {  	[tilespmem:s28], [sflag:$0x1] =	stream.linear.gather [hbm4b:s26+s5], $0x80, $0x38;
	[tilespmem:$0x8F80] =	vst v63  }
0xcc: {  	s30 =	simm.s32 $0x2200;
	s29 =	sadd.s32 $0x400, s31  }
0xcd: {  	[tilespmem:s30], [sflag:$0x1] =	stream.linear.gather [hbm4b:s29+s5], $0x80, $0x38;
	[tilespmem:$0x8F80] =	vst v63  }
0xce: {  	s10 =	sadd.s32 $0x480, s31;
	s31 =	simm.s32 $0x2600  }
0xcf: {  	[tilespmem:s31], [sflag:$0x1] =	stream.linear.gather [hbm4b:s10+s5], $0x80, $0x38;
	[tilespmem:$0x8F80] =	vst v63  }
0xd0: {  	_ =	swait.ge [sflag:s6], $0x500  }
0xd1: {  	[sflag:s6] =	ssyncset.done $0x0  }
0xd2: {  	s11 =	simm.s32 $0x2A00;
	s9 =	sadd.s32 s7, s9;
	[sflag:s6] =	ssyncadd.s32 $0xFFFFFB00  }
0xd3: {  	[tilespmem:s11], [sflag:$0x1] =	stream.linear.gather [hbm4b:s9+s5], $0x80, $0x38;
	[tilespmem:$0x8F80] =	vst v63  }
0xd4: {  	s12 =	sadd.s32 $0x80, s9;
	s13 =	simm.s32 $0x2E00  }
0xd5: {  	[tilespmem:s13], [sflag:$0x1] =	stream.linear.gather [hbm4b:s12+s5], $0x80, $0x38;
	[tilespmem:$0x8F80] =	vst v63  }
0xd6: {  	s14 =	sadd.s32 $0x100, s9;
	s15 =	simm.s32 $0x3200  }
0xd7: {  	[tilespmem:s15], [sflag:$0x1] =	stream.linear.gather [hbm4b:s14+s5], $0x80, $0x38;
	[tilespmem:$0x8F80] =	vst v63  }
0xd8: {  	s16 =	sadd.s32 $0x180, s9;
	s17 =	simm.s32 $0x3600  }
0xd9: {  	[tilespmem:s17], [sflag:$0x1] =	stream.linear.gather [hbm4b:s16+s5], $0x80, $0x38;
	[tilespmem:$0x8F80] =	vst v63  }
0xda: {  	s18 =	sadd.s32 $0x200, s9;
	s19 =	simm.s32 $0x3A00  }
0xdb: {  	[tilespmem:s19], [sflag:$0x1] =	stream.linear.gather [hbm4b:s18+s5], $0x80, $0x38;
	[tilespmem:$0x8F80] =	vst v63  }
0xdc: {  	s20 =	sadd.s32 $0x280, s9;
	s21 =	simm.s32 $0x3E00  }
0xdd: {  	[tilespmem:s21], [sflag:$0x1] =	stream.linear.gather [hbm4b:s20+s5], $0x80, $0x38;
	[tilespmem:$0x8F80] =	vst v63  }
0xde: {  	s22 =	sadd.s32 $0x300, s9;
	s23 =	simm.s32 $0x4200  }
0xdf: {  	[tilespmem:s23], [sflag:$0x1] =	stream.linear.gather [hbm4b:s22+s5], $0x80, $0x38;
	[tilespmem:$0x8F80] =	vst v63  }
0xe0: {  	s24 =	sadd.s32 $0x380, s9;
	s25 =	simm.s32 $0x4600  }
0xe1: {  	[tilespmem:s25], [sflag:$0x1] =	stream.linear.gather [hbm4b:s24+s5], $0x80, $0x38;
	[tilespmem:$0x8F80] =	vst v63  }
0xe2: {  	s26 =	sadd.s32 $0x400, s9;
	s28 =	simm.s32 $0x4A00  }
0xe3: {  	[tilespmem:s28], [sflag:$0x1] =	stream.linear.gather [hbm4b:s26+s5], $0x80, $0x38;
	[tilespmem:$0x8F80] =	vst v63  }
0xe4: {  	s29 =	simm.s32 $0x4E00;
	s9 =	sadd.s32 $0x480, s9  }
0xe5: {  	[tilespmem:s29], [sflag:$0x1] =	stream.linear.gather [hbm4b:s9+s5], $0x80, $0x38;
	[tilespmem:$0x8F80] =	vst v63  }
0xe6: {  	_ =	swait.ge [sflag:s6], $0x500  }
0xe7: {  	s30 =	sor.u32 $0x50, s3;
	[sflag:s6] =	ssyncset.done $0x0  }
0xe8: {  	s8 =	sadd.s32 s8, s30;
	s31 =	simm.s32 $0x280;
	[sflag:s6] =	ssyncadd.s32 $0xFFFFFB00  }
0xe9: {  	[tilespmem:s31], [sflag:$0x1] =	stream.linear.gather [hbm4b:s8+s5], $0x80, $0x38;
	[tilespmem:$0x8F80] =	vst v63  }
0xea: {  	s11 =	sadd.s32 $0x80, s8;
	s12 =	simm.s32 $0x680  }
0xeb: {  	[tilespmem:s12], [sflag:$0x1] =	stream.linear.gather [hbm4b:s11+s5], $0x80, $0x38;
	[tilespmem:$0x8F80] =	vst v63  }
0xec: {  	s13 =	sadd.s32 $0x100, s8;
	s14 =	simm.s32 $0xA80  }
0xed: {  	[tilespmem:s14], [sflag:$0x1] =	stream.linear.gather [hbm4b:s13+s5], $0x80, $0x38;
	[tilespmem:$0x8F80] =	vst v63  }
0xee: {  	s15 =	sadd.s32 $0x180, s8;
	s16 =	simm.s32 $0xE80  }
0xef: {  	[tilespmem:s16], [sflag:$0x1] =	stream.linear.gather [hbm4b:s15+s5], $0x80, $0x38;
	[tilespmem:$0x8F80] =	vst v63  }
0xf0: {  	s17 =	sadd.s32 $0x200, s8;
	s18 =	simm.s32 $0x1280  }
0xf1: {  	[tilespmem:s18], [sflag:$0x1] =	stream.linear.gather [hbm4b:s17+s5], $0x80, $0x38;
	[tilespmem:$0x8F80] =	vst v63  }
0xf2: {  	s19 =	sadd.s32 $0x280, s8;
	s20 =	simm.s32 $0x1680  }
0xf3: {  	[tilespmem:s20], [sflag:$0x1] =	stream.linear.gather [hbm4b:s19+s5], $0x80, $0x38;
	[tilespmem:$0x8F80] =	vst v63  }
0xf4: {  	s21 =	sadd.s32 $0x300, s8;
	s22 =	simm.s32 $0x1A80  }
0xf5: {  	[tilespmem:s22], [sflag:$0x1] =	stream.linear.gather [hbm4b:s21+s5], $0x80, $0x38;
	[tilespmem:$0x8F80] =	vst v63  }
0xf6: {  	s23 =	sadd.s32 $0x380, s8;
	s24 =	simm.s32 $0x1E80  }
0xf7: {  	[tilespmem:s24], [sflag:$0x1] =	stream.linear.gather [hbm4b:s23+s5], $0x80, $0x38;
	[tilespmem:$0x8F80] =	vst v63  }
0xf8: {  	s25 =	sadd.s32 $0x400, s8;
	s26 =	simm.s32 $0x2280  }
0xf9: {  	[tilespmem:s26], [sflag:$0x1] =	stream.linear.gather [hbm4b:s25+s5], $0x80, $0x38;
	[tilespmem:$0x8F80] =	vst v63  }
0xfa: {  	s28 =	simm.s32 $0x2680;
	s8 =	sadd.s32 $0x480, s8  }
0xfb: {  	[tilespmem:s28], [sflag:$0x1] =	stream.linear.gather [hbm4b:s8+s5], $0x80, $0x38;
	[tilespmem:$0x8F80] =	vst v63  }
0xfc: {  	_ =	swait.ge [sflag:s6], $0x500  }
0xfd: {  	[sflag:s6] =	ssyncset.done $0x0  }
0xfe: {  	s7 =	sadd.s32 s7, s30;
	s29 =	simm.s32 $0x2A80;
	[sflag:s6] =	ssyncadd.s32 $0xFFFFFB00  }
0xff: {  	[tilespmem:s29], [sflag:$0x1] =	stream.linear.gather [hbm4b:s7+s5], $0x80, $0x38;
	[tilespmem:$0x8F80] =	vst v63  }
0x100: {  	s30 =	sadd.s32 $0x80, s7;
	s31 =	simm.s32 $0x2E80  }
0x101: {  	[tilespmem:s31], [sflag:$0x1] =	stream.linear.gather [hbm4b:s30+s5], $0x80, $0x38;
	[tilespmem:$0x8F80] =	vst v63  }
0x102: {  	s10 =	simm.s32 $0x3280;
	s9 =	sadd.s32 $0x100, s7  }
0x103: {  	[tilespmem:s10], [sflag:$0x1] =	stream.linear.gather [hbm4b:s9+s5], $0x80, $0x38;
	[tilespmem:$0x8F80] =	vst v63  }
0x104: {  	s11 =	sadd.s32 $0x180, s7;
	s12 =	simm.s32 $0x3680  }
0x105: {  	[tilespmem:s12], [sflag:$0x1] =	stream.linear.gather [hbm4b:s11+s5], $0x80, $0x38;
	[tilespmem:$0x8F80] =	vst v63  }
0x106: {  	s13 =	sadd.s32 $0x200, s7;
	s14 =	simm.s32 $0x3A80  }
0x107: {  	[tilespmem:s14], [sflag:$0x1] =	stream.linear.gather [hbm4b:s13+s5], $0x80, $0x38;
	[tilespmem:$0x8F80] =	vst v63  }
0x108: {  	s15 =	sadd.s32 $0x280, s7;
	s16 =	simm.s32 $0x3E80  }
0x109: {  	[tilespmem:s16], [sflag:$0x1] =	stream.linear.gather [hbm4b:s15+s5], $0x80, $0x38;
	[tilespmem:$0x8F80] =	vst v63  }
0x10a: {  	s17 =	sadd.s32 $0x300, s7;
	s18 =	simm.s32 $0x4280  }
0x10b: {  	[tilespmem:s18], [sflag:$0x1] =	stream.linear.gather [hbm4b:s17+s5], $0x80, $0x38;
	[tilespmem:$0x8F80] =	vst v63  }
0x10c: {  	s19 =	sadd.s32 $0x380, s7;
	s20 =	simm.s32 $0x4680  }
0x10d: {  	[tilespmem:s20], [sflag:$0x1] =	stream.linear.gather [hbm4b:s19+s5], $0x80, $0x38;
	[tilespmem:$0x8F80] =	vst v63  }
0x10e: {  	s21 =	sadd.s32 $0x400, s7;
	s22 =	simm.s32 $0x4A80  }
0x10f: {  	[tilespmem:s22], [sflag:$0x1] =	stream.linear.gather [hbm4b:s21+s5], $0x80, $0x38;
	[tilespmem:$0x8F80] =	vst v63  }
0x110: {  	s23 =	simm.s32 $0x4E80;
	s7 =	sadd.s32 $0x480, s7  }
0x111: {  	[tilespmem:s23], [sflag:$0x1] =	stream.linear.gather [hbm4b:s7+s5], $0x80, $0x38;
	[tilespmem:$0x8F80] =	vst v63  }
0x112: {  	_ =	swait.ge [sflag:s6], $0x500  }
0x113: {  	s24 =	sadd.s32 $0x600, s4;
	s25 =	sshrl.u32 s3, $0x3;
	[sflag:s6] =	ssyncset.done $0x0  }
0x114: {  	s8 =	simm.s32 $0x7D00;
	s7 =	sadd.s32 s24, s25;
	[sflag:s6] =	ssyncadd.s32 $0xFFFFFB00  }
0x115: {  	[tilespmem:s8], [sflag:$0x1] =	stream.linear.gather [hbm4b:s7+s5], $0x500, $0x38;
	[tilespmem:$0x8F80] =	vst v63  }
0x116: {  	_ =	swait.ge [sflag:s6], $0x500  }
0x117: {  	s26 =	sand.u32 $0x70, s5;
	s28 =	sand.u32 $0x3C00, s5;
	[sflag:s6] =	ssyncset.done $0x0  }
0x118: {  	s29 =	sor.u32 s26, s28;
	[sflag:s6] =	ssyncadd.s32 $0xFFFFFB00  }
0x119: {  	v0 =	vld [tilespmem:s29+$0x2A80]  }
0x11a: {  	v1 =	vld [tilespmem:s29+$0x2980]  }
0x11b: {  	v2 =	vld [tilespmem:s29+$0x2A00]  }
0x11c: {  	v3 =	vld [tilespmem:s29+$0x280]  }
0x11d: {  	v4 =	vld [tilespmem:s29+$0x100];
	_ =	sdelay $0x1  }
0x11e: {  	v5 =	vld [tilespmem:s29+$0x180];
	v0 =	vmul.f32 $1.442695020e+00, v0  }
0x11f: {  	v6 =	vld [tilespmem:s29+$0x200];
	v1 =	vmul.f32 $1.442695020e+00, v1  }
0x120: {  	v7 =	vld [tilespmem:s29+$0x80];
	(erf) = vpow2.f32 v0  }
0x121: {  	v2 =	vmul.f32 $1.442695020e+00, v2;
	v0 =	vld [tilespmem:s29+$0x0];
	(erf) = vpow2.f32 v1;
	v1 =	vsub.f32 v3, v4;
	_ =	sdelay $0x1  }
0x122: {  	(erf) = vpow2.f32 v2;
	v1 =	vadd.f32 $1.000000000e+00, v1  }
0x123: {  	v3 =	vld [tilespmem:s29+$0x2900]  }
0x124: {  	v8 =	vmul.f32 $5.000000000e-01, v1  }
0x125: {  	v2 =	vsub.f32 v5, v0;
	v5 =	vsub.f32 v6, v7;
	v6 =	vld [tilespmem:s29+$0x2800]  }
0x126: {  	v4 =	vadd.f32 v8, v4  }
0x127: {  	v9 =	vld [tilespmem:s29+$0x2880];
	v2 =	vadd.f32 $1.000000000e+00, v2  }
0x128: {  	v3 =	vmul.f32 v3, v1;
	v5 =	vadd.f32 $1.000000000e+00, v5;
	v10 =	vpop (erf)  }
0x129: {  	v8 =	vmul.f32 $5.000000000e-01, v2;
	v1 =	vmul.f32 v10, v1  }
0x12a: {  	v63 =	vmul.f32 $5.000000000e-01, v5;
	v3 =	vadd.f32 v4, v3;
	v6 =	vmul.f32 v6, v2;
	v4 =	vpop (erf)  }
0x12b: {  	v0 =	vadd.f32 v8, v0;
	v1 =	vmul.f32 $5.000000000e-01, v1;
	v2 =	vmul.f32 v4, v2;
	v4 =	vpop (erf)  }
0x12c: {  	v8 =	vmul.f32 v9, v5;
	v7 =	vadd.f32 v63, v7;
	v4 =	vmul.f32 v4, v5  }
0x12d: {  	v0 =	vadd.f32 v0, v6;
	v2 =	vmul.f32 $5.000000000e-01, v2;
	v5 =	vsub.f32 v3, v1  }
0x12e: {  	v6 =	vadd.f32 v7, v8;
	v1 =	vadd.f32 v1, v3;
	v4 =	vmul.f32 $5.000000000e-01, v4  }
0x12f: {  	v3 =	vsub.f32 v0, v2;
	v5 =	vmax.f32 v5, $0.0e+00;
	v0 =	vadd.f32 v2, v0  }
0x130: {  	v1 =	vmax.f32 v1, $0.0e+00;
	v2 =	vsub.f32 v6, v4;
	v4 =	vadd.f32 v4, v6  }
0x131: {  	v5 =	vmin.f32 v5, $2.230000000e+02;
	v3 =	vmax.f32 v3, $0.0e+00;
	v0 =	vmax.f32 v0, $0.0e+00  }
0x132: {  	v3 =	vmin.f32 v3, $2.230000000e+02;
	v2 =	vmax.f32 v2, $0.0e+00;
	v4 =	vmax.f32 v4, $0.0e+00  }
0x133: {  	v0 =	vmin.f32 v0, $2.230000000e+02;
	v2 =	vmin.f32 v2, $2.230000000e+02;
	v4 =	vmin.f32 v4, $2.230000000e+02  }
0x134: {  	v1 =	vmin.f32 v1, $2.230000000e+02;
	v6 =	vsub.f32 v0, v3;
	v7 =	vsub.f32 v4, v2  }
0x135: {  	v8 =	vsub.f32 v1, v5  }
0x136: {  	[tilespmem:s29+$0x5100] =	vst v5;
	v5 =	vadd.f32 $1.000000000e+00, v6;
	v6 =	vadd.f32 $1.000000000e+00, v7  }
0x137: {  	[tilespmem:s29+$0x5280] =	vst v1  }
0x138: {  	[tilespmem:s29+$0x5000] =	vst v3;
	v3 =	vadd.f32 $1.000000000e+00, v8;
	v1 =	vmul.f32 v6, v5  }
0x139: {  	[tilespmem:s29+$0x5180] =	vst v0  }
0x13a: {  	s11 =	simm.s32 $0x80;
	s12 =	simm.s32 $0x10;
	[tilespmem:s29+$0x5080] =	vst v2;
	v0 =	vmul.f32 v3, v1  }
0x13b: {  	s9 =	simm.s32 $0x7800;
	s30 =	sand.u32 $0x70, s12;
	s31 =	sand.u32 $0x3C00, s11;
	[tilespmem:s29+$0x5200] =	vst v4  }
0x13c: {  	s10 =	sor.u32 s30, s31;
	[tilespmem:s9+$0x0] =	vst v0  }
0x13d: {  	vm0 =	vmxor vm0, vm0;
	v0 =	vld [tilespmem:s10+$0x2A80]  }
0x13e: {  	s4 =	sadd.s32 $0xB000, s4;
	v2 =	vimm.f32 $-1.000000000e+00;
	v4 =	vimm.f32 $-1.000000000e+00;
	v5 =	vimm.f32 $-1.000000000e+00;
	v7 =	vld [tilespmem:s8+$0x0]  }
0x13f: {  	s13 =	simm.s32 $0x2;
	s7 =	sshll.u32 s2, $0x9;
	s6 =	simm.s32 $0x1;
	v6 =	vimm.f32 $-1.000000000e+00;
	v1 =	vlaneseq.u32;
	v3 =	vimm.f32 $-1.000000000e+00  }
.LBB2_2:
0x140: {  	p0 =	sne.s32 s13, $0x4F;
	v8 =	vld [tilespmem:s10+$0x2980]  }
0x141: {  	v9 =	vld [tilespmem:s10+$0x2A00]  }
0x142: {  	v10 =	vld [tilespmem:s10+$0x280];
	v0 =	vmul.f32 $1.442695020e+00, v0  }
0x143: {  	vm2 =	vmmov vm0;
	vm3 =	vmmov vm0;
	v11 =	vld [tilespmem:s10+$0x100];
	(xrf0) =	vmax.scan.msk.f32 $0xffff, v7  }
0x144: {  	s14 =	sand.u32 $0xF, s5;
	s15 =	sshrl.u32 s5, $0x4;
	s5 =	smov.u32 s6;
	vm4 =	vmmov vm0;
	vm5 =	vmmov vm0;
	v7 =	vld [tilespmem:s10+$0x180];
	(erf) = vpow2.f32 v0  }
0x145: {  	s6 =	smov.u32 s13;
	vm6 =	vmmov vm0;
	v12 =	vmov s14;
	p1 =	seq.s32 s15, $0x0;
	v0 =	vld [tilespmem:s10+$0x0];
	v8 =	vmul.f32 $1.442695020e+00, v8  }
0x146: {  	p2 =	seq.s32 s15, $0x2;
	vm1 =	veq.s32 v12, v1;
	vm2 =	vmneg @p1 vm2;
	p1 =	seq.s32 s15, $0x1;
	v13 =	vld [tilespmem:s10+$0x200];
	v14 =	vmul.f32 $1.442695020e+00, v9  }
0x147: {  	vm4 =	vmneg @p2 vm4;
	vm3 =	vmneg @p1 vm3;
	p1 =	seq.s32 s15, $0x3;
	v12 =	vld [tilespmem:s10+$0x80];
	(erf) = vpow2.f32 v8  }
0x148: {  	vm5 =	vmneg @p1 vm5;
	p1 =	seq.s32 s15, $0x4;
	v8 =	vsub.f32 v10, v11;
	v10 =	vld [tilespmem:s10+$0x2900];
	(erf) = vpow2.f32 v14  }
0x149: {  	vm2 =	vmand vm1, vm2;
	vm3 =	vmand vm1, vm3;
	vm6 =	vmneg @p1 vm6;
	v9, _, _ =	vpop (xrf0)  }
0x14a: {  	vm4 =	vmand vm1, vm4;
	v8 =	vadd.f32 $1.000000000e+00, v8;
	v9 =	vbroadcast v9, $0xF  }
0x14b: {  	vm5 =	vmand vm1, vm5;
	vm1 =	vmand vm1, vm6;
	v7 =	vsub.f32 v7, v0  }
0x14c: {  	v13 =	vsub.f32 v13, v12;
	v14 =	vld [tilespmem:s10+$0x2800];
	v15 =	vmul.f32 $5.000000000e-01, v8;
	v2 =	vsel vm2, v9, v2  }
0x14d: {  	v7 =	vadd.f32 $1.000000000e+00, v7;
	v3 =	vsel vm3, v9, v3;
	v16 =	vld [tilespmem:s10+$0x2880];
	v10 =	vmul.f32 v10, v8;
	v17 =	vpop (erf)  }
0x14e: {  	v13 =	vadd.f32 $1.000000000e+00, v13;
	v18 =	vadd.f32 v15, v11;
	v8 =	vmul.f32 v17, v8  }
0x14f: {  	v4 =	vsel vm4, v9, v4;
	v5 =	vsel vm5, v9, v5;
	v15 =	vmul.f32 $5.000000000e-01, v7  }
0x150: {  	v17 =	vmul.f32 $5.000000000e-01, v13;
	v10 =	vadd.f32 v18, v10;
	v8 =	vmul.f32 $5.000000000e-01, v8;
	v11 =	vpop (erf)  }
0x151: {  	v0 =	vadd.f32 v15, v0;
	v14 =	vmul.f32 v14, v7;
	v7 =	vmul.f32 v11, v7;
	v11 =	vpop (erf)  }
0x152: {  	v15 =	vmul.f32 v16, v13;
	v12 =	vadd.f32 v17, v12;
	v11 =	vmul.f32 v11, v13  }
0x153: {  	v13 =	vsub.f32 v10, v8;
	v0 =	vadd.f32 v0, v14;
	v7 =	vmul.f32 $5.000000000e-01, v7  }
0x154: {  	v8 =	vadd.f32 v8, v10;
	v12 =	vadd.f32 v12, v15;
	v11 =	vmul.f32 $5.000000000e-01, v11  }
0x155: {  	v13 =	vmax.f32 v13, $0.0e+00;
	v10 =	vsub.f32 v0, v7;
	v0 =	vadd.f32 v7, v0  }
0x156: {  	v8 =	vmax.f32 v8, $0.0e+00;
	v7 =	vsub.f32 v12, v11;
	v11 =	vadd.f32 v11, v12  }
0x157: {  	v12 =	vmin.f32 v13, $2.230000000e+02;
	v10 =	vmax.f32 v10, $0.0e+00;
	v0 =	vmax.f32 v0, $0.0e+00  }
0x158: {  	v10 =	vmin.f32 v10, $2.230000000e+02;
	v7 =	vmax.f32 v7, $0.0e+00;
	v11 =	vmax.f32 v11, $0.0e+00  }
0x159: {  	v0 =	vmin.f32 v0, $2.230000000e+02;
	v7 =	vmin.f32 v7, $2.230000000e+02;
	v11 =	vmin.f32 v11, $2.230000000e+02  }
0x15a: {  	v8 =	vmin.f32 v8, $2.230000000e+02;
	v13 =	vsub.f32 v0, v10;
	v14 =	vsub.f32 v11, v7  }
0x15b: {  	v6 =	vsel vm1, v9, v6;
	v15 =	vsub.f32 v8, v12  }
0x15c: {  	v9 =	vadd.f32 $1.000000000e+00, v13;
	[tilespmem:s10+$0x5100] =	vst v12;
	v12 =	vadd.f32 $1.000000000e+00, v14  }
0x15d: {  	[tilespmem:s10+$0x5280] =	vst v8  }
0x15e: {  	[tilespmem:s10+$0x5000] =	vst v10;
	v8 =	vmul.f32 v12, v9;
	v9 =	vadd.f32 $1.000000000e+00, v15  }
0x15f: {  	[tilespmem:s10+$0x5180] =	vst v0  }
0x160: {  	s11 =	sadd.s32 $0x80, s11;
	s12 =	sadd.s32 $0x10, s12;
	s9 =	sadd.s32 $0x10, s9;
	[tilespmem:s10+$0x5080] =	vst v7;
	v0 =	vmul.f32 v9, v8  }
.Ltmp1:
0x161: {  	s14 =	sand.u32 $0x70, s12;
	s15 =	sand.u32 $0x3C00, s11;
	[tilespmem:s10+$0x5200] =	vst v11;
	(pc) =	sbr.rel @p0 .LBB2_2-.Ltmp1, $4  }
0x162: {  	s10 =	sor.u32 s14, s15;
	[tilespmem:s9+$0x0] =	vst v0  }
0x163: {  	s8 =	sadd.s32 $0x10, s8;
	v0 =	vld [tilespmem:s10+$0x2A80]  }
0x164: {  	v7 =	vld [tilespmem:s8+$0x0]  }
0x165: {  	s13 =	sadd.s32 $0x1, s13  }
0x166: {  	v8 =	vld [tilespmem:s10+$0x2980]  }
0x167: {  	v9 =	vld [tilespmem:s10+$0x2A00]  }
0x168: {  	v10 =	vld [tilespmem:s10+$0x280]  }
0x169: {  	v11 =	vld [tilespmem:s10+$0x100];
	_ =	sdelay $0x1  }
0x16a: {  	v12 =	vld [tilespmem:s10+$0x180];
	v0 =	vmul.f32 $1.442695020e+00, v0  }
0x16b: {  	v13 =	vld [tilespmem:s10+$0x200];
	v8 =	vmul.f32 $1.442695020e+00, v8  }
0x16c: {  	v14 =	vld [tilespmem:s10+$0x80];
	(erf) = vpow2.f32 v0  }
0x16d: {  	v0 =	vld [tilespmem:s10+$0x0];
	v9 =	vmul.f32 $1.442695020e+00, v9;
	(erf) = vpow2.f32 v8;
	v8 =	vsub.f32 v10, v11;
	_ =	sdelay $0x1  }
0x16e: {  	(erf) = vpow2.f32 v9;
	v8 =	vadd.f32 $1.000000000e+00, v8  }
0x16f: {  	v10 =	vld [tilespmem:s10+$0x2900]  }
0x170: {  	v15 =	vmul.f32 $5.000000000e-01, v8  }
0x171: {  	v9 =	vsub.f32 v12, v0;
	v12 =	vsub.f32 v13, v14;
	v13 =	vld [tilespmem:s10+$0x2800]  }
0x172: {  	v11 =	vadd.f32 v15, v11  }
0x173: {  	v16 =	vld [tilespmem:s10+$0x2880];
	v9 =	vadd.f32 $1.000000000e+00, v9  }
0x174: {  	v12 =	vadd.f32 $1.000000000e+00, v12;
	v10 =	vmul.f32 v10, v8;
	v17 =	vpop (erf)  }
0x175: {  	v15 =	vmul.f32 $5.000000000e-01, v9;
	v8 =	vmul.f32 v17, v8  }
0x176: {  	v17 =	vmul.f32 $5.000000000e-01, v12;
	v13 =	vmul.f32 v13, v9;
	v10 =	vadd.f32 v11, v10;
	v11 =	vpop (erf)  }
0x177: {  	v0 =	vadd.f32 v15, v0;
	v8 =	vmul.f32 $5.000000000e-01, v8;
	v9 =	vmul.f32 v11, v9;
	v11 =	vpop (erf)  }
0x178: {  	v15 =	vmul.f32 v16, v12;
	v14 =	vadd.f32 v17, v14;
	v11 =	vmul.f32 v11, v12  }
0x179: {  	v0 =	vadd.f32 v0, v13;
	v12 =	vsub.f32 v10, v8;
	v9 =	vmul.f32 $5.000000000e-01, v9  }
0x17a: {  	v13 =	vadd.f32 v14, v15;
	v8 =	vadd.f32 v8, v10;
	v11 =	vmul.f32 $5.000000000e-01, v11  }
0x17b: {  	v12 =	vmax.f32 v12, $0.0e+00;
	v10 =	vsub.f32 v0, v9;
	v0 =	vadd.f32 v9, v0  }
0x17c: {  	v8 =	vmax.f32 v8, $0.0e+00;
	v9 =	vsub.f32 v13, v11;
	v11 =	vadd.f32 v11, v13  }
0x17d: {  	v12 =	vmin.f32 v12, $2.230000000e+02;
	v10 =	vmax.f32 v10, $0.0e+00;
	v0 =	vmax.f32 v0, $0.0e+00  }
0x17e: {  	v10 =	vmin.f32 v10, $2.230000000e+02;
	v9 =	vmax.f32 v9, $0.0e+00;
	v11 =	vmax.f32 v11, $0.0e+00  }
0x17f: {  	v0 =	vmin.f32 v0, $2.230000000e+02;
	v9 =	vmin.f32 v9, $2.230000000e+02;
	v11 =	vmin.f32 v11, $2.230000000e+02  }
0x180: {  	v8 =	vmin.f32 v8, $2.230000000e+02;
	v13 =	vsub.f32 v0, v10;
	v14 =	vsub.f32 v11, v9  }
0x181: {  	v15 =	vsub.f32 v8, v12  }
0x182: {  	[tilespmem:s10+$0x5100] =	vst v12;
	v12 =	vadd.f32 $1.000000000e+00, v13;
	v13 =	vadd.f32 $1.000000000e+00, v14  }
0x183: {  	[tilespmem:s10+$0x5280] =	vst v8  }
0x184: {  	[tilespmem:s10+$0x5000] =	vst v10;
	v10 =	vadd.f32 $1.000000000e+00, v15;
	v8 =	vmul.f32 v13, v12  }
0x185: {  	[tilespmem:s10+$0x5180] =	vst v0  }
0x186: {  	[tilespmem:s10+$0x5080] =	vst v9;
	v0 =	vmul.f32 v10, v8  }
0x187: {  	s9 =	sadd.s32 $0x10, s9;
	[tilespmem:s10+$0x5200] =	vst v11  }
0x188: {  	s8 =	sadd.s32 $0x10, s8;
	[tilespmem:s9+$0x0] =	vst v0;
	v0 =	vimm.f32 $0.0e+00  }
0x189: {  	v8 =	vld [tilespmem:s8+$0x0];
	[tilespmem:$0x8200] =	vst v0  }
0x18a: {  	[tilespmem:$0x8210] =	vst v0  }
0x18b: {  	[tilespmem:$0x8220] =	vst v0  }
0x18c: {  	[tilespmem:$0x8230] =	vst v0  }
0x18d: {  	[tilespmem:$0x8240] =	vst v0  }
0x18e: {  	[tilespmem:$0x8250] =	vst v0  }
0x18f: {  	[tilespmem:$0x8260] =	vst v0  }
0x190: {  	[tilespmem:$0x8270] =	vst v0  }
0x191: {  	[tilespmem:$0x8280] =	vst v0  }
0x192: {  	[tilespmem:$0x8290] =	vst v0  }
0x193: {  	[tilespmem:$0x82A0] =	vst v0  }
0x194: {  	[tilespmem:$0x82B0] =	vst v0  }
0x195: {  	[tilespmem:$0x82C0] =	vst v0  }
0x196: {  	[tilespmem:$0x82D0] =	vst v0  }
0x197: {  	[tilespmem:$0x82E0] =	vst v0  }
0x198: {  	[tilespmem:$0x82F0] =	vst v0  }
0x199: {  	[tilespmem:$0x8300] =	vst v0  }
0x19a: {  	[tilespmem:$0x8310] =	vst v0  }
0x19b: {  	[tilespmem:$0x8320] =	vst v0  }
0x19c: {  	[tilespmem:$0x8330] =	vst v0  }
0x19d: {  	[tilespmem:$0x8340] =	vst v0  }
0x19e: {  	[tilespmem:$0x8350] =	vst v0  }
0x19f: {  	[tilespmem:$0x8360] =	vst v0  }
0x1a0: {  	[tilespmem:$0x8370] =	vst v0  }
0x1a1: {  	[tilespmem:$0x8380] =	vst v0  }
0x1a2: {  	[tilespmem:$0x8390] =	vst v0  }
0x1a3: {  	[tilespmem:$0x83A0] =	vst v0  }
0x1a4: {  	[tilespmem:$0x83B0] =	vst v0  }
0x1a5: {  	[tilespmem:$0x83C0] =	vst v0  }
0x1a6: {  	[tilespmem:$0x83D0] =	vst v0  }
0x1a7: {  	[tilespmem:$0x83E0] =	vst v0  }
0x1a8: {  	[tilespmem:$0x83F0] =	vst v0  }
0x1a9: {  	[tilespmem:$0x8400] =	vst v0  }
0x1aa: {  	[tilespmem:$0x8410] =	vst v0  }
0x1ab: {  	[tilespmem:$0x8420] =	vst v0  }
0x1ac: {  	[tilespmem:$0x8430] =	vst v0  }
0x1ad: {  	[tilespmem:$0x8440] =	vst v0  }
0x1ae: {  	(xrf0) =	vmax.scan.msk.f32 $0xffff, v7;
	[tilespmem:$0x8450] =	vst v0  }
0x1af: {  	[tilespmem:$0x8460] =	vst v0  }
0x1b0: {  	s28 =	sand.u32 $0xF, s5;
	[tilespmem:$0x8470] =	vst v0  }
0x1b1: {  	s29 =	sshrl.u32 s5, $0x4;
	vm1 =	vmmov vm0;
	v7 =	vmov s28;
	[tilespmem:$0x8480] =	vst v0  }
0x1b2: {  	vm2 =	vmmov vm0;
	vm4 =	vmmov vm0;
	vm5 =	vmmov vm0;
	p0 =	seq.s32 s29, $0x0;
	p1 =	seq.s32 s29, $0x1;
	[tilespmem:$0x8490] =	vst v0  }
0x1b3: {  	vm6 =	vmmov vm0;
	vm1 =	vmneg @p0 vm1;
	p0 =	seq.s32 s29, $0x2;
	vm2 =	vmneg @p1 vm2;
	p1 =	seq.s32 s29, $0x3;
	[tilespmem:$0x84A0] =	vst v0  }
0x1b4: {  	vm4 =	vmneg @p0 vm4;
	vm5 =	vmneg @p1 vm5;
	p0 =	seq.s32 s29, $0x4;
	vm3 =	veq.s32 v7, v1;
	v7, _, _ =	vpop (xrf0);
	[tilespmem:$0x84B0] =	vst v0  }
0x1b5: {  	vm6 =	vmneg @p0 vm6;
	vm1 =	vmand vm3, vm1;
	v7 =	vbroadcast v7, $0xF;
	[tilespmem:$0x84C0] =	vst v0  }
0x1b6: {  	vm2 =	vmand vm3, vm2;
	vm4 =	vmand vm3, vm4;
	vm5 =	vmand vm3, vm5;
	[tilespmem:$0x84D0] =	vst v0  }
0x1b7: {  	vm3 =	vmand vm3, vm6;
	vm6 =	vmmov vm0;
	v2 =	vsel vm1, v7, v2;
	[tilespmem:$0x84E0] =	vst v0  }
0x1b8: {  	v3 =	vsel vm2, v7, v3;
	v4 =	vsel vm4, v7, v4;
	[tilespmem:$0x84F0] =	vst v0;
	(xrf0) =	vmax.scan.msk.f32 $0xffff, v8  }
0x1b9: {  	s30 =	sshrl.u32 s6, $0x4;
	s31 =	sand.u32 $0xF, s6;
	v5 =	vsel vm5, v7, v5;
	v6 =	vsel vm3, v7, v6;
	vm1 =	vmmov vm0;
	[tilespmem:$0x8500] =	vst v0  }
0x1ba: {  	p1 =	seq.s32 s30, $0x1;
	p0 =	seq.s32 s30, $0x0;
	vm2 =	vmmov vm0;
	v7 =	vmov s31;
	vm3 =	vmmov vm0;
	[tilespmem:$0x8510] =	vst v0  }
0x1bb: {  	vm4 =	vmmov vm0;
	vm1 =	vmneg @p0 vm1;
	p0 =	seq.s32 s30, $0x2;
	vm2 =	vmneg @p1 vm2;
	p1 =	seq.s32 s30, $0x3;
	[tilespmem:$0x8520] =	vst v0  }
0x1bc: {  	vm15 =	veq.s32 v7, v1;
	vm3 =	vmneg @p0 vm3;
	vm4 =	vmneg @p1 vm4;
	p0 =	seq.s32 s30, $0x4;
	[tilespmem:$0x8530] =	vst v0  }
0x1bd: {  	vm1 =	vmand vm15, vm1;
	vm2 =	vmand vm15, vm2;
	vm6 =	vmneg @p0 vm6;
	[tilespmem:$0x8540] =	vst v0  }
0x1be: {  	vm3 =	vmand vm15, vm3;
	vm4 =	vmand vm15, vm4;
	vm5 =	vmand vm15, vm6;
	[tilespmem:$0x8550] =	vst v0;
	v1, _, _ =	vpop (xrf0)  }
0x1bf: {  	v9 =	vimm.f32 $0.0e+00;
	v11 =	vimm.f32 $0.0e+00;
	[tilespmem:$0x8560] =	vst v0;
	v1 =	vbroadcast v1, $0xF  }
0x1c0: {  	v14 =	vimm.f32 $0.0e+00;
	v12 =	vimm.f32 $0.0e+00;
	v13 =	vimm.f32 $0.0e+00;
	[tilespmem:$0x8570] =	vst v0  }
0x1c1: {  	v10 =	vimm.f32 $0.0e+00;
	[tilespmem:$0x8580] =	vst v0;
	v8 =	vimm.f32 $0.0e+00;
	v16 =	vsel vm1, v1, v2  }
0x1c2: {  	[tilespmem:$0x8590] =	vst v0;
	v15 =	vsel vm2, v1, v3;
	v17 =	vsel vm3, v1, v4;
	v19 =	vsel vm4, v1, v5  }
0x1c3: {  	[tilespmem:$0x85A0] =	vst v0;
	v18 =	vsel vm5, v1, v6;
	v3 =	vimm.s32 $0x280;
	vm1 =	vcmask $0xB00  }
.Ltmp2:
0x1c4: {  	[tilespmem:$0x85B0] =	vst v0;
	v1 =	vlaneseq.u32;
	v4 =	vsel vm1, $0x0, v3;
	vm1 =	vcmask $0xF0C;
	(pc) =	sbr.rel .LBB2_4-.Ltmp2, $4  }
0x1c5: {  	s5 =	simm.s32 $0x5000;
	[tilespmem:$0x85C0] =	vst v0;
	v2 =	vor.u32 $0x80000040, v1;
	v5 =	vsel vm1, $0x80, v4;
	vm1 =	vcmask $0x1310  }
0x1c6: {  	s6 =	simm.s32 $0x7800;
	[tilespmem:$0x85D0] =	vst v0;
	v3 =	vor.u32 $0x80000030, v1;
	v6 =	vsel vm1, $0x100, v5;
	vm1 =	vcmask $0x1714  }
0x1c7: {  	s11 =	simm.s32 $0x0;
	s7 =	sshrl.u32 s7, $0x2;
	s10 =	simm.s32 $0x8680;
	[tilespmem:$0x85E0] =	vst v0;
	v4 =	vor.u32 $0x80000020, v1;
	v7 =	vsel vm1, $0x180, v6;
	vm1 =	vcmask $0x1B18  }
0x1c8: {  	p0 =	sne.s32 s2, $0x0;
	s9 =	simm.s32 $0x2;
	[tilespmem:$0x85F0] =	vst v0;
	s8 =	simm.s32 $0x8600;
	v5 =	vor.u32 $0x80000010, v1;
	v6 =	vor.u32 $0x80000000, v1;
	v7 =	vsel vm1, $0x200, v7  }
.LBB2_5:
0x1c9: {  	v24 =	vmov s12;
	v23 =	vpsel p1, v23, v23  }
0x1ca: {  	v22 =	vpsel p1, v22, v22;
	v21 =	vpsel p1, v21, v21;
	v20 =	vpsel p1, v20, v20  }
0x1cb: {  	s12 =	smov.u32 @p1 s12;
	v16 =	vpsel p1, v16, v16;
	v15 =	vpsel p1, v15, v15;
	v17 =	vpsel p1, v17, v17  }
0x1cc: {  	s13 =	smov.u32 @p1 s13;
	s14 =	smov.u32 @p1 s14;
	v19 =	vpsel p1, v19, v19;
	v18 =	vpsel p1, v18, v18;
	s16 =	smov.u32 @p1 s16;
	v24 =	vpsel p1, v24, v24  }
.LBB2_8:
0x1cd: {  	v22 =	vor.u32 v23, v22  }
0x1ce: {  	v22 =	vor.u32 v7, v22;
	_ =	sdelay $0x4  }
0x1cf: {  	v22 =	vld.idx.msk [tilespmem:v22+s5+$0x0], $0xffff;
	_ =	sdelay $0x2  }
0x1d0: {  	s14 =	sadd.s32 s3, s14  }
0x1d1: {  	vm1 =	veq.s32 v1, $0x0;
	s15 =	sshll.u32 s11, $0xC;
	s14 =	scvt.s32.f32 s14  }
0x1d2: {  	s19 =	sand.u32 $0x1000, s15;
	v22 =	vsel vm1, s13, v22;
	vm1 =	veq.s32 v1, $0x1  }
0x1d3: {  	s13 =	sadd.s32 s19, s1;
	v22 =	vsel vm1, s14, v22  }
0x1d4: {  	s20 =	sadd.s32 s7, s13;
	[tilespmem:$0x8600] =	vst v22  }
0x1d5: {  	[spmem:s20] =	stream.linear.scatter [tilespmem:s8], [sflag:$0x2], $0x80, $0x38;
	[tilespmem:$0x8F80] =	vst v63  }
0x1d6: {  	_ =	swait.ge [sflag:s9], $0x80  }
0x1d7: {  	[sflag:s9] =	ssyncset.done $0x0  }
0x1d8: {  	v56 =	vmul.u32 $0x80, v1;
	[sflag:s9] =	ssyncadd.s32 $0xFFFFFF80  }
0x1d9: {  	[bflag:$0x0] =	sbarrier.arrive $0xFFFF  }
0x1da: {  	[tilespmem:s10], [sflag:$0x2] =	stream.linear.gather [spmem:s13], $0x800, $0x38;
	[tilespmem:$0x8F80] =	vst v63  }
0x1db: {  	_ =	swait.ge [sflag:s9], $0x800  }
0x1dc: {  	[sflag:s9] =	ssyncset.done $0x0  }
0x1dd: {  	[sflag:s9] =	ssyncadd.s32 $0xFFFFF800  }
0x1de: {  	v22 =	vld.idx.msk [tilespmem:v56+s10+$0x0], $0xffff;
	_ =	sdelay $0x4  }
0x1df: {  	(xrf0) =	vmax.scan.msk.f32 $0xffff, v22;
	_ =	sdelay $0x5  }
0x1e0: {  	v57, _, _ =	vpop (xrf0)  }
0x1e1: {  	v25 =	vbroadcast v57, $0xF;
	_ =	sdelay $0x1  }
0x1e2: {  	vm1 =	veq.f32 v22, v25  }
0x1e3: {  	v22 =	vnsel vm1, $0x80000010, v6  }
0x1e4: {  	(xrf0) =	vmin.scan.msk.u32 $0xffff, v22;
	_ =	sdelay $0x5  }
0x1e5: {  	(v2sf) =	vpush v57, $0xF;
	v22, _, _ =	vpop (xrf0)  }
0x1e6: {  	(v2sf) =	vpush v22, $0xF;
	_ =	sdelay $0xd  }
0x1e7: {  	s21 =	spop (v2sf)  }
0x1e8: {  	s22 =	spop (v2sf)  }
0x1e9: {  	s23 =	sshll.u32 s22, $0x7  }
0x1ea: {  	v58 =	vmov s23  }
0x1eb: {  	v59 =	vor.u32 $0x2, v58  }
0x1ec: {  	v26 =	vor.u32 $0x3, v58  }
0x1ed: {  	v27 =	vor.u32 $0x5, v58  }
0x1ee: {  	v28 =	vor.u32 $0x6, v58  }
0x1ef: {  	v29 =	vor.u32 $0x4, v58  }
0x1f0: {  	v22 =	vor.u32 $0x7, v58;
	v23 =	vld.idx.msk [tilespmem:v59+s10+$0x0], $0xffff  }
0x1f1: {  	v26 =	vld.idx.msk [tilespmem:v26+s10+$0x0], $0xffff  }
0x1f2: {  	v27 =	vld.idx.msk [tilespmem:v27+s10+$0x0], $0xffff  }
0x1f3: {  	v28 =	vld.idx.msk [tilespmem:v28+s10+$0x0], $0xffff  }
0x1f4: {  	s25 =	sshra.s32 s16, $0x1F;
	s14 =	sxor.u32 $0x80000000, s22;
	v29 =	vld.idx.msk [tilespmem:v29+s10+$0x0], $0xffff  }
0x1f5: {  	s24 =	sand.u32 $0xF, s11;
	v24 =	vor.u32 v1, v24;
	vm3 =	vmmov vm0;
	p1 =	seq.s32 s14, s2;
	s14 =	sshrl.u32 s25, $0x1C;
	v22 =	vld.idx.msk [tilespmem:v22+s10+$0x0], $0xffff  }
0x1f6: {  	v61 =	vmov s24;
	vm2 =	veq.s32 v24, v21;
	vm3 =	vmneg @p1 vm3;
	p1 =	sge.f32 s21, $0.0e+00;
	s26 =	sadd.s32 s14, s16  }
0x1f7: {  	vm4 =	vmmov vm0;
	vm1 =	veq.s32 v61, v1;
	s14 =	simm.f32 $1.000000000e+00;
	vm2 =	vmand vm2, vm3;
	s17 =	sand.u32 $0xFFFFFFF0, s26  }
0x1f8: {  	vm3 =	vcmask @!p0 $0x171C;
	v20 =	vsel vm2, $0xBF800000, v20;
	vm2 =	vmmov @!p0 $0x1;
	s14 =	simm.s32 @!p1 $0x0;
	s29 =	ssub.s32 s16, s17  }
0x1f9: {  	v0 =	vsel vm1, s14, v0;
	v62 =	vmov s29;
	v30 =	vsub.f32 v27, v23  }
0x1fa: {  	v31 =	vsub.f32 v28, v26;
	v32 =	vsub.f32 v22, v29;
	v14 =	vsel vm1, v23, v14  }
0x1fb: {  	v13 =	vsel vm1, v26, v13;
	v12 =	vsel vm1, v29, v12;
	v21 =	vnsel @!p0 vm2, $0x0, v23  }
0x1fc: {  	p5 =	slt.s32 s16, $0x1;
	p2 =	sne.s32 s16, s17;
	vm2 =	vcmask @!p0 $0x31C;
	v30 =	vadd.f32 $1.000000000e+00, v30;
	v31 =	vadd.f32 $1.000000000e+00, v31  }
0x1fd: {  	s28 =	sand.u32 $0x70, s11;
	(xrf0) =	vmax.scan.msk.f32 $0xffff, v20;
	p1 =	por !p5, !p2;
	v11 =	vsel vm1, v27, v11;
	v23 =	vmov s14;
	v21 =	vsel @!p0 vm2, v21, v26  }
0x1fe: {  	p1 =	por !p1, !p1;
	[tilespmem:s28+$0x8580] =	vst v0;
	s14 =	simm.s32 $0x1;
	vm2 =	vcmask @!p0 $0x71C;
	v60 =	vadd.f32 $1.000000000e+00, v32;
	v30 =	vmul.f32 v31, v30  }
0x1ff: {  	s13 =	sshra.s32 s26, $0x4;
	v10 =	vsel vm1, v28, v10;
	[tilespmem:s28+$0x8200] =	vst v14;
	s14 =	simm.s32 @!p1 $0x0;
	v21 =	vsel @!p0 vm2, v21, v29;
	vm2 =	vcmask @!p0 $0xB1C  }
0x200: {  	[tilespmem:s28+$0x8280] =	vst v13;
	s13 =	ssub.s32 s13, s14;
	v21 =	vsel @!p0 vm2, v21, v27;
	vm2 =	vcmask @!p0 $0xF1C;
	v30 =	vmul.f32 v60, v30  }
0x201: {  	v9 =	vsel vm1, v22, v9;
	[tilespmem:s28+$0x8300] =	vst v12;
	p2 =	seq.s32 s13, $0x1;
	v21 =	vsel @!p0 vm2, v21, v28;
	vm2 =	vmmov vm0  }
0x202: {  	[tilespmem:s28+$0x8380] =	vst v11;
	p1 =	seq.s32 s13, $0x0;
	vm4 =	vmneg @p2 vm4;
	v8 =	vsel vm1, v30, v8;
	vm1 =	vcmask @!p0 $0x131C  }
0x203: {  	v63, _, _ =	vpop (xrf0);
	[tilespmem:s28+$0x8400] =	vst v10;
	vm2 =	vmneg @p1 vm2;
	v21 =	vsel @!p0 vm1, v21, v22;
	vm1 =	veq.s32 v62, v1  }
0x204: {  	s30 =	sadd.s32 $0x1, s11;
	s11 =	sshll.u32 @!p0 s11, $0x4;
	[tilespmem:s28+$0x8480] =	vst v9;
	p2 =	seq.s32 s13, $0x2;
	v22 =	vbroadcast v63, $0xF;
	v21 =	vsel @!p0 vm3, v21, v25;
	vm3 =	vmmov vm0  }
0x205: {  	s31 =	sand.u32 $0xF, s30;
	s11 =	sadd.s32 @!p0 s4, s11;
	[tilespmem:s28+$0x8500] =	vst v8;
	vm2 =	vmand vm1, vm2;
	v21 =	vmul.f32 @!p0 v21, v23;
	vm3 =	vmneg @p2 vm3  }
0x206: {  	p6 =	seq.s32 s31, $0x0;
	p3 =	seq.s32 s13, $0x4;
	[tilespmem:s12+$0x7D00] =	vst v20;
	p2 =	seq.s32 s13, $0x3;
	v16 =	vsel vm2, v22, v16;
	vm2 =	vmand vm1, vm3;
	vm3 =	vmmov vm0  }
0x207: {  	s12 =	simm.s32 @!p0 $0x0;
	s13 =	simm.s32 @!p0 $0x8E80;
	[tilespmem:$0x8E80] =	vst @!p0 v21;
	vm3 =	vmneg @p2 vm3;
	p2 =	sne.s32 s30, $0x80  }
0x208: {  	v0 =	vpsel p6, $0x0, v0;
	v14 =	vpsel p6, $0x0, v14;
	[hbm4b:s11+s12] =	stream.linear.scatter @!p0 [tilespmem:s13], [sflag:$0x1], $0x80, $0x38;
	[tilespmem:$0x8F80] =	vst v63  }
.Ltmp3:
0x209: {  	v13 =	vpsel p6, $0x0, v13;
	v12 =	vpsel p6, $0x0, v12;
	vm4 =	vmand vm1, vm4;
	(pc) =	sbr.rel @!p2 .LBB2_9-.Ltmp3, $4  }
0x20a: {  	v11 =	vpsel p6, $0x0, v11;
	v15 =	vsel vm4, v22, v15;
	vm4 =	vmmov vm0;
	s11 =	simm.s32 @!p0 $0x1  }
0x20b: {  	v10 =	vpsel p6, $0x0, v10;
	v9 =	vpsel p6, $0x0, v9;
	vm4 =	vmneg @p3 vm4;
	_ =	swait.ge @!p0 [sflag:s11], $0x80  }
0x20c: {  	v17 =	vsel vm2, v22, v17;
	vm2 =	vmand vm1, vm3;
	vm1 =	vmand vm1, vm4;
	[sflag:s11] =	ssyncset.done @!p0 $0x0  }
0x20d: {  	v8 =	vpsel p6, $0x0, v8;
	v19 =	vsel vm2, v22, v19;
	v18 =	vsel vm1, v22, v18;
	[sflag:s11] =	ssyncadd.s32 @!p0 $0xFFFFFF80;
	s11 =	smov.u32 s30  }
.LBB2_4:
0x20e: {  	v20 =	vmax.f32 v16, v15  }
0x20f: {  	v20 =	vmax.f32 v20, v17  }
0x210: {  	v20 =	vmax.f32 v20, v19  }
0x211: {  	v20 =	vmax.f32 v20, v18  }
0x212: {  	(xrf0) =	vmax.scan.msk.f32 $0xffff, v20;
	_ =	sdelay $0x5  }
0x213: {  	v20, _, _ =	vpop (xrf0)  }
0x214: {  	v21 =	vbroadcast v20, $0xF;
	_ =	sdelay $0x1  }
0x215: {  	vm1 =	veq.f32 v18, v21  }
0x216: {  	vm2 =	veq.f32 v19, v21;
	v22 =	vnsel vm1, $0x80000050, v2  }
0x217: {  	vm1 =	veq.f32 v17, v21;
	v22 =	vsel vm2, v3, v22  }
0x218: {  	vm2 =	veq.f32 v15, v21;
	v22 =	vsel vm1, v4, v22  }
0x219: {  	vm1 =	veq.f32 v16, v21;
	v22 =	vsel vm2, v5, v22  }
0x21a: {  	v22 =	vsel vm1, v6, v22  }
0x21b: {  	(xrf0) =	vmin.scan.msk.u32 $0xffff, v22;
	_ =	sdelay $0x5  }
0x21c: {  	(v2sf) =	vpush v20, $0xF;
	v20, _, _ =	vpop (xrf0)  }
0x21d: {  	(v2sf) =	vpush v20, $0xF;
	_ =	sdelay $0xd  }
0x21e: {  	s13 =	spop (v2sf)  }
0x21f: {  	s15 =	spop (v2sf)  }
0x220: {  	s12 =	sshll.u32 s15, $0x4  }
0x221: {  	v20 =	vld [tilespmem:s12+$0x7D00];
	_ =	sdelay $0x4  }
0x222: {  	vm1 =	veq.f32 v20, v21;
	v21 =	vxor.u32 s12, v6  }
0x223: {  	v21 =	vnsel vm1, $0x800004FF, v21  }
0x224: {  	(xrf0) =	vmin.scan.msk.u32 $0xffff, v21;
	_ =	sdelay $0x5  }
0x225: {  	v21, _, _ =	vpop (xrf0)  }
0x226: {  	(v2sf) =	vpush v21, $0xF;
	_ =	sdelay $0x8  }
0x227: {  	v46 =	vld [tilespmem:$0x8200]  }
0x228: {  	v32 =	vld [tilespmem:$0x8280]  }
0x229: {  	v33 =	vld [tilespmem:$0x8300]  }
0x22a: {  	v34 =	vld [tilespmem:$0x8380]  }
0x22b: {  	v35 =	vld [tilespmem:$0x8400]  }
0x22c: {  	v36 =	vld [tilespmem:$0x8480]  }
0x22d: {  	v37 =	vld [tilespmem:$0x8500];
	s14 =	spop (v2sf)  }
0x22e: {  	v38 =	vld [tilespmem:$0x8210];
	s14 =	sxor.u32 $0x80000000, s14  }
0x22f: {  	v39 =	vld [tilespmem:$0x8290];
	v21 =	vmov s14  }
0x230: {  	v40 =	vld [tilespmem:$0x8310];
	v23 =	vshll.u32 v21, $0x3  }
0x231: {  	v47 =	vld [tilespmem:$0x8390];
	v22 =	vand.u32 $0x7F, v21;
	v23 =	vand.u32 $0xFFFFFC00, v23  }
0x232: {  	v41 =	vld [tilespmem:$0x8410];
	v24 =	vor.u32 v22, v23  }
0x233: {  	v42 =	vld [tilespmem:$0x8490];
	v25 =	vor.u32 $0x80, v24  }
0x234: {  	v43 =	vld [tilespmem:$0x8220];
	v27 =	vor.u32 $0x180, v24  }
0x235: {  	v49 =	vld [tilespmem:$0x82A0];
	v31 =	vor.u32 $0x200, v24  }
0x236: {  	v44 =	vld [tilespmem:$0x8320];
	v26 =	vor.u32 $0x100, v24  }
0x237: {  	v28 =	vld.idx.msk [tilespmem:v24+s5+$0x0], $0xffff  }
0x238: {  	v29 =	vld.idx.msk [tilespmem:v25+s5+$0x0], $0xffff  }
0x239: {  	v30 =	vld.idx.msk [tilespmem:v27+s5+$0x0], $0xffff  }
0x23a: {  	v27 =	vld.idx.msk [tilespmem:v31+s5+$0x0], $0xffff  }
0x23b: {  	v26 =	vld.idx.msk [tilespmem:v26+s5+$0x0], $0xffff  }
0x23c: {  	v54 =	vld [tilespmem:$0x8420]  }
0x23d: {  	v51 =	vld [tilespmem:$0x83A0];
	v24 =	vor.u32 $0x280, v24  }
0x23e: {  	v57 =	vld [tilespmem:$0x8230];
	v31 =	vmax.f32 v46, v28;
	v48 =	vmax.f32 v38, v28;
	v61 =	vmax.f32 v43, v28  }
0x23f: {  	v62 =	vld [tilespmem:$0x83B0];
	v34 =	vmin.f32 v34, v30;
	v32 =	vmax.f32 v32, v29;
	v35 =	vmin.f32 v35, v27  }
0x240: {  	v45 =	vld [tilespmem:$0x8430];
	v33 =	vmax.f32 v33, v26;
	v39 =	vmax.f32 v39, v29;
	v41 =	vmin.f32 v41, v27  }
0x241: {  	v56 =	vld [tilespmem:$0x84A0];
	v53 =	vmax.f32 v40, v26;
	v38 =	vmax.f32 v49, v29;
	v40 =	vmin.f32 v54, v27  }
0x242: {  	v25 =	vld.idx.msk [tilespmem:v24+s5+$0x0], $0xffff;
	v31 =	vsub.f32 v34, v31;
	v32 =	vsub.f32 v35, v32;
	v34 =	vmin.f32 v47, v30  }
0x243: {  	v24 =	vld.idx.msk [tilespmem:v21+s6+$0x0], $0xffff;
	v50 =	vsub.f32 v41, v39;
	v39 =	vmin.f32 v51, v30;
	v38 =	vsub.f32 v40, v38  }
0x244: {  	v41 =	vmax.f32 v57, v28;
	v51 =	vmin.f32 v62, v30;
	v34 =	vsub.f32 v34, v48  }
0x245: {  	v49 =	vld [tilespmem:$0x84B0];
	v45 =	vmin.f32 v45, v27;
	v41 =	vsub.f32 v51, v41;
	v31 =	vadd.f32 $1.000000000e+00, v31  }
0x246: {  	v63 =	vld [tilespmem:$0x8330];
	v48 =	vmax.f32 v44, v26;
	v32 =	vadd.f32 $1.000000000e+00, v32;
	v38 =	vadd.f32 $1.000000000e+00, v38  }
0x247: {  	v35 =	vld [tilespmem:$0x8510];
	v36 =	vmin.f32 v36, v25;
	v55 =	vmin.f32 v42, v25;
	v34 =	vadd.f32 $1.000000000e+00, v34  }
0x248: {  	v46 =	vld [tilespmem:$0x8340];
	v37 =	vadd.f32 v37, v24;
	v42 =	vmin.f32 v56, v25;
	v41 =	vadd.f32 $1.000000000e+00, v41  }
0x249: {  	v60 =	vld [tilespmem:$0x82B0];
	v31 =	vmax.f32 v31, $0.0e+00;
	v33 =	vsub.f32 v36, v33;
	v32 =	vmax.f32 v32, $0.0e+00  }
0x24a: {  	v54 =	vld [tilespmem:$0x82C0];
	v36 =	vadd.f32 $1.000000000e+00, v50;
	v40 =	vmin.f32 v49, v25;
	v38 =	vmax.f32 v38, $0.0e+00  }
0x24b: {  	v47 =	vld [tilespmem:$0x84C0];
	v31 =	vmul.f32 v32, v31;
	v58 =	vmax.f32 v34, $0.0e+00;
	v34 =	vsub.f32 v39, v61  }
0x24c: {  	v62 =	vld [tilespmem:$0x84D0];
	v39 =	vmax.f32 v63, v26;
	v35 =	vadd.f32 v35, v24;
	v41 =	vmax.f32 v41, $0.0e+00  }
0x24d: {  	v50 =	vld [tilespmem:$0x8520];
	v63 =	vmax.f32 v46, v26;
	v52 =	vadd.f32 $1.000000000e+00, v33;
	v33 =	vsub.f32 v55, v53  }
0x24e: {  	v56 =	vld [tilespmem:$0x8440];
	v59 =	vmax.f32 v36, $0.0e+00;
	v36 =	vmax.f32 v60, v29;
	v39 =	vsub.f32 v40, v39  }
0x24f: {  	v53 =	vld [tilespmem:$0x8240];
	v34 =	vadd.f32 $1.000000000e+00, v34;
	v36 =	vsub.f32 v45, v36;
	v45 =	vmax.f32 v54, v29  }
0x250: {  	v55 =	vld [tilespmem:$0x83C0];
	v32 =	vmax.f32 v52, $0.0e+00;
	v33 =	vadd.f32 $1.000000000e+00, v33;
	v39 =	vadd.f32 $1.000000000e+00, v39  }
0x251: {  	v61 =	vld [tilespmem:$0x8350];
	v31 =	vmul.f32 v32, v31;
	v32 =	vmul.f32 v59, v58;
	v34 =	vmax.f32 v34, $0.0e+00  }
0x252: {  	v60 =	vld [tilespmem:$0x83D0];
	v36 =	vadd.f32 $1.000000000e+00, v36;
	v57 =	vadd.f32 v50, v24;
	v33 =	vmax.f32 v33, $0.0e+00  }
0x253: {  	v52 =	vld [tilespmem:$0x8530];
	v34 =	vmul.f32 v38, v34;
	v39 =	vmax.f32 v39, $0.0e+00;
	v38 =	vmin.f32 v56, v27  }
0x254: {  	v58 =	vld [tilespmem:$0x8250];
	v32 =	vmul.f32 v33, v32;
	v33 =	vsub.f32 v42, v48;
	v36 =	vmax.f32 v36, $0.0e+00  }
0x255: {  	v59 =	vld [tilespmem:$0x82D0];
	v37 =	vsub.f32 v37, v31;
	v42 =	vmax.f32 v53, v28;
	v40 =	vmin.f32 v55, v30  }
0x256: {  	v54 =	vld [tilespmem:$0x8360];
	v38 =	vsub.f32 v38, v45;
	v36 =	vmul.f32 v36, v41;
	v40 =	vsub.f32 v40, v42  }
0x257: {  	v50 =	vld [tilespmem:$0x83F0];
	v42 =	vmax.f32 v61, v26;
	v33 =	vadd.f32 $1.000000000e+00, v33;
	v35 =	vsub.f32 v35, v32  }
0x258: {  	v56 =	vld [tilespmem:$0x83E0];
	v43 =	vadd.f32 v52, v24;
	(erf) = vrcp.f32 v37;
	v52 =	vmin.f32 v47, v25  }
0x259: {  	v48 =	vld [tilespmem:$0x8450];
	v38 =	vadd.f32 $1.000000000e+00, v38;
	v36 =	vmul.f32 v39, v36;
	v40 =	vadd.f32 $1.000000000e+00, v40  }
0x25a: {  	v53 =	vld [tilespmem:$0x8260];
	v41 =	vmax.f32 v58, v28;
	v39 =	vmin.f32 v60, v30;
	v44 =	vmax.f32 v59, v29  }
0x25b: {  	v49 =	vld [tilespmem:$0x82E0];
	v55 =	vsub.f32 v52, v63;
	v33 =	vmax.f32 v33, $0.0e+00;
	v39 =	vsub.f32 v39, v41  }
0x25c: {  	v61 =	vld [tilespmem:$0x82F0];
	(erf) = vrcp.f32 v35;
	v38 =	vmax.f32 v38, $0.0e+00;
	v41 =	vmax.f32 v54, v26  }
0x25d: {  	v45 =	vmin.f32 v56, v30;
	v30 =	vmin.f32 v50, v30;
	v33 =	vmul.f32 v33, v34  }
0x25e: {  	v59 =	vld [tilespmem:$0x84E0];
	v37 =	vsub.f32 v43, v36;
	v48 =	vmin.f32 v48, v27;
	v43 =	vmin.f32 v62, v25  }
0x25f: {  	v60 =	vld [tilespmem:$0x8270];
	v40 =	vmax.f32 v40, $0.0e+00;
	v35 =	vadd.f32 $1.000000000e+00, v55;
	v51 =	vmax.f32 v53, v28  }
0x260: {  	v54 =	vld [tilespmem:$0x84F0];
	v53 =	vmax.f32 v49, v29;
	v44 =	vsub.f32 v48, v44;
	v39 =	vadd.f32 $1.000000000e+00, v39  }
0x261: {  	v62 =	vld [tilespmem:$0x8370];
	v42 =	vsub.f32 v43, v42;
	v38 =	vmul.f32 v38, v40;
	v29 =	vmax.f32 v61, v29  }
0x262: {  	v55 =	vld [tilespmem:$0x8540];
	v34 =	vsub.f32 v57, v33;
	v35 =	vmax.f32 v35, $0.0e+00;
	v58 =	vadd.f32 $1.000000000e+00, v44  }
0x263: {  	v57 =	vld [tilespmem:$0x8460];
	v39 =	vmax.f32 v39, $0.0e+00;
	v42 =	vadd.f32 $1.000000000e+00, v42;
	v35 =	vmul.f32 v35, v38  }
0x264: {  	v52 =	vld [tilespmem:$0x8470];
	v43 =	vmin.f32 v59, v25;
	v28 =	vmax.f32 v60, v28;
	(erf) = vrcp.f32 v34  }
0x265: {  	v41 =	vsub.f32 v43, v41;
	v28 =	vsub.f32 v30, v28;
	v25 =	vmin.f32 v54, v25  }
0x266: {  	v34 =	vmax.f32 v58, $0.0e+00;
	(erf) = vrcp.f32 v37;
	v63 =	vmax.f32 v42, $0.0e+00  }
0x267: {  	v37 =	vsub.f32 v45, v51;
	v26 =	vmax.f32 v62, v26;
	v62 =	vadd.f32 v55, v24  }
0x268: {  	v59 =	vadd.f32 $1.000000000e+00, v41;
	v28 =	vadd.f32 $1.000000000e+00, v28;
	v46 =	vmin.f32 v57, v27  }
0x269: {  	v56 =	vld [tilespmem:$0x8550];
	v25 =	vsub.f32 v25, v26;
	v27 =	vmin.f32 v52, v27;
	v42 =	vsub.f32 v46, v53  }
0x26a: {  	v60 =	vld [tilespmem:$0x8560];
	v34 =	vmul.f32 v34, v39;
	v37 =	vadd.f32 $1.000000000e+00, v37;
	v27 =	vsub.f32 v27, v29  }
0x26b: {  	v61 =	vld [tilespmem:$0x8570];
	v40 =	vsub.f32 v62, v35;
	v58 =	vadd.f32 $1.000000000e+00, v42  }
0x26c: {  	v34 =	vmul.f32 v63, v34;
	v38 =	vmax.f32 v59, $0.0e+00;
	v27 =	vadd.f32 $1.000000000e+00, v27  }
0x26d: {  	v28 =	vmax.f32 v28, $0.0e+00;
	v57 =	vmax.f32 v37, $0.0e+00;
	v37 =	vmax.f32 v58, $0.0e+00  }
0x26e: {  	v25 =	vadd.f32 $1.000000000e+00, v25;
	v27 =	vmax.f32 v27, $0.0e+00;
	v30 =	vmul.f32 v37, v57  }
0x26f: {  	v63 =	vadd.f32 v56, v24;
	v41 =	vadd.f32 v60, v24;
	v27 =	vmul.f32 v27, v28  }
0x270: {  	v24 =	vadd.f32 v61, v24;
	v25 =	vmax.f32 v25, $0.0e+00;
	v30 =	vmul.f32 v38, v30  }
0x271: {  	(erf) = vrcp.f32 v40;
	v28 =	vsub.f32 v63, v34;
	v25 =	vmul.f32 v25, v27  }
0x272: {  	v42 =	vsub.f32 v41, v30  }
0x273: {  	v43 =	vld [tilespmem:$0x8580];
	(erf) = vrcp.f32 v28;
	v24 =	vsub.f32 v24, v25  }
0x274: {  	v44 =	vpop (erf);
	(erf) = vrcp.f32 v42  }
0x275: {  	v47 =	vld [tilespmem:$0x85A0];
	v46 =	vpop (erf);
	(erf) = vrcp.f32 v24  }
0x276: {  	v49 =	vld [tilespmem:$0x85B0];
	v26 =	vmul.f32 v44, v31;
	v48 =	vpop (erf)  }
0x277: {  	v45 =	vld [tilespmem:$0x8590];
	v50 =	vpop (erf);
	v51 =	vmul.f32 v48, v33  }
0x278: {  	vm1 =	vge.f32 v26, $6.999999880e-01;
	v27 =	vmax.f32 v43, $0.0e+00;
	v52 =	vmul.f32 v50, v36  }
0x279: {  	v53 =	vld [tilespmem:$0x85C0];
	v27 =	vnsel vm1, $0x0, v27;
	vm1 =	vge.f32 v51, $6.999999880e-01;
	v24 =	vmul.f32 v46, v32  }
0x27a: {  	v29 =	vnsel vm1, $0x0, v47;
	v54 =	vpop (erf)  }
0x27b: {  	v55 =	vld [tilespmem:$0x85D0];
	vm1 =	vge.f32 v52, $6.999999880e-01;
	v57 =	vmul.f32 v54, v35;
	vm2 =	vge.f32 v24, $6.999999880e-01  }
0x27c: {  	v58 =	vld [tilespmem:$0x85E0];
	v26 =	vnsel vm1, $0x0, v49;
	v28 =	vnsel vm2, $0x0, v45;
	v56 =	vpop (erf)  }
0x27d: {  	v60 =	vld [tilespmem:$0x85F0];
	vm1 =	vge.f32 v57, $6.999999880e-01;
	v27 =	vmax.f32 v27, v28;
	v28 =	vmul.f32 v56, v34;
	v59 =	vpop (erf)  }
0x27e: {  	v31 =	vnsel vm1, $0x0, v53;
	v27 =	vmax.f32 v27, v29;
	v61 =	vmul.f32 v59, v30;
	v62 =	vpop (erf)  }
0x27f: {  	v26 =	vmax.f32 v27, v26;
	vm1 =	vge.f32 v28, $6.999999880e-01;
	v25 =	vmul.f32 v62, v25  }
0x280: {  	v26 =	vmax.f32 v26, v31;
	v24 =	vnsel vm1, $0x0, v55;
	vm1 =	vge.f32 v61, $6.999999880e-01  }
0x281: {  	v24 =	vmax.f32 v26, v24;
	v63 =	vnsel vm1, $0x0, v58;
	vm1 =	vge.f32 v25, $6.999999880e-01  }
0x282: {  	v24 =	vmax.f32 v24, v63;
	v25 =	vnsel vm1, $0x0, v60  }
0x283: {  	v24 =	vmax.f32 v24, v25  }
0x284: {  	(xrf0) =	vmax.scan.msk.f32 $0xffff, v24;
	_ =	sdelay $0x5  }
0x285: {  	v24, _, _ =	vpop (xrf0)  }
0x286: {  	(v2sf) =	vpush v24, $0xF;
	_ =	sdelay $0xd  }
0x287: {  	p1 =	sge.f32 s13, $0.0e+00  }
0x288: {  	s16 =	spop (v2sf)  }
0x289: {  	p2 =	sgt.f32 @p1 s16, $0.0e+00;
	_ =	sdelay $0x1  }
0x28a: {  	p2 =	por !p1, !p2  }
.Ltmp4:
0x28b: {  	_ = 	snop;
	(pc) =	sbr.rel @p2 .LBB2_5-.Ltmp4, $2  }
0x28c: {  	_ =	sdelay $0x2  }
0x28d: {  	s16 =	sxor.u32 $0x80000000, s15  }
.LBB2_6:
0x28e: {  	s12 =	sshll.u32 s15, $0x4  }
0x28f: {  	s13 =	sshra.s32 s16, $0x1F;
	v21 =	vor.u32 s12, v1  }
0x290: {  	s13 =	sshrl.u32 s13, $0x1C;
	vm1 =	veq.s32 v21, s14  }
0x291: {  	s13 =	sadd.s32 s13, s16;
	v20 =	vsel vm1, $0xBF800000, v20  }
0x292: {  	s30 =	sand.u32 $0xFFFFFFF0, s13;
	(xrf0) =	vmax.scan.msk.f32 $0xffff, v20  }
0x293: {  	p1 =	slt.s32 s16, $0x1;
	p2 =	sne.s32 s16, s30  }
0x294: {  	p1 =	por !p1, !p2  }
0x295: {  	s15 =	simm.s32 $0x1;
	p1 =	por !p1, !p1  }
0x296: {  	s13 =	sshra.s32 s13, $0x4;
	s15 =	simm.s32 @!p1 $0x0  }
0x297: {  	s14 =	ssub.s32 s16, s30;
	s13 =	ssub.s32 s13, s15  }
0x298: {  	vm3 =	vmmov vm0;
	vm1 =	vmmov vm0;
	v22 =	vmov s14;
	p1 =	seq.s32 s13, $0x0;
	v21, _, _ =	vpop (xrf0)  }
0x299: {  	vm2 =	veq.s32 v22, v1;
	vm1 =	vmneg @p1 vm1;
	p1 =	seq.s32 s13, $0x1;
	v21 =	vbroadcast v21, $0xF  }
0x29a: {  	vm4 =	vmmov vm0;
	p2 =	seq.s32 s13, $0x2;
	vm1 =	vmand vm2, vm1;
	vm3 =	vmneg @p1 vm3  }
0x29b: {  	vm4 =	vmneg @p2 vm4;
	v16 =	vsel vm1, v21, v16;
	vm1 =	vmand vm2, vm3  }
0x29c: {  	p1 =	seq.s32 s13, $0x3;
	vm3 =	vmand vm2, vm4;
	vm4 =	vmmov vm0;
	v15 =	vsel vm1, v21, v15  }
0x29d: {  	v17 =	vsel vm3, v21, v17;
	vm4 =	vmneg @p1 vm4;
	p1 =	seq.s32 s13, $0x4;
	vm1 =	vmmov vm0  }
0x29e: {  	vm3 =	vmand vm2, vm4;
	vm1 =	vmneg @p1 vm1;
	v22 =	vmax.f32 v16, v15  }
0x29f: {  	v19 =	vsel vm3, v21, v19;
	vm1 =	vmand vm2, vm1;
	v22 =	vmax.f32 v22, v17  }
0x2a0: {  	v18 =	vsel vm1, v21, v18;
	v21 =	vmax.f32 v22, v19  }
0x2a1: {  	v21 =	vmax.f32 v21, v18  }
0x2a2: {  	(xrf0) =	vmax.scan.msk.f32 $0xffff, v21;
	_ =	sdelay $0x5  }
0x2a3: {  	v21, _, _ =	vpop (xrf0)  }
0x2a4: {  	v22 =	vbroadcast v21, $0xF;
	_ =	sdelay $0x1  }
0x2a5: {  	vm1 =	veq.f32 v18, v22  }
0x2a6: {  	vm2 =	veq.f32 v19, v22;
	v23 =	vnsel vm1, $0x80000050, v2  }
0x2a7: {  	vm1 =	veq.f32 v17, v22;
	v23 =	vsel vm2, v3, v23  }
0x2a8: {  	vm2 =	veq.f32 v15, v22;
	v23 =	vsel vm1, v4, v23  }
0x2a9: {  	vm1 =	veq.f32 v16, v22;
	v23 =	vsel vm2, v5, v23  }
0x2aa: {  	v23 =	vsel vm1, v6, v23  }
0x2ab: {  	(xrf0) =	vmin.scan.msk.u32 $0xffff, v23;
	_ =	sdelay $0x5  }
0x2ac: {  	(v2sf) =	vpush v21, $0xF;
	v21, _, _ =	vpop (xrf0)  }
0x2ad: {  	(v2sf) =	vpush v21, $0xF;
	_ =	sdelay $0xd  }
0x2ae: {  	s13 =	spop (v2sf)  }
0x2af: {  	s15 =	spop (v2sf)  }
0x2b0: {  	[tilespmem:s12+$0x7D00] =	vst v20;
	s12 =	sshll.u32 s15, $0x4  }
0x2b1: {  	v20 =	vld [tilespmem:s12+$0x7D00];
	_ =	sdelay $0x4  }
0x2b2: {  	v21 =	vxor.u32 s12, v6;
	vm1 =	veq.f32 v20, v22  }
0x2b3: {  	v21 =	vnsel vm1, $0x800004FF, v21  }
0x2b4: {  	(xrf0) =	vmin.scan.msk.u32 $0xffff, v21;
	_ =	sdelay $0x5  }
0x2b5: {  	v21, _, _ =	vpop (xrf0)  }
0x2b6: {  	(v2sf) =	vpush v21, $0xF;
	_ =	sdelay $0x8  }
0x2b7: {  	v46 =	vld [tilespmem:$0x8200]  }
0x2b8: {  	v32 =	vld [tilespmem:$0x8280]  }
0x2b9: {  	v33 =	vld [tilespmem:$0x8300]  }
0x2ba: {  	v34 =	vld [tilespmem:$0x8380]  }
0x2bb: {  	v35 =	vld [tilespmem:$0x8400]  }
0x2bc: {  	v36 =	vld [tilespmem:$0x8480]  }
0x2bd: {  	v37 =	vld [tilespmem:$0x8500];
	s31 =	spop (v2sf)  }
0x2be: {  	v38 =	vld [tilespmem:$0x8210];
	s14 =	sxor.u32 $0x80000000, s31  }
0x2bf: {  	v39 =	vld [tilespmem:$0x8290];
	v21 =	vmov s14  }
0x2c0: {  	v40 =	vld [tilespmem:$0x8310];
	v23 =	vshll.u32 v21, $0x3  }
0x2c1: {  	v47 =	vld [tilespmem:$0x8390];
	v22 =	vand.u32 $0x7F, v21;
	v23 =	vand.u32 $0xFFFFFC00, v23  }
0x2c2: {  	v41 =	vld [tilespmem:$0x8410];
	v24 =	vor.u32 v22, v23  }
0x2c3: {  	v42 =	vld [tilespmem:$0x8490];
	v25 =	vor.u32 $0x80, v24  }
0x2c4: {  	v43 =	vld [tilespmem:$0x8220];
	v27 =	vor.u32 $0x180, v24  }
0x2c5: {  	v49 =	vld [tilespmem:$0x82A0];
	v31 =	vor.u32 $0x200, v24  }
0x2c6: {  	v44 =	vld [tilespmem:$0x8320];
	v26 =	vor.u32 $0x100, v24  }
0x2c7: {  	v28 =	vld.idx.msk [tilespmem:v24+s5+$0x0], $0xffff  }
0x2c8: {  	v29 =	vld.idx.msk [tilespmem:v25+s5+$0x0], $0xffff  }
0x2c9: {  	v30 =	vld.idx.msk [tilespmem:v27+s5+$0x0], $0xffff  }
0x2ca: {  	v27 =	vld.idx.msk [tilespmem:v31+s5+$0x0], $0xffff  }
0x2cb: {  	v26 =	vld.idx.msk [tilespmem:v26+s5+$0x0], $0xffff  }
0x2cc: {  	v54 =	vld [tilespmem:$0x8420]  }
0x2cd: {  	v51 =	vld [tilespmem:$0x83A0];
	v24 =	vor.u32 $0x280, v24  }
0x2ce: {  	v57 =	vld [tilespmem:$0x8230];
	v31 =	vmax.f32 v46, v28;
	v48 =	vmax.f32 v38, v28;
	v61 =	vmax.f32 v43, v28  }
0x2cf: {  	v62 =	vld [tilespmem:$0x83B0];
	v34 =	vmin.f32 v34, v30;
	v32 =	vmax.f32 v32, v29;
	v35 =	vmin.f32 v35, v27  }
0x2d0: {  	v45 =	vld [tilespmem:$0x8430];
	v33 =	vmax.f32 v33, v26;
	v39 =	vmax.f32 v39, v29;
	v41 =	vmin.f32 v41, v27  }
0x2d1: {  	v56 =	vld [tilespmem:$0x84A0];
	v53 =	vmax.f32 v40, v26;
	v38 =	vmax.f32 v49, v29;
	v40 =	vmin.f32 v54, v27  }
0x2d2: {  	v25 =	vld.idx.msk [tilespmem:v24+s5+$0x0], $0xffff;
	v31 =	vsub.f32 v34, v31;
	v32 =	vsub.f32 v35, v32;
	v34 =	vmin.f32 v47, v30  }
0x2d3: {  	v24 =	vld.idx.msk [tilespmem:v21+s6+$0x0], $0xffff;
	v50 =	vsub.f32 v41, v39;
	v39 =	vmin.f32 v51, v30;
	v38 =	vsub.f32 v40, v38  }
0x2d4: {  	v41 =	vmax.f32 v57, v28;
	v51 =	vmin.f32 v62, v30;
	v34 =	vsub.f32 v34, v48  }
0x2d5: {  	v49 =	vld [tilespmem:$0x84B0];
	v45 =	vmin.f32 v45, v27;
	v41 =	vsub.f32 v51, v41;
	v31 =	vadd.f32 $1.000000000e+00, v31  }
0x2d6: {  	v63 =	vld [tilespmem:$0x8330];
	v48 =	vmax.f32 v44, v26;
	v32 =	vadd.f32 $1.000000000e+00, v32;
	v38 =	vadd.f32 $1.000000000e+00, v38  }
0x2d7: {  	v35 =	vld [tilespmem:$0x8510];
	v36 =	vmin.f32 v36, v25;
	v55 =	vmin.f32 v42, v25;
	v34 =	vadd.f32 $1.000000000e+00, v34  }
0x2d8: {  	v46 =	vld [tilespmem:$0x8340];
	v37 =	vadd.f32 v37, v24;
	v42 =	vmin.f32 v56, v25;
	v41 =	vadd.f32 $1.000000000e+00, v41  }
0x2d9: {  	v60 =	vld [tilespmem:$0x82B0];
	v31 =	vmax.f32 v31, $0.0e+00;
	v33 =	vsub.f32 v36, v33;
	v32 =	vmax.f32 v32, $0.0e+00  }
0x2da: {  	v54 =	vld [tilespmem:$0x82C0];
	v36 =	vadd.f32 $1.000000000e+00, v50;
	v40 =	vmin.f32 v49, v25;
	v38 =	vmax.f32 v38, $0.0e+00  }
0x2db: {  	v47 =	vld [tilespmem:$0x84C0];
	v31 =	vmul.f32 v32, v31;
	v58 =	vmax.f32 v34, $0.0e+00;
	v34 =	vsub.f32 v39, v61  }
0x2dc: {  	v62 =	vld [tilespmem:$0x84D0];
	v39 =	vmax.f32 v63, v26;
	v35 =	vadd.f32 v35, v24;
	v41 =	vmax.f32 v41, $0.0e+00  }
0x2dd: {  	v50 =	vld [tilespmem:$0x8520];
	v63 =	vmax.f32 v46, v26;
	v52 =	vadd.f32 $1.000000000e+00, v33;
	v33 =	vsub.f32 v55, v53  }
0x2de: {  	v56 =	vld [tilespmem:$0x8440];
	v59 =	vmax.f32 v36, $0.0e+00;
	v36 =	vmax.f32 v60, v29;
	v39 =	vsub.f32 v40, v39  }
0x2df: {  	v53 =	vld [tilespmem:$0x8240];
	v34 =	vadd.f32 $1.000000000e+00, v34;
	v36 =	vsub.f32 v45, v36;
	v45 =	vmax.f32 v54, v29  }
0x2e0: {  	v55 =	vld [tilespmem:$0x83C0];
	v32 =	vmax.f32 v52, $0.0e+00;
	v33 =	vadd.f32 $1.000000000e+00, v33;
	v39 =	vadd.f32 $1.000000000e+00, v39  }
0x2e1: {  	v61 =	vld [tilespmem:$0x8350];
	v31 =	vmul.f32 v32, v31;
	v32 =	vmul.f32 v59, v58;
	v34 =	vmax.f32 v34, $0.0e+00  }
0x2e2: {  	v60 =	vld [tilespmem:$0x83D0];
	v36 =	vadd.f32 $1.000000000e+00, v36;
	v57 =	vadd.f32 v50, v24;
	v33 =	vmax.f32 v33, $0.0e+00  }
0x2e3: {  	v52 =	vld [tilespmem:$0x8530];
	v34 =	vmul.f32 v38, v34;
	v39 =	vmax.f32 v39, $0.0e+00;
	v38 =	vmin.f32 v56, v27  }
0x2e4: {  	v58 =	vld [tilespmem:$0x8250];
	v32 =	vmul.f32 v33, v32;
	v33 =	vsub.f32 v42, v48;
	v36 =	vmax.f32 v36, $0.0e+00  }
0x2e5: {  	v59 =	vld [tilespmem:$0x82D0];
	v37 =	vsub.f32 v37, v31;
	v42 =	vmax.f32 v53, v28;
	v40 =	vmin.f32 v55, v30  }
0x2e6: {  	v54 =	vld [tilespmem:$0x8360];
	v38 =	vsub.f32 v38, v45;
	v36 =	vmul.f32 v36, v41;
	v40 =	vsub.f32 v40, v42  }
0x2e7: {  	v50 =	vld [tilespmem:$0x83F0];
	v42 =	vmax.f32 v61, v26;
	v33 =	vadd.f32 $1.000000000e+00, v33;
	v35 =	vsub.f32 v35, v32  }
0x2e8: {  	v56 =	vld [tilespmem:$0x83E0];
	v43 =	vadd.f32 v52, v24;
	(erf) = vrcp.f32 v37;
	v52 =	vmin.f32 v47, v25  }
0x2e9: {  	v48 =	vld [tilespmem:$0x8450];
	v38 =	vadd.f32 $1.000000000e+00, v38;
	v36 =	vmul.f32 v39, v36;
	v40 =	vadd.f32 $1.000000000e+00, v40  }
0x2ea: {  	v53 =	vld [tilespmem:$0x8260];
	v41 =	vmax.f32 v58, v28;
	v39 =	vmin.f32 v60, v30;
	v44 =	vmax.f32 v59, v29  }
0x2eb: {  	v49 =	vld [tilespmem:$0x82E0];
	v55 =	vsub.f32 v52, v63;
	v33 =	vmax.f32 v33, $0.0e+00;
	v39 =	vsub.f32 v39, v41  }
0x2ec: {  	v61 =	vld [tilespmem:$0x82F0];
	(erf) = vrcp.f32 v35;
	v38 =	vmax.f32 v38, $0.0e+00;
	v41 =	vmax.f32 v54, v26  }
0x2ed: {  	v45 =	vmin.f32 v56, v30;
	v30 =	vmin.f32 v50, v30;
	v33 =	vmul.f32 v33, v34  }
0x2ee: {  	v59 =	vld [tilespmem:$0x84E0];
	v37 =	vsub.f32 v43, v36;
	v48 =	vmin.f32 v48, v27;
	v43 =	vmin.f32 v62, v25  }
0x2ef: {  	v60 =	vld [tilespmem:$0x8270];
	v40 =	vmax.f32 v40, $0.0e+00;
	v35 =	vadd.f32 $1.000000000e+00, v55;
	v51 =	vmax.f32 v53, v28  }
0x2f0: {  	v54 =	vld [tilespmem:$0x84F0];
	v53 =	vmax.f32 v49, v29;
	v44 =	vsub.f32 v48, v44;
	v39 =	vadd.f32 $1.000000000e+00, v39  }
0x2f1: {  	v62 =	vld [tilespmem:$0x8370];
	v42 =	vsub.f32 v43, v42;
	v38 =	vmul.f32 v38, v40;
	v29 =	vmax.f32 v61, v29  }
0x2f2: {  	v55 =	vld [tilespmem:$0x8540];
	v34 =	vsub.f32 v57, v33;
	v35 =	vmax.f32 v35, $0.0e+00;
	v58 =	vadd.f32 $1.000000000e+00, v44  }
0x2f3: {  	v57 =	vld [tilespmem:$0x8460];
	v39 =	vmax.f32 v39, $0.0e+00;
	v42 =	vadd.f32 $1.000000000e+00, v42;
	v35 =	vmul.f32 v35, v38  }
0x2f4: {  	v52 =	vld [tilespmem:$0x8470];
	v43 =	vmin.f32 v59, v25;
	v28 =	vmax.f32 v60, v28;
	(erf) = vrcp.f32 v34  }
0x2f5: {  	v41 =	vsub.f32 v43, v41;
	v28 =	vsub.f32 v30, v28;
	v25 =	vmin.f32 v54, v25  }
0x2f6: {  	v34 =	vmax.f32 v58, $0.0e+00;
	(erf) = vrcp.f32 v37;
	v63 =	vmax.f32 v42, $0.0e+00  }
0x2f7: {  	v37 =	vsub.f32 v45, v51;
	v26 =	vmax.f32 v62, v26;
	v62 =	vadd.f32 v55, v24  }
0x2f8: {  	v59 =	vadd.f32 $1.000000000e+00, v41;
	v28 =	vadd.f32 $1.000000000e+00, v28;
	v46 =	vmin.f32 v57, v27  }
0x2f9: {  	v56 =	vld [tilespmem:$0x8550];
	v25 =	vsub.f32 v25, v26;
	v27 =	vmin.f32 v52, v27;
	v42 =	vsub.f32 v46, v53  }
0x2fa: {  	v60 =	vld [tilespmem:$0x8560];
	v34 =	vmul.f32 v34, v39;
	v37 =	vadd.f32 $1.000000000e+00, v37;
	v27 =	vsub.f32 v27, v29  }
0x2fb: {  	v61 =	vld [tilespmem:$0x8570];
	v40 =	vsub.f32 v62, v35;
	v58 =	vadd.f32 $1.000000000e+00, v42  }
0x2fc: {  	v34 =	vmul.f32 v63, v34;
	v38 =	vmax.f32 v59, $0.0e+00;
	v27 =	vadd.f32 $1.000000000e+00, v27  }
0x2fd: {  	v28 =	vmax.f32 v28, $0.0e+00;
	v57 =	vmax.f32 v37, $0.0e+00;
	v37 =	vmax.f32 v58, $0.0e+00  }
0x2fe: {  	v25 =	vadd.f32 $1.000000000e+00, v25;
	v27 =	vmax.f32 v27, $0.0e+00;
	v30 =	vmul.f32 v37, v57  }
0x2ff: {  	v63 =	vadd.f32 v56, v24;
	v41 =	vadd.f32 v60, v24;
	v27 =	vmul.f32 v27, v28  }
0x300: {  	v24 =	vadd.f32 v61, v24;
	v25 =	vmax.f32 v25, $0.0e+00;
	v30 =	vmul.f32 v38, v30  }
0x301: {  	(erf) = vrcp.f32 v40;
	v28 =	vsub.f32 v63, v34;
	v25 =	vmul.f32 v25, v27  }
0x302: {  	v42 =	vsub.f32 v41, v30  }
0x303: {  	v43 =	vld [tilespmem:$0x8580];
	(erf) = vrcp.f32 v28;
	v24 =	vsub.f32 v24, v25  }
0x304: {  	v44 =	vpop (erf);
	(erf) = vrcp.f32 v42  }
0x305: {  	v47 =	vld [tilespmem:$0x85A0];
	v46 =	vpop (erf);
	(erf) = vrcp.f32 v24  }
0x306: {  	v49 =	vld [tilespmem:$0x85B0];
	v26 =	vmul.f32 v44, v31;
	v48 =	vpop (erf)  }
0x307: {  	v45 =	vld [tilespmem:$0x8590];
	v50 =	vpop (erf);
	v51 =	vmul.f32 v48, v33  }
0x308: {  	vm1 =	vge.f32 v26, $6.999999880e-01;
	v27 =	vmax.f32 v43, $0.0e+00;
	v52 =	vmul.f32 v50, v36  }
0x309: {  	v53 =	vld [tilespmem:$0x85C0];
	v27 =	vnsel vm1, $0x0, v27;
	vm1 =	vge.f32 v51, $6.999999880e-01;
	v24 =	vmul.f32 v46, v32  }
0x30a: {  	v29 =	vnsel vm1, $0x0, v47;
	v54 =	vpop (erf)  }
0x30b: {  	v55 =	vld [tilespmem:$0x85D0];
	vm1 =	vge.f32 v52, $6.999999880e-01;
	v57 =	vmul.f32 v54, v35;
	vm2 =	vge.f32 v24, $6.999999880e-01  }
0x30c: {  	v58 =	vld [tilespmem:$0x85E0];
	v26 =	vnsel vm1, $0x0, v49;
	v28 =	vnsel vm2, $0x0, v45;
	v56 =	vpop (erf)  }
0x30d: {  	v60 =	vld [tilespmem:$0x85F0];
	vm1 =	vge.f32 v57, $6.999999880e-01;
	v27 =	vmax.f32 v27, v28;
	v28 =	vmul.f32 v56, v34;
	v59 =	vpop (erf)  }
0x30e: {  	v31 =	vnsel vm1, $0x0, v53;
	v27 =	vmax.f32 v27, v29;
	v61 =	vmul.f32 v59, v30;
	v62 =	vpop (erf)  }
0x30f: {  	v26 =	vmax.f32 v27, v26;
	vm1 =	vge.f32 v28, $6.999999880e-01;
	v25 =	vmul.f32 v62, v25  }
0x310: {  	v26 =	vmax.f32 v26, v31;
	v24 =	vnsel vm1, $0x0, v55;
	vm1 =	vge.f32 v61, $6.999999880e-01  }
0x311: {  	v24 =	vmax.f32 v26, v24;
	v63 =	vnsel vm1, $0x0, v58;
	vm1 =	vge.f32 v25, $6.999999880e-01  }
0x312: {  	v24 =	vmax.f32 v24, v63;
	v25 =	vnsel vm1, $0x0, v60  }
0x313: {  	v24 =	vmax.f32 v24, v25  }
0x314: {  	(xrf0) =	vmax.scan.msk.f32 $0xffff, v24;
	_ =	sdelay $0x5  }
0x315: {  	v24, _, _ =	vpop (xrf0)  }
0x316: {  	(v2sf) =	vpush v24, $0xF;
	_ =	sdelay $0xd  }
0x317: {  	p1 =	sge.f32 s13, $0.0e+00  }
0x318: {  	s16 =	spop (v2sf)  }
0x319: {  	p2 =	sgt.f32 @p1 s16, $0.0e+00;
	_ =	sdelay $0x1  }
0x31a: {  	p2 =	por !p1, !p2  }
.Ltmp5:
0x31b: {  	_ = 	snop;
	(pc) =	sbr.rel @!p2 .LBB2_6-.Ltmp5, $2  }
0x31c: {  	_ =	sdelay $0x2  }
0x31d: {  	s16 =	sxor.u32 $0x80000000, s15  }
.Ltmp6:
0x31e: {  	(pc) =	sbr.rel .LBB2_8-.Ltmp6, $4  }
0x31f: {  	v24 =	vmov s12;
	v23 =	vpsel p1, v23, v23  }
0x320: {  	v22 =	vpsel p1, v22, v22;
	v21 =	vpsel p1, v21, v21;
	v20 =	vpsel p1, v20, v20  }
0x321: {  	s12 =	smov.u32 @p1 s12;
	v16 =	vpsel p1, v16, v16;
	v15 =	vpsel p1, v15, v15;
	v17 =	vpsel p1, v17, v17  }
0x322: {  	s13 =	smov.u32 @p1 s13;
	s14 =	smov.u32 @p1 s14;
	v19 =	vpsel p1, v19, v19;
	v18 =	vpsel p1, v18, v18;
	s16 =	smov.u32 @p1 s16;
	v24 =	vpsel p1, v24, v24  }
.LBB2_9:
0x323: {  	_ =	sfence.sel $0x180000  }
0x324: {  	[bflag:$0x0] =	sbarrier.arrive $0xFFFF  }
0x325: {  	p0 =	sne.s32 s2, $0x0;
	_ =	strace $0x90000047  }
0x326: {  	s0 =	sadd.s32 @!p0 $0x100000, s0;
	[bflag:$0x2] =	sbarrier.arrive $0xFFFF  }
0x327: {  	[sflag:s0] =	ssyncadd.tile.s32 @!p0 $0x1;
	_ =	shalt  }
.Lfunc_end2:
_tile_overlayer_lowered:
.L_overlay_start_2:
0x328: {  	(tag) =	ssettag $0x2  }
0x329: {  	s0 =	rddreg [dreg:$0x0];
	s2 =	stileid.u32  }
0x32a: {  	s1 =	rddreg [dreg:$0x1];
	p0 =	sne.s32 s2, $0x0  }
0x32b: {  	s3 =	rddreg [dreg:$0x2];
	[bflag:$0x3] =	sbarrier.arrive $0xFFFF;
	s2 =	simm.s32 @!p0 $0x1C01  }
0x32c: {  	[timem:s3], [sflag:s2] =	dma.local @!p0 [hbm:s0], s1  }
0x32d: {  	s0 =	simm.s32 @!p0 $0x1  }
0x32e: {  	_ =	swait.ge @!p0 [sflag:s0], s1  }
0x32f: {  	s1 =	ssub.s32 @!p0 $0x0, s1;
	[sflag:s0] =	ssyncset.done @!p0 $0x0  }
0x330: {  	[sflag:s0] =	ssyncadd.s32 @!p0 s1  }
0x331: {  	[bflag:$0x3] =	sbarrier.arrive $0xFFFF  }
0x332: {  	_ =	shalt  }

</sc_bundles>
